<compile_context>
chip_gen: v7x
topology: tpu7x:2x2x1
jax: 0.10.2.dev20260603
libtpu: 0.0.44.dev20260713+nightly
codegen_flags: <defaults>
</compile_context>

<pallas_src>
import functools

import jax
import jax.numpy as jnp
from jax import lax
from jax.experimental import pallas as pl
from jax.experimental.pallas import tpu as pltpu
from jax.experimental.pallas import tpu_sc as plsc

NUM_SEGMENTS = 128
LANES = 16


def _sc_partials(n, d, num_workers, chunk, blk):
    groups_per_blk = blk // LANES
    num_blks = chunk // blk
    acc_words = NUM_SEGMENTS * d
    d_vecs = d // LANES

    mesh = plsc.VectorSubcoreMesh(core_axis_name="c", subcore_axis_name="s")

    @functools.partial(
        pl.kernel,
        mesh=mesh,
        out_type=jax.ShapeDtypeStruct((num_workers * acc_words,), jnp.float32),
        scratch_types=[
            pltpu.VMEM((chunk,), jnp.int32),
            pltpu.VMEM((blk * d,), jnp.float32),
            pltpu.VMEM((acc_words,), jnp.float32),
        ],
    )
    def sc_kernel(x_hbm, ids_hbm, out_hbm, ids_v, xbuf, acc):
        wid = lax.axis_index("c") * 16 + lax.axis_index("s")
        row0 = wid * chunk

        neg_inf = jnp.full((LANES,), -jnp.inf, dtype=jnp.float32)

        def init_body(i, carry):
            acc[pl.ds(i * LANES, LANES)] = neg_inf
            return carry

        lax.fori_loop(0, acc_words // LANES, init_body, 0)

        pltpu.sync_copy(ids_hbm.at[pl.ds(row0, chunk)], ids_v)

        def block_body(b, carry):
            pltpu.sync_copy(
                x_hbm.at[pl.ds((row0 + b * blk) * d, blk * d)], xbuf)

            def group_body(g, carry2):
                base = b * blk + g * LANES
                v = ids_v[pl.ds(base, LANES)]
                lo = v[0]
                hi = v[LANES - 1]
                gbase = g * (LANES * d)

                @pl.when(lo == hi)
                def _fast():
                    soff = lo * d
                    for j in range(d_vecs):
                        vals = [xbuf[pl.ds(gbase + r * d + j * LANES, LANES)]
                                for r in range(LANES)]
                        while len(vals) > 1:
                            vals = [jnp.maximum(vals[2 * i], vals[2 * i + 1])
                                    for i in range(len(vals) // 2)]
                        a = acc[pl.ds(soff + j * LANES, LANES)]
                        acc[pl.ds(soff + j * LANES, LANES)] = jnp.maximum(a, vals[0])

                @pl.when(lo != hi)
                def _slow():
                    for r in range(LANES):
                        s = v[r]
                        soff = s * d
                        for j in range(d_vecs):
                            a = acc[pl.ds(soff + j * LANES, LANES)]
                            xv = xbuf[pl.ds(gbase + r * d + j * LANES, LANES)]
                            acc[pl.ds(soff + j * LANES, LANES)] = jnp.maximum(a, xv)

                return carry2

            lax.fori_loop(0, groups_per_blk, group_body, carry)
            return carry

        lax.fori_loop(0, num_blks, block_body, 0)

        pltpu.sync_copy(acc, out_hbm.at[pl.ds(wid * acc_words, acc_words)])

    return sc_kernel


def _merge_body(p_ref, o_ref):
    o_ref[...] = jnp.max(p_ref[...], axis=0)


def kernel(x, batch):
    n, d = x.shape
    num_workers = 32
    chunk = n // num_workers
    blk = 400
    assert chunk % blk == 0 and blk % LANES == 0

    sc = _sc_partials(n, d, num_workers, chunk, blk)
    partials = sc(x.reshape(-1), batch)
    p3 = partials.reshape(num_workers, NUM_SEGMENTS, d)

    out = pl.pallas_call(
        _merge_body,
        out_shape=jax.ShapeDtypeStruct((NUM_SEGMENTS, d), jnp.float32),
    )(p3)
    return out

# --- scband reference (transcript-rebuilt; emitter-appended) ---
"""Pipeline reference for scband-global-pcpooling-36764920054023 (READ-ONLY COPY).

The authoritative reference and input builder live on the scoring server;
editing this copy changes nothing except your own understanding.
"""

import jax, jax.numpy as jnp
import numpy as np

NUM_SEGMENTS = 128
N = 320000
D = 128

def setup_inputs(seed: int = 0) -> dict:
    key = jax.random.key(seed)
    kx, kb = jax.random.split(key)
    x = jax.random.normal(kx, (N, D), dtype=jnp.float32)
    batch = jnp.sort(jax.random.randint(kb, (N,), 0, NUM_SEGMENTS, dtype=jnp.int32))
    return {"x": x, "batch": batch}

def reference(x, batch):
    # GlobalPCPooling with aggr='max' == torch_geometric.nn.global_max_pool(x, batch)
    # = segment-wise max over rows of x grouped by graph id in `batch`.
    return jax.ops.segment_max(x, batch, num_segments=NUM_SEGMENTS, indices_are_sorted=True)

if __name__ == "__main__":
    import jax
    _d = setup_inputs()
    print(jax.jit(kernel)(*tuple(_d.values())))

</pallas_src>

<mosaic_0001>
#map = affine_map<(d0, d1) -> (0)>
module attributes {stable_mosaic.version = 14 : i64} {
  func.func @sc_kernel(%arg0: i32, %arg1: i32, %arg2: memref<40960000xf32, #tpu.memory_space<hbm>>, %arg3: memref<320000xi32, #tpu.memory_space<hbm>>, %arg4: memref<524288xf32, #tpu.memory_space<hbm>>, %arg5: memref<10000xi32, #tpu.memory_space<vmem>>, %arg6: memref<51200xf32, #tpu.memory_space<vmem>>, %arg7: memref<16384xf32, #tpu.memory_space<vmem>>) attributes {dimension_semantics = [#tpu.dimension_semantics<core_parallel>, #tpu.dimension_semantics<subcore_parallel>], iteration_bounds = array<i64: 2, 16>, scalar_prefetch = 0 : i64, scratch_operands = 3 : i64, tpu.core_type = #tpu.core_type<sc_vector_subcore>, window_params = [{transform_indices = #map}, {transform_indices = #map}, {transform_indices = #map}]} {
    %mul3A = arith.constant 16 : i32
    %mul3A_0 = arith.muli %arg0, %mul3A : i32
    %add3A = arith.addi %mul3A_0, %arg1 : i32
    %mul3A_1 = arith.constant 10000 : i32
    %mul3A_2 = arith.muli %add3A, %mul3A_1 : i32
    %broadcast_in_dim3A = arith.constant 0xFF800000 : f32
    %broadcast_in_dim3A_3 = vector.broadcast %broadcast_in_dim3A : f32 to vector<16xf32>
    %scan3A = arith.constant 0 : i32
    %scan3A_4 = arith.constant 0 : i32
    %scan3A_5 = arith.constant 1024 : i32
    %scan3A_6 = arith.addi %scan3A_4, %scan3A_5 : i32
    %scan3A_7 = arith.constant 1 : i32
    scf.for %scan3A_17 = %scan3A_4 to %scan3A_6 step %scan3A_7  : i32 {
      %mul3A_18 = arith.constant 16 : i32
      %mul3A_19 = arith.muli %scan3A_17, %mul3A_18 : i32
      %swap3A = arith.index_cast %mul3A_19 : i32 to index
      %swap3A_20 = tpu.vector_load %arg7[%swap3A] {strides = array<i32>} : memref<16384xf32, #tpu.memory_space<vmem>>, vector<16xf32>,
      %swap3A_21 = vector.shape_cast %swap3A_20 : vector<16xf32> to vector<16xf32>
      %swap3A_22 = vector.shape_cast %broadcast_in_dim3A_3 : vector<16xf32> to vector<16xf32>
      tpu.vector_store %arg7[%swap3A], %swap3A_22 {strides = array<i32>} : memref<16384xf32, #tpu.memory_space<vmem>>, vector<16xf32>,
    }
    %scan3A_8 = arith.constant 1024 : i32
    "tpu.region"() ({
      %run_scoped3A = tpu.sem_alloc : memref<!tpu.dma_semaphore, #tpu.memory_space<semaphore_mem>>
      %dma_start3A = tpu.memref_slice %arg3[%mul3A_2] : memref<320000xi32, #tpu.memory_space<hbm>> -> memref<10000xi32, #tpu.memory_space<hbm>>
      %dma_start3A_17 = tpu.memref_slice %arg3[%mul3A_2] : memref<320000xi32, #tpu.memory_space<hbm>> -> memref<10000xi32, #tpu.memory_space<hbm>>
      tpu.enqueue_dma source(%dma_start3A_17 : memref<10000xi32, #tpu.memory_space<hbm>>) target(%arg5 : memref<10000xi32, #tpu.memory_space<vmem>>) target_semaphore(%run_scoped3A : memref<!tpu.dma_semaphore, #tpu.memory_space<semaphore_mem>>)
      %dma_wait3A = tpu.memref_slice %arg3[%mul3A_2] : memref<320000xi32, #tpu.memory_space<hbm>> -> memref<10000xi32, #tpu.memory_space<hbm>>
      %dma_wait3A_18 = tpu.memref_slice %arg3[%mul3A_2] : memref<320000xi32, #tpu.memory_space<hbm>> -> memref<10000xi32, #tpu.memory_space<hbm>>
      tpu.wait_dma2 semaphore(%run_scoped3A : memref<!tpu.dma_semaphore, #tpu.memory_space<semaphore_mem>>) src(%dma_wait3A_18 : memref<10000xi32, #tpu.memory_space<hbm>>) dst(%arg5 : memref<10000xi32, #tpu.memory_space<vmem>>)
      tpu.yield
    }) : () -> ()
    %scan3A_9 = arith.constant 0 : i32
    %scan3A_10 = arith.constant 0 : i32
    %scan3A_11 = arith.constant 25 : i32
    %scan3A_12 = arith.addi %scan3A_10, %scan3A_11 : i32
    %scan3A_13 = arith.constant 1 : i32
    scf.for %scan3A_17 = %scan3A_10 to %scan3A_12 step %scan3A_13  : i32 {
      %mul3A_18 = arith.constant 400 : i32
      %mul3A_19 = arith.muli %scan3A_17, %mul3A_18 : i32
      %add3A_20 = arith.addi %mul3A_2, %mul3A_19 : i32
      %mul3A_21 = arith.constant 128 : i32
      %mul3A_22 = arith.muli %add3A_20, %mul3A_21 : i32
      "tpu.region"() ({
        %run_scoped3A = tpu.sem_alloc : memref<!tpu.dma_semaphore, #tpu.memory_space<semaphore_mem>>
        %dma_start3A = tpu.memref_slice %arg2[%mul3A_22] : memref<40960000xf32, #tpu.memory_space<hbm>> -> memref<51200xf32, #tpu.memory_space<hbm>>
        %dma_start3A_28 = tpu.memref_slice %arg2[%mul3A_22] : memref<40960000xf32, #tpu.memory_space<hbm>> -> memref<51200xf32, #tpu.memory_space<hbm>>
        tpu.enqueue_dma source(%dma_start3A_28 : memref<51200xf32, #tpu.memory_space<hbm>>) target(%arg6 : memref<51200xf32, #tpu.memory_space<vmem>>) target_semaphore(%run_scoped3A : memref<!tpu.dma_semaphore, #tpu.memory_space<semaphore_mem>>)
        %dma_wait3A = tpu.memref_slice %arg2[%mul3A_22] : memref<40960000xf32, #tpu.memory_space<hbm>> -> memref<51200xf32, #tpu.memory_space<hbm>>
        %dma_wait3A_29 = tpu.memref_slice %arg2[%mul3A_22] : memref<40960000xf32, #tpu.memory_space<hbm>> -> memref<51200xf32, #tpu.memory_space<hbm>>
        tpu.wait_dma2 semaphore(%run_scoped3A : memref<!tpu.dma_semaphore, #tpu.memory_space<semaphore_mem>>) src(%dma_wait3A_29 : memref<51200xf32, #tpu.memory_space<hbm>>) dst(%arg6 : memref<51200xf32, #tpu.memory_space<vmem>>)
        tpu.yield
      }) : () -> ()
      %scan3A_23 = arith.constant 0 : i32
      %scan3A_24 = arith.constant 25 : i32
      %scan3A_25 = arith.addi %scan3A_23, %scan3A_24 : i32
      %scan3A_26 = arith.constant 1 : i32
      scf.for %scan3A_28 = %scan3A_23 to %scan3A_25 step %scan3A_26  : i32 {
        %mul3A_29 = arith.constant 400 : i32
        %mul3A_30 = arith.muli %scan3A_17, %mul3A_29 : i32
        %mul3A_31 = arith.constant 16 : i32
        %mul3A_32 = arith.muli %scan3A_28, %mul3A_31 : i32
        %add3A_33 = arith.addi %mul3A_30, %mul3A_32 : i32
        %get3A = arith.index_cast %add3A_33 : i32 to index
        %get3A_34 = tpu.vector_load %arg5[%get3A] {strides = array<i32>} : memref<10000xi32, #tpu.memory_space<vmem>>, vector<16xi32>,
        %get3A_35 = vector.shape_cast %get3A_34 : vector<16xi32> to vector<16xi32>
        %slice3A = vector.extract_strided_slice %get3A_35 {offsets = [0], sizes = [1], strides = [1]} : vector<16xi32> to vector<1xi32>
        %squeeze3A = vector.extract %slice3A[0] : i32 from vector<1xi32>
        %slice3A_36 = vector.extract_strided_slice %get3A_35 {offsets = [15], sizes = [1], strides = [1]} : vector<16xi32> to vector<1xi32>
        %squeeze3A_37 = vector.extract %slice3A_36[0] : i32 from vector<1xi32>
        %mul3A_38 = arith.constant 2048 : i32
        %mul3A_39 = arith.muli %scan3A_28, %mul3A_38 : i32
        %eq3A = arith.cmpi eq, %squeeze3A, %squeeze3A_37 : i32
        %convert_element_type3A = arith.extui %eq3A : i1 to i32
        %cond3A = arith.constant 0 : i32
        %cond3A_40 = arith.cmpi ne, %convert_element_type3A, %cond3A : i32
        scf.if %cond3A_40 {
          %mul3A_44 = arith.constant 128 : i32
          %mul3A_45 = arith.muli %squeeze3A, %mul3A_44 : i32
          %add3A_46 = arith.constant 0 : i32
          %add3A_47 = arith.addi %mul3A_39, %add3A_46 : i32
          %add3A_48 = arith.constant 0 : i32
          %add3A_49 = arith.addi %add3A_47, %add3A_48 : i32
          %get3A_50 = arith.index_cast %add3A_49 : i32 to index
          %get3A_51 = tpu.vector_load %arg6[%get3A_50] {strides = array<i32>} : memref<51200xf32, #tpu.memory_space<vmem>>, vector<16xf32>,
          %get3A_52 = vector.shape_cast %get3A_51 : vector<16xf32> to vector<16xf32>
          %add3A_53 = arith.constant 128 : i32
          %add3A_54 = arith.addi %mul3A_39, %add3A_53 : i32
          %add3A_55 = arith.constant 0 : i32
          %add3A_56 = arith.addi %add3A_54, %add3A_55 : i32
          %get3A_57 = arith.index_cast %add3A_56 : i32 to index
          %get3A_58 = tpu.vector_load %arg6[%get3A_57] {strides = array<i32>} : memref<51200xf32, #tpu.memory_space<vmem>>, vector<16xf32>,
          %get3A_59 = vector.shape_cast %get3A_58 : vector<16xf32> to vector<16xf32>
          %add3A_60 = arith.constant 256 : i32
          %add3A_61 = arith.addi %mul3A_39, %add3A_60 : i32
          %add3A_62 = arith.constant 0 : i32
          %add3A_63 = arith.addi %add3A_61, %add3A_62 : i32
          %get3A_64 = arith.index_cast %add3A_63 : i32 to index
          %get3A_65 = tpu.vector_load %arg6[%get3A_64] {strides = array<i32>} : memref<51200xf32, #tpu.memory_space<vmem>>, vector<16xf32>,
          %get3A_66 = vector.shape_cast %get3A_65 : vector<16xf32> to vector<16xf32>
          %add3A_67 = arith.constant 384 : i32
          %add3A_68 = arith.addi %mul3A_39, %add3A_67 : i32
          %add3A_69 = arith.constant 0 : i32
          %add3A_70 = arith.addi %add3A_68, %add3A_69 : i32
          %get3A_71 = arith.index_cast %add3A_70 : i32 to index
          %get3A_72 = tpu.vector_load %arg6[%get3A_71] {strides = array<i32>} : memref<51200xf32, #tpu.memory_space<vmem>>, vector<16xf32>,
          %get3A_73 = vector.shape_cast %get3A_72 : vector<16xf32> to vector<16xf32>
          %add3A_74 = arith.constant 512 : i32
          %add3A_75 = arith.addi %mul3A_39, %add3A_74 : i32
          %add3A_76 = arith.constant 0 : i32
          %add3A_77 = arith.addi %add3A_75, %add3A_76 : i32
          %get3A_78 = arith.index_cast %add3A_77 : i32 to index
          %get3A_79 = tpu.vector_load %arg6[%get3A_78] {strides = array<i32>} : memref<51200xf32, #tpu.memory_space<vmem>>, vector<16xf32>,
          %get3A_80 = vector.shape_cast %get3A_79 : vector<16xf32> to vector<16xf32>
          %add3A_81 = arith.constant 640 : i32
          %add3A_82 = arith.addi %mul3A_39, %add3A_81 : i32
          %add3A_83 = arith.constant 0 : i32
          %add3A_84 = arith.addi %add3A_82, %add3A_83 : i32
          %get3A_85 = arith.index_cast %add3A_84 : i32 to index
          %get3A_86 = tpu.vector_load %arg6[%get3A_85] {strides = array<i32>} : memref<51200xf32, #tpu.memory_space<vmem>>, vector<16xf32>,
          %get3A_87 = vector.shape_cast %get3A_86 : vector<16xf32> to vector<16xf32>
          %add3A_88 = arith.constant 768 : i32
          %add3A_89 = arith.addi %mul3A_39, %add3A_88 : i32
          %add3A_90 = arith.constant 0 : i32
          %add3A_91 = arith.addi %add3A_89, %add3A_90 : i32
          %get3A_92 = arith.index_cast %add3A_91 : i32 to index
          %get3A_93 = tpu.vector_load %arg6[%get3A_92] {strides = array<i32>} : memref<51200xf32, #tpu.memory_space<vmem>>, vector<16xf32>,
          %get3A_94 = vector.shape_cast %get3A_93 : vector<16xf32> to vector<16xf32>
          %add3A_95 = arith.constant 896 : i32
          %add3A_96 = arith.addi %mul3A_39, %add3A_95 : i32
          %add3A_97 = arith.constant 0 : i32
          %add3A_98 = arith.addi %add3A_96, %add3A_97 : i32
          %get3A_99 = arith.index_cast %add3A_98 : i32 to index
          %get3A_100 = tpu.vector_load %arg6[%get3A_99] {strides = array<i32>} : memref<51200xf32, #tpu.memory_space<vmem>>, vector<16xf32>,
          %get3A_101 = vector.shape_cast %get3A_100 : vector<16xf32> to vector<16xf32>
          %add3A_102 = arith.constant 1024 : i32
          %add3A_103 = arith.addi %mul3A_39, %add3A_102 : i32
          %add3A_104 = arith.constant 0 : i32
          %add3A_105 = arith.addi %add3A_103, %add3A_104 : i32
          %get3A_106 = arith.index_cast %add3A_105 : i32 to index
          %get3A_107 = tpu.vector_load %arg6[%get3A_106] {strides = array<i32>} : memref<51200xf32, #tpu.memory_space<vmem>>, vector<16xf32>,
          %get3A_108 = vector.shape_cast %get3A_107 : vector<16xf32> to vector<16xf32>
          %add3A_109 = arith.constant 1152 : i32
          %add3A_110 = arith.addi %mul3A_39, %add3A_109 : i32
          %add3A_111 = arith.constant 0 : i32
          %add3A_112 = arith.addi %add3A_110, %add3A_111 : i32
          %get3A_113 = arith.index_cast %add3A_112 : i32 to index
          %get3A_114 = tpu.vector_load %arg6[%get3A_113] {strides = array<i32>} : memref<51200xf32, #tpu.memory_space<vmem>>, vector<16xf32>,
          %get3A_115 = vector.shape_cast %get3A_114 : vector<16xf32> to vector<16xf32>
          %add3A_116 = arith.constant 1280 : i32
          %add3A_117 = arith.addi %mul3A_39, %add3A_116 : i32
          %add3A_118 = arith.constant 0 : i32
          %add3A_119 = arith.addi %add3A_117, %add3A_118 : i32
          %get3A_120 = arith.index_cast %add3A_119 : i32 to index
          %get3A_121 = tpu.vector_load %arg6[%get3A_120] {strides = array<i32>} : memref<51200xf32, #tpu.memory_space<vmem>>, vector<16xf32>,
          %get3A_122 = vector.shape_cast %get3A_121 : vector<16xf32> to vector<16xf32>
          %add3A_123 = arith.constant 1408 : i32
          %add3A_124 = arith.addi %mul3A_39, %add3A_123 : i32
          %add3A_125 = arith.constant 0 : i32
          %add3A_126 = arith.addi %add3A_124, %add3A_125 : i32
          %get3A_127 = arith.index_cast %add3A_126 : i32 to index
          %get3A_128 = tpu.vector_load %arg6[%get3A_127] {strides = array<i32>} : memref<51200xf32, #tpu.memory_space<vmem>>, vector<16xf32>,
          %get3A_129 = vector.shape_cast %get3A_128 : vector<16xf32> to vector<16xf32>
          %add3A_130 = arith.constant 1536 : i32
          %add3A_131 = arith.addi %mul3A_39, %add3A_130 : i32
          %add3A_132 = arith.constant 0 : i32
          %add3A_133 = arith.addi %add3A_131, %add3A_132 : i32
          %get3A_134 = arith.index_cast %add3A_133 : i32 to index
          %get3A_135 = tpu.vector_load %arg6[%get3A_134] {strides = array<i32>} : memref<51200xf32, #tpu.memory_space<vmem>>, vector<16xf32>,
          %get3A_136 = vector.shape_cast %get3A_135 : vector<16xf32> to vector<16xf32>
          %add3A_137 = arith.constant 1664 : i32
          %add3A_138 = arith.addi %mul3A_39, %add3A_137 : i32
          %add3A_139 = arith.constant 0 : i32
          %add3A_140 = arith.addi %add3A_138, %add3A_139 : i32
          %get3A_141 = arith.index_cast %add3A_140 : i32 to index
          %get3A_142 = tpu.vector_load %arg6[%get3A_141] {strides = array<i32>} : memref<51200xf32, #tpu.memory_space<vmem>>, vector<16xf32>,
          %get3A_143 = vector.shape_cast %get3A_142 : vector<16xf32> to vector<16xf32>
          %add3A_144 = arith.constant 1792 : i32
          %add3A_145 = arith.addi %mul3A_39, %add3A_144 : i32
          %add3A_146 = arith.constant 0 : i32
          %add3A_147 = arith.addi %add3A_145, %add3A_146 : i32
          %get3A_148 = arith.index_cast %add3A_147 : i32 to index
          %get3A_149 = tpu.vector_load %arg6[%get3A_148] {strides = array<i32>} : memref<51200xf32, #tpu.memory_space<vmem>>, vector<16xf32>,
          %get3A_150 = vector.shape_cast %get3A_149 : vector<16xf32> to vector<16xf32>
          %add3A_151 = arith.constant 1920 : i32
          %add3A_152 = arith.addi %mul3A_39, %add3A_151 : i32
          %add3A_153 = arith.constant 0 : i32
          %add3A_154 = arith.addi %add3A_152, %add3A_153 : i32
          %get3A_155 = arith.index_cast %add3A_154 : i32 to index
          %get3A_156 = tpu.vector_load %arg6[%get3A_155] {strides = array<i32>} : memref<51200xf32, #tpu.memory_space<vmem>>, vector<16xf32>,
          %get3A_157 = vector.shape_cast %get3A_156 : vector<16xf32> to vector<16xf32>
          %max3A = arith.maximumf %get3A_52, %get3A_59 : vector<16xf32>
          %max3A_158 = arith.maximumf %get3A_66, %get3A_73 : vector<16xf32>
          %max3A_159 = arith.maximumf %get3A_80, %get3A_87 : vector<16xf32>
          %max3A_160 = arith.maximumf %get3A_94, %get3A_101 : vector<16xf32>
          %max3A_161 = arith.maximumf %get3A_108, %get3A_115 : vector<16xf32>
          %max3A_162 = arith.maximumf %get3A_122, %get3A_129 : vector<16xf32>
          %max3A_163 = arith.maximumf %get3A_136, %get3A_143 : vector<16xf32>
          %max3A_164 = arith.maximumf %get3A_150, %get3A_157 : vector<16xf32>
          %max3A_165 = arith.maximumf %max3A, %max3A_158 : vector<16xf32>
          %max3A_166 = arith.maximumf %max3A_159, %max3A_160 : vector<16xf32>
          %max3A_167 = arith.maximumf %max3A_161, %max3A_162 : vector<16xf32>
          %max3A_168 = arith.maximumf %max3A_163, %max3A_164 : vector<16xf32>
          %max3A_169 = arith.maximumf %max3A_165, %max3A_166 : vector<16xf32>
          %max3A_170 = arith.maximumf %max3A_167, %max3A_168 : vector<16xf32>
          %max3A_171 = arith.maximumf %max3A_169, %max3A_170 : vector<16xf32>
          %add3A_172 = arith.constant 0 : i32
          %add3A_173 = arith.addi %mul3A_45, %add3A_172 : i32
          %get3A_174 = arith.index_cast %add3A_173 : i32 to index
          %get3A_175 = tpu.vector_load %arg7[%get3A_174] {strides = array<i32>} : memref<16384xf32, #tpu.memory_space<vmem>>, vector<16xf32>,
          %get3A_176 = vector.shape_cast %get3A_175 : vector<16xf32> to vector<16xf32>
          %max3A_177 = arith.maximumf %get3A_176, %max3A_171 : vector<16xf32>
          %add3A_178 = arith.constant 0 : i32
          %add3A_179 = arith.addi %mul3A_45, %add3A_178 : i32
          %swap3A = arith.index_cast %add3A_179 : i32 to index
          %swap3A_180 = tpu.vector_load %arg7[%swap3A] {strides = array<i32>} : memref<16384xf32, #tpu.memory_space<vmem>>, vector<16xf32>,
          %swap3A_181 = vector.shape_cast %swap3A_180 : vector<16xf32> to vector<16xf32>
          %swap3A_182 = vector.shape_cast %max3A_177 : vector<16xf32> to vector<16xf32>
          tpu.vector_store %arg7[%swap3A], %swap3A_182 {strides = array<i32>} : memref<16384xf32, #tpu.memory_space<vmem>>, vector<16xf32>,
          %add3A_183 = arith.constant 0 : i32
          %add3A_184 = arith.addi %mul3A_39, %add3A_183 : i32
          %add3A_185 = arith.constant 16 : i32
          %add3A_186 = arith.addi %add3A_184, %add3A_185 : i32
          %get3A_187 = arith.index_cast %add3A_186 : i32 to index
          %get3A_188 = tpu.vector_load %arg6[%get3A_187] {strides = array<i32>} : memref<51200xf32, #tpu.memory_space<vmem>>, vector<16xf32>,
          %get3A_189 = vector.shape_cast %get3A_188 : vector<16xf32> to vector<16xf32>
          %add3A_190 = arith.constant 128 : i32
          %add3A_191 = arith.addi %mul3A_39, %add3A_190 : i32
          %add3A_192 = arith.constant 16 : i32
          %add3A_193 = arith.addi %add3A_191, %add3A_192 : i32
          %get3A_194 = arith.index_cast %add3A_193 : i32 to index
          %get3A_195 = tpu.vector_load %arg6[%get3A_194] {strides = array<i32>} : memref<51200xf32, #tpu.memory_space<vmem>>, vector<16xf32>,
          %get3A_196 = vector.shape_cast %get3A_195 : vector<16xf32> to vector<16xf32>
          %add3A_197 = arith.constant 256 : i32
          %add3A_198 = arith.addi %mul3A_39, %add3A_197 : i32
          %add3A_199 = arith.constant 16 : i32
          %add3A_200 = arith.addi %add3A_198, %add3A_199 : i32
          %get3A_201 = arith.index_cast %add3A_200 : i32 to index
          %get3A_202 = tpu.vector_load %arg6[%get3A_201] {strides = array<i32>} : memref<51200xf32, #tpu.memory_space<vmem>>, vector<16xf32>,
          %get3A_203 = vector.shape_cast %get3A_202 : vector<16xf32> to vector<16xf32>
          %add3A_204 = arith.constant 384 : i32
          %add3A_205 = arith.addi %mul3A_39, %add3A_204 : i32
          %add3A_206 = arith.constant 16 : i32
          %add3A_207 = arith.addi %add3A_205, %add3A_206 : i32
          %get3A_208 = arith.index_cast %add3A_207 : i32 to index
          %get3A_209 = tpu.vector_load %arg6[%get3A_208] {strides = array<i32>} : memref<51200xf32, #tpu.memory_space<vmem>>, vector<16xf32>,
          %get3A_210 = vector.shape_cast %get3A_209 : vector<16xf32> to vector<16xf32>
          %add3A_211 = arith.constant 512 : i32
          %add3A_212 = arith.addi %mul3A_39, %add3A_211 : i32
          %add3A_213 = arith.constant 16 : i32
          %add3A_214 = arith.addi %add3A_212, %add3A_213 : i32
          %get3A_215 = arith.index_cast %add3A_214 : i32 to index
          %get3A_216 = tpu.vector_load %arg6[%get3A_215] {strides = array<i32>} : memref<51200xf32, #tpu.memory_space<vmem>>, vector<16xf32>,
          %get3A_217 = vector.shape_cast %get3A_216 : vector<16xf32> to vector<16xf32>
          %add3A_218 = arith.constant 640 : i32
          %add3A_219 = arith.addi %mul3A_39, %add3A_218 : i32
          %add3A_220 = arith.constant 16 : i32
          %add3A_221 = arith.addi %add3A_219, %add3A_220 : i32
          %get3A_222 = arith.index_cast %add3A_221 : i32 to index
          %get3A_223 = tpu.vector_load %arg6[%get3A_222] {strides = array<i32>} : memref<51200xf32, #tpu.memory_space<vmem>>, vector<16xf32>,
          %get3A_224 = vector.shape_cast %get3A_223 : vector<16xf32> to vector<16xf32>
          %add3A_225 = arith.constant 768 : i32
          %add3A_226 = arith.addi %mul3A_39, %add3A_225 : i32
          %add3A_227 = arith.constant 16 : i32
          %add3A_228 = arith.addi %add3A_226, %add3A_227 : i32
          %get3A_229 = arith.index_cast %add3A_228 : i32 to index
          %get3A_230 = tpu.vector_load %arg6[%get3A_229] {strides = array<i32>} : memref<51200xf32, #tpu.memory_space<vmem>>, vector<16xf32>,
          %get3A_231 = vector.shape_cast %get3A_230 : vector<16xf32> to vector<16xf32>
          %add3A_232 = arith.constant 896 : i32
          %add3A_233 = arith.addi %mul3A_39, %add3A_232 : i32
          %add3A_234 = arith.constant 16 : i32
          %add3A_235 = arith.addi %add3A_233, %add3A_234 : i32
          %get3A_236 = arith.index_cast %add3A_235 : i32 to index
          %get3A_237 = tpu.vector_load %arg6[%get3A_236] {strides = array<i32>} : memref<51200xf32, #tpu.memory_space<vmem>>, vector<16xf32>,
          %get3A_238 = vector.shape_cast %get3A_237 : vector<16xf32> to vector<16xf32>
          %add3A_239 = arith.constant 1024 : i32
          %add3A_240 = arith.addi %mul3A_39, %add3A_239 : i32
          %add3A_241 = arith.constant 16 : i32
          %add3A_242 = arith.addi %add3A_240, %add3A_241 : i32
          %get3A_243 = arith.index_cast %add3A_242 : i32 to index
          %get3A_244 = tpu.vector_load %arg6[%get3A_243] {strides = array<i32>} : memref<51200xf32, #tpu.memory_space<vmem>>, vector<16xf32>,
          %get3A_245 = vector.shape_cast %get3A_244 : vector<16xf32> to vector<16xf32>
          %add3A_246 = arith.constant 1152 : i32
          %add3A_247 = arith.addi %mul3A_39, %add3A_246 : i32
          %add3A_248 = arith.constant 16 : i32
          %add3A_249 = arith.addi %add3A_247, %add3A_248 : i32
          %get3A_250 = arith.index_cast %add3A_249 : i32 to index
          %get3A_251 = tpu.vector_load %arg6[%get3A_250] {strides = array<i32>} : memref<51200xf32, #tpu.memory_space<vmem>>, vector<16xf32>,
          %get3A_252 = vector.shape_cast %get3A_251 : vector<16xf32> to vector<16xf32>
          %add3A_253 = arith.constant 1280 : i32
          %add3A_254 = arith.addi %mul3A_39, %add3A_253 : i32
          %add3A_255 = arith.constant 16 : i32
          %add3A_256 = arith.addi %add3A_254, %add3A_255 : i32
          %get3A_257 = arith.index_cast %add3A_256 : i32 to index
          %get3A_258 = tpu.vector_load %arg6[%get3A_257] {strides = array<i32>} : memref<51200xf32, #tpu.memory_space<vmem>>, vector<16xf32>,
          %get3A_259 = vector.shape_cast %get3A_258 : vector<16xf32> to vector<16xf32>
          %add3A_260 = arith.constant 1408 : i32
          %add3A_261 = arith.addi %mul3A_39, %add3A_260 : i32
          %add3A_262 = arith.constant 16 : i32
          %add3A_263 = arith.addi %add3A_261, %add3A_262 : i32
          %get3A_264 = arith.index_cast %add3A_263 : i32 to index
          %get3A_265 = tpu.vector_load %arg6[%get3A_264] {strides = array<i32>} : memref<51200xf32, #tpu.memory_space<vmem>>, vector<16xf32>,
          %get3A_266 = vector.shape_cast %get3A_265 : vector<16xf32> to vector<16xf32>
          %add3A_267 = arith.constant 1536 : i32
          %add3A_268 = arith.addi %mul3A_39, %add3A_267 : i32
          %add3A_269 = arith.constant 16 : i32
          %add3A_270 = arith.addi %add3A_268, %add3A_269 : i32
          %get3A_271 = arith.index_cast %add3A_270 : i32 to index
          %get3A_272 = tpu.vector_load %arg6[%get3A_271] {strides = array<i32>} : memref<51200xf32, #tpu.memory_space<vmem>>, vector<16xf32>,
          %get3A_273 = vector.shape_cast %get3A_272 : vector<16xf32> to vector<16xf32>
          %add3A_274 = arith.constant 1664 : i32
          %add3A_275 = arith.addi %mul3A_39, %add3A_274 : i32
          %add3A_276 = arith.constant 16 : i32
          %add3A_277 = arith.addi %add3A_275, %add3A_276 : i32
          %get3A_278 = arith.index_cast %add3A_277 : i32 to index
          %get3A_279 = tpu.vector_load %arg6[%get3A_278] {strides = array<i32>} : memref<51200xf32, #tpu.memory_space<vmem>>, vector<16xf32>,
          %get3A_280 = vector.shape_cast %get3A_279 : vector<16xf32> to vector<16xf32>
          %add3A_281 = arith.constant 1792 : i32
          %add3A_282 = arith.addi %mul3A_39, %add3A_281 : i32
          %add3A_283 = arith.constant 16 : i32
          %add3A_284 = arith.addi %add3A_282, %add3A_283 : i32
          %get3A_285 = arith.index_cast %add3A_284 : i32 to index
          %get3A_286 = tpu.vector_load %arg6[%get3A_285] {strides = array<i32>} : memref<51200xf32, #tpu.memory_space<vmem>>, vector<16xf32>,
          %get3A_287 = vector.shape_cast %get3A_286 : vector<16xf32> to vector<16xf32>
          %add3A_288 = arith.constant 1920 : i32
          %add3A_289 = arith.addi %mul3A_39, %add3A_288 : i32
          %add3A_290 = arith.constant 16 : i32
          %add3A_291 = arith.addi %add3A_289, %add3A_290 : i32
          %get3A_292 = arith.index_cast %add3A_291 : i32 to index
          %get3A_293 = tpu.vector_load %arg6[%get3A_292] {strides = array<i32>} : memref<51200xf32, #tpu.memory_space<vmem>>, vector<16xf32>,
          %get3A_294 = vector.shape_cast %get3A_293 : vector<16xf32> to vector<16xf32>
          %max3A_295 = arith.maximumf %get3A_189, %get3A_196 : vector<16xf32>
          %max3A_296 = arith.maximumf %get3A_203, %get3A_210 : vector<16xf32>
          %max3A_297 = arith.maximumf %get3A_217, %get3A_224 : vector<16xf32>
          %max3A_298 = arith.maximumf %get3A_231, %get3A_238 : vector<16xf32>
          %max3A_299 = arith.maximumf %get3A_245, %get3A_252 : vector<16xf32>
          %max3A_300 = arith.maximumf %get3A_259, %get3A_266 : vector<16xf32>
          %max3A_301 = arith.maximumf %get3A_273, %get3A_280 : vector<16xf32>
          %max3A_302 = arith.maximumf %get3A_287, %get3A_294 : vector<16xf32>
          %max3A_303 = arith.maximumf %max3A_295, %max3A_296 : vector<16xf32>
          %max3A_304 = arith.maximumf %max3A_297, %max3A_298 : vector<16xf32>
          %max3A_305 = arith.maximumf %max3A_299, %max3A_300 : vector<16xf32>
          %max3A_306 = arith.maximumf %max3A_301, %max3A_302 : vector<16xf32>
          %max3A_307 = arith.maximumf %max3A_303, %max3A_304 : vector<16xf32>
          %max3A_308 = arith.maximumf %max3A_305, %max3A_306 : vector<16xf32>
          %max3A_309 = arith.maximumf %max3A_307, %max3A_308 : vector<16xf32>
          %add3A_310 = arith.constant 16 : i32
          %add3A_311 = arith.addi %mul3A_45, %add3A_310 : i32
          %get3A_312 = arith.index_cast %add3A_311 : i32 to index
          %get3A_313 = tpu.vector_load %arg7[%get3A_312] {strides = array<i32>} : memref<16384xf32, #tpu.memory_space<vmem>>, vector<16xf32>,
          %get3A_314 = vector.shape_cast %get3A_313 : vector<16xf32> to vector<16xf32>
          %max3A_315 = arith.maximumf %get3A_314, %max3A_309 : vector<16xf32>
          %add3A_316 = arith.constant 16 : i32
          %add3A_317 = arith.addi %mul3A_45, %add3A_316 : i32
          %swap3A_318 = arith.index_cast %add3A_317 : i32 to index
          %swap3A_319 = tpu.vector_load %arg7[%swap3A_318] {strides = array<i32>} : memref<16384xf32, #tpu.memory_space<vmem>>, vector<16xf32>,
          %swap3A_320 = vector.shape_cast %swap3A_319 : vector<16xf32> to vector<16xf32>
          %swap3A_321 = vector.shape_cast %max3A_315 : vector<16xf32> to vector<16xf32>
          tpu.vector_store %arg7[%swap3A_318], %swap3A_321 {strides = array<i32>} : memref<16384xf32, #tpu.memory_space<vmem>>, vector<16xf32>,
          %add3A_322 = arith.constant 0 : i32
          %add3A_323 = arith.addi %mul3A_39, %add3A_322 : i32
          %add3A_324 = arith.constant 32 : i32
          %add3A_325 = arith.addi %add3A_323, %add3A_324 : i32
          %get3A_326 = arith.index_cast %add3A_325 : i32 to index
          %get3A_327 = tpu.vector_load %arg6[%get3A_326] {strides = array<i32>} : memref<51200xf32, #tpu.memory_space<vmem>>, vector<16xf32>,
          %get3A_328 = vector.shape_cast %get3A_327 : vector<16xf32> to vector<16xf32>
          %add3A_329 = arith.constant 128 : i32
          %add3A_330 = arith.addi %mul3A_39, %add3A_329 : i32
          %add3A_331 = arith.constant 32 : i32
          %add3A_332 = arith.addi %add3A_330, %add3A_331 : i32
          %get3A_333 = arith.index_cast %add3A_332 : i32 to index
          %get3A_334 = tpu.vector_load %arg6[%get3A_333] {strides = array<i32>} : memref<51200xf32, #tpu.memory_space<vmem>>, vector<16xf32>,
          %get3A_335 = vector.shape_cast %get3A_334 : vector<16xf32> to vector<16xf32>
          %add3A_336 = arith.constant 256 : i32
          %add3A_337 = arith.addi %mul3A_39, %add3A_336 : i32
          %add3A_338 = arith.constant 32 : i32
          %add3A_339 = arith.addi %add3A_337, %add3A_338 : i32
          %get3A_340 = arith.index_cast %add3A_339 : i32 to index
          %get3A_341 = tpu.vector_load %arg6[%get3A_340] {strides = array<i32>} : memref<51200xf32, #tpu.memory_space<vmem>>, vector<16xf32>,
          %get3A_342 = vector.shape_cast %get3A_341 : vector<16xf32> to vector<16xf32>
          %add3A_343 = arith.constant 384 : i32
          %add3A_344 = arith.addi %mul3A_39, %add3A_343 : i32
          %add3A_345 = arith.constant 32 : i32
          %add3A_346 = arith.addi %add3A_344, %add3A_345 : i32
          %get3A_347 = arith.index_cast %add3A_346 : i32 to index
          %get3A_348 = tpu.vector_load %arg6[%get3A_347] {strides = array<i32>} : memref<51200xf32, #tpu.memory_space<vmem>>, vector<16xf32>,
          %get3A_349 = vector.shape_cast %get3A_348 : vector<16xf32> to vector<16xf32>
          %add3A_350 = arith.constant 512 : i32
          %add3A_351 = arith.addi %mul3A_39, %add3A_350 : i32
          %add3A_352 = arith.constant 32 : i32
          %add3A_353 = arith.addi %add3A_351, %add3A_352 : i32
          %get3A_354 = arith.index_cast %add3A_353 : i32 to index
          %get3A_355 = tpu.vector_load %arg6[%get3A_354] {strides = array<i32>} : memref<51200xf32, #tpu.memory_space<vmem>>, vector<16xf32>,
          %get3A_356 = vector.shape_cast %get3A_355 : vector<16xf32> to vector<16xf32>
          %add3A_357 = arith.constant 640 : i32
          %add3A_358 = arith.addi %mul3A_39, %add3A_357 : i32
          %add3A_359 = arith.constant 32 : i32
          %add3A_360 = arith.addi %add3A_358, %add3A_359 : i32
          %get3A_361 = arith.index_cast %add3A_360 : i32 to index
          %get3A_362 = tpu.vector_load %arg6[%get3A_361] {strides = array<i32>} : memref<51200xf32, #tpu.memory_space<vmem>>, vector<16xf32>,
          %get3A_363 = vector.shape_cast %get3A_362 : vector<16xf32> to vector<16xf32>
          %add3A_364 = arith.constant 768 : i32
          %add3A_365 = arith.addi %mul3A_39, %add3A_364 : i32
          %add3A_366 = arith.constant 32 : i32
          %add3A_367 = arith.addi %add3A_365, %add3A_366 : i32
          %get3A_368 = arith.index_cast %add3A_367 : i32 to index
          %get3A_369 = tpu.vector_load %arg6[%get3A_368] {strides = array<i32>} : memref<51200xf32, #tpu.memory_space<vmem>>, vector<16xf32>,
          %get3A_370 = vector.shape_cast %get3A_369 : vector<16xf32> to vector<16xf32>
          %add3A_371 = arith.constant 896 : i32
          %add3A_372 = arith.addi %mul3A_39, %add3A_371 : i32
          %add3A_373 = arith.constant 32 : i32
          %add3A_374 = arith.addi %add3A_372, %add3A_373 : i32
          %get3A_375 = arith.index_cast %add3A_374 : i32 to index
          %get3A_376 = tpu.vector_load %arg6[%get3A_375] {strides = array<i32>} : memref<51200xf32, #tpu.memory_space<vmem>>, vector<16xf32>,
          %get3A_377 = vector.shape_cast %get3A_376 : vector<16xf32> to vector<16xf32>
          %add3A_378 = arith.constant 1024 : i32
          %add3A_379 = arith.addi %mul3A_39, %add3A_378 : i32
          %add3A_380 = arith.constant 32 : i32
          %add3A_381 = arith.addi %add3A_379, %add3A_380 : i32
          %get3A_382 = arith.index_cast %add3A_381 : i32 to index
          %get3A_383 = tpu.vector_load %arg6[%get3A_382] {strides = array<i32>} : memref<51200xf32, #tpu.memory_space<vmem>>, vector<16xf32>,
          %get3A_384 = vector.shape_cast %get3A_383 : vector<16xf32> to vector<16xf32>
          %add3A_385 = arith.constant 1152 : i32
          %add3A_386 = arith.addi %mul3A_39, %add3A_385 : i32
          %add3A_387 = arith.constant 32 : i32
          %add3A_388 = arith.addi %add3A_386, %add3A_387 : i32
          %get3A_389 = arith.index_cast %add3A_388 : i32 to index
          %get3A_390 = tpu.vector_load %arg6[%get3A_389] {strides = array<i32>} : memref<51200xf32, #tpu.memory_space<vmem>>, vector<16xf32>,
          %get3A_391 = vector.shape_cast %get3A_390 : vector<16xf32> to vector<16xf32>
          %add3A_392 = arith.constant 1280 : i32
          %add3A_393 = arith.addi %mul3A_39, %add3A_392 : i32
          %add3A_394 = arith.constant 32 : i32
          %add3A_395 = arith.addi %add3A_393, %add3A_394 : i32
          %get3A_396 = arith.index_cast %add3A_395 : i32 to index
          %get3A_397 = tpu.vector_load %arg6[%get3A_396] {strides = array<i32>} : memref<51200xf32, #tpu.memory_space<vmem>>, vector<16xf32>,
          %get3A_398 = vector.shape_cast %get3A_397 : vector<16xf32> to vector<16xf32>
          %add3A_399 = arith.constant 1408 : i32
          %add3A_400 = arith.addi %mul3A_39, %add3A_399 : i32
          %add3A_401 = arith.constant 32 : i32
          %add3A_402 = arith.addi %add3A_400, %add3A_401 : i32
          %get3A_403 = arith.index_cast %add3A_402 : i32 to index
          %get3A_404 = tpu.vector_load %arg6[%get3A_403] {strides = array<i32>} : memref<51200xf32, #tpu.memory_space<vmem>>, vector<16xf32>,
          %get3A_405 = vector.shape_cast %get3A_404 : vector<16xf32> to vector<16xf32>
          %add3A_406 = arith.constant 1536 : i32
          %add3A_407 = arith.addi %mul3A_39, %add3A_406 : i32
          %add3A_408 = arith.constant 32 : i32
          %add3A_409 = arith.addi %add3A_407, %add3A_408 : i32
          %get3A_410 = arith.index_cast %add3A_409 : i32 to index
          %get3A_411 = tpu.vector_load %arg6[%get3A_410] {strides = array<i32>} : memref<51200xf32, #tpu.memory_space<vmem>>, vector<16xf32>,
          %get3A_412 = vector.shape_cast %get3A_411 : vector<16xf32> to vector<16xf32>
          %add3A_413 = arith.constant 1664 : i32
          %add3A_414 = arith.addi %mul3A_39, %add3A_413 : i32
          %add3A_415 = arith.constant 32 : i32
          %add3A_416 = arith.addi %add3A_414, %add3A_415 : i32
          %get3A_417 = arith.index_cast %add3A_416 : i32 to index
          %get3A_418 = tpu.vector_load %arg6[%get3A_417] {strides = array<i32>} : memref<51200xf32, #tpu.memory_space<vmem>>, vector<16xf32>,
          %get3A_419 = vector.shape_cast %get3A_418 : vector<16xf32> to vector<16xf32>
          %add3A_420 = arith.constant 1792 : i32
          %add3A_421 = arith.addi %mul3A_39, %add3A_420 : i32
          %add3A_422 = arith.constant 32 : i32
          %add3A_423 = arith.addi %add3A_421, %add3A_422 : i32
          %get3A_424 = arith.index_cast %add3A_423 : i32 to index
          %get3A_425 = tpu.vector_load %arg6[%get3A_424] {strides = array<i32>} : memref<51200xf32, #tpu.memory_space<vmem>>, vector<16xf32>,
          %get3A_426 = vector.shape_cast %get3A_425 : vector<16xf32> to vector<16xf32>
          %add3A_427 = arith.constant 1920 : i32
          %add3A_428 = arith.addi %mul3A_39, %add3A_427 : i32
          %add3A_429 = arith.constant 32 : i32
          %add3A_430 = arith.addi %add3A_428, %add3A_429 : i32
          %get3A_431 = arith.index_cast %add3A_430 : i32 to index
          %get3A_432 = tpu.vector_load %arg6[%get3A_431] {strides = array<i32>} : memref<51200xf32, #tpu.memory_space<vmem>>, vector<16xf32>,
          %get3A_433 = vector.shape_cast %get3A_432 : vector<16xf32> to vector<16xf32>
          %max3A_434 = arith.maximumf %get3A_328, %get3A_335 : vector<16xf32>
          %max3A_435 = arith.maximumf %get3A_342, %get3A_349 : vector<16xf32>
          %max3A_436 = arith.maximumf %get3A_356, %get3A_363 : vector<16xf32>
          %max3A_437 = arith.maximumf %get3A_370, %get3A_377 : vector<16xf32>
          %max3A_438 = arith.maximumf %get3A_384, %get3A_391 : vector<16xf32>
          %max3A_439 = arith.maximumf %get3A_398, %get3A_405 : vector<16xf32>
          %max3A_440 = arith.maximumf %get3A_412, %get3A_419 : vector<16xf32>
          %max3A_441 = arith.maximumf %get3A_426, %get3A_433 : vector<16xf32>
          %max3A_442 = arith.maximumf %max3A_434, %max3A_435 : vector<16xf32>
          %max3A_443 = arith.maximumf %max3A_436, %max3A_437 : vector<16xf32>
          %max3A_444 = arith.maximumf %max3A_438, %max3A_439 : vector<16xf32>
          %max3A_445 = arith.maximumf %max3A_440, %max3A_441 : vector<16xf32>
          %max3A_446 = arith.maximumf %max3A_442, %max3A_443 : vector<16xf32>
          %max3A_447 = arith.maximumf %max3A_444, %max3A_445 : vector<16xf32>
          %max3A_448 = arith.maximumf %max3A_446, %max3A_447 : vector<16xf32>
          %add3A_449 = arith.constant 32 : i32
          %add3A_450 = arith.addi %mul3A_45, %add3A_449 : i32
          %get3A_451 = arith.index_cast %add3A_450 : i32 to index
          %get3A_452 = tpu.vector_load %arg7[%get3A_451] {strides = array<i32>} : memref<16384xf32, #tpu.memory_space<vmem>>, vector<16xf32>,
          %get3A_453 = vector.shape_cast %get3A_452 : vector<16xf32> to vector<16xf32>
          %max3A_454 = arith.maximumf %get3A_453, %max3A_448 : vector<16xf32>
          %add3A_455 = arith.constant 32 : i32
          %add3A_456 = arith.addi %mul3A_45, %add3A_455 : i32
          %swap3A_457 = arith.index_cast %add3A_456 : i32 to index
          %swap3A_458 = tpu.vector_load %arg7[%swap3A_457] {strides = array<i32>} : memref<16384xf32, #tpu.memory_space<vmem>>, vector<16xf32>,
          %swap3A_459 = vector.shape_cast %swap3A_458 : vector<16xf32> to vector<16xf32>
          %swap3A_460 = vector.shape_cast %max3A_454 : vector<16xf32> to vector<16xf32>
          tpu.vector_store %arg7[%swap3A_457], %swap3A_460 {strides = array<i32>} : memref<16384xf32, #tpu.memory_space<vmem>>, vector<16xf32>,
          %add3A_461 = arith.constant 0 : i32
          %add3A_462 = arith.addi %mul3A_39, %add3A_461 : i32
          %add3A_463 = arith.constant 48 : i32
          %add3A_464 = arith.addi %add3A_462, %add3A_463 : i32
          %get3A_465 = arith.index_cast %add3A_464 : i32 to index
          %get3A_466 = tpu.vector_load %arg6[%get3A_465] {strides = array<i32>} : memref<51200xf32, #tpu.memory_space<vmem>>, vector<16xf32>,
          %get3A_467 = vector.shape_cast %get3A_466 : vector<16xf32> to vector<16xf32>
          %add3A_468 = arith.constant 128 : i32
          %add3A_469 = arith.addi %mul3A_39, %add3A_468 : i32
          %add3A_470 = arith.constant 48 : i32
          %add3A_471 = arith.addi %add3A_469, %add3A_470 : i32
          %get3A_472 = arith.index_cast %add3A_471 : i32 to index
          %get3A_473 = tpu.vector_load %arg6[%get3A_472] {strides = array<i32>} : memref<51200xf32, #tpu.memory_space<vmem>>, vector<16xf32>,
          %get3A_474 = vector.shape_cast %get3A_473 : vector<16xf32> to vector<16xf32>
          %add3A_475 = arith.constant 256 : i32
          %add3A_476 = arith.addi %mul3A_39, %add3A_475 : i32
          %add3A_477 = arith.constant 48 : i32
          %add3A_478 = arith.addi %add3A_476, %add3A_477 : i32
          %get3A_479 = arith.index_cast %add3A_478 : i32 to index
          %get3A_480 = tpu.vector_load %arg6[%get3A_479] {strides = array<i32>} : memref<51200xf32, #tpu.memory_space<vmem>>, vector<16xf32>,
          %get3A_481 = vector.shape_cast %get3A_480 : vector<16xf32> to vector<16xf32>
          %add3A_482 = arith.constant 384 : i32
          %add3A_483 = arith.addi %mul3A_39, %add3A_482 : i32
          %add3A_484 = arith.constant 48 : i32
          %add3A_485 = arith.addi %add3A_483, %add3A_484 : i32
          %get3A_486 = arith.index_cast %add3A_485 : i32 to index
          %get3A_487 = tpu.vector_load %arg6[%get3A_486] {strides = array<i32>} : memref<51200xf32, #tpu.memory_space<vmem>>, vector<16xf32>,
          %get3A_488 = vector.shape_cast %get3A_487 : vector<16xf32> to vector<16xf32>
          %add3A_489 = arith.constant 512 : i32
          %add3A_490 = arith.addi %mul3A_39, %add3A_489 : i32
          %add3A_491 = arith.constant 48 : i32
          %add3A_492 = arith.addi %add3A_490, %add3A_491 : i32
          %get3A_493 = arith.index_cast %add3A_492 : i32 to index
          %get3A_494 = tpu.vector_load %arg6[%get3A_493] {strides = array<i32>} : memref<51200xf32, #tpu.memory_space<vmem>>, vector<16xf32>,
          %get3A_495 = vector.shape_cast %get3A_494 : vector<16xf32> to vector<16xf32>
          %add3A_496 = arith.constant 640 : i32
          %add3A_497 = arith.addi %mul3A_39, %add3A_496 : i32
          %add3A_498 = arith.constant 48 : i32
          %add3A_499 = arith.addi %add3A_497, %add3A_498 : i32
          %get3A_500 = arith.index_cast %add3A_499 : i32 to index
          %get3A_501 = tpu.vector_load %arg6[%get3A_500] {strides = array<i32>} : memref<51200xf32, #tpu.memory_space<vmem>>, vector<16xf32>,
          %get3A_502 = vector.shape_cast %get3A_501 : vector<16xf32> to vector<16xf32>
          %add3A_503 = arith.constant 768 : i32
          %add3A_504 = arith.addi %mul3A_39, %add3A_503 : i32
          %add3A_505 = arith.constant 48 : i32
          %add3A_506 = arith.addi %add3A_504, %add3A_505 : i32
          %get3A_507 = arith.index_cast %add3A_506 : i32 to index
          %get3A_508 = tpu.vector_load %arg6[%get3A_507] {strides = array<i32>} : memref<51200xf32, #tpu.memory_space<vmem>>, vector<16xf32>,
          %get3A_509 = vector.shape_cast %get3A_508 : vector<16xf32> to vector<16xf32>
          %add3A_510 = arith.constant 896 : i32
          %add3A_511 = arith.addi %mul3A_39, %add3A_510 : i32
          %add3A_512 = arith.constant 48 : i32
          %add3A_513 = arith.addi %add3A_511, %add3A_512 : i32
          %get3A_514 = arith.index_cast %add3A_513 : i32 to index
          %get3A_515 = tpu.vector_load %arg6[%get3A_514] {strides = array<i32>} : memref<51200xf32, #tpu.memory_space<vmem>>, vector<16xf32>,
          %get3A_516 = vector.shape_cast %get3A_515 : vector<16xf32> to vector<16xf32>
          %add3A_517 = arith.constant 1024 : i32
          %add3A_518 = arith.addi %mul3A_39, %add3A_517 : i32
          %add3A_519 = arith.constant 48 : i32
          %add3A_520 = arith.addi %add3A_518, %add3A_519 : i32
          %get3A_521 = arith.index_cast %add3A_520 : i32 to index
          %get3A_522 = tpu.vector_load %arg6[%get3A_521] {strides = array<i32>} : memref<51200xf32, #tpu.memory_space<vmem>>, vector<16xf32>,
          %get3A_523 = vector.shape_cast %get3A_522 : vector<16xf32> to vector<16xf32>
          %add3A_524 = arith.constant 1152 : i32
          %add3A_525 = arith.addi %mul3A_39, %add3A_524 : i32
          %add3A_526 = arith.constant 48 : i32
          %add3A_527 = arith.addi %add3A_525, %add3A_526 : i32
          %get3A_528 = arith.index_cast %add3A_527 : i32 to index
          %get3A_529 = tpu.vector_load %arg6[%get3A_528] {strides = array<i32>} : memref<51200xf32, #tpu.memory_space<vmem>>, vector<16xf32>,
          %get3A_530 = vector.shape_cast %get3A_529 : vector<16xf32> to vector<16xf32>
          %add3A_531 = arith.constant 1280 : i32
          %add3A_532 = arith.addi %mul3A_39, %add3A_531 : i32
          %add3A_533 = arith.constant 48 : i32
          %add3A_534 = arith.addi %add3A_532, %add3A_533 : i32
          %get3A_535 = arith.index_cast %add3A_534 : i32 to index
          %get3A_536 = tpu.vector_load %arg6[%get3A_535] {strides = array<i32>} : memref<51200xf32, #tpu.memory_space<vmem>>, vector<16xf32>,
          %get3A_537 = vector.shape_cast %get3A_536 : vector<16xf32> to vector<16xf32>
          %add3A_538 = arith.constant 1408 : i32
          %add3A_539 = arith.addi %mul3A_39, %add3A_538 : i32
          %add3A_540 = arith.constant 48 : i32
          %add3A_541 = arith.addi %add3A_539, %add3A_540 : i32
          %get3A_542 = arith.index_cast %add3A_541 : i32 to index
          %get3A_543 = tpu.vector_load %arg6[%get3A_542] {strides = array<i32>} : memref<51200xf32, #tpu.memory_space<vmem>>, vector<16xf32>,
          %get3A_544 = vector.shape_cast %get3A_543 : vector<16xf32> to vector<16xf32>
          %add3A_545 = arith.constant 1536 : i32
          %add3A_546 = arith.addi %mul3A_39, %add3A_545 : i32
          %add3A_547 = arith.constant 48 : i32
          %add3A_548 = arith.addi %add3A_546, %add3A_547 : i32
          %get3A_549 = arith.index_cast %add3A_548 : i32 to index
          %get3A_550 = tpu.vector_load %arg6[%get3A_549] {strides = array<i32>} : memref<51200xf32, #tpu.memory_space<vmem>>, vector<16xf32>,
          %get3A_551 = vector.shape_cast %get3A_550 : vector<16xf32> to vector<16xf32>
          %add3A_552 = arith.constant 1664 : i32
          %add3A_553 = arith.addi %mul3A_39, %add3A_552 : i32
          %add3A_554 = arith.constant 48 : i32
          %add3A_555 = arith.addi %add3A_553, %add3A_554 : i32
          %get3A_556 = arith.index_cast %add3A_555 : i32 to index
          %get3A_557 = tpu.vector_load %arg6[%get3A_556] {strides = array<i32>} : memref<51200xf32, #tpu.memory_space<vmem>>, vector<16xf32>,
          %get3A_558 = vector.shape_cast %get3A_557 : vector<16xf32> to vector<16xf32>
          %add3A_559 = arith.constant 1792 : i32
          %add3A_560 = arith.addi %mul3A_39, %add3A_559 : i32
          %add3A_561 = arith.constant 48 : i32
          %add3A_562 = arith.addi %add3A_560, %add3A_561 : i32
          %get3A_563 = arith.index_cast %add3A_562 : i32 to index
          %get3A_564 = tpu.vector_load %arg6[%get3A_563] {strides = array<i32>} : memref<51200xf32, #tpu.memory_space<vmem>>, vector<16xf32>,
          %get3A_565 = vector.shape_cast %get3A_564 : vector<16xf32> to vector<16xf32>
          %add3A_566 = arith.constant 1920 : i32
          %add3A_567 = arith.addi %mul3A_39, %add3A_566 : i32
          %add3A_568 = arith.constant 48 : i32
          %add3A_569 = arith.addi %add3A_567, %add3A_568 : i32
          %get3A_570 = arith.index_cast %add3A_569 : i32 to index
          %get3A_571 = tpu.vector_load %arg6[%get3A_570] {strides = array<i32>} : memref<51200xf32, #tpu.memory_space<vmem>>, vector<16xf32>,
          %get3A_572 = vector.shape_cast %get3A_571 : vector<16xf32> to vector<16xf32>
          %max3A_573 = arith.maximumf %get3A_467, %get3A_474 : vector<16xf32>
          %max3A_574 = arith.maximumf %get3A_481, %get3A_488 : vector<16xf32>
          %max3A_575 = arith.maximumf %get3A_495, %get3A_502 : vector<16xf32>
          %max3A_576 = arith.maximumf %get3A_509, %get3A_516 : vector<16xf32>
          %max3A_577 = arith.maximumf %get3A_523, %get3A_530 : vector<16xf32>
          %max3A_578 = arith.maximumf %get3A_537, %get3A_544 : vector<16xf32>
          %max3A_579 = arith.maximumf %get3A_551, %get3A_558 : vector<16xf32>
          %max3A_580 = arith.maximumf %get3A_565, %get3A_572 : vector<16xf32>
          %max3A_581 = arith.maximumf %max3A_573, %max3A_574 : vector<16xf32>
          %max3A_582 = arith.maximumf %max3A_575, %max3A_576 : vector<16xf32>
          %max3A_583 = arith.maximumf %max3A_577, %max3A_578 : vector<16xf32>
          %max3A_584 = arith.maximumf %max3A_579, %max3A_580 : vector<16xf32>
          %max3A_585 = arith.maximumf %max3A_581, %max3A_582 : vector<16xf32>
          %max3A_586 = arith.maximumf %max3A_583, %max3A_584 : vector<16xf32>
          %max3A_587 = arith.maximumf %max3A_585, %max3A_586 : vector<16xf32>
          %add3A_588 = arith.constant 48 : i32
          %add3A_589 = arith.addi %mul3A_45, %add3A_588 : i32
          %get3A_590 = arith.index_cast %add3A_589 : i32 to index
          %get3A_591 = tpu.vector_load %arg7[%get3A_590] {strides = array<i32>} : memref<16384xf32, #tpu.memory_space<vmem>>, vector<16xf32>,
          %get3A_592 = vector.shape_cast %get3A_591 : vector<16xf32> to vector<16xf32>
          %max3A_593 = arith.maximumf %get3A_592, %max3A_587 : vector<16xf32>
          %add3A_594 = arith.constant 48 : i32
          %add3A_595 = arith.addi %mul3A_45, %add3A_594 : i32
          %swap3A_596 = arith.index_cast %add3A_595 : i32 to index
          %swap3A_597 = tpu.vector_load %arg7[%swap3A_596] {strides = array<i32>} : memref<16384xf32, #tpu.memory_space<vmem>>, vector<16xf32>,
          %swap3A_598 = vector.shape_cast %swap3A_597 : vector<16xf32> to vector<16xf32>
          %swap3A_599 = vector.shape_cast %max3A_593 : vector<16xf32> to vector<16xf32>
          tpu.vector_store %arg7[%swap3A_596], %swap3A_599 {strides = array<i32>} : memref<16384xf32, #tpu.memory_space<vmem>>, vector<16xf32>,
          %add3A_600 = arith.constant 0 : i32
          %add3A_601 = arith.addi %mul3A_39, %add3A_600 : i32
          %add3A_602 = arith.constant 64 : i32
          %add3A_603 = arith.addi %add3A_601, %add3A_602 : i32
          %get3A_604 = arith.index_cast %add3A_603 : i32 to index
          %get3A_605 = tpu.vector_load %arg6[%get3A_604] {strides = array<i32>} : memref<51200xf32, #tpu.memory_space<vmem>>, vector<16xf32>,
          %get3A_606 = vector.shape_cast %get3A_605 : vector<16xf32> to vector<16xf32>
          %add3A_607 = arith.constant 128 : i32
          %add3A_608 = arith.addi %mul3A_39, %add3A_607 : i32
          %add3A_609 = arith.constant 64 : i32
          %add3A_610 = arith.addi %add3A_608, %add3A_609 : i32
          %get3A_611 = arith.index_cast %add3A_610 : i32 to index
          %get3A_612 = tpu.vector_load %arg6[%get3A_611] {strides = array<i32>} : memref<51200xf32, #tpu.memory_space<vmem>>, vector<16xf32>,
          %get3A_613 = vector.shape_cast %get3A_612 : vector<16xf32> to vector<16xf32>
          %add3A_614 = arith.constant 256 : i32
          %add3A_615 = arith.addi %mul3A_39, %add3A_614 : i32
          %add3A_616 = arith.constant 64 : i32
          %add3A_617 = arith.addi %add3A_615, %add3A_616 : i32
          %get3A_618 = arith.index_cast %add3A_617 : i32 to index
          %get3A_619 = tpu.vector_load %arg6[%get3A_618] {strides = array<i32>} : memref<51200xf32, #tpu.memory_space<vmem>>, vector<16xf32>,
          %get3A_620 = vector.shape_cast %get3A_619 : vector<16xf32> to vector<16xf32>
          %add3A_621 = arith.constant 384 : i32
          %add3A_622 = arith.addi %mul3A_39, %add3A_621 : i32
          %add3A_623 = arith.constant 64 : i32
          %add3A_624 = arith.addi %add3A_622, %add3A_623 : i32
          %get3A_625 = arith.index_cast %add3A_624 : i32 to index
          %get3A_626 = tpu.vector_load %arg6[%get3A_625] {strides = array<i32>} : memref<51200xf32, #tpu.memory_space<vmem>>, vector<16xf32>,
          %get3A_627 = vector.shape_cast %get3A_626 : vector<16xf32> to vector<16xf32>
          %add3A_628 = arith.constant 512 : i32
          %add3A_629 = arith.addi %mul3A_39, %add3A_628 : i32
          %add3A_630 = arith.constant 64 : i32
          %add3A_631 = arith.addi %add3A_629, %add3A_630 : i32
          %get3A_632 = arith.index_cast %add3A_631 : i32 to index
          %get3A_633 = tpu.vector_load %arg6[%get3A_632] {strides = array<i32>} : memref<51200xf32, #tpu.memory_space<vmem>>, vector<16xf32>,
          %get3A_634 = vector.shape_cast %get3A_633 : vector<16xf32> to vector<16xf32>
          %add3A_635 = arith.constant 640 : i32
          %add3A_636 = arith.addi %mul3A_39, %add3A_635 : i32
          %add3A_637 = arith.constant 64 : i32
          %add3A_638 = arith.addi %add3A_636, %add3A_637 : i32
          %get3A_639 = arith.index_cast %add3A_638 : i32 to index
          %get3A_640 = tpu.vector_load %arg6[%get3A_639] {strides = array<i32>} : memref<51200xf32, #tpu.memory_space<vmem>>, vector<16xf32>,
          %get3A_641 = vector.shape_cast %get3A_640 : vector<16xf32> to vector<16xf32>
          %add3A_642 = arith.constant 768 : i32
          %add3A_643 = arith.addi %mul3A_39, %add3A_642 : i32
          %add3A_644 = arith.constant 64 : i32
          %add3A_645 = arith.addi %add3A_643, %add3A_644 : i32
          %get3A_646 = arith.index_cast %add3A_645 : i32 to index
          %get3A_647 = tpu.vector_load %arg6[%get3A_646] {strides = array<i32>} : memref<51200xf32, #tpu.memory_space<vmem>>, vector<16xf32>,
          %get3A_648 = vector.shape_cast %get3A_647 : vector<16xf32> to vector<16xf32>
          %add3A_649 = arith.constant 896 : i32
          %add3A_650 = arith.addi %mul3A_39, %add3A_649 : i32
          %add3A_651 = arith.constant 64 : i32
          %add3A_652 = arith.addi %add3A_650, %add3A_651 : i32
          %get3A_653 = arith.index_cast %add3A_652 : i32 to index
          %get3A_654 = tpu.vector_load %arg6[%get3A_653] {strides = array<i32>} : memref<51200xf32, #tpu.memory_space<vmem>>, vector<16xf32>,
          %get3A_655 = vector.shape_cast %get3A_654 : vector<16xf32> to vector<16xf32>
          %add3A_656 = arith.constant 1024 : i32
          %add3A_657 = arith.addi %mul3A_39, %add3A_656 : i32
          %add3A_658 = arith.constant 64 : i32
          %add3A_659 = arith.addi %add3A_657, %add3A_658 : i32
          %get3A_660 = arith.index_cast %add3A_659 : i32 to index
          %get3A_661 = tpu.vector_load %arg6[%get3A_660] {strides = array<i32>} : memref<51200xf32, #tpu.memory_space<vmem>>, vector<16xf32>,
          %get3A_662 = vector.shape_cast %get3A_661 : vector<16xf32> to vector<16xf32>
          %add3A_663 = arith.constant 1152 : i32
          %add3A_664 = arith.addi %mul3A_39, %add3A_663 : i32
          %add3A_665 = arith.constant 64 : i32
          %add3A_666 = arith.addi %add3A_664, %add3A_665 : i32
          %get3A_667 = arith.index_cast %add3A_666 : i32 to index
          %get3A_668 = tpu.vector_load %arg6[%get3A_667] {strides = array<i32>} : memref<51200xf32, #tpu.memory_space<vmem>>, vector<16xf32>,
          %get3A_669 = vector.shape_cast %get3A_668 : vector<16xf32> to vector<16xf32>
          %add3A_670 = arith.constant 1280 : i32
          %add3A_671 = arith.addi %mul3A_39, %add3A_670 : i32
          %add3A_672 = arith.constant 64 : i32
          %add3A_673 = arith.addi %add3A_671, %add3A_672 : i32
          %get3A_674 = arith.index_cast %add3A_673 : i32 to index
          %get3A_675 = tpu.vector_load %arg6[%get3A_674] {strides = array<i32>} : memref<51200xf32, #tpu.memory_space<vmem>>, vector<16xf32>,
          %get3A_676 = vector.shape_cast %get3A_675 : vector<16xf32> to vector<16xf32>
          %add3A_677 = arith.constant 1408 : i32
          %add3A_678 = arith.addi %mul3A_39, %add3A_677 : i32
          %add3A_679 = arith.constant 64 : i32
          %add3A_680 = arith.addi %add3A_678, %add3A_679 : i32
          %get3A_681 = arith.index_cast %add3A_680 : i32 to index
          %get3A_682 = tpu.vector_load %arg6[%get3A_681] {strides = array<i32>} : memref<51200xf32, #tpu.memory_space<vmem>>, vector<16xf32>,
          %get3A_683 = vector.shape_cast %get3A_682 : vector<16xf32> to vector<16xf32>
          %add3A_684 = arith.constant 1536 : i32
          %add3A_685 = arith.addi %mul3A_39, %add3A_684 : i32
          %add3A_686 = arith.constant 64 : i32
          %add3A_687 = arith.addi %add3A_685, %add3A_686 : i32
          %get3A_688 = arith.index_cast %add3A_687 : i32 to index
          %get3A_689 = tpu.vector_load %arg6[%get3A_688] {strides = array<i32>} : memref<51200xf32, #tpu.memory_space<vmem>>, vector<16xf32>,
          %get3A_690 = vector.shape_cast %get3A_689 : vector<16xf32> to vector<16xf32>
          %add3A_691 = arith.constant 1664 : i32
          %add3A_692 = arith.addi %mul3A_39, %add3A_691 : i32
          %add3A_693 = arith.constant 64 : i32
          %add3A_694 = arith.addi %add3A_692, %add3A_693 : i32
          %get3A_695 = arith.index_cast %add3A_694 : i32 to index
          %get3A_696 = tpu.vector_load %arg6[%get3A_695] {strides = array<i32>} : memref<51200xf32, #tpu.memory_space<vmem>>, vector<16xf32>,
          %get3A_697 = vector.shape_cast %get3A_696 : vector<16xf32> to vector<16xf32>
          %add3A_698 = arith.constant 1792 : i32
          %add3A_699 = arith.addi %mul3A_39, %add3A_698 : i32
          %add3A_700 = arith.constant 64 : i32
          %add3A_701 = arith.addi %add3A_699, %add3A_700 : i32
          %get3A_702 = arith.index_cast %add3A_701 : i32 to index
          %get3A_703 = tpu.vector_load %arg6[%get3A_702] {strides = array<i32>} : memref<51200xf32, #tpu.memory_space<vmem>>, vector<16xf32>,
          %get3A_704 = vector.shape_cast %get3A_703 : vector<16xf32> to vector<16xf32>
          %add3A_705 = arith.constant 1920 : i32
          %add3A_706 = arith.addi %mul3A_39, %add3A_705 : i32
          %add3A_707 = arith.constant 64 : i32
          %add3A_708 = arith.addi %add3A_706, %add3A_707 : i32
          %get3A_709 = arith.index_cast %add3A_708 : i32 to index
          %get3A_710 = tpu.vector_load %arg6[%get3A_709] {strides = array<i32>} : memref<51200xf32, #tpu.memory_space<vmem>>, vector<16xf32>,
          %get3A_711 = vector.shape_cast %get3A_710 : vector<16xf32> to vector<16xf32>
          %max3A_712 = arith.maximumf %get3A_606, %get3A_613 : vector<16xf32>
          %max3A_713 = arith.maximumf %get3A_620, %get3A_627 : vector<16xf32>
          %max3A_714 = arith.maximumf %get3A_634, %get3A_641 : vector<16xf32>
          %max3A_715 = arith.maximumf %get3A_648, %get3A_655 : vector<16xf32>
          %max3A_716 = arith.maximumf %get3A_662, %get3A_669 : vector<16xf32>
          %max3A_717 = arith.maximumf %get3A_676, %get3A_683 : vector<16xf32>
          %max3A_718 = arith.maximumf %get3A_690, %get3A_697 : vector<16xf32>
          %max3A_719 = arith.maximumf %get3A_704, %get3A_711 : vector<16xf32>
          %max3A_720 = arith.maximumf %max3A_712, %max3A_713 : vector<16xf32>
          %max3A_721 = arith.maximumf %max3A_714, %max3A_715 : vector<16xf32>
          %max3A_722 = arith.maximumf %max3A_716, %max3A_717 : vector<16xf32>
          %max3A_723 = arith.maximumf %max3A_718, %max3A_719 : vector<16xf32>
          %max3A_724 = arith.maximumf %max3A_720, %max3A_721 : vector<16xf32>
          %max3A_725 = arith.maximumf %max3A_722, %max3A_723 : vector<16xf32>
          %max3A_726 = arith.maximumf %max3A_724, %max3A_725 : vector<16xf32>
          %add3A_727 = arith.constant 64 : i32
          %add3A_728 = arith.addi %mul3A_45, %add3A_727 : i32
          %get3A_729 = arith.index_cast %add3A_728 : i32 to index
          %get3A_730 = tpu.vector_load %arg7[%get3A_729] {strides = array<i32>} : memref<16384xf32, #tpu.memory_space<vmem>>, vector<16xf32>,
          %get3A_731 = vector.shape_cast %get3A_730 : vector<16xf32> to vector<16xf32>
          %max3A_732 = arith.maximumf %get3A_731, %max3A_726 : vector<16xf32>
          %add3A_733 = arith.constant 64 : i32
          %add3A_734 = arith.addi %mul3A_45, %add3A_733 : i32
          %swap3A_735 = arith.index_cast %add3A_734 : i32 to index
          %swap3A_736 = tpu.vector_load %arg7[%swap3A_735] {strides = array<i32>} : memref<16384xf32, #tpu.memory_space<vmem>>, vector<16xf32>,
          %swap3A_737 = vector.shape_cast %swap3A_736 : vector<16xf32> to vector<16xf32>
          %swap3A_738 = vector.shape_cast %max3A_732 : vector<16xf32> to vector<16xf32>
          tpu.vector_store %arg7[%swap3A_735], %swap3A_738 {strides = array<i32>} : memref<16384xf32, #tpu.memory_space<vmem>>, vector<16xf32>,
          %add3A_739 = arith.constant 0 : i32
          %add3A_740 = arith.addi %mul3A_39, %add3A_739 : i32
          %add3A_741 = arith.constant 80 : i32
          %add3A_742 = arith.addi %add3A_740, %add3A_741 : i32
          %get3A_743 = arith.index_cast %add3A_742 : i32 to index
          %get3A_744 = tpu.vector_load %arg6[%get3A_743] {strides = array<i32>} : memref<51200xf32, #tpu.memory_space<vmem>>, vector<16xf32>,
          %get3A_745 = vector.shape_cast %get3A_744 : vector<16xf32> to vector<16xf32>
          %add3A_746 = arith.constant 128 : i32
          %add3A_747 = arith.addi %mul3A_39, %add3A_746 : i32
          %add3A_748 = arith.constant 80 : i32
          %add3A_749 = arith.addi %add3A_747, %add3A_748 : i32
          %get3A_750 = arith.index_cast %add3A_749 : i32 to index
          %get3A_751 = tpu.vector_load %arg6[%get3A_750] {strides = array<i32>} : memref<51200xf32, #tpu.memory_space<vmem>>, vector<16xf32>,
          %get3A_752 = vector.shape_cast %get3A_751 : vector<16xf32> to vector<16xf32>
          %add3A_753 = arith.constant 256 : i32
          %add3A_754 = arith.addi %mul3A_39, %add3A_753 : i32
          %add3A_755 = arith.constant 80 : i32
          %add3A_756 = arith.addi %add3A_754, %add3A_755 : i32
          %get3A_757 = arith.index_cast %add3A_756 : i32 to index
          %get3A_758 = tpu.vector_load %arg6[%get3A_757] {strides = array<i32>} : memref<51200xf32, #tpu.memory_space<vmem>>, vector<16xf32>,
          %get3A_759 = vector.shape_cast %get3A_758 : vector<16xf32> to vector<16xf32>
          %add3A_760 = arith.constant 384 : i32
          %add3A_761 = arith.addi %mul3A_39, %add3A_760 : i32
          %add3A_762 = arith.constant 80 : i32
          %add3A_763 = arith.addi %add3A_761, %add3A_762 : i32
          %get3A_764 = arith.index_cast %add3A_763 : i32 to index
          %get3A_765 = tpu.vector_load %arg6[%get3A_764] {strides = array<i32>} : memref<51200xf32, #tpu.memory_space<vmem>>, vector<16xf32>,
          %get3A_766 = vector.shape_cast %get3A_765 : vector<16xf32> to vector<16xf32>
          %add3A_767 = arith.constant 512 : i32
          %add3A_768 = arith.addi %mul3A_39, %add3A_767 : i32
          %add3A_769 = arith.constant 80 : i32
          %add3A_770 = arith.addi %add3A_768, %add3A_769 : i32
          %get3A_771 = arith.index_cast %add3A_770 : i32 to index
          %get3A_772 = tpu.vector_load %arg6[%get3A_771] {strides = array<i32>} : memref<51200xf32, #tpu.memory_space<vmem>>, vector<16xf32>,
          %get3A_773 = vector.shape_cast %get3A_772 : vector<16xf32> to vector<16xf32>
          %add3A_774 = arith.constant 640 : i32
          %add3A_775 = arith.addi %mul3A_39, %add3A_774 : i32
          %add3A_776 = arith.constant 80 : i32
          %add3A_777 = arith.addi %add3A_775, %add3A_776 : i32
          %get3A_778 = arith.index_cast %add3A_777 : i32 to index
          %get3A_779 = tpu.vector_load %arg6[%get3A_778] {strides = array<i32>} : memref<51200xf32, #tpu.memory_space<vmem>>, vector<16xf32>,
          %get3A_780 = vector.shape_cast %get3A_779 : vector<16xf32> to vector<16xf32>
          %add3A_781 = arith.constant 768 : i32
          %add3A_782 = arith.addi %mul3A_39, %add3A_781 : i32
          %add3A_783 = arith.constant 80 : i32
          %add3A_784 = arith.addi %add3A_782, %add3A_783 : i32
          %get3A_785 = arith.index_cast %add3A_784 : i32 to index
          %get3A_786 = tpu.vector_load %arg6[%get3A_785] {strides = array<i32>} : memref<51200xf32, #tpu.memory_space<vmem>>, vector<16xf32>,
          %get3A_787 = vector.shape_cast %get3A_786 : vector<16xf32> to vector<16xf32>
          %add3A_788 = arith.constant 896 : i32
          %add3A_789 = arith.addi %mul3A_39, %add3A_788 : i32
          %add3A_790 = arith.constant 80 : i32
          %add3A_791 = arith.addi %add3A_789, %add3A_790 : i32
          %get3A_792 = arith.index_cast %add3A_791 : i32 to index
          %get3A_793 = tpu.vector_load %arg6[%get3A_792] {strides = array<i32>} : memref<51200xf32, #tpu.memory_space<vmem>>, vector<16xf32>,
          %get3A_794 = vector.shape_cast %get3A_793 : vector<16xf32> to vector<16xf32>
          %add3A_795 = arith.constant 1024 : i32
          %add3A_796 = arith.addi %mul3A_39, %add3A_795 : i32
          %add3A_797 = arith.constant 80 : i32
          %add3A_798 = arith.addi %add3A_796, %add3A_797 : i32
          %get3A_799 = arith.index_cast %add3A_798 : i32 to index
          %get3A_800 = tpu.vector_load %arg6[%get3A_799] {strides = array<i32>} : memref<51200xf32, #tpu.memory_space<vmem>>, vector<16xf32>,
          %get3A_801 = vector.shape_cast %get3A_800 : vector<16xf32> to vector<16xf32>
          %add3A_802 = arith.constant 1152 : i32
          %add3A_803 = arith.addi %mul3A_39, %add3A_802 : i32
          %add3A_804 = arith.constant 80 : i32
          %add3A_805 = arith.addi %add3A_803, %add3A_804 : i32
          %get3A_806 = arith.index_cast %add3A_805 : i32 to index
          %get3A_807 = tpu.vector_load %arg6[%get3A_806] {strides = array<i32>} : memref<51200xf32, #tpu.memory_space<vmem>>, vector<16xf32>,
          %get3A_808 = vector.shape_cast %get3A_807 : vector<16xf32> to vector<16xf32>
          %add3A_809 = arith.constant 1280 : i32
          %add3A_810 = arith.addi %mul3A_39, %add3A_809 : i32
          %add3A_811 = arith.constant 80 : i32
          %add3A_812 = arith.addi %add3A_810, %add3A_811 : i32
          %get3A_813 = arith.index_cast %add3A_812 : i32 to index
          %get3A_814 = tpu.vector_load %arg6[%get3A_813] {strides = array<i32>} : memref<51200xf32, #tpu.memory_space<vmem>>, vector<16xf32>,
          %get3A_815 = vector.shape_cast %get3A_814 : vector<16xf32> to vector<16xf32>
          %add3A_816 = arith.constant 1408 : i32
          %add3A_817 = arith.addi %mul3A_39, %add3A_816 : i32
          %add3A_818 = arith.constant 80 : i32
          %add3A_819 = arith.addi %add3A_817, %add3A_818 : i32
          %get3A_820 = arith.index_cast %add3A_819 : i32 to index
          %get3A_821 = tpu.vector_load %arg6[%get3A_820] {strides = array<i32>} : memref<51200xf32, #tpu.memory_space<vmem>>, vector<16xf32>,
          %get3A_822 = vector.shape_cast %get3A_821 : vector<16xf32> to vector<16xf32>
          %add3A_823 = arith.constant 1536 : i32
          %add3A_824 = arith.addi %mul3A_39, %add3A_823 : i32
          %add3A_825 = arith.constant 80 : i32
          %add3A_826 = arith.addi %add3A_824, %add3A_825 : i32
          %get3A_827 = arith.index_cast %add3A_826 : i32 to index
          %get3A_828 = tpu.vector_load %arg6[%get3A_827] {strides = array<i32>} : memref<51200xf32, #tpu.memory_space<vmem>>, vector<16xf32>,
          %get3A_829 = vector.shape_cast %get3A_828 : vector<16xf32> to vector<16xf32>
          %add3A_830 = arith.constant 1664 : i32
          %add3A_831 = arith.addi %mul3A_39, %add3A_830 : i32
          %add3A_832 = arith.constant 80 : i32
          %add3A_833 = arith.addi %add3A_831, %add3A_832 : i32
          %get3A_834 = arith.index_cast %add3A_833 : i32 to index
          %get3A_835 = tpu.vector_load %arg6[%get3A_834] {strides = array<i32>} : memref<51200xf32, #tpu.memory_space<vmem>>, vector<16xf32>,
          %get3A_836 = vector.shape_cast %get3A_835 : vector<16xf32> to vector<16xf32>
          %add3A_837 = arith.constant 1792 : i32
          %add3A_838 = arith.addi %mul3A_39, %add3A_837 : i32
          %add3A_839 = arith.constant 80 : i32
          %add3A_840 = arith.addi %add3A_838, %add3A_839 : i32
          %get3A_841 = arith.index_cast %add3A_840 : i32 to index
          %get3A_842 = tpu.vector_load %arg6[%get3A_841] {strides = array<i32>} : memref<51200xf32, #tpu.memory_space<vmem>>, vector<16xf32>,
          %get3A_843 = vector.shape_cast %get3A_842 : vector<16xf32> to vector<16xf32>
          %add3A_844 = arith.constant 1920 : i32
          %add3A_845 = arith.addi %mul3A_39, %add3A_844 : i32
          %add3A_846 = arith.constant 80 : i32
          %add3A_847 = arith.addi %add3A_845, %add3A_846 : i32
          %get3A_848 = arith.index_cast %add3A_847 : i32 to index
          %get3A_849 = tpu.vector_load %arg6[%get3A_848] {strides = array<i32>} : memref<51200xf32, #tpu.memory_space<vmem>>, vector<16xf32>,
          %get3A_850 = vector.shape_cast %get3A_849 : vector<16xf32> to vector<16xf32>
          %max3A_851 = arith.maximumf %get3A_745, %get3A_752 : vector<16xf32>
          %max3A_852 = arith.maximumf %get3A_759, %get3A_766 : vector<16xf32>
          %max3A_853 = arith.maximumf %get3A_773, %get3A_780 : vector<16xf32>
          %max3A_854 = arith.maximumf %get3A_787, %get3A_794 : vector<16xf32>
          %max3A_855 = arith.maximumf %get3A_801, %get3A_808 : vector<16xf32>
          %max3A_856 = arith.maximumf %get3A_815, %get3A_822 : vector<16xf32>
          %max3A_857 = arith.maximumf %get3A_829, %get3A_836 : vector<16xf32>
          %max3A_858 = arith.maximumf %get3A_843, %get3A_850 : vector<16xf32>
          %max3A_859 = arith.maximumf %max3A_851, %max3A_852 : vector<16xf32>
          %max3A_860 = arith.maximumf %max3A_853, %max3A_854 : vector<16xf32>
          %max3A_861 = arith.maximumf %max3A_855, %max3A_856 : vector<16xf32>
          %max3A_862 = arith.maximumf %max3A_857, %max3A_858 : vector<16xf32>
          %max3A_863 = arith.maximumf %max3A_859, %max3A_860 : vector<16xf32>
          %max3A_864 = arith.maximumf %max3A_861, %max3A_862 : vector<16xf32>
          %max3A_865 = arith.maximumf %max3A_863, %max3A_864 : vector<16xf32>
          %add3A_866 = arith.constant 80 : i32
          %add3A_867 = arith.addi %mul3A_45, %add3A_866 : i32
          %get3A_868 = arith.index_cast %add3A_867 : i32 to index
          %get3A_869 = tpu.vector_load %arg7[%get3A_868] {strides = array<i32>} : memref<16384xf32, #tpu.memory_space<vmem>>, vector<16xf32>,
          %get3A_870 = vector.shape_cast %get3A_869 : vector<16xf32> to vector<16xf32>
          %max3A_871 = arith.maximumf %get3A_870, %max3A_865 : vector<16xf32>
          %add3A_872 = arith.constant 80 : i32
          %add3A_873 = arith.addi %mul3A_45, %add3A_872 : i32
          %swap3A_874 = arith.index_cast %add3A_873 : i32 to index
          %swap3A_875 = tpu.vector_load %arg7[%swap3A_874] {strides = array<i32>} : memref<16384xf32, #tpu.memory_space<vmem>>, vector<16xf32>,
          %swap3A_876 = vector.shape_cast %swap3A_875 : vector<16xf32> to vector<16xf32>
          %swap3A_877 = vector.shape_cast %max3A_871 : vector<16xf32> to vector<16xf32>
          tpu.vector_store %arg7[%swap3A_874], %swap3A_877 {strides = array<i32>} : memref<16384xf32, #tpu.memory_space<vmem>>, vector<16xf32>,
          %add3A_878 = arith.constant 0 : i32
          %add3A_879 = arith.addi %mul3A_39, %add3A_878 : i32
          %add3A_880 = arith.constant 96 : i32
          %add3A_881 = arith.addi %add3A_879, %add3A_880 : i32
          %get3A_882 = arith.index_cast %add3A_881 : i32 to index
          %get3A_883 = tpu.vector_load %arg6[%get3A_882] {strides = array<i32>} : memref<51200xf32, #tpu.memory_space<vmem>>, vector<16xf32>,
          %get3A_884 = vector.shape_cast %get3A_883 : vector<16xf32> to vector<16xf32>
          %add3A_885 = arith.constant 128 : i32
          %add3A_886 = arith.addi %mul3A_39, %add3A_885 : i32
          %add3A_887 = arith.constant 96 : i32
          %add3A_888 = arith.addi %add3A_886, %add3A_887 : i32
          %get3A_889 = arith.index_cast %add3A_888 : i32 to index
          %get3A_890 = tpu.vector_load %arg6[%get3A_889] {strides = array<i32>} : memref<51200xf32, #tpu.memory_space<vmem>>, vector<16xf32>,
          %get3A_891 = vector.shape_cast %get3A_890 : vector<16xf32> to vector<16xf32>
          %add3A_892 = arith.constant 256 : i32
          %add3A_893 = arith.addi %mul3A_39, %add3A_892 : i32
          %add3A_894 = arith.constant 96 : i32
          %add3A_895 = arith.addi %add3A_893, %add3A_894 : i32
          %get3A_896 = arith.index_cast %add3A_895 : i32 to index
          %get3A_897 = tpu.vector_load %arg6[%get3A_896] {strides = array<i32>} : memref<51200xf32, #tpu.memory_space<vmem>>, vector<16xf32>,
          %get3A_898 = vector.shape_cast %get3A_897 : vector<16xf32> to vector<16xf32>
          %add3A_899 = arith.constant 384 : i32
          %add3A_900 = arith.addi %mul3A_39, %add3A_899 : i32
          %add3A_901 = arith.constant 96 : i32
          %add3A_902 = arith.addi %add3A_900, %add3A_901 : i32
          %get3A_903 = arith.index_cast %add3A_902 : i32 to index
          %get3A_904 = tpu.vector_load %arg6[%get3A_903] {strides = array<i32>} : memref<51200xf32, #tpu.memory_space<vmem>>, vector<16xf32>,
          %get3A_905 = vector.shape_cast %get3A_904 : vector<16xf32> to vector<16xf32>
          %add3A_906 = arith.constant 512 : i32
          %add3A_907 = arith.addi %mul3A_39, %add3A_906 : i32
          %add3A_908 = arith.constant 96 : i32
          %add3A_909 = arith.addi %add3A_907, %add3A_908 : i32
          %get3A_910 = arith.index_cast %add3A_909 : i32 to index
          %get3A_911 = tpu.vector_load %arg6[%get3A_910] {strides = array<i32>} : memref<51200xf32, #tpu.memory_space<vmem>>, vector<16xf32>,
          %get3A_912 = vector.shape_cast %get3A_911 : vector<16xf32> to vector<16xf32>
          %add3A_913 = arith.constant 640 : i32
          %add3A_914 = arith.addi %mul3A_39, %add3A_913 : i32
          %add3A_915 = arith.constant 96 : i32
          %add3A_916 = arith.addi %add3A_914, %add3A_915 : i32
          %get3A_917 = arith.index_cast %add3A_916 : i32 to index
          %get3A_918 = tpu.vector_load %arg6[%get3A_917] {strides = array<i32>} : memref<51200xf32, #tpu.memory_space<vmem>>, vector<16xf32>,
          %get3A_919 = vector.shape_cast %get3A_918 : vector<16xf32> to vector<16xf32>
          %add3A_920 = arith.constant 768 : i32
          %add3A_921 = arith.addi %mul3A_39, %add3A_920 : i32
          %add3A_922 = arith.constant 96 : i32
          %add3A_923 = arith.addi %add3A_921, %add3A_922 : i32
          %get3A_924 = arith.index_cast %add3A_923 : i32 to index
          %get3A_925 = tpu.vector_load %arg6[%get3A_924] {strides = array<i32>} : memref<51200xf32, #tpu.memory_space<vmem>>, vector<16xf32>,
          %get3A_926 = vector.shape_cast %get3A_925 : vector<16xf32> to vector<16xf32>
          %add3A_927 = arith.constant 896 : i32
          %add3A_928 = arith.addi %mul3A_39, %add3A_927 : i32
          %add3A_929 = arith.constant 96 : i32
          %add3A_930 = arith.addi %add3A_928, %add3A_929 : i32
          %get3A_931 = arith.index_cast %add3A_930 : i32 to index
          %get3A_932 = tpu.vector_load %arg6[%get3A_931] {strides = array<i32>} : memref<51200xf32, #tpu.memory_space<vmem>>, vector<16xf32>,
          %get3A_933 = vector.shape_cast %get3A_932 : vector<16xf32> to vector<16xf32>
          %add3A_934 = arith.constant 1024 : i32
          %add3A_935 = arith.addi %mul3A_39, %add3A_934 : i32
          %add3A_936 = arith.constant 96 : i32
          %add3A_937 = arith.addi %add3A_935, %add3A_936 : i32
          %get3A_938 = arith.index_cast %add3A_937 : i32 to index
          %get3A_939 = tpu.vector_load %arg6[%get3A_938] {strides = array<i32>} : memref<51200xf32, #tpu.memory_space<vmem>>, vector<16xf32>,
          %get3A_940 = vector.shape_cast %get3A_939 : vector<16xf32> to vector<16xf32>
          %add3A_941 = arith.constant 1152 : i32
          %add3A_942 = arith.addi %mul3A_39, %add3A_941 : i32
          %add3A_943 = arith.constant 96 : i32
          %add3A_944 = arith.addi %add3A_942, %add3A_943 : i32
          %get3A_945 = arith.index_cast %add3A_944 : i32 to index
          %get3A_946 = tpu.vector_load %arg6[%get3A_945] {strides = array<i32>} : memref<51200xf32, #tpu.memory_space<vmem>>, vector<16xf32>,
          %get3A_947 = vector.shape_cast %get3A_946 : vector<16xf32> to vector<16xf32>
          %add3A_948 = arith.constant 1280 : i32
          %add3A_949 = arith.addi %mul3A_39, %add3A_948 : i32
          %add3A_950 = arith.constant 96 : i32
          %add3A_951 = arith.addi %add3A_949, %add3A_950 : i32
          %get3A_952 = arith.index_cast %add3A_951 : i32 to index
          %get3A_953 = tpu.vector_load %arg6[%get3A_952] {strides = array<i32>} : memref<51200xf32, #tpu.memory_space<vmem>>, vector<16xf32>,
          %get3A_954 = vector.shape_cast %get3A_953 : vector<16xf32> to vector<16xf32>
          %add3A_955 = arith.constant 1408 : i32
          %add3A_956 = arith.addi %mul3A_39, %add3A_955 : i32
          %add3A_957 = arith.constant 96 : i32
          %add3A_958 = arith.addi %add3A_956, %add3A_957 : i32
          %get3A_959 = arith.index_cast %add3A_958 : i32 to index
          %get3A_960 = tpu.vector_load %arg6[%get3A_959] {strides = array<i32>} : memref<51200xf32, #tpu.memory_space<vmem>>, vector<16xf32>,
          %get3A_961 = vector.shape_cast %get3A_960 : vector<16xf32> to vector<16xf32>
          %add3A_962 = arith.constant 1536 : i32
          %add3A_963 = arith.addi %mul3A_39, %add3A_962 : i32
          %add3A_964 = arith.constant 96 : i32
          %add3A_965 = arith.addi %add3A_963, %add3A_964 : i32
          %get3A_966 = arith.index_cast %add3A_965 : i32 to index
          %get3A_967 = tpu.vector_load %arg6[%get3A_966] {strides = array<i32>} : memref<51200xf32, #tpu.memory_space<vmem>>, vector<16xf32>,
          %get3A_968 = vector.shape_cast %get3A_967 : vector<16xf32> to vector<16xf32>
          %add3A_969 = arith.constant 1664 : i32
          %add3A_970 = arith.addi %mul3A_39, %add3A_969 : i32
          %add3A_971 = arith.constant 96 : i32
          %add3A_972 = arith.addi %add3A_970, %add3A_971 : i32
          %get3A_973 = arith.index_cast %add3A_972 : i32 to index
          %get3A_974 = tpu.vector_load %arg6[%get3A_973] {strides = array<i32>} : memref<51200xf32, #tpu.memory_space<vmem>>, vector<16xf32>,
          %get3A_975 = vector.shape_cast %get3A_974 : vector<16xf32> to vector<16xf32>
          %add3A_976 = arith.constant 1792 : i32
          %add3A_977 = arith.addi %mul3A_39, %add3A_976 : i32
          %add3A_978 = arith.constant 96 : i32
          %add3A_979 = arith.addi %add3A_977, %add3A_978 : i32
          %get3A_980 = arith.index_cast %add3A_979 : i32 to index
          %get3A_981 = tpu.vector_load %arg6[%get3A_980] {strides = array<i32>} : memref<51200xf32, #tpu.memory_space<vmem>>, vector<16xf32>,
          %get3A_982 = vector.shape_cast %get3A_981 : vector<16xf32> to vector<16xf32>
          %add3A_983 = arith.constant 1920 : i32
          %add3A_984 = arith.addi %mul3A_39, %add3A_983 : i32
          %add3A_985 = arith.constant 96 : i32
          %add3A_986 = arith.addi %add3A_984, %add3A_985 : i32
          %get3A_987 = arith.index_cast %add3A_986 : i32 to index
          %get3A_988 = tpu.vector_load %arg6[%get3A_987] {strides = array<i32>} : memref<51200xf32, #tpu.memory_space<vmem>>, vector<16xf32>,
          %get3A_989 = vector.shape_cast %get3A_988 : vector<16xf32> to vector<16xf32>
          %max3A_990 = arith.maximumf %get3A_884, %get3A_891 : vector<16xf32>
          %max3A_991 = arith.maximumf %get3A_898, %get3A_905 : vector<16xf32>
          %max3A_992 = arith.maximumf %get3A_912, %get3A_919 : vector<16xf32>
          %max3A_993 = arith.maximumf %get3A_926, %get3A_933 : vector<16xf32>
          %max3A_994 = arith.maximumf %get3A_940, %get3A_947 : vector<16xf32>
          %max3A_995 = arith.maximumf %get3A_954, %get3A_961 : vector<16xf32>
          %max3A_996 = arith.maximumf %get3A_968, %get3A_975 : vector<16xf32>
          %max3A_997 = arith.maximumf %get3A_982, %get3A_989 : vector<16xf32>
          %max3A_998 = arith.maximumf %max3A_990, %max3A_991 : vector<16xf32>
          %max3A_999 = arith.maximumf %max3A_992, %max3A_993 : vector<16xf32>
          %max3A_1000 = arith.maximumf %max3A_994, %max3A_995 : vector<16xf32>
          %max3A_1001 = arith.maximumf %max3A_996, %max3A_997 : vector<16xf32>
          %max3A_1002 = arith.maximumf %max3A_998, %max3A_999 : vector<16xf32>
          %max3A_1003 = arith.maximumf %max3A_1000, %max3A_1001 : vector<16xf32>
          %max3A_1004 = arith.maximumf %max3A_1002, %max3A_1003 : vector<16xf32>
          %add3A_1005 = arith.constant 96 : i32
          %add3A_1006 = arith.addi %mul3A_45, %add3A_1005 : i32
          %get3A_1007 = arith.index_cast %add3A_1006 : i32 to index
          %get3A_1008 = tpu.vector_load %arg7[%get3A_1007] {strides = array<i32>} : memref<16384xf32, #tpu.memory_space<vmem>>, vector<16xf32>,
          %get3A_1009 = vector.shape_cast %get3A_1008 : vector<16xf32> to vector<16xf32>
          %max3A_1010 = arith.maximumf %get3A_1009, %max3A_1004 : vector<16xf32>
          %add3A_1011 = arith.constant 96 : i32
          %add3A_1012 = arith.addi %mul3A_45, %add3A_1011 : i32
          %swap3A_1013 = arith.index_cast %add3A_1012 : i32 to index
          %swap3A_1014 = tpu.vector_load %arg7[%swap3A_1013] {strides = array<i32>} : memref<16384xf32, #tpu.memory_space<vmem>>, vector<16xf32>,
          %swap3A_1015 = vector.shape_cast %swap3A_1014 : vector<16xf32> to vector<16xf32>
          %swap3A_1016 = vector.shape_cast %max3A_1010 : vector<16xf32> to vector<16xf32>
          tpu.vector_store %arg7[%swap3A_1013], %swap3A_1016 {strides = array<i32>} : memref<16384xf32, #tpu.memory_space<vmem>>, vector<16xf32>,
          %add3A_1017 = arith.constant 0 : i32
          %add3A_1018 = arith.addi %mul3A_39, %add3A_1017 : i32
          %add3A_1019 = arith.constant 112 : i32
          %add3A_1020 = arith.addi %add3A_1018, %add3A_1019 : i32
          %get3A_1021 = arith.index_cast %add3A_1020 : i32 to index
          %get3A_1022 = tpu.vector_load %arg6[%get3A_1021] {strides = array<i32>} : memref<51200xf32, #tpu.memory_space<vmem>>, vector<16xf32>,
          %get3A_1023 = vector.shape_cast %get3A_1022 : vector<16xf32> to vector<16xf32>
          %add3A_1024 = arith.constant 128 : i32
          %add3A_1025 = arith.addi %mul3A_39, %add3A_1024 : i32
          %add3A_1026 = arith.constant 112 : i32
          %add3A_1027 = arith.addi %add3A_1025, %add3A_1026 : i32
          %get3A_1028 = arith.index_cast %add3A_1027 : i32 to index
          %get3A_1029 = tpu.vector_load %arg6[%get3A_1028] {strides = array<i32>} : memref<51200xf32, #tpu.memory_space<vmem>>, vector<16xf32>,
          %get3A_1030 = vector.shape_cast %get3A_1029 : vector<16xf32> to vector<16xf32>
          %add3A_1031 = arith.constant 256 : i32
          %add3A_1032 = arith.addi %mul3A_39, %add3A_1031 : i32
          %add3A_1033 = arith.constant 112 : i32
          %add3A_1034 = arith.addi %add3A_1032, %add3A_1033 : i32
          %get3A_1035 = arith.index_cast %add3A_1034 : i32 to index
          %get3A_1036 = tpu.vector_load %arg6[%get3A_1035] {strides = array<i32>} : memref<51200xf32, #tpu.memory_space<vmem>>, vector<16xf32>,
          %get3A_1037 = vector.shape_cast %get3A_1036 : vector<16xf32> to vector<16xf32>
          %add3A_1038 = arith.constant 384 : i32
          %add3A_1039 = arith.addi %mul3A_39, %add3A_1038 : i32
          %add3A_1040 = arith.constant 112 : i32
          %add3A_1041 = arith.addi %add3A_1039, %add3A_1040 : i32
          %get3A_1042 = arith.index_cast %add3A_1041 : i32 to index
          %get3A_1043 = tpu.vector_load %arg6[%get3A_1042] {strides = array<i32>} : memref<51200xf32, #tpu.memory_space<vmem>>, vector<16xf32>,
          %get3A_1044 = vector.shape_cast %get3A_1043 : vector<16xf32> to vector<16xf32>
          %add3A_1045 = arith.constant 512 : i32
          %add3A_1046 = arith.addi %mul3A_39, %add3A_1045 : i32
          %add3A_1047 = arith.constant 112 : i32
          %add3A_1048 = arith.addi %add3A_1046, %add3A_1047 : i32
          %get3A_1049 = arith.index_cast %add3A_1048 : i32 to index
          %get3A_1050 = tpu.vector_load %arg6[%get3A_1049] {strides = array<i32>} : memref<51200xf32, #tpu.memory_space<vmem>>, vector<16xf32>,
          %get3A_1051 = vector.shape_cast %get3A_1050 : vector<16xf32> to vector<16xf32>
          %add3A_1052 = arith.constant 640 : i32
          %add3A_1053 = arith.addi %mul3A_39, %add3A_1052 : i32
          %add3A_1054 = arith.constant 112 : i32
          %add3A_1055 = arith.addi %add3A_1053, %add3A_1054 : i32
          %get3A_1056 = arith.index_cast %add3A_1055 : i32 to index
          %get3A_1057 = tpu.vector_load %arg6[%get3A_1056] {strides = array<i32>} : memref<51200xf32, #tpu.memory_space<vmem>>, vector<16xf32>,
          %get3A_1058 = vector.shape_cast %get3A_1057 : vector<16xf32> to vector<16xf32>
          %add3A_1059 = arith.constant 768 : i32
          %add3A_1060 = arith.addi %mul3A_39, %add3A_1059 : i32
          %add3A_1061 = arith.constant 112 : i32
          %add3A_1062 = arith.addi %add3A_1060, %add3A_1061 : i32
          %get3A_1063 = arith.index_cast %add3A_1062 : i32 to index
          %get3A_1064 = tpu.vector_load %arg6[%get3A_1063] {strides = array<i32>} : memref<51200xf32, #tpu.memory_space<vmem>>, vector<16xf32>,
          %get3A_1065 = vector.shape_cast %get3A_1064 : vector<16xf32> to vector<16xf32>
          %add3A_1066 = arith.constant 896 : i32
          %add3A_1067 = arith.addi %mul3A_39, %add3A_1066 : i32
          %add3A_1068 = arith.constant 112 : i32
          %add3A_1069 = arith.addi %add3A_1067, %add3A_1068 : i32
          %get3A_1070 = arith.index_cast %add3A_1069 : i32 to index
          %get3A_1071 = tpu.vector_load %arg6[%get3A_1070] {strides = array<i32>} : memref<51200xf32, #tpu.memory_space<vmem>>, vector<16xf32>,
          %get3A_1072 = vector.shape_cast %get3A_1071 : vector<16xf32> to vector<16xf32>
          %add3A_1073 = arith.constant 1024 : i32
          %add3A_1074 = arith.addi %mul3A_39, %add3A_1073 : i32
          %add3A_1075 = arith.constant 112 : i32
          %add3A_1076 = arith.addi %add3A_1074, %add3A_1075 : i32
          %get3A_1077 = arith.index_cast %add3A_1076 : i32 to index
          %get3A_1078 = tpu.vector_load %arg6[%get3A_1077] {strides = array<i32>} : memref<51200xf32, #tpu.memory_space<vmem>>, vector<16xf32>,
          %get3A_1079 = vector.shape_cast %get3A_1078 : vector<16xf32> to vector<16xf32>
          %add3A_1080 = arith.constant 1152 : i32
          %add3A_1081 = arith.addi %mul3A_39, %add3A_1080 : i32
          %add3A_1082 = arith.constant 112 : i32
          %add3A_1083 = arith.addi %add3A_1081, %add3A_1082 : i32
          %get3A_1084 = arith.index_cast %add3A_1083 : i32 to index
          %get3A_1085 = tpu.vector_load %arg6[%get3A_1084] {strides = array<i32>} : memref<51200xf32, #tpu.memory_space<vmem>>, vector<16xf32>,
          %get3A_1086 = vector.shape_cast %get3A_1085 : vector<16xf32> to vector<16xf32>
          %add3A_1087 = arith.constant 1280 : i32
          %add3A_1088 = arith.addi %mul3A_39, %add3A_1087 : i32
          %add3A_1089 = arith.constant 112 : i32
          %add3A_1090 = arith.addi %add3A_1088, %add3A_1089 : i32
          %get3A_1091 = arith.index_cast %add3A_1090 : i32 to index
          %get3A_1092 = tpu.vector_load %arg6[%get3A_1091] {strides = array<i32>} : memref<51200xf32, #tpu.memory_space<vmem>>, vector<16xf32>,
          %get3A_1093 = vector.shape_cast %get3A_1092 : vector<16xf32> to vector<16xf32>
          %add3A_1094 = arith.constant 1408 : i32
          %add3A_1095 = arith.addi %mul3A_39, %add3A_1094 : i32
          %add3A_1096 = arith.constant 112 : i32
          %add3A_1097 = arith.addi %add3A_1095, %add3A_1096 : i32
          %get3A_1098 = arith.index_cast %add3A_1097 : i32 to index
          %get3A_1099 = tpu.vector_load %arg6[%get3A_1098] {strides = array<i32>} : memref<51200xf32, #tpu.memory_space<vmem>>, vector<16xf32>,
          %get3A_1100 = vector.shape_cast %get3A_1099 : vector<16xf32> to vector<16xf32>
          %add3A_1101 = arith.constant 1536 : i32
          %add3A_1102 = arith.addi %mul3A_39, %add3A_1101 : i32
          %add3A_1103 = arith.constant 112 : i32
          %add3A_1104 = arith.addi %add3A_1102, %add3A_1103 : i32
          %get3A_1105 = arith.index_cast %add3A_1104 : i32 to index
          %get3A_1106 = tpu.vector_load %arg6[%get3A_1105] {strides = array<i32>} : memref<51200xf32, #tpu.memory_space<vmem>>, vector<16xf32>,
          %get3A_1107 = vector.shape_cast %get3A_1106 : vector<16xf32> to vector<16xf32>
          %add3A_1108 = arith.constant 1664 : i32
          %add3A_1109 = arith.addi %mul3A_39, %add3A_1108 : i32
          %add3A_1110 = arith.constant 112 : i32
          %add3A_1111 = arith.addi %add3A_1109, %add3A_1110 : i32
          %get3A_1112 = arith.index_cast %add3A_1111 : i32 to index
          %get3A_1113 = tpu.vector_load %arg6[%get3A_1112] {strides = array<i32>} : memref<51200xf32, #tpu.memory_space<vmem>>, vector<16xf32>,
          %get3A_1114 = vector.shape_cast %get3A_1113 : vector<16xf32> to vector<16xf32>
          %add3A_1115 = arith.constant 1792 : i32
          %add3A_1116 = arith.addi %mul3A_39, %add3A_1115 : i32
          %add3A_1117 = arith.constant 112 : i32
          %add3A_1118 = arith.addi %add3A_1116, %add3A_1117 : i32
          %get3A_1119 = arith.index_cast %add3A_1118 : i32 to index
          %get3A_1120 = tpu.vector_load %arg6[%get3A_1119] {strides = array<i32>} : memref<51200xf32, #tpu.memory_space<vmem>>, vector<16xf32>,
          %get3A_1121 = vector.shape_cast %get3A_1120 : vector<16xf32> to vector<16xf32>
          %add3A_1122 = arith.constant 1920 : i32
          %add3A_1123 = arith.addi %mul3A_39, %add3A_1122 : i32
          %add3A_1124 = arith.constant 112 : i32
          %add3A_1125 = arith.addi %add3A_1123, %add3A_1124 : i32
          %get3A_1126 = arith.index_cast %add3A_1125 : i32 to index
          %get3A_1127 = tpu.vector_load %arg6[%get3A_1126] {strides = array<i32>} : memref<51200xf32, #tpu.memory_space<vmem>>, vector<16xf32>,
          %get3A_1128 = vector.shape_cast %get3A_1127 : vector<16xf32> to vector<16xf32>
          %max3A_1129 = arith.maximumf %get3A_1023, %get3A_1030 : vector<16xf32>
          %max3A_1130 = arith.maximumf %get3A_1037, %get3A_1044 : vector<16xf32>
          %max3A_1131 = arith.maximumf %get3A_1051, %get3A_1058 : vector<16xf32>
          %max3A_1132 = arith.maximumf %get3A_1065, %get3A_1072 : vector<16xf32>
          %max3A_1133 = arith.maximumf %get3A_1079, %get3A_1086 : vector<16xf32>
          %max3A_1134 = arith.maximumf %get3A_1093, %get3A_1100 : vector<16xf32>
          %max3A_1135 = arith.maximumf %get3A_1107, %get3A_1114 : vector<16xf32>
          %max3A_1136 = arith.maximumf %get3A_1121, %get3A_1128 : vector<16xf32>
          %max3A_1137 = arith.maximumf %max3A_1129, %max3A_1130 : vector<16xf32>
          %max3A_1138 = arith.maximumf %max3A_1131, %max3A_1132 : vector<16xf32>
          %max3A_1139 = arith.maximumf %max3A_1133, %max3A_1134 : vector<16xf32>
          %max3A_1140 = arith.maximumf %max3A_1135, %max3A_1136 : vector<16xf32>
          %max3A_1141 = arith.maximumf %max3A_1137, %max3A_1138 : vector<16xf32>
          %max3A_1142 = arith.maximumf %max3A_1139, %max3A_1140 : vector<16xf32>
          %max3A_1143 = arith.maximumf %max3A_1141, %max3A_1142 : vector<16xf32>
          %add3A_1144 = arith.constant 112 : i32
          %add3A_1145 = arith.addi %mul3A_45, %add3A_1144 : i32
          %get3A_1146 = arith.index_cast %add3A_1145 : i32 to index
          %get3A_1147 = tpu.vector_load %arg7[%get3A_1146] {strides = array<i32>} : memref<16384xf32, #tpu.memory_space<vmem>>, vector<16xf32>,
          %get3A_1148 = vector.shape_cast %get3A_1147 : vector<16xf32> to vector<16xf32>
          %max3A_1149 = arith.maximumf %get3A_1148, %max3A_1143 : vector<16xf32>
          %add3A_1150 = arith.constant 112 : i32
          %add3A_1151 = arith.addi %mul3A_45, %add3A_1150 : i32
          %swap3A_1152 = arith.index_cast %add3A_1151 : i32 to index
          %swap3A_1153 = tpu.vector_load %arg7[%swap3A_1152] {strides = array<i32>} : memref<16384xf32, #tpu.memory_space<vmem>>, vector<16xf32>,
          %swap3A_1154 = vector.shape_cast %swap3A_1153 : vector<16xf32> to vector<16xf32>
          %swap3A_1155 = vector.shape_cast %max3A_1149 : vector<16xf32> to vector<16xf32>
          tpu.vector_store %arg7[%swap3A_1152], %swap3A_1155 {strides = array<i32>} : memref<16384xf32, #tpu.memory_space<vmem>>, vector<16xf32>,
        } else {
        }
        %ne3A = arith.cmpi ne, %squeeze3A, %squeeze3A_37 : i32
        %convert_element_type3A_41 = arith.extui %ne3A : i1 to i32
        %cond3A_42 = arith.constant 0 : i32
        %cond3A_43 = arith.cmpi ne, %convert_element_type3A_41, %cond3A_42 : i32
        scf.if %cond3A_43 {
          %slice3A_44 = vector.extract_strided_slice %get3A_35 {offsets = [0], sizes = [1], strides = [1]} : vector<16xi32> to vector<1xi32>
          %squeeze3A_45 = vector.extract %slice3A_44[0] : i32 from vector<1xi32>
          %mul3A_46 = arith.constant 128 : i32
          %mul3A_47 = arith.muli %squeeze3A_45, %mul3A_46 : i32
          %add3A_48 = arith.constant 0 : i32
          %add3A_49 = arith.addi %mul3A_47, %add3A_48 : i32
          %get3A_50 = arith.index_cast %add3A_49 : i32 to index
          %get3A_51 = tpu.vector_load %arg7[%get3A_50] {strides = array<i32>} : memref<16384xf32, #tpu.memory_space<vmem>>, vector<16xf32>,
          %get3A_52 = vector.shape_cast %get3A_51 : vector<16xf32> to vector<16xf32>
          %add3A_53 = arith.constant 0 : i32
          %add3A_54 = arith.addi %mul3A_39, %add3A_53 : i32
          %add3A_55 = arith.constant 0 : i32
          %add3A_56 = arith.addi %add3A_54, %add3A_55 : i32
          %get3A_57 = arith.index_cast %add3A_56 : i32 to index
          %get3A_58 = tpu.vector_load %arg6[%get3A_57] {strides = array<i32>} : memref<51200xf32, #tpu.memory_space<vmem>>, vector<16xf32>,
          %get3A_59 = vector.shape_cast %get3A_58 : vector<16xf32> to vector<16xf32>
          %max3A = arith.maximumf %get3A_52, %get3A_59 : vector<16xf32>
          %add3A_60 = arith.constant 0 : i32
          %add3A_61 = arith.addi %mul3A_47, %add3A_60 : i32
          %swap3A = arith.index_cast %add3A_61 : i32 to index
          %swap3A_62 = tpu.vector_load %arg7[%swap3A] {strides = array<i32>} : memref<16384xf32, #tpu.memory_space<vmem>>, vector<16xf32>,
          %swap3A_63 = vector.shape_cast %swap3A_62 : vector<16xf32> to vector<16xf32>
          %swap3A_64 = vector.shape_cast %max3A : vector<16xf32> to vector<16xf32>
          tpu.vector_store %arg7[%swap3A], %swap3A_64 {strides = array<i32>} : memref<16384xf32, #tpu.memory_space<vmem>>, vector<16xf32>,
          %add3A_65 = arith.constant 16 : i32
          %add3A_66 = arith.addi %mul3A_47, %add3A_65 : i32
          %get3A_67 = arith.index_cast %add3A_66 : i32 to index
          %get3A_68 = tpu.vector_load %arg7[%get3A_67] {strides = array<i32>} : memref<16384xf32, #tpu.memory_space<vmem>>, vector<16xf32>,
          %get3A_69 = vector.shape_cast %get3A_68 : vector<16xf32> to vector<16xf32>
          %add3A_70 = arith.constant 0 : i32
          %add3A_71 = arith.addi %mul3A_39, %add3A_70 : i32
          %add3A_72 = arith.constant 16 : i32
          %add3A_73 = arith.addi %add3A_71, %add3A_72 : i32
          %get3A_74 = arith.index_cast %add3A_73 : i32 to index
          %get3A_75 = tpu.vector_load %arg6[%get3A_74] {strides = array<i32>} : memref<51200xf32, #tpu.memory_space<vmem>>, vector<16xf32>,
          %get3A_76 = vector.shape_cast %get3A_75 : vector<16xf32> to vector<16xf32>
          %max3A_77 = arith.maximumf %get3A_69, %get3A_76 : vector<16xf32>
          %add3A_78 = arith.constant 16 : i32
          %add3A_79 = arith.addi %mul3A_47, %add3A_78 : i32
          %swap3A_80 = arith.index_cast %add3A_79 : i32 to index
          %swap3A_81 = tpu.vector_load %arg7[%swap3A_80] {strides = array<i32>} : memref<16384xf32, #tpu.memory_space<vmem>>, vector<16xf32>,
          %swap3A_82 = vector.shape_cast %swap3A_81 : vector<16xf32> to vector<16xf32>
          %swap3A_83 = vector.shape_cast %max3A_77 : vector<16xf32> to vector<16xf32>
          tpu.vector_store %arg7[%swap3A_80], %swap3A_83 {strides = array<i32>} : memref<16384xf32, #tpu.memory_space<vmem>>, vector<16xf32>,
          %add3A_84 = arith.constant 32 : i32
          %add3A_85 = arith.addi %mul3A_47, %add3A_84 : i32
          %get3A_86 = arith.index_cast %add3A_85 : i32 to index
          %get3A_87 = tpu.vector_load %arg7[%get3A_86] {strides = array<i32>} : memref<16384xf32, #tpu.memory_space<vmem>>, vector<16xf32>,
          %get3A_88 = vector.shape_cast %get3A_87 : vector<16xf32> to vector<16xf32>
          %add3A_89 = arith.constant 0 : i32
          %add3A_90 = arith.addi %mul3A_39, %add3A_89 : i32
          %add3A_91 = arith.constant 32 : i32
          %add3A_92 = arith.addi %add3A_90, %add3A_91 : i32
          %get3A_93 = arith.index_cast %add3A_92 : i32 to index
          %get3A_94 = tpu.vector_load %arg6[%get3A_93] {strides = array<i32>} : memref<51200xf32, #tpu.memory_space<vmem>>, vector<16xf32>,
          %get3A_95 = vector.shape_cast %get3A_94 : vector<16xf32> to vector<16xf32>
          %max3A_96 = arith.maximumf %get3A_88, %get3A_95 : vector<16xf32>
          %add3A_97 = arith.constant 32 : i32
          %add3A_98 = arith.addi %mul3A_47, %add3A_97 : i32
          %swap3A_99 = arith.index_cast %add3A_98 : i32 to index
          %swap3A_100 = tpu.vector_load %arg7[%swap3A_99] {strides = array<i32>} : memref<16384xf32, #tpu.memory_space<vmem>>, vector<16xf32>,
          %swap3A_101 = vector.shape_cast %swap3A_100 : vector<16xf32> to vector<16xf32>
          %swap3A_102 = vector.shape_cast %max3A_96 : vector<16xf32> to vector<16xf32>
          tpu.vector_store %arg7[%swap3A_99], %swap3A_102 {strides = array<i32>} : memref<16384xf32, #tpu.memory_space<vmem>>, vector<16xf32>,
          %add3A_103 = arith.constant 48 : i32
          %add3A_104 = arith.addi %mul3A_47, %add3A_103 : i32
          %get3A_105 = arith.index_cast %add3A_104 : i32 to index
          %get3A_106 = tpu.vector_load %arg7[%get3A_105] {strides = array<i32>} : memref<16384xf32, #tpu.memory_space<vmem>>, vector<16xf32>,
          %get3A_107 = vector.shape_cast %get3A_106 : vector<16xf32> to vector<16xf32>
          %add3A_108 = arith.constant 0 : i32
          %add3A_109 = arith.addi %mul3A_39, %add3A_108 : i32
          %add3A_110 = arith.constant 48 : i32
          %add3A_111 = arith.addi %add3A_109, %add3A_110 : i32
          %get3A_112 = arith.index_cast %add3A_111 : i32 to index
          %get3A_113 = tpu.vector_load %arg6[%get3A_112] {strides = array<i32>} : memref<51200xf32, #tpu.memory_space<vmem>>, vector<16xf32>,
          %get3A_114 = vector.shape_cast %get3A_113 : vector<16xf32> to vector<16xf32>
          %max3A_115 = arith.maximumf %get3A_107, %get3A_114 : vector<16xf32>
          %add3A_116 = arith.constant 48 : i32
          %add3A_117 = arith.addi %mul3A_47, %add3A_116 : i32
          %swap3A_118 = arith.index_cast %add3A_117 : i32 to index
          %swap3A_119 = tpu.vector_load %arg7[%swap3A_118] {strides = array<i32>} : memref<16384xf32, #tpu.memory_space<vmem>>, vector<16xf32>,
          %swap3A_120 = vector.shape_cast %swap3A_119 : vector<16xf32> to vector<16xf32>
          %swap3A_121 = vector.shape_cast %max3A_115 : vector<16xf32> to vector<16xf32>
          tpu.vector_store %arg7[%swap3A_118], %swap3A_121 {strides = array<i32>} : memref<16384xf32, #tpu.memory_space<vmem>>, vector<16xf32>,
          %add3A_122 = arith.constant 64 : i32
          %add3A_123 = arith.addi %mul3A_47, %add3A_122 : i32
          %get3A_124 = arith.index_cast %add3A_123 : i32 to index
          %get3A_125 = tpu.vector_load %arg7[%get3A_124] {strides = array<i32>} : memref<16384xf32, #tpu.memory_space<vmem>>, vector<16xf32>,
          %get3A_126 = vector.shape_cast %get3A_125 : vector<16xf32> to vector<16xf32>
          %add3A_127 = arith.constant 0 : i32
          %add3A_128 = arith.addi %mul3A_39, %add3A_127 : i32
          %add3A_129 = arith.constant 64 : i32
          %add3A_130 = arith.addi %add3A_128, %add3A_129 : i32
          %get3A_131 = arith.index_cast %add3A_130 : i32 to index
          %get3A_132 = tpu.vector_load %arg6[%get3A_131] {strides = array<i32>} : memref<51200xf32, #tpu.memory_space<vmem>>, vector<16xf32>,
          %get3A_133 = vector.shape_cast %get3A_132 : vector<16xf32> to vector<16xf32>
          %max3A_134 = arith.maximumf %get3A_126, %get3A_133 : vector<16xf32>
          %add3A_135 = arith.constant 64 : i32
          %add3A_136 = arith.addi %mul3A_47, %add3A_135 : i32
          %swap3A_137 = arith.index_cast %add3A_136 : i32 to index
          %swap3A_138 = tpu.vector_load %arg7[%swap3A_137] {strides = array<i32>} : memref<16384xf32, #tpu.memory_space<vmem>>, vector<16xf32>,
          %swap3A_139 = vector.shape_cast %swap3A_138 : vector<16xf32> to vector<16xf32>
          %swap3A_140 = vector.shape_cast %max3A_134 : vector<16xf32> to vector<16xf32>
          tpu.vector_store %arg7[%swap3A_137], %swap3A_140 {strides = array<i32>} : memref<16384xf32, #tpu.memory_space<vmem>>, vector<16xf32>,
          %add3A_141 = arith.constant 80 : i32
          %add3A_142 = arith.addi %mul3A_47, %add3A_141 : i32
          %get3A_143 = arith.index_cast %add3A_142 : i32 to index
          %get3A_144 = tpu.vector_load %arg7[%get3A_143] {strides = array<i32>} : memref<16384xf32, #tpu.memory_space<vmem>>, vector<16xf32>,
          %get3A_145 = vector.shape_cast %get3A_144 : vector<16xf32> to vector<16xf32>
          %add3A_146 = arith.constant 0 : i32
          %add3A_147 = arith.addi %mul3A_39, %add3A_146 : i32
          %add3A_148 = arith.constant 80 : i32
          %add3A_149 = arith.addi %add3A_147, %add3A_148 : i32
          %get3A_150 = arith.index_cast %add3A_149 : i32 to index
          %get3A_151 = tpu.vector_load %arg6[%get3A_150] {strides = array<i32>} : memref<51200xf32, #tpu.memory_space<vmem>>, vector<16xf32>,
          %get3A_152 = vector.shape_cast %get3A_151 : vector<16xf32> to vector<16xf32>
          %max3A_153 = arith.maximumf %get3A_145, %get3A_152 : vector<16xf32>
          %add3A_154 = arith.constant 80 : i32
          %add3A_155 = arith.addi %mul3A_47, %add3A_154 : i32
          %swap3A_156 = arith.index_cast %add3A_155 : i32 to index
          %swap3A_157 = tpu.vector_load %arg7[%swap3A_156] {strides = array<i32>} : memref<16384xf32, #tpu.memory_space<vmem>>, vector<16xf32>,
          %swap3A_158 = vector.shape_cast %swap3A_157 : vector<16xf32> to vector<16xf32>
          %swap3A_159 = vector.shape_cast %max3A_153 : vector<16xf32> to vector<16xf32>
          tpu.vector_store %arg7[%swap3A_156], %swap3A_159 {strides = array<i32>} : memref<16384xf32, #tpu.memory_space<vmem>>, vector<16xf32>,
          %add3A_160 = arith.constant 96 : i32
          %add3A_161 = arith.addi %mul3A_47, %add3A_160 : i32
          %get3A_162 = arith.index_cast %add3A_161 : i32 to index
          %get3A_163 = tpu.vector_load %arg7[%get3A_162] {strides = array<i32>} : memref<16384xf32, #tpu.memory_space<vmem>>, vector<16xf32>,
          %get3A_164 = vector.shape_cast %get3A_163 : vector<16xf32> to vector<16xf32>
          %add3A_165 = arith.constant 0 : i32
          %add3A_166 = arith.addi %mul3A_39, %add3A_165 : i32
          %add3A_167 = arith.constant 96 : i32
          %add3A_168 = arith.addi %add3A_166, %add3A_167 : i32
          %get3A_169 = arith.index_cast %add3A_168 : i32 to index
          %get3A_170 = tpu.vector_load %arg6[%get3A_169] {strides = array<i32>} : memref<51200xf32, #tpu.memory_space<vmem>>, vector<16xf32>,
          %get3A_171 = vector.shape_cast %get3A_170 : vector<16xf32> to vector<16xf32>
          %max3A_172 = arith.maximumf %get3A_164, %get3A_171 : vector<16xf32>
          %add3A_173 = arith.constant 96 : i32
          %add3A_174 = arith.addi %mul3A_47, %add3A_173 : i32
          %swap3A_175 = arith.index_cast %add3A_174 : i32 to index
          %swap3A_176 = tpu.vector_load %arg7[%swap3A_175] {strides = array<i32>} : memref<16384xf32, #tpu.memory_space<vmem>>, vector<16xf32>,
          %swap3A_177 = vector.shape_cast %swap3A_176 : vector<16xf32> to vector<16xf32>
          %swap3A_178 = vector.shape_cast %max3A_172 : vector<16xf32> to vector<16xf32>
          tpu.vector_store %arg7[%swap3A_175], %swap3A_178 {strides = array<i32>} : memref<16384xf32, #tpu.memory_space<vmem>>, vector<16xf32>,
          %add3A_179 = arith.constant 112 : i32
          %add3A_180 = arith.addi %mul3A_47, %add3A_179 : i32
          %get3A_181 = arith.index_cast %add3A_180 : i32 to index
          %get3A_182 = tpu.vector_load %arg7[%get3A_181] {strides = array<i32>} : memref<16384xf32, #tpu.memory_space<vmem>>, vector<16xf32>,
          %get3A_183 = vector.shape_cast %get3A_182 : vector<16xf32> to vector<16xf32>
          %add3A_184 = arith.constant 0 : i32
          %add3A_185 = arith.addi %mul3A_39, %add3A_184 : i32
          %add3A_186 = arith.constant 112 : i32
          %add3A_187 = arith.addi %add3A_185, %add3A_186 : i32
          %get3A_188 = arith.index_cast %add3A_187 : i32 to index
          %get3A_189 = tpu.vector_load %arg6[%get3A_188] {strides = array<i32>} : memref<51200xf32, #tpu.memory_space<vmem>>, vector<16xf32>,
          %get3A_190 = vector.shape_cast %get3A_189 : vector<16xf32> to vector<16xf32>
          %max3A_191 = arith.maximumf %get3A_183, %get3A_190 : vector<16xf32>
          %add3A_192 = arith.constant 112 : i32
          %add3A_193 = arith.addi %mul3A_47, %add3A_192 : i32
          %swap3A_194 = arith.index_cast %add3A_193 : i32 to index
          %swap3A_195 = tpu.vector_load %arg7[%swap3A_194] {strides = array<i32>} : memref<16384xf32, #tpu.memory_space<vmem>>, vector<16xf32>,
          %swap3A_196 = vector.shape_cast %swap3A_195 : vector<16xf32> to vector<16xf32>
          %swap3A_197 = vector.shape_cast %max3A_191 : vector<16xf32> to vector<16xf32>
          tpu.vector_store %arg7[%swap3A_194], %swap3A_197 {strides = array<i32>} : memref<16384xf32, #tpu.memory_space<vmem>>, vector<16xf32>,
          %slice3A_198 = vector.extract_strided_slice %get3A_35 {offsets = [1], sizes = [1], strides = [1]} : vector<16xi32> to vector<1xi32>
          %squeeze3A_199 = vector.extract %slice3A_198[0] : i32 from vector<1xi32>
          %mul3A_200 = arith.constant 128 : i32
          %mul3A_201 = arith.muli %squeeze3A_199, %mul3A_200 : i32
          %add3A_202 = arith.constant 0 : i32
          %add3A_203 = arith.addi %mul3A_201, %add3A_202 : i32
          %get3A_204 = arith.index_cast %add3A_203 : i32 to index
          %get3A_205 = tpu.vector_load %arg7[%get3A_204] {strides = array<i32>} : memref<16384xf32, #tpu.memory_space<vmem>>, vector<16xf32>,
          %get3A_206 = vector.shape_cast %get3A_205 : vector<16xf32> to vector<16xf32>
          %add3A_207 = arith.constant 128 : i32
          %add3A_208 = arith.addi %mul3A_39, %add3A_207 : i32
          %add3A_209 = arith.constant 0 : i32
          %add3A_210 = arith.addi %add3A_208, %add3A_209 : i32
          %get3A_211 = arith.index_cast %add3A_210 : i32 to index
          %get3A_212 = tpu.vector_load %arg6[%get3A_211] {strides = array<i32>} : memref<51200xf32, #tpu.memory_space<vmem>>, vector<16xf32>,
          %get3A_213 = vector.shape_cast %get3A_212 : vector<16xf32> to vector<16xf32>
          %max3A_214 = arith.maximumf %get3A_206, %get3A_213 : vector<16xf32>
          %add3A_215 = arith.constant 0 : i32
          %add3A_216 = arith.addi %mul3A_201, %add3A_215 : i32
          %swap3A_217 = arith.index_cast %add3A_216 : i32 to index
          %swap3A_218 = tpu.vector_load %arg7[%swap3A_217] {strides = array<i32>} : memref<16384xf32, #tpu.memory_space<vmem>>, vector<16xf32>,
          %swap3A_219 = vector.shape_cast %swap3A_218 : vector<16xf32> to vector<16xf32>
          %swap3A_220 = vector.shape_cast %max3A_214 : vector<16xf32> to vector<16xf32>
          tpu.vector_store %arg7[%swap3A_217], %swap3A_220 {strides = array<i32>} : memref<16384xf32, #tpu.memory_space<vmem>>, vector<16xf32>,
          %add3A_221 = arith.constant 16 : i32
          %add3A_222 = arith.addi %mul3A_201, %add3A_221 : i32
          %get3A_223 = arith.index_cast %add3A_222 : i32 to index
          %get3A_224 = tpu.vector_load %arg7[%get3A_223] {strides = array<i32>} : memref<16384xf32, #tpu.memory_space<vmem>>, vector<16xf32>,
          %get3A_225 = vector.shape_cast %get3A_224 : vector<16xf32> to vector<16xf32>
          %add3A_226 = arith.constant 128 : i32
          %add3A_227 = arith.addi %mul3A_39, %add3A_226 : i32
          %add3A_228 = arith.constant 16 : i32
          %add3A_229 = arith.addi %add3A_227, %add3A_228 : i32
          %get3A_230 = arith.index_cast %add3A_229 : i32 to index
          %get3A_231 = tpu.vector_load %arg6[%get3A_230] {strides = array<i32>} : memref<51200xf32, #tpu.memory_space<vmem>>, vector<16xf32>,
          %get3A_232 = vector.shape_cast %get3A_231 : vector<16xf32> to vector<16xf32>
          %max3A_233 = arith.maximumf %get3A_225, %get3A_232 : vector<16xf32>
          %add3A_234 = arith.constant 16 : i32
          %add3A_235 = arith.addi %mul3A_201, %add3A_234 : i32
          %swap3A_236 = arith.index_cast %add3A_235 : i32 to index
          %swap3A_237 = tpu.vector_load %arg7[%swap3A_236] {strides = array<i32>} : memref<16384xf32, #tpu.memory_space<vmem>>, vector<16xf32>,
          %swap3A_238 = vector.shape_cast %swap3A_237 : vector<16xf32> to vector<16xf32>
          %swap3A_239 = vector.shape_cast %max3A_233 : vector<16xf32> to vector<16xf32>
          tpu.vector_store %arg7[%swap3A_236], %swap3A_239 {strides = array<i32>} : memref<16384xf32, #tpu.memory_space<vmem>>, vector<16xf32>,
          %add3A_240 = arith.constant 32 : i32
          %add3A_241 = arith.addi %mul3A_201, %add3A_240 : i32
          %get3A_242 = arith.index_cast %add3A_241 : i32 to index
          %get3A_243 = tpu.vector_load %arg7[%get3A_242] {strides = array<i32>} : memref<16384xf32, #tpu.memory_space<vmem>>, vector<16xf32>,
          %get3A_244 = vector.shape_cast %get3A_243 : vector<16xf32> to vector<16xf32>
          %add3A_245 = arith.constant 128 : i32
          %add3A_246 = arith.addi %mul3A_39, %add3A_245 : i32
          %add3A_247 = arith.constant 32 : i32
          %add3A_248 = arith.addi %add3A_246, %add3A_247 : i32
          %get3A_249 = arith.index_cast %add3A_248 : i32 to index
          %get3A_250 = tpu.vector_load %arg6[%get3A_249] {strides = array<i32>} : memref<51200xf32, #tpu.memory_space<vmem>>, vector<16xf32>,
          %get3A_251 = vector.shape_cast %get3A_250 : vector<16xf32> to vector<16xf32>
          %max3A_252 = arith.maximumf %get3A_244, %get3A_251 : vector<16xf32>
          %add3A_253 = arith.constant 32 : i32
          %add3A_254 = arith.addi %mul3A_201, %add3A_253 : i32
          %swap3A_255 = arith.index_cast %add3A_254 : i32 to index
          %swap3A_256 = tpu.vector_load %arg7[%swap3A_255] {strides = array<i32>} : memref<16384xf32, #tpu.memory_space<vmem>>, vector<16xf32>,
          %swap3A_257 = vector.shape_cast %swap3A_256 : vector<16xf32> to vector<16xf32>
          %swap3A_258 = vector.shape_cast %max3A_252 : vector<16xf32> to vector<16xf32>
          tpu.vector_store %arg7[%swap3A_255], %swap3A_258 {strides = array<i32>} : memref<16384xf32, #tpu.memory_space<vmem>>, vector<16xf32>,
          %add3A_259 = arith.constant 48 : i32
          %add3A_260 = arith.addi %mul3A_201, %add3A_259 : i32
          %get3A_261 = arith.index_cast %add3A_260 : i32 to index
          %get3A_262 = tpu.vector_load %arg7[%get3A_261] {strides = array<i32>} : memref<16384xf32, #tpu.memory_space<vmem>>, vector<16xf32>,
          %get3A_263 = vector.shape_cast %get3A_262 : vector<16xf32> to vector<16xf32>
          %add3A_264 = arith.constant 128 : i32
          %add3A_265 = arith.addi %mul3A_39, %add3A_264 : i32
          %add3A_266 = arith.constant 48 : i32
          %add3A_267 = arith.addi %add3A_265, %add3A_266 : i32
          %get3A_268 = arith.index_cast %add3A_267 : i32 to index
          %get3A_269 = tpu.vector_load %arg6[%get3A_268] {strides = array<i32>} : memref<51200xf32, #tpu.memory_space<vmem>>, vector<16xf32>,
          %get3A_270 = vector.shape_cast %get3A_269 : vector<16xf32> to vector<16xf32>
          %max3A_271 = arith.maximumf %get3A_263, %get3A_270 : vector<16xf32>
          %add3A_272 = arith.constant 48 : i32
          %add3A_273 = arith.addi %mul3A_201, %add3A_272 : i32
          %swap3A_274 = arith.index_cast %add3A_273 : i32 to index
          %swap3A_275 = tpu.vector_load %arg7[%swap3A_274] {strides = array<i32>} : memref<16384xf32, #tpu.memory_space<vmem>>, vector<16xf32>,
          %swap3A_276 = vector.shape_cast %swap3A_275 : vector<16xf32> to vector<16xf32>
          %swap3A_277 = vector.shape_cast %max3A_271 : vector<16xf32> to vector<16xf32>
          tpu.vector_store %arg7[%swap3A_274], %swap3A_277 {strides = array<i32>} : memref<16384xf32, #tpu.memory_space<vmem>>, vector<16xf32>,
          %add3A_278 = arith.constant 64 : i32
          %add3A_279 = arith.addi %mul3A_201, %add3A_278 : i32
          %get3A_280 = arith.index_cast %add3A_279 : i32 to index
          %get3A_281 = tpu.vector_load %arg7[%get3A_280] {strides = array<i32>} : memref<16384xf32, #tpu.memory_space<vmem>>, vector<16xf32>,
          %get3A_282 = vector.shape_cast %get3A_281 : vector<16xf32> to vector<16xf32>
          %add3A_283 = arith.constant 128 : i32
          %add3A_284 = arith.addi %mul3A_39, %add3A_283 : i32
          %add3A_285 = arith.constant 64 : i32
          %add3A_286 = arith.addi %add3A_284, %add3A_285 : i32
          %get3A_287 = arith.index_cast %add3A_286 : i32 to index
          %get3A_288 = tpu.vector_load %arg6[%get3A_287] {strides = array<i32>} : memref<51200xf32, #tpu.memory_space<vmem>>, vector<16xf32>,
          %get3A_289 = vector.shape_cast %get3A_288 : vector<16xf32> to vector<16xf32>
          %max3A_290 = arith.maximumf %get3A_282, %get3A_289 : vector<16xf32>
          %add3A_291 = arith.constant 64 : i32
          %add3A_292 = arith.addi %mul3A_201, %add3A_291 : i32
          %swap3A_293 = arith.index_cast %add3A_292 : i32 to index
          %swap3A_294 = tpu.vector_load %arg7[%swap3A_293] {strides = array<i32>} : memref<16384xf32, #tpu.memory_space<vmem>>, vector<16xf32>,
          %swap3A_295 = vector.shape_cast %swap3A_294 : vector<16xf32> to vector<16xf32>
          %swap3A_296 = vector.shape_cast %max3A_290 : vector<16xf32> to vector<16xf32>
          tpu.vector_store %arg7[%swap3A_293], %swap3A_296 {strides = array<i32>} : memref<16384xf32, #tpu.memory_space<vmem>>, vector<16xf32>,
          %add3A_297 = arith.constant 80 : i32
          %add3A_298 = arith.addi %mul3A_201, %add3A_297 : i32
          %get3A_299 = arith.index_cast %add3A_298 : i32 to index
          %get3A_300 = tpu.vector_load %arg7[%get3A_299] {strides = array<i32>} : memref<16384xf32, #tpu.memory_space<vmem>>, vector<16xf32>,
          %get3A_301 = vector.shape_cast %get3A_300 : vector<16xf32> to vector<16xf32>
          %add3A_302 = arith.constant 128 : i32
          %add3A_303 = arith.addi %mul3A_39, %add3A_302 : i32
          %add3A_304 = arith.constant 80 : i32
          %add3A_305 = arith.addi %add3A_303, %add3A_304 : i32
          %get3A_306 = arith.index_cast %add3A_305 : i32 to index
          %get3A_307 = tpu.vector_load %arg6[%get3A_306] {strides = array<i32>} : memref<51200xf32, #tpu.memory_space<vmem>>, vector<16xf32>,
          %get3A_308 = vector.shape_cast %get3A_307 : vector<16xf32> to vector<16xf32>
          %max3A_309 = arith.maximumf %get3A_301, %get3A_308 : vector<16xf32>
          %add3A_310 = arith.constant 80 : i32
          %add3A_311 = arith.addi %mul3A_201, %add3A_310 : i32
          %swap3A_312 = arith.index_cast %add3A_311 : i32 to index
          %swap3A_313 = tpu.vector_load %arg7[%swap3A_312] {strides = array<i32>} : memref<16384xf32, #tpu.memory_space<vmem>>, vector<16xf32>,
          %swap3A_314 = vector.shape_cast %swap3A_313 : vector<16xf32> to vector<16xf32>
          %swap3A_315 = vector.shape_cast %max3A_309 : vector<16xf32> to vector<16xf32>
          tpu.vector_store %arg7[%swap3A_312], %swap3A_315 {strides = array<i32>} : memref<16384xf32, #tpu.memory_space<vmem>>, vector<16xf32>,
          %add3A_316 = arith.constant 96 : i32
          %add3A_317 = arith.addi %mul3A_201, %add3A_316 : i32
          %get3A_318 = arith.index_cast %add3A_317 : i32 to index
          %get3A_319 = tpu.vector_load %arg7[%get3A_318] {strides = array<i32>} : memref<16384xf32, #tpu.memory_space<vmem>>, vector<16xf32>,
          %get3A_320 = vector.shape_cast %get3A_319 : vector<16xf32> to vector<16xf32>
          %add3A_321 = arith.constant 128 : i32
          %add3A_322 = arith.addi %mul3A_39, %add3A_321 : i32
          %add3A_323 = arith.constant 96 : i32
          %add3A_324 = arith.addi %add3A_322, %add3A_323 : i32
          %get3A_325 = arith.index_cast %add3A_324 : i32 to index
          %get3A_326 = tpu.vector_load %arg6[%get3A_325] {strides = array<i32>} : memref<51200xf32, #tpu.memory_space<vmem>>, vector<16xf32>,
          %get3A_327 = vector.shape_cast %get3A_326 : vector<16xf32> to vector<16xf32>
          %max3A_328 = arith.maximumf %get3A_320, %get3A_327 : vector<16xf32>
          %add3A_329 = arith.constant 96 : i32
          %add3A_330 = arith.addi %mul3A_201, %add3A_329 : i32
          %swap3A_331 = arith.index_cast %add3A_330 : i32 to index
          %swap3A_332 = tpu.vector_load %arg7[%swap3A_331] {strides = array<i32>} : memref<16384xf32, #tpu.memory_space<vmem>>, vector<16xf32>,
          %swap3A_333 = vector.shape_cast %swap3A_332 : vector<16xf32> to vector<16xf32>
          %swap3A_334 = vector.shape_cast %max3A_328 : vector<16xf32> to vector<16xf32>
          tpu.vector_store %arg7[%swap3A_331], %swap3A_334 {strides = array<i32>} : memref<16384xf32, #tpu.memory_space<vmem>>, vector<16xf32>,
          %add3A_335 = arith.constant 112 : i32
          %add3A_336 = arith.addi %mul3A_201, %add3A_335 : i32
          %get3A_337 = arith.index_cast %add3A_336 : i32 to index
          %get3A_338 = tpu.vector_load %arg7[%get3A_337] {strides = array<i32>} : memref<16384xf32, #tpu.memory_space<vmem>>, vector<16xf32>,
          %get3A_339 = vector.shape_cast %get3A_338 : vector<16xf32> to vector<16xf32>
          %add3A_340 = arith.constant 128 : i32
          %add3A_341 = arith.addi %mul3A_39, %add3A_340 : i32
          %add3A_342 = arith.constant 112 : i32
          %add3A_343 = arith.addi %add3A_341, %add3A_342 : i32
          %get3A_344 = arith.index_cast %add3A_343 : i32 to index
          %get3A_345 = tpu.vector_load %arg6[%get3A_344] {strides = array<i32>} : memref<51200xf32, #tpu.memory_space<vmem>>, vector<16xf32>,
          %get3A_346 = vector.shape_cast %get3A_345 : vector<16xf32> to vector<16xf32>
          %max3A_347 = arith.maximumf %get3A_339, %get3A_346 : vector<16xf32>
          %add3A_348 = arith.constant 112 : i32
          %add3A_349 = arith.addi %mul3A_201, %add3A_348 : i32
          %swap3A_350 = arith.index_cast %add3A_349 : i32 to index
          %swap3A_351 = tpu.vector_load %arg7[%swap3A_350] {strides = array<i32>} : memref<16384xf32, #tpu.memory_space<vmem>>, vector<16xf32>,
          %swap3A_352 = vector.shape_cast %swap3A_351 : vector<16xf32> to vector<16xf32>
          %swap3A_353 = vector.shape_cast %max3A_347 : vector<16xf32> to vector<16xf32>
          tpu.vector_store %arg7[%swap3A_350], %swap3A_353 {strides = array<i32>} : memref<16384xf32, #tpu.memory_space<vmem>>, vector<16xf32>,
          %slice3A_354 = vector.extract_strided_slice %get3A_35 {offsets = [2], sizes = [1], strides = [1]} : vector<16xi32> to vector<1xi32>
          %squeeze3A_355 = vector.extract %slice3A_354[0] : i32 from vector<1xi32>
          %mul3A_356 = arith.constant 128 : i32
          %mul3A_357 = arith.muli %squeeze3A_355, %mul3A_356 : i32
          %add3A_358 = arith.constant 0 : i32
          %add3A_359 = arith.addi %mul3A_357, %add3A_358 : i32
          %get3A_360 = arith.index_cast %add3A_359 : i32 to index
          %get3A_361 = tpu.vector_load %arg7[%get3A_360] {strides = array<i32>} : memref<16384xf32, #tpu.memory_space<vmem>>, vector<16xf32>,
          %get3A_362 = vector.shape_cast %get3A_361 : vector<16xf32> to vector<16xf32>
          %add3A_363 = arith.constant 256 : i32
          %add3A_364 = arith.addi %mul3A_39, %add3A_363 : i32
          %add3A_365 = arith.constant 0 : i32
          %add3A_366 = arith.addi %add3A_364, %add3A_365 : i32
          %get3A_367 = arith.index_cast %add3A_366 : i32 to index
          %get3A_368 = tpu.vector_load %arg6[%get3A_367] {strides = array<i32>} : memref<51200xf32, #tpu.memory_space<vmem>>, vector<16xf32>,
          %get3A_369 = vector.shape_cast %get3A_368 : vector<16xf32> to vector<16xf32>
          %max3A_370 = arith.maximumf %get3A_362, %get3A_369 : vector<16xf32>
          %add3A_371 = arith.constant 0 : i32
          %add3A_372 = arith.addi %mul3A_357, %add3A_371 : i32
          %swap3A_373 = arith.index_cast %add3A_372 : i32 to index
          %swap3A_374 = tpu.vector_load %arg7[%swap3A_373] {strides = array<i32>} : memref<16384xf32, #tpu.memory_space<vmem>>, vector<16xf32>,
          %swap3A_375 = vector.shape_cast %swap3A_374 : vector<16xf32> to vector<16xf32>
          %swap3A_376 = vector.shape_cast %max3A_370 : vector<16xf32> to vector<16xf32>
          tpu.vector_store %arg7[%swap3A_373], %swap3A_376 {strides = array<i32>} : memref<16384xf32, #tpu.memory_space<vmem>>, vector<16xf32>,
          %add3A_377 = arith.constant 16 : i32
          %add3A_378 = arith.addi %mul3A_357, %add3A_377 : i32
          %get3A_379 = arith.index_cast %add3A_378 : i32 to index
          %get3A_380 = tpu.vector_load %arg7[%get3A_379] {strides = array<i32>} : memref<16384xf32, #tpu.memory_space<vmem>>, vector<16xf32>,
          %get3A_381 = vector.shape_cast %get3A_380 : vector<16xf32> to vector<16xf32>
          %add3A_382 = arith.constant 256 : i32
          %add3A_383 = arith.addi %mul3A_39, %add3A_382 : i32
          %add3A_384 = arith.constant 16 : i32
          %add3A_385 = arith.addi %add3A_383, %add3A_384 : i32
          %get3A_386 = arith.index_cast %add3A_385 : i32 to index
          %get3A_387 = tpu.vector_load %arg6[%get3A_386] {strides = array<i32>} : memref<51200xf32, #tpu.memory_space<vmem>>, vector<16xf32>,
          %get3A_388 = vector.shape_cast %get3A_387 : vector<16xf32> to vector<16xf32>
          %max3A_389 = arith.maximumf %get3A_381, %get3A_388 : vector<16xf32>
          %add3A_390 = arith.constant 16 : i32
          %add3A_391 = arith.addi %mul3A_357, %add3A_390 : i32
          %swap3A_392 = arith.index_cast %add3A_391 : i32 to index
          %swap3A_393 = tpu.vector_load %arg7[%swap3A_392] {strides = array<i32>} : memref<16384xf32, #tpu.memory_space<vmem>>, vector<16xf32>,
          %swap3A_394 = vector.shape_cast %swap3A_393 : vector<16xf32> to vector<16xf32>
          %swap3A_395 = vector.shape_cast %max3A_389 : vector<16xf32> to vector<16xf32>
          tpu.vector_store %arg7[%swap3A_392], %swap3A_395 {strides = array<i32>} : memref<16384xf32, #tpu.memory_space<vmem>>, vector<16xf32>,
          %add3A_396 = arith.constant 32 : i32
          %add3A_397 = arith.addi %mul3A_357, %add3A_396 : i32
          %get3A_398 = arith.index_cast %add3A_397 : i32 to index
          %get3A_399 = tpu.vector_load %arg7[%get3A_398] {strides = array<i32>} : memref<16384xf32, #tpu.memory_space<vmem>>, vector<16xf32>,
          %get3A_400 = vector.shape_cast %get3A_399 : vector<16xf32> to vector<16xf32>
          %add3A_401 = arith.constant 256 : i32
          %add3A_402 = arith.addi %mul3A_39, %add3A_401 : i32
          %add3A_403 = arith.constant 32 : i32
          %add3A_404 = arith.addi %add3A_402, %add3A_403 : i32
          %get3A_405 = arith.index_cast %add3A_404 : i32 to index
          %get3A_406 = tpu.vector_load %arg6[%get3A_405] {strides = array<i32>} : memref<51200xf32, #tpu.memory_space<vmem>>, vector<16xf32>,
          %get3A_407 = vector.shape_cast %get3A_406 : vector<16xf32> to vector<16xf32>
          %max3A_408 = arith.maximumf %get3A_400, %get3A_407 : vector<16xf32>
          %add3A_409 = arith.constant 32 : i32
          %add3A_410 = arith.addi %mul3A_357, %add3A_409 : i32
          %swap3A_411 = arith.index_cast %add3A_410 : i32 to index
          %swap3A_412 = tpu.vector_load %arg7[%swap3A_411] {strides = array<i32>} : memref<16384xf32, #tpu.memory_space<vmem>>, vector<16xf32>,
          %swap3A_413 = vector.shape_cast %swap3A_412 : vector<16xf32> to vector<16xf32>
          %swap3A_414 = vector.shape_cast %max3A_408 : vector<16xf32> to vector<16xf32>
          tpu.vector_store %arg7[%swap3A_411], %swap3A_414 {strides = array<i32>} : memref<16384xf32, #tpu.memory_space<vmem>>, vector<16xf32>,
          %add3A_415 = arith.constant 48 : i32
          %add3A_416 = arith.addi %mul3A_357, %add3A_415 : i32
          %get3A_417 = arith.index_cast %add3A_416 : i32 to index
          %get3A_418 = tpu.vector_load %arg7[%get3A_417] {strides = array<i32>} : memref<16384xf32, #tpu.memory_space<vmem>>, vector<16xf32>,
          %get3A_419 = vector.shape_cast %get3A_418 : vector<16xf32> to vector<16xf32>
          %add3A_420 = arith.constant 256 : i32
          %add3A_421 = arith.addi %mul3A_39, %add3A_420 : i32
          %add3A_422 = arith.constant 48 : i32
          %add3A_423 = arith.addi %add3A_421, %add3A_422 : i32
          %get3A_424 = arith.index_cast %add3A_423 : i32 to index
          %get3A_425 = tpu.vector_load %arg6[%get3A_424] {strides = array<i32>} : memref<51200xf32, #tpu.memory_space<vmem>>, vector<16xf32>,
          %get3A_426 = vector.shape_cast %get3A_425 : vector<16xf32> to vector<16xf32>
          %max3A_427 = arith.maximumf %get3A_419, %get3A_426 : vector<16xf32>
          %add3A_428 = arith.constant 48 : i32
          %add3A_429 = arith.addi %mul3A_357, %add3A_428 : i32
          %swap3A_430 = arith.index_cast %add3A_429 : i32 to index
          %swap3A_431 = tpu.vector_load %arg7[%swap3A_430] {strides = array<i32>} : memref<16384xf32, #tpu.memory_space<vmem>>, vector<16xf32>,
          %swap3A_432 = vector.shape_cast %swap3A_431 : vector<16xf32> to vector<16xf32>
          %swap3A_433 = vector.shape_cast %max3A_427 : vector<16xf32> to vector<16xf32>
          tpu.vector_store %arg7[%swap3A_430], %swap3A_433 {strides = array<i32>} : memref<16384xf32, #tpu.memory_space<vmem>>, vector<16xf32>,
          %add3A_434 = arith.constant 64 : i32
          %add3A_435 = arith.addi %mul3A_357, %add3A_434 : i32
          %get3A_436 = arith.index_cast %add3A_435 : i32 to index
          %get3A_437 = tpu.vector_load %arg7[%get3A_436] {strides = array<i32>} : memref<16384xf32, #tpu.memory_space<vmem>>, vector<16xf32>,
          %get3A_438 = vector.shape_cast %get3A_437 : vector<16xf32> to vector<16xf32>
          %add3A_439 = arith.constant 256 : i32
          %add3A_440 = arith.addi %mul3A_39, %add3A_439 : i32
          %add3A_441 = arith.constant 64 : i32
          %add3A_442 = arith.addi %add3A_440, %add3A_441 : i32
          %get3A_443 = arith.index_cast %add3A_442 : i32 to index
          %get3A_444 = tpu.vector_load %arg6[%get3A_443] {strides = array<i32>} : memref<51200xf32, #tpu.memory_space<vmem>>, vector<16xf32>,
          %get3A_445 = vector.shape_cast %get3A_444 : vector<16xf32> to vector<16xf32>
          %max3A_446 = arith.maximumf %get3A_438, %get3A_445 : vector<16xf32>
          %add3A_447 = arith.constant 64 : i32
          %add3A_448 = arith.addi %mul3A_357, %add3A_447 : i32
          %swap3A_449 = arith.index_cast %add3A_448 : i32 to index
          %swap3A_450 = tpu.vector_load %arg7[%swap3A_449] {strides = array<i32>} : memref<16384xf32, #tpu.memory_space<vmem>>, vector<16xf32>,
          %swap3A_451 = vector.shape_cast %swap3A_450 : vector<16xf32> to vector<16xf32>
          %swap3A_452 = vector.shape_cast %max3A_446 : vector<16xf32> to vector<16xf32>
          tpu.vector_store %arg7[%swap3A_449], %swap3A_452 {strides = array<i32>} : memref<16384xf32, #tpu.memory_space<vmem>>, vector<16xf32>,
          %add3A_453 = arith.constant 80 : i32
          %add3A_454 = arith.addi %mul3A_357, %add3A_453 : i32
          %get3A_455 = arith.index_cast %add3A_454 : i32 to index
          %get3A_456 = tpu.vector_load %arg7[%get3A_455] {strides = array<i32>} : memref<16384xf32, #tpu.memory_space<vmem>>, vector<16xf32>,
          %get3A_457 = vector.shape_cast %get3A_456 : vector<16xf32> to vector<16xf32>
          %add3A_458 = arith.constant 256 : i32
          %add3A_459 = arith.addi %mul3A_39, %add3A_458 : i32
          %add3A_460 = arith.constant 80 : i32
          %add3A_461 = arith.addi %add3A_459, %add3A_460 : i32
          %get3A_462 = arith.index_cast %add3A_461 : i32 to index
          %get3A_463 = tpu.vector_load %arg6[%get3A_462] {strides = array<i32>} : memref<51200xf32, #tpu.memory_space<vmem>>, vector<16xf32>,
          %get3A_464 = vector.shape_cast %get3A_463 : vector<16xf32> to vector<16xf32>
          %max3A_465 = arith.maximumf %get3A_457, %get3A_464 : vector<16xf32>
          %add3A_466 = arith.constant 80 : i32
          %add3A_467 = arith.addi %mul3A_357, %add3A_466 : i32
          %swap3A_468 = arith.index_cast %add3A_467 : i32 to index
          %swap3A_469 = tpu.vector_load %arg7[%swap3A_468] {strides = array<i32>} : memref<16384xf32, #tpu.memory_space<vmem>>, vector<16xf32>,
          %swap3A_470 = vector.shape_cast %swap3A_469 : vector<16xf32> to vector<16xf32>
          %swap3A_471 = vector.shape_cast %max3A_465 : vector<16xf32> to vector<16xf32>
          tpu.vector_store %arg7[%swap3A_468], %swap3A_471 {strides = array<i32>} : memref<16384xf32, #tpu.memory_space<vmem>>, vector<16xf32>,
          %add3A_472 = arith.constant 96 : i32
          %add3A_473 = arith.addi %mul3A_357, %add3A_472 : i32
          %get3A_474 = arith.index_cast %add3A_473 : i32 to index
          %get3A_475 = tpu.vector_load %arg7[%get3A_474] {strides = array<i32>} : memref<16384xf32, #tpu.memory_space<vmem>>, vector<16xf32>,
          %get3A_476 = vector.shape_cast %get3A_475 : vector<16xf32> to vector<16xf32>
          %add3A_477 = arith.constant 256 : i32
          %add3A_478 = arith.addi %mul3A_39, %add3A_477 : i32
          %add3A_479 = arith.constant 96 : i32
          %add3A_480 = arith.addi %add3A_478, %add3A_479 : i32
          %get3A_481 = arith.index_cast %add3A_480 : i32 to index
          %get3A_482 = tpu.vector_load %arg6[%get3A_481] {strides = array<i32>} : memref<51200xf32, #tpu.memory_space<vmem>>, vector<16xf32>,
          %get3A_483 = vector.shape_cast %get3A_482 : vector<16xf32> to vector<16xf32>
          %max3A_484 = arith.maximumf %get3A_476, %get3A_483 : vector<16xf32>
          %add3A_485 = arith.constant 96 : i32
          %add3A_486 = arith.addi %mul3A_357, %add3A_485 : i32
          %swap3A_487 = arith.index_cast %add3A_486 : i32 to index
          %swap3A_488 = tpu.vector_load %arg7[%swap3A_487] {strides = array<i32>} : memref<16384xf32, #tpu.memory_space<vmem>>, vector<16xf32>,
          %swap3A_489 = vector.shape_cast %swap3A_488 : vector<16xf32> to vector<16xf32>
          %swap3A_490 = vector.shape_cast %max3A_484 : vector<16xf32> to vector<16xf32>
          tpu.vector_store %arg7[%swap3A_487], %swap3A_490 {strides = array<i32>} : memref<16384xf32, #tpu.memory_space<vmem>>, vector<16xf32>,
          %add3A_491 = arith.constant 112 : i32
          %add3A_492 = arith.addi %mul3A_357, %add3A_491 : i32
          %get3A_493 = arith.index_cast %add3A_492 : i32 to index
          %get3A_494 = tpu.vector_load %arg7[%get3A_493] {strides = array<i32>} : memref<16384xf32, #tpu.memory_space<vmem>>, vector<16xf32>,
          %get3A_495 = vector.shape_cast %get3A_494 : vector<16xf32> to vector<16xf32>
          %add3A_496 = arith.constant 256 : i32
          %add3A_497 = arith.addi %mul3A_39, %add3A_496 : i32
          %add3A_498 = arith.constant 112 : i32
          %add3A_499 = arith.addi %add3A_497, %add3A_498 : i32
          %get3A_500 = arith.index_cast %add3A_499 : i32 to index
          %get3A_501 = tpu.vector_load %arg6[%get3A_500] {strides = array<i32>} : memref<51200xf32, #tpu.memory_space<vmem>>, vector<16xf32>,
          %get3A_502 = vector.shape_cast %get3A_501 : vector<16xf32> to vector<16xf32>
          %max3A_503 = arith.maximumf %get3A_495, %get3A_502 : vector<16xf32>
          %add3A_504 = arith.constant 112 : i32
          %add3A_505 = arith.addi %mul3A_357, %add3A_504 : i32
          %swap3A_506 = arith.index_cast %add3A_505 : i32 to index
          %swap3A_507 = tpu.vector_load %arg7[%swap3A_506] {strides = array<i32>} : memref<16384xf32, #tpu.memory_space<vmem>>, vector<16xf32>,
          %swap3A_508 = vector.shape_cast %swap3A_507 : vector<16xf32> to vector<16xf32>
          %swap3A_509 = vector.shape_cast %max3A_503 : vector<16xf32> to vector<16xf32>
          tpu.vector_store %arg7[%swap3A_506], %swap3A_509 {strides = array<i32>} : memref<16384xf32, #tpu.memory_space<vmem>>, vector<16xf32>,
          %slice3A_510 = vector.extract_strided_slice %get3A_35 {offsets = [3], sizes = [1], strides = [1]} : vector<16xi32> to vector<1xi32>
          %squeeze3A_511 = vector.extract %slice3A_510[0] : i32 from vector<1xi32>
          %mul3A_512 = arith.constant 128 : i32
          %mul3A_513 = arith.muli %squeeze3A_511, %mul3A_512 : i32
          %add3A_514 = arith.constant 0 : i32
          %add3A_515 = arith.addi %mul3A_513, %add3A_514 : i32
          %get3A_516 = arith.index_cast %add3A_515 : i32 to index
          %get3A_517 = tpu.vector_load %arg7[%get3A_516] {strides = array<i32>} : memref<16384xf32, #tpu.memory_space<vmem>>, vector<16xf32>,
          %get3A_518 = vector.shape_cast %get3A_517 : vector<16xf32> to vector<16xf32>
          %add3A_519 = arith.constant 384 : i32
          %add3A_520 = arith.addi %mul3A_39, %add3A_519 : i32
          %add3A_521 = arith.constant 0 : i32
          %add3A_522 = arith.addi %add3A_520, %add3A_521 : i32
          %get3A_523 = arith.index_cast %add3A_522 : i32 to index
          %get3A_524 = tpu.vector_load %arg6[%get3A_523] {strides = array<i32>} : memref<51200xf32, #tpu.memory_space<vmem>>, vector<16xf32>,
          %get3A_525 = vector.shape_cast %get3A_524 : vector<16xf32> to vector<16xf32>
          %max3A_526 = arith.maximumf %get3A_518, %get3A_525 : vector<16xf32>
          %add3A_527 = arith.constant 0 : i32
          %add3A_528 = arith.addi %mul3A_513, %add3A_527 : i32
          %swap3A_529 = arith.index_cast %add3A_528 : i32 to index
          %swap3A_530 = tpu.vector_load %arg7[%swap3A_529] {strides = array<i32>} : memref<16384xf32, #tpu.memory_space<vmem>>, vector<16xf32>,
          %swap3A_531 = vector.shape_cast %swap3A_530 : vector<16xf32> to vector<16xf32>
          %swap3A_532 = vector.shape_cast %max3A_526 : vector<16xf32> to vector<16xf32>
          tpu.vector_store %arg7[%swap3A_529], %swap3A_532 {strides = array<i32>} : memref<16384xf32, #tpu.memory_space<vmem>>, vector<16xf32>,
          %add3A_533 = arith.constant 16 : i32
          %add3A_534 = arith.addi %mul3A_513, %add3A_533 : i32
          %get3A_535 = arith.index_cast %add3A_534 : i32 to index
          %get3A_536 = tpu.vector_load %arg7[%get3A_535] {strides = array<i32>} : memref<16384xf32, #tpu.memory_space<vmem>>, vector<16xf32>,
          %get3A_537 = vector.shape_cast %get3A_536 : vector<16xf32> to vector<16xf32>
          %add3A_538 = arith.constant 384 : i32
          %add3A_539 = arith.addi %mul3A_39, %add3A_538 : i32
          %add3A_540 = arith.constant 16 : i32
          %add3A_541 = arith.addi %add3A_539, %add3A_540 : i32
          %get3A_542 = arith.index_cast %add3A_541 : i32 to index
          %get3A_543 = tpu.vector_load %arg6[%get3A_542] {strides = array<i32>} : memref<51200xf32, #tpu.memory_space<vmem>>, vector<16xf32>,
          %get3A_544 = vector.shape_cast %get3A_543 : vector<16xf32> to vector<16xf32>
          %max3A_545 = arith.maximumf %get3A_537, %get3A_544 : vector<16xf32>
          %add3A_546 = arith.constant 16 : i32
          %add3A_547 = arith.addi %mul3A_513, %add3A_546 : i32
          %swap3A_548 = arith.index_cast %add3A_547 : i32 to index
          %swap3A_549 = tpu.vector_load %arg7[%swap3A_548] {strides = array<i32>} : memref<16384xf32, #tpu.memory_space<vmem>>, vector<16xf32>,
          %swap3A_550 = vector.shape_cast %swap3A_549 : vector<16xf32> to vector<16xf32>
          %swap3A_551 = vector.shape_cast %max3A_545 : vector<16xf32> to vector<16xf32>
          tpu.vector_store %arg7[%swap3A_548], %swap3A_551 {strides = array<i32>} : memref<16384xf32, #tpu.memory_space<vmem>>, vector<16xf32>,
          %add3A_552 = arith.constant 32 : i32
          %add3A_553 = arith.addi %mul3A_513, %add3A_552 : i32
          %get3A_554 = arith.index_cast %add3A_553 : i32 to index
          %get3A_555 = tpu.vector_load %arg7[%get3A_554] {strides = array<i32>} : memref<16384xf32, #tpu.memory_space<vmem>>, vector<16xf32>,
          %get3A_556 = vector.shape_cast %get3A_555 : vector<16xf32> to vector<16xf32>
          %add3A_557 = arith.constant 384 : i32
          %add3A_558 = arith.addi %mul3A_39, %add3A_557 : i32
          %add3A_559 = arith.constant 32 : i32
          %add3A_560 = arith.addi %add3A_558, %add3A_559 : i32
          %get3A_561 = arith.index_cast %add3A_560 : i32 to index
          %get3A_562 = tpu.vector_load %arg6[%get3A_561] {strides = array<i32>} : memref<51200xf32, #tpu.memory_space<vmem>>, vector<16xf32>,
          %get3A_563 = vector.shape_cast %get3A_562 : vector<16xf32> to vector<16xf32>
          %max3A_564 = arith.maximumf %get3A_556, %get3A_563 : vector<16xf32>
          %add3A_565 = arith.constant 32 : i32
          %add3A_566 = arith.addi %mul3A_513, %add3A_565 : i32
          %swap3A_567 = arith.index_cast %add3A_566 : i32 to index
          %swap3A_568 = tpu.vector_load %arg7[%swap3A_567] {strides = array<i32>} : memref<16384xf32, #tpu.memory_space<vmem>>, vector<16xf32>,
          %swap3A_569 = vector.shape_cast %swap3A_568 : vector<16xf32> to vector<16xf32>
          %swap3A_570 = vector.shape_cast %max3A_564 : vector<16xf32> to vector<16xf32>
          tpu.vector_store %arg7[%swap3A_567], %swap3A_570 {strides = array<i32>} : memref<16384xf32, #tpu.memory_space<vmem>>, vector<16xf32>,
          %add3A_571 = arith.constant 48 : i32
          %add3A_572 = arith.addi %mul3A_513, %add3A_571 : i32
          %get3A_573 = arith.index_cast %add3A_572 : i32 to index
          %get3A_574 = tpu.vector_load %arg7[%get3A_573] {strides = array<i32>} : memref<16384xf32, #tpu.memory_space<vmem>>, vector<16xf32>,
          %get3A_575 = vector.shape_cast %get3A_574 : vector<16xf32> to vector<16xf32>
          %add3A_576 = arith.constant 384 : i32
          %add3A_577 = arith.addi %mul3A_39, %add3A_576 : i32
          %add3A_578 = arith.constant 48 : i32
          %add3A_579 = arith.addi %add3A_577, %add3A_578 : i32
          %get3A_580 = arith.index_cast %add3A_579 : i32 to index
          %get3A_581 = tpu.vector_load %arg6[%get3A_580] {strides = array<i32>} : memref<51200xf32, #tpu.memory_space<vmem>>, vector<16xf32>,
          %get3A_582 = vector.shape_cast %get3A_581 : vector<16xf32> to vector<16xf32>
          %max3A_583 = arith.maximumf %get3A_575, %get3A_582 : vector<16xf32>
          %add3A_584 = arith.constant 48 : i32
          %add3A_585 = arith.addi %mul3A_513, %add3A_584 : i32
          %swap3A_586 = arith.index_cast %add3A_585 : i32 to index
          %swap3A_587 = tpu.vector_load %arg7[%swap3A_586] {strides = array<i32>} : memref<16384xf32, #tpu.memory_space<vmem>>, vector<16xf32>,
          %swap3A_588 = vector.shape_cast %swap3A_587 : vector<16xf32> to vector<16xf32>
          %swap3A_589 = vector.shape_cast %max3A_583 : vector<16xf32> to vector<16xf32>
          tpu.vector_store %arg7[%swap3A_586], %swap3A_589 {strides = array<i32>} : memref<16384xf32, #tpu.memory_space<vmem>>, vector<16xf32>,
          %add3A_590 = arith.constant 64 : i32
          %add3A_591 = arith.addi %mul3A_513, %add3A_590 : i32
          %get3A_592 = arith.index_cast %add3A_591 : i32 to index
          %get3A_593 = tpu.vector_load %arg7[%get3A_592] {strides = array<i32>} : memref<16384xf32, #tpu.memory_space<vmem>>, vector<16xf32>,
          %get3A_594 = vector.shape_cast %get3A_593 : vector<16xf32> to vector<16xf32>
          %add3A_595 = arith.constant 384 : i32
          %add3A_596 = arith.addi %mul3A_39, %add3A_595 : i32
          %add3A_597 = arith.constant 64 : i32
          %add3A_598 = arith.addi %add3A_596, %add3A_597 : i32
          %get3A_599 = arith.index_cast %add3A_598 : i32 to index
          %get3A_600 = tpu.vector_load %arg6[%get3A_599] {strides = array<i32>} : memref<51200xf32, #tpu.memory_space<vmem>>, vector<16xf32>,
          %get3A_601 = vector.shape_cast %get3A_600 : vector<16xf32> to vector<16xf32>
          %max3A_602 = arith.maximumf %get3A_594, %get3A_601 : vector<16xf32>
          %add3A_603 = arith.constant 64 : i32
          %add3A_604 = arith.addi %mul3A_513, %add3A_603 : i32
          %swap3A_605 = arith.index_cast %add3A_604 : i32 to index
          %swap3A_606 = tpu.vector_load %arg7[%swap3A_605] {strides = array<i32>} : memref<16384xf32, #tpu.memory_space<vmem>>, vector<16xf32>,
          %swap3A_607 = vector.shape_cast %swap3A_606 : vector<16xf32> to vector<16xf32>
          %swap3A_608 = vector.shape_cast %max3A_602 : vector<16xf32> to vector<16xf32>
          tpu.vector_store %arg7[%swap3A_605], %swap3A_608 {strides = array<i32>} : memref<16384xf32, #tpu.memory_space<vmem>>, vector<16xf32>,
          %add3A_609 = arith.constant 80 : i32
          %add3A_610 = arith.addi %mul3A_513, %add3A_609 : i32
          %get3A_611 = arith.index_cast %add3A_610 : i32 to index
          %get3A_612 = tpu.vector_load %arg7[%get3A_611] {strides = array<i32>} : memref<16384xf32, #tpu.memory_space<vmem>>, vector<16xf32>,
          %get3A_613 = vector.shape_cast %get3A_612 : vector<16xf32> to vector<16xf32>
          %add3A_614 = arith.constant 384 : i32
          %add3A_615 = arith.addi %mul3A_39, %add3A_614 : i32
          %add3A_616 = arith.constant 80 : i32
          %add3A_617 = arith.addi %add3A_615, %add3A_616 : i32
          %get3A_618 = arith.index_cast %add3A_617 : i32 to index
          %get3A_619 = tpu.vector_load %arg6[%get3A_618] {strides = array<i32>} : memref<51200xf32, #tpu.memory_space<vmem>>, vector<16xf32>,
          %get3A_620 = vector.shape_cast %get3A_619 : vector<16xf32> to vector<16xf32>
          %max3A_621 = arith.maximumf %get3A_613, %get3A_620 : vector<16xf32>
          %add3A_622 = arith.constant 80 : i32
          %add3A_623 = arith.addi %mul3A_513, %add3A_622 : i32
          %swap3A_624 = arith.index_cast %add3A_623 : i32 to index
          %swap3A_625 = tpu.vector_load %arg7[%swap3A_624] {strides = array<i32>} : memref<16384xf32, #tpu.memory_space<vmem>>, vector<16xf32>,
          %swap3A_626 = vector.shape_cast %swap3A_625 : vector<16xf32> to vector<16xf32>
          %swap3A_627 = vector.shape_cast %max3A_621 : vector<16xf32> to vector<16xf32>
          tpu.vector_store %arg7[%swap3A_624], %swap3A_627 {strides = array<i32>} : memref<16384xf32, #tpu.memory_space<vmem>>, vector<16xf32>,
          %add3A_628 = arith.constant 96 : i32
          %add3A_629 = arith.addi %mul3A_513, %add3A_628 : i32
          %get3A_630 = arith.index_cast %add3A_629 : i32 to index
          %get3A_631 = tpu.vector_load %arg7[%get3A_630] {strides = array<i32>} : memref<16384xf32, #tpu.memory_space<vmem>>, vector<16xf32>,
          %get3A_632 = vector.shape_cast %get3A_631 : vector<16xf32> to vector<16xf32>
          %add3A_633 = arith.constant 384 : i32
          %add3A_634 = arith.addi %mul3A_39, %add3A_633 : i32
          %add3A_635 = arith.constant 96 : i32
          %add3A_636 = arith.addi %add3A_634, %add3A_635 : i32
          %get3A_637 = arith.index_cast %add3A_636 : i32 to index
          %get3A_638 = tpu.vector_load %arg6[%get3A_637] {strides = array<i32>} : memref<51200xf32, #tpu.memory_space<vmem>>, vector<16xf32>,
          %get3A_639 = vector.shape_cast %get3A_638 : vector<16xf32> to vector<16xf32>
          %max3A_640 = arith.maximumf %get3A_632, %get3A_639 : vector<16xf32>
          %add3A_641 = arith.constant 96 : i32
          %add3A_642 = arith.addi %mul3A_513, %add3A_641 : i32
          %swap3A_643 = arith.index_cast %add3A_642 : i32 to index
          %swap3A_644 = tpu.vector_load %arg7[%swap3A_643] {strides = array<i32>} : memref<16384xf32, #tpu.memory_space<vmem>>, vector<16xf32>,
          %swap3A_645 = vector.shape_cast %swap3A_644 : vector<16xf32> to vector<16xf32>
          %swap3A_646 = vector.shape_cast %max3A_640 : vector<16xf32> to vector<16xf32>
          tpu.vector_store %arg7[%swap3A_643], %swap3A_646 {strides = array<i32>} : memref<16384xf32, #tpu.memory_space<vmem>>, vector<16xf32>,
          %add3A_647 = arith.constant 112 : i32
          %add3A_648 = arith.addi %mul3A_513, %add3A_647 : i32
          %get3A_649 = arith.index_cast %add3A_648 : i32 to index
          %get3A_650 = tpu.vector_load %arg7[%get3A_649] {strides = array<i32>} : memref<16384xf32, #tpu.memory_space<vmem>>, vector<16xf32>,
          %get3A_651 = vector.shape_cast %get3A_650 : vector<16xf32> to vector<16xf32>
          %add3A_652 = arith.constant 384 : i32
          %add3A_653 = arith.addi %mul3A_39, %add3A_652 : i32
          %add3A_654 = arith.constant 112 : i32
          %add3A_655 = arith.addi %add3A_653, %add3A_654 : i32
          %get3A_656 = arith.index_cast %add3A_655 : i32 to index
          %get3A_657 = tpu.vector_load %arg6[%get3A_656] {strides = array<i32>} : memref<51200xf32, #tpu.memory_space<vmem>>, vector<16xf32>,
          %get3A_658 = vector.shape_cast %get3A_657 : vector<16xf32> to vector<16xf32>
          %max3A_659 = arith.maximumf %get3A_651, %get3A_658 : vector<16xf32>
          %add3A_660 = arith.constant 112 : i32
          %add3A_661 = arith.addi %mul3A_513, %add3A_660 : i32
          %swap3A_662 = arith.index_cast %add3A_661 : i32 to index
          %swap3A_663 = tpu.vector_load %arg7[%swap3A_662] {strides = array<i32>} : memref<16384xf32, #tpu.memory_space<vmem>>, vector<16xf32>,
          %swap3A_664 = vector.shape_cast %swap3A_663 : vector<16xf32> to vector<16xf32>
          %swap3A_665 = vector.shape_cast %max3A_659 : vector<16xf32> to vector<16xf32>
          tpu.vector_store %arg7[%swap3A_662], %swap3A_665 {strides = array<i32>} : memref<16384xf32, #tpu.memory_space<vmem>>, vector<16xf32>,
          %slice3A_666 = vector.extract_strided_slice %get3A_35 {offsets = [4], sizes = [1], strides = [1]} : vector<16xi32> to vector<1xi32>
          %squeeze3A_667 = vector.extract %slice3A_666[0] : i32 from vector<1xi32>
          %mul3A_668 = arith.constant 128 : i32
          %mul3A_669 = arith.muli %squeeze3A_667, %mul3A_668 : i32
          %add3A_670 = arith.constant 0 : i32
          %add3A_671 = arith.addi %mul3A_669, %add3A_670 : i32
          %get3A_672 = arith.index_cast %add3A_671 : i32 to index
          %get3A_673 = tpu.vector_load %arg7[%get3A_672] {strides = array<i32>} : memref<16384xf32, #tpu.memory_space<vmem>>, vector<16xf32>,
          %get3A_674 = vector.shape_cast %get3A_673 : vector<16xf32> to vector<16xf32>
          %add3A_675 = arith.constant 512 : i32
          %add3A_676 = arith.addi %mul3A_39, %add3A_675 : i32
          %add3A_677 = arith.constant 0 : i32
          %add3A_678 = arith.addi %add3A_676, %add3A_677 : i32
          %get3A_679 = arith.index_cast %add3A_678 : i32 to index
          %get3A_680 = tpu.vector_load %arg6[%get3A_679] {strides = array<i32>} : memref<51200xf32, #tpu.memory_space<vmem>>, vector<16xf32>,
          %get3A_681 = vector.shape_cast %get3A_680 : vector<16xf32> to vector<16xf32>
          %max3A_682 = arith.maximumf %get3A_674, %get3A_681 : vector<16xf32>
          %add3A_683 = arith.constant 0 : i32
          %add3A_684 = arith.addi %mul3A_669, %add3A_683 : i32
          %swap3A_685 = arith.index_cast %add3A_684 : i32 to index
          %swap3A_686 = tpu.vector_load %arg7[%swap3A_685] {strides = array<i32>} : memref<16384xf32, #tpu.memory_space<vmem>>, vector<16xf32>,
          %swap3A_687 = vector.shape_cast %swap3A_686 : vector<16xf32> to vector<16xf32>
          %swap3A_688 = vector.shape_cast %max3A_682 : vector<16xf32> to vector<16xf32>
          tpu.vector_store %arg7[%swap3A_685], %swap3A_688 {strides = array<i32>} : memref<16384xf32, #tpu.memory_space<vmem>>, vector<16xf32>,
          %add3A_689 = arith.constant 16 : i32
          %add3A_690 = arith.addi %mul3A_669, %add3A_689 : i32
          %get3A_691 = arith.index_cast %add3A_690 : i32 to index
          %get3A_692 = tpu.vector_load %arg7[%get3A_691] {strides = array<i32>} : memref<16384xf32, #tpu.memory_space<vmem>>, vector<16xf32>,
          %get3A_693 = vector.shape_cast %get3A_692 : vector<16xf32> to vector<16xf32>
          %add3A_694 = arith.constant 512 : i32
          %add3A_695 = arith.addi %mul3A_39, %add3A_694 : i32
          %add3A_696 = arith.constant 16 : i32
          %add3A_697 = arith.addi %add3A_695, %add3A_696 : i32
          %get3A_698 = arith.index_cast %add3A_697 : i32 to index
          %get3A_699 = tpu.vector_load %arg6[%get3A_698] {strides = array<i32>} : memref<51200xf32, #tpu.memory_space<vmem>>, vector<16xf32>,
          %get3A_700 = vector.shape_cast %get3A_699 : vector<16xf32> to vector<16xf32>
          %max3A_701 = arith.maximumf %get3A_693, %get3A_700 : vector<16xf32>
          %add3A_702 = arith.constant 16 : i32
          %add3A_703 = arith.addi %mul3A_669, %add3A_702 : i32
          %swap3A_704 = arith.index_cast %add3A_703 : i32 to index
          %swap3A_705 = tpu.vector_load %arg7[%swap3A_704] {strides = array<i32>} : memref<16384xf32, #tpu.memory_space<vmem>>, vector<16xf32>,
          %swap3A_706 = vector.shape_cast %swap3A_705 : vector<16xf32> to vector<16xf32>
          %swap3A_707 = vector.shape_cast %max3A_701 : vector<16xf32> to vector<16xf32>
          tpu.vector_store %arg7[%swap3A_704], %swap3A_707 {strides = array<i32>} : memref<16384xf32, #tpu.memory_space<vmem>>, vector<16xf32>,
          %add3A_708 = arith.constant 32 : i32
          %add3A_709 = arith.addi %mul3A_669, %add3A_708 : i32
          %get3A_710 = arith.index_cast %add3A_709 : i32 to index
          %get3A_711 = tpu.vector_load %arg7[%get3A_710] {strides = array<i32>} : memref<16384xf32, #tpu.memory_space<vmem>>, vector<16xf32>,
          %get3A_712 = vector.shape_cast %get3A_711 : vector<16xf32> to vector<16xf32>
          %add3A_713 = arith.constant 512 : i32
          %add3A_714 = arith.addi %mul3A_39, %add3A_713 : i32
          %add3A_715 = arith.constant 32 : i32
          %add3A_716 = arith.addi %add3A_714, %add3A_715 : i32
          %get3A_717 = arith.index_cast %add3A_716 : i32 to index
          %get3A_718 = tpu.vector_load %arg6[%get3A_717] {strides = array<i32>} : memref<51200xf32, #tpu.memory_space<vmem>>, vector<16xf32>,
          %get3A_719 = vector.shape_cast %get3A_718 : vector<16xf32> to vector<16xf32>
          %max3A_720 = arith.maximumf %get3A_712, %get3A_719 : vector<16xf32>
          %add3A_721 = arith.constant 32 : i32
          %add3A_722 = arith.addi %mul3A_669, %add3A_721 : i32
          %swap3A_723 = arith.index_cast %add3A_722 : i32 to index
          %swap3A_724 = tpu.vector_load %arg7[%swap3A_723] {strides = array<i32>} : memref<16384xf32, #tpu.memory_space<vmem>>, vector<16xf32>,
          %swap3A_725 = vector.shape_cast %swap3A_724 : vector<16xf32> to vector<16xf32>
          %swap3A_726 = vector.shape_cast %max3A_720 : vector<16xf32> to vector<16xf32>
          tpu.vector_store %arg7[%swap3A_723], %swap3A_726 {strides = array<i32>} : memref<16384xf32, #tpu.memory_space<vmem>>, vector<16xf32>,
          %add3A_727 = arith.constant 48 : i32
          %add3A_728 = arith.addi %mul3A_669, %add3A_727 : i32
          %get3A_729 = arith.index_cast %add3A_728 : i32 to index
          %get3A_730 = tpu.vector_load %arg7[%get3A_729] {strides = array<i32>} : memref<16384xf32, #tpu.memory_space<vmem>>, vector<16xf32>,
          %get3A_731 = vector.shape_cast %get3A_730 : vector<16xf32> to vector<16xf32>
          %add3A_732 = arith.constant 512 : i32
          %add3A_733 = arith.addi %mul3A_39, %add3A_732 : i32
          %add3A_734 = arith.constant 48 : i32
          %add3A_735 = arith.addi %add3A_733, %add3A_734 : i32
          %get3A_736 = arith.index_cast %add3A_735 : i32 to index
          %get3A_737 = tpu.vector_load %arg6[%get3A_736] {strides = array<i32>} : memref<51200xf32, #tpu.memory_space<vmem>>, vector<16xf32>,
          %get3A_738 = vector.shape_cast %get3A_737 : vector<16xf32> to vector<16xf32>
          %max3A_739 = arith.maximumf %get3A_731, %get3A_738 : vector<16xf32>
          %add3A_740 = arith.constant 48 : i32
          %add3A_741 = arith.addi %mul3A_669, %add3A_740 : i32
          %swap3A_742 = arith.index_cast %add3A_741 : i32 to index
          %swap3A_743 = tpu.vector_load %arg7[%swap3A_742] {strides = array<i32>} : memref<16384xf32, #tpu.memory_space<vmem>>, vector<16xf32>,
          %swap3A_744 = vector.shape_cast %swap3A_743 : vector<16xf32> to vector<16xf32>
          %swap3A_745 = vector.shape_cast %max3A_739 : vector<16xf32> to vector<16xf32>
          tpu.vector_store %arg7[%swap3A_742], %swap3A_745 {strides = array<i32>} : memref<16384xf32, #tpu.memory_space<vmem>>, vector<16xf32>,
          %add3A_746 = arith.constant 64 : i32
          %add3A_747 = arith.addi %mul3A_669, %add3A_746 : i32
          %get3A_748 = arith.index_cast %add3A_747 : i32 to index
          %get3A_749 = tpu.vector_load %arg7[%get3A_748] {strides = array<i32>} : memref<16384xf32, #tpu.memory_space<vmem>>, vector<16xf32>,
          %get3A_750 = vector.shape_cast %get3A_749 : vector<16xf32> to vector<16xf32>
          %add3A_751 = arith.constant 512 : i32
          %add3A_752 = arith.addi %mul3A_39, %add3A_751 : i32
          %add3A_753 = arith.constant 64 : i32
          %add3A_754 = arith.addi %add3A_752, %add3A_753 : i32
          %get3A_755 = arith.index_cast %add3A_754 : i32 to index
          %get3A_756 = tpu.vector_load %arg6[%get3A_755] {strides = array<i32>} : memref<51200xf32, #tpu.memory_space<vmem>>, vector<16xf32>,
          %get3A_757 = vector.shape_cast %get3A_756 : vector<16xf32> to vector<16xf32>
          %max3A_758 = arith.maximumf %get3A_750, %get3A_757 : vector<16xf32>
          %add3A_759 = arith.constant 64 : i32
          %add3A_760 = arith.addi %mul3A_669, %add3A_759 : i32
          %swap3A_761 = arith.index_cast %add3A_760 : i32 to index
          %swap3A_762 = tpu.vector_load %arg7[%swap3A_761] {strides = array<i32>} : memref<16384xf32, #tpu.memory_space<vmem>>, vector<16xf32>,
          %swap3A_763 = vector.shape_cast %swap3A_762 : vector<16xf32> to vector<16xf32>
          %swap3A_764 = vector.shape_cast %max3A_758 : vector<16xf32> to vector<16xf32>
          tpu.vector_store %arg7[%swap3A_761], %swap3A_764 {strides = array<i32>} : memref<16384xf32, #tpu.memory_space<vmem>>, vector<16xf32>,
          %add3A_765 = arith.constant 80 : i32
          %add3A_766 = arith.addi %mul3A_669, %add3A_765 : i32
          %get3A_767 = arith.index_cast %add3A_766 : i32 to index
          %get3A_768 = tpu.vector_load %arg7[%get3A_767] {strides = array<i32>} : memref<16384xf32, #tpu.memory_space<vmem>>, vector<16xf32>,
          %get3A_769 = vector.shape_cast %get3A_768 : vector<16xf32> to vector<16xf32>
          %add3A_770 = arith.constant 512 : i32
          %add3A_771 = arith.addi %mul3A_39, %add3A_770 : i32
          %add3A_772 = arith.constant 80 : i32
          %add3A_773 = arith.addi %add3A_771, %add3A_772 : i32
          %get3A_774 = arith.index_cast %add3A_773 : i32 to index
          %get3A_775 = tpu.vector_load %arg6[%get3A_774] {strides = array<i32>} : memref<51200xf32, #tpu.memory_space<vmem>>, vector<16xf32>,
          %get3A_776 = vector.shape_cast %get3A_775 : vector<16xf32> to vector<16xf32>
          %max3A_777 = arith.maximumf %get3A_769, %get3A_776 : vector<16xf32>
          %add3A_778 = arith.constant 80 : i32
          %add3A_779 = arith.addi %mul3A_669, %add3A_778 : i32
          %swap3A_780 = arith.index_cast %add3A_779 : i32 to index
          %swap3A_781 = tpu.vector_load %arg7[%swap3A_780] {strides = array<i32>} : memref<16384xf32, #tpu.memory_space<vmem>>, vector<16xf32>,
          %swap3A_782 = vector.shape_cast %swap3A_781 : vector<16xf32> to vector<16xf32>
          %swap3A_783 = vector.shape_cast %max3A_777 : vector<16xf32> to vector<16xf32>
          tpu.vector_store %arg7[%swap3A_780], %swap3A_783 {strides = array<i32>} : memref<16384xf32, #tpu.memory_space<vmem>>, vector<16xf32>,
          %add3A_784 = arith.constant 96 : i32
          %add3A_785 = arith.addi %mul3A_669, %add3A_784 : i32
          %get3A_786 = arith.index_cast %add3A_785 : i32 to index
          %get3A_787 = tpu.vector_load %arg7[%get3A_786] {strides = array<i32>} : memref<16384xf32, #tpu.memory_space<vmem>>, vector<16xf32>,
          %get3A_788 = vector.shape_cast %get3A_787 : vector<16xf32> to vector<16xf32>
          %add3A_789 = arith.constant 512 : i32
          %add3A_790 = arith.addi %mul3A_39, %add3A_789 : i32
          %add3A_791 = arith.constant 96 : i32
          %add3A_792 = arith.addi %add3A_790, %add3A_791 : i32
          %get3A_793 = arith.index_cast %add3A_792 : i32 to index
          %get3A_794 = tpu.vector_load %arg6[%get3A_793] {strides = array<i32>} : memref<51200xf32, #tpu.memory_space<vmem>>, vector<16xf32>,
          %get3A_795 = vector.shape_cast %get3A_794 : vector<16xf32> to vector<16xf32>
          %max3A_796 = arith.maximumf %get3A_788, %get3A_795 : vector<16xf32>
          %add3A_797 = arith.constant 96 : i32
          %add3A_798 = arith.addi %mul3A_669, %add3A_797 : i32
          %swap3A_799 = arith.index_cast %add3A_798 : i32 to index
          %swap3A_800 = tpu.vector_load %arg7[%swap3A_799] {strides = array<i32>} : memref<16384xf32, #tpu.memory_space<vmem>>, vector<16xf32>,
          %swap3A_801 = vector.shape_cast %swap3A_800 : vector<16xf32> to vector<16xf32>
          %swap3A_802 = vector.shape_cast %max3A_796 : vector<16xf32> to vector<16xf32>
          tpu.vector_store %arg7[%swap3A_799], %swap3A_802 {strides = array<i32>} : memref<16384xf32, #tpu.memory_space<vmem>>, vector<16xf32>,
          %add3A_803 = arith.constant 112 : i32
          %add3A_804 = arith.addi %mul3A_669, %add3A_803 : i32
          %get3A_805 = arith.index_cast %add3A_804 : i32 to index
          %get3A_806 = tpu.vector_load %arg7[%get3A_805] {strides = array<i32>} : memref<16384xf32, #tpu.memory_space<vmem>>, vector<16xf32>,
          %get3A_807 = vector.shape_cast %get3A_806 : vector<16xf32> to vector<16xf32>
          %add3A_808 = arith.constant 512 : i32
          %add3A_809 = arith.addi %mul3A_39, %add3A_808 : i32
          %add3A_810 = arith.constant 112 : i32
          %add3A_811 = arith.addi %add3A_809, %add3A_810 : i32
          %get3A_812 = arith.index_cast %add3A_811 : i32 to index
          %get3A_813 = tpu.vector_load %arg6[%get3A_812] {strides = array<i32>} : memref<51200xf32, #tpu.memory_space<vmem>>, vector<16xf32>,
          %get3A_814 = vector.shape_cast %get3A_813 : vector<16xf32> to vector<16xf32>
          %max3A_815 = arith.maximumf %get3A_807, %get3A_814 : vector<16xf32>
          %add3A_816 = arith.constant 112 : i32
          %add3A_817 = arith.addi %mul3A_669, %add3A_816 : i32
          %swap3A_818 = arith.index_cast %add3A_817 : i32 to index
          %swap3A_819 = tpu.vector_load %arg7[%swap3A_818] {strides = array<i32>} : memref<16384xf32, #tpu.memory_space<vmem>>, vector<16xf32>,
          %swap3A_820 = vector.shape_cast %swap3A_819 : vector<16xf32> to vector<16xf32>
          %swap3A_821 = vector.shape_cast %max3A_815 : vector<16xf32> to vector<16xf32>
          tpu.vector_store %arg7[%swap3A_818], %swap3A_821 {strides = array<i32>} : memref<16384xf32, #tpu.memory_space<vmem>>, vector<16xf32>,
          %slice3A_822 = vector.extract_strided_slice %get3A_35 {offsets = [5], sizes = [1], strides = [1]} : vector<16xi32> to vector<1xi32>
          %squeeze3A_823 = vector.extract %slice3A_822[0] : i32 from vector<1xi32>
          %mul3A_824 = arith.constant 128 : i32
          %mul3A_825 = arith.muli %squeeze3A_823, %mul3A_824 : i32
          %add3A_826 = arith.constant 0 : i32
          %add3A_827 = arith.addi %mul3A_825, %add3A_826 : i32
          %get3A_828 = arith.index_cast %add3A_827 : i32 to index
          %get3A_829 = tpu.vector_load %arg7[%get3A_828] {strides = array<i32>} : memref<16384xf32, #tpu.memory_space<vmem>>, vector<16xf32>,
          %get3A_830 = vector.shape_cast %get3A_829 : vector<16xf32> to vector<16xf32>
          %add3A_831 = arith.constant 640 : i32
          %add3A_832 = arith.addi %mul3A_39, %add3A_831 : i32
          %add3A_833 = arith.constant 0 : i32
          %add3A_834 = arith.addi %add3A_832, %add3A_833 : i32
          %get3A_835 = arith.index_cast %add3A_834 : i32 to index
          %get3A_836 = tpu.vector_load %arg6[%get3A_835] {strides = array<i32>} : memref<51200xf32, #tpu.memory_space<vmem>>, vector<16xf32>,
          %get3A_837 = vector.shape_cast %get3A_836 : vector<16xf32> to vector<16xf32>
          %max3A_838 = arith.maximumf %get3A_830, %get3A_837 : vector<16xf32>
          %add3A_839 = arith.constant 0 : i32
          %add3A_840 = arith.addi %mul3A_825, %add3A_839 : i32
          %swap3A_841 = arith.index_cast %add3A_840 : i32 to index
          %swap3A_842 = tpu.vector_load %arg7[%swap3A_841] {strides = array<i32>} : memref<16384xf32, #tpu.memory_space<vmem>>, vector<16xf32>,
          %swap3A_843 = vector.shape_cast %swap3A_842 : vector<16xf32> to vector<16xf32>
          %swap3A_844 = vector.shape_cast %max3A_838 : vector<16xf32> to vector<16xf32>
          tpu.vector_store %arg7[%swap3A_841], %swap3A_844 {strides = array<i32>} : memref<16384xf32, #tpu.memory_space<vmem>>, vector<16xf32>,
          %add3A_845 = arith.constant 16 : i32
          %add3A_846 = arith.addi %mul3A_825, %add3A_845 : i32
          %get3A_847 = arith.index_cast %add3A_846 : i32 to index
          %get3A_848 = tpu.vector_load %arg7[%get3A_847] {strides = array<i32>} : memref<16384xf32, #tpu.memory_space<vmem>>, vector<16xf32>,
          %get3A_849 = vector.shape_cast %get3A_848 : vector<16xf32> to vector<16xf32>
          %add3A_850 = arith.constant 640 : i32
          %add3A_851 = arith.addi %mul3A_39, %add3A_850 : i32
          %add3A_852 = arith.constant 16 : i32
          %add3A_853 = arith.addi %add3A_851, %add3A_852 : i32
          %get3A_854 = arith.index_cast %add3A_853 : i32 to index
          %get3A_855 = tpu.vector_load %arg6[%get3A_854] {strides = array<i32>} : memref<51200xf32, #tpu.memory_space<vmem>>, vector<16xf32>,
          %get3A_856 = vector.shape_cast %get3A_855 : vector<16xf32> to vector<16xf32>
          %max3A_857 = arith.maximumf %get3A_849, %get3A_856 : vector<16xf32>
          %add3A_858 = arith.constant 16 : i32
          %add3A_859 = arith.addi %mul3A_825, %add3A_858 : i32
          %swap3A_860 = arith.index_cast %add3A_859 : i32 to index
          %swap3A_861 = tpu.vector_load %arg7[%swap3A_860] {strides = array<i32>} : memref<16384xf32, #tpu.memory_space<vmem>>, vector<16xf32>,
          %swap3A_862 = vector.shape_cast %swap3A_861 : vector<16xf32> to vector<16xf32>
          %swap3A_863 = vector.shape_cast %max3A_857 : vector<16xf32> to vector<16xf32>
          tpu.vector_store %arg7[%swap3A_860], %swap3A_863 {strides = array<i32>} : memref<16384xf32, #tpu.memory_space<vmem>>, vector<16xf32>,
          %add3A_864 = arith.constant 32 : i32
          %add3A_865 = arith.addi %mul3A_825, %add3A_864 : i32
          %get3A_866 = arith.index_cast %add3A_865 : i32 to index
          %get3A_867 = tpu.vector_load %arg7[%get3A_866] {strides = array<i32>} : memref<16384xf32, #tpu.memory_space<vmem>>, vector<16xf32>,
          %get3A_868 = vector.shape_cast %get3A_867 : vector<16xf32> to vector<16xf32>
          %add3A_869 = arith.constant 640 : i32
          %add3A_870 = arith.addi %mul3A_39, %add3A_869 : i32
          %add3A_871 = arith.constant 32 : i32
          %add3A_872 = arith.addi %add3A_870, %add3A_871 : i32
          %get3A_873 = arith.index_cast %add3A_872 : i32 to index
          %get3A_874 = tpu.vector_load %arg6[%get3A_873] {strides = array<i32>} : memref<51200xf32, #tpu.memory_space<vmem>>, vector<16xf32>,
          %get3A_875 = vector.shape_cast %get3A_874 : vector<16xf32> to vector<16xf32>
          %max3A_876 = arith.maximumf %get3A_868, %get3A_875 : vector<16xf32>
          %add3A_877 = arith.constant 32 : i32
          %add3A_878 = arith.addi %mul3A_825, %add3A_877 : i32
          %swap3A_879 = arith.index_cast %add3A_878 : i32 to index
          %swap3A_880 = tpu.vector_load %arg7[%swap3A_879] {strides = array<i32>} : memref<16384xf32, #tpu.memory_space<vmem>>, vector<16xf32>,
          %swap3A_881 = vector.shape_cast %swap3A_880 : vector<16xf32> to vector<16xf32>
          %swap3A_882 = vector.shape_cast %max3A_876 : vector<16xf32> to vector<16xf32>
          tpu.vector_store %arg7[%swap3A_879], %swap3A_882 {strides = array<i32>} : memref<16384xf32, #tpu.memory_space<vmem>>, vector<16xf32>,
          %add3A_883 = arith.constant 48 : i32
          %add3A_884 = arith.addi %mul3A_825, %add3A_883 : i32
          %get3A_885 = arith.index_cast %add3A_884 : i32 to index
          %get3A_886 = tpu.vector_load %arg7[%get3A_885] {strides = array<i32>} : memref<16384xf32, #tpu.memory_space<vmem>>, vector<16xf32>,
          %get3A_887 = vector.shape_cast %get3A_886 : vector<16xf32> to vector<16xf32>
          %add3A_888 = arith.constant 640 : i32
          %add3A_889 = arith.addi %mul3A_39, %add3A_888 : i32
          %add3A_890 = arith.constant 48 : i32
          %add3A_891 = arith.addi %add3A_889, %add3A_890 : i32
          %get3A_892 = arith.index_cast %add3A_891 : i32 to index
          %get3A_893 = tpu.vector_load %arg6[%get3A_892] {strides = array<i32>} : memref<51200xf32, #tpu.memory_space<vmem>>, vector<16xf32>,
          %get3A_894 = vector.shape_cast %get3A_893 : vector<16xf32> to vector<16xf32>
          %max3A_895 = arith.maximumf %get3A_887, %get3A_894 : vector<16xf32>
          %add3A_896 = arith.constant 48 : i32
          %add3A_897 = arith.addi %mul3A_825, %add3A_896 : i32
          %swap3A_898 = arith.index_cast %add3A_897 : i32 to index
          %swap3A_899 = tpu.vector_load %arg7[%swap3A_898] {strides = array<i32>} : memref<16384xf32, #tpu.memory_space<vmem>>, vector<16xf32>,
          %swap3A_900 = vector.shape_cast %swap3A_899 : vector<16xf32> to vector<16xf32>
          %swap3A_901 = vector.shape_cast %max3A_895 : vector<16xf32> to vector<16xf32>
          tpu.vector_store %arg7[%swap3A_898], %swap3A_901 {strides = array<i32>} : memref<16384xf32, #tpu.memory_space<vmem>>, vector<16xf32>,
          %add3A_902 = arith.constant 64 : i32
          %add3A_903 = arith.addi %mul3A_825, %add3A_902 : i32
          %get3A_904 = arith.index_cast %add3A_903 : i32 to index
          %get3A_905 = tpu.vector_load %arg7[%get3A_904] {strides = array<i32>} : memref<16384xf32, #tpu.memory_space<vmem>>, vector<16xf32>,
          %get3A_906 = vector.shape_cast %get3A_905 : vector<16xf32> to vector<16xf32>
          %add3A_907 = arith.constant 640 : i32
          %add3A_908 = arith.addi %mul3A_39, %add3A_907 : i32
          %add3A_909 = arith.constant 64 : i32
          %add3A_910 = arith.addi %add3A_908, %add3A_909 : i32
          %get3A_911 = arith.index_cast %add3A_910 : i32 to index
          %get3A_912 = tpu.vector_load %arg6[%get3A_911] {strides = array<i32>} : memref<51200xf32, #tpu.memory_space<vmem>>, vector<16xf32>,
          %get3A_913 = vector.shape_cast %get3A_912 : vector<16xf32> to vector<16xf32>
          %max3A_914 = arith.maximumf %get3A_906, %get3A_913 : vector<16xf32>
          %add3A_915 = arith.constant 64 : i32
          %add3A_916 = arith.addi %mul3A_825, %add3A_915 : i32
          %swap3A_917 = arith.index_cast %add3A_916 : i32 to index
          %swap3A_918 = tpu.vector_load %arg7[%swap3A_917] {strides = array<i32>} : memref<16384xf32, #tpu.memory_space<vmem>>, vector<16xf32>,
          %swap3A_919 = vector.shape_cast %swap3A_918 : vector<16xf32> to vector<16xf32>
          %swap3A_920 = vector.shape_cast %max3A_914 : vector<16xf32> to vector<16xf32>
          tpu.vector_store %arg7[%swap3A_917], %swap3A_920 {strides = array<i32>} : memref<16384xf32, #tpu.memory_space<vmem>>, vector<16xf32>,
          %add3A_921 = arith.constant 80 : i32
          %add3A_922 = arith.addi %mul3A_825, %add3A_921 : i32
          %get3A_923 = arith.index_cast %add3A_922 : i32 to index
          %get3A_924 = tpu.vector_load %arg7[%get3A_923] {strides = array<i32>} : memref<16384xf32, #tpu.memory_space<vmem>>, vector<16xf32>,
          %get3A_925 = vector.shape_cast %get3A_924 : vector<16xf32> to vector<16xf32>
          %add3A_926 = arith.constant 640 : i32
          %add3A_927 = arith.addi %mul3A_39, %add3A_926 : i32
          %add3A_928 = arith.constant 80 : i32
          %add3A_929 = arith.addi %add3A_927, %add3A_928 : i32
          %get3A_930 = arith.index_cast %add3A_929 : i32 to index
          %get3A_931 = tpu.vector_load %arg6[%get3A_930] {strides = array<i32>} : memref<51200xf32, #tpu.memory_space<vmem>>, vector<16xf32>,
          %get3A_932 = vector.shape_cast %get3A_931 : vector<16xf32> to vector<16xf32>
          %max3A_933 = arith.maximumf %get3A_925, %get3A_932 : vector<16xf32>
          %add3A_934 = arith.constant 80 : i32
          %add3A_935 = arith.addi %mul3A_825, %add3A_934 : i32
          %swap3A_936 = arith.index_cast %add3A_935 : i32 to index
          %swap3A_937 = tpu.vector_load %arg7[%swap3A_936] {strides = array<i32>} : memref<16384xf32, #tpu.memory_space<vmem>>, vector<16xf32>,
          %swap3A_938 = vector.shape_cast %swap3A_937 : vector<16xf32> to vector<16xf32>
          %swap3A_939 = vector.shape_cast %max3A_933 : vector<16xf32> to vector<16xf32>
          tpu.vector_store %arg7[%swap3A_936], %swap3A_939 {strides = array<i32>} : memref<16384xf32, #tpu.memory_space<vmem>>, vector<16xf32>,
          %add3A_940 = arith.constant 96 : i32
          %add3A_941 = arith.addi %mul3A_825, %add3A_940 : i32
          %get3A_942 = arith.index_cast %add3A_941 : i32 to index
          %get3A_943 = tpu.vector_load %arg7[%get3A_942] {strides = array<i32>} : memref<16384xf32, #tpu.memory_space<vmem>>, vector<16xf32>,
          %get3A_944 = vector.shape_cast %get3A_943 : vector<16xf32> to vector<16xf32>
          %add3A_945 = arith.constant 640 : i32
          %add3A_946 = arith.addi %mul3A_39, %add3A_945 : i32
          %add3A_947 = arith.constant 96 : i32
          %add3A_948 = arith.addi %add3A_946, %add3A_947 : i32
          %get3A_949 = arith.index_cast %add3A_948 : i32 to index
          %get3A_950 = tpu.vector_load %arg6[%get3A_949] {strides = array<i32>} : memref<51200xf32, #tpu.memory_space<vmem>>, vector<16xf32>,
          %get3A_951 = vector.shape_cast %get3A_950 : vector<16xf32> to vector<16xf32>
          %max3A_952 = arith.maximumf %get3A_944, %get3A_951 : vector<16xf32>
          %add3A_953 = arith.constant 96 : i32
          %add3A_954 = arith.addi %mul3A_825, %add3A_953 : i32
          %swap3A_955 = arith.index_cast %add3A_954 : i32 to index
          %swap3A_956 = tpu.vector_load %arg7[%swap3A_955] {strides = array<i32>} : memref<16384xf32, #tpu.memory_space<vmem>>, vector<16xf32>,
          %swap3A_957 = vector.shape_cast %swap3A_956 : vector<16xf32> to vector<16xf32>
          %swap3A_958 = vector.shape_cast %max3A_952 : vector<16xf32> to vector<16xf32>
          tpu.vector_store %arg7[%swap3A_955], %swap3A_958 {strides = array<i32>} : memref<16384xf32, #tpu.memory_space<vmem>>, vector<16xf32>,
          %add3A_959 = arith.constant 112 : i32
          %add3A_960 = arith.addi %mul3A_825, %add3A_959 : i32
          %get3A_961 = arith.index_cast %add3A_960 : i32 to index
          %get3A_962 = tpu.vector_load %arg7[%get3A_961] {strides = array<i32>} : memref<16384xf32, #tpu.memory_space<vmem>>, vector<16xf32>,
          %get3A_963 = vector.shape_cast %get3A_962 : vector<16xf32> to vector<16xf32>
          %add3A_964 = arith.constant 640 : i32
          %add3A_965 = arith.addi %mul3A_39, %add3A_964 : i32
          %add3A_966 = arith.constant 112 : i32
          %add3A_967 = arith.addi %add3A_965, %add3A_966 : i32
          %get3A_968 = arith.index_cast %add3A_967 : i32 to index
          %get3A_969 = tpu.vector_load %arg6[%get3A_968] {strides = array<i32>} : memref<51200xf32, #tpu.memory_space<vmem>>, vector<16xf32>,
          %get3A_970 = vector.shape_cast %get3A_969 : vector<16xf32> to vector<16xf32>
          %max3A_971 = arith.maximumf %get3A_963, %get3A_970 : vector<16xf32>
          %add3A_972 = arith.constant 112 : i32
          %add3A_973 = arith.addi %mul3A_825, %add3A_972 : i32
          %swap3A_974 = arith.index_cast %add3A_973 : i32 to index
          %swap3A_975 = tpu.vector_load %arg7[%swap3A_974] {strides = array<i32>} : memref<16384xf32, #tpu.memory_space<vmem>>, vector<16xf32>,
          %swap3A_976 = vector.shape_cast %swap3A_975 : vector<16xf32> to vector<16xf32>
          %swap3A_977 = vector.shape_cast %max3A_971 : vector<16xf32> to vector<16xf32>
          tpu.vector_store %arg7[%swap3A_974], %swap3A_977 {strides = array<i32>} : memref<16384xf32, #tpu.memory_space<vmem>>, vector<16xf32>,
          %slice3A_978 = vector.extract_strided_slice %get3A_35 {offsets = [6], sizes = [1], strides = [1]} : vector<16xi32> to vector<1xi32>
          %squeeze3A_979 = vector.extract %slice3A_978[0] : i32 from vector<1xi32>
          %mul3A_980 = arith.constant 128 : i32
          %mul3A_981 = arith.muli %squeeze3A_979, %mul3A_980 : i32
          %add3A_982 = arith.constant 0 : i32
          %add3A_983 = arith.addi %mul3A_981, %add3A_982 : i32
          %get3A_984 = arith.index_cast %add3A_983 : i32 to index
          %get3A_985 = tpu.vector_load %arg7[%get3A_984] {strides = array<i32>} : memref<16384xf32, #tpu.memory_space<vmem>>, vector<16xf32>,
          %get3A_986 = vector.shape_cast %get3A_985 : vector<16xf32> to vector<16xf32>
          %add3A_987 = arith.constant 768 : i32
          %add3A_988 = arith.addi %mul3A_39, %add3A_987 : i32
          %add3A_989 = arith.constant 0 : i32
          %add3A_990 = arith.addi %add3A_988, %add3A_989 : i32
          %get3A_991 = arith.index_cast %add3A_990 : i32 to index
          %get3A_992 = tpu.vector_load %arg6[%get3A_991] {strides = array<i32>} : memref<51200xf32, #tpu.memory_space<vmem>>, vector<16xf32>,
          %get3A_993 = vector.shape_cast %get3A_992 : vector<16xf32> to vector<16xf32>
          %max3A_994 = arith.maximumf %get3A_986, %get3A_993 : vector<16xf32>
          %add3A_995 = arith.constant 0 : i32
          %add3A_996 = arith.addi %mul3A_981, %add3A_995 : i32
          %swap3A_997 = arith.index_cast %add3A_996 : i32 to index
          %swap3A_998 = tpu.vector_load %arg7[%swap3A_997] {strides = array<i32>} : memref<16384xf32, #tpu.memory_space<vmem>>, vector<16xf32>,
          %swap3A_999 = vector.shape_cast %swap3A_998 : vector<16xf32> to vector<16xf32>
          %swap3A_1000 = vector.shape_cast %max3A_994 : vector<16xf32> to vector<16xf32>
          tpu.vector_store %arg7[%swap3A_997], %swap3A_1000 {strides = array<i32>} : memref<16384xf32, #tpu.memory_space<vmem>>, vector<16xf32>,
          %add3A_1001 = arith.constant 16 : i32
          %add3A_1002 = arith.addi %mul3A_981, %add3A_1001 : i32
          %get3A_1003 = arith.index_cast %add3A_1002 : i32 to index
          %get3A_1004 = tpu.vector_load %arg7[%get3A_1003] {strides = array<i32>} : memref<16384xf32, #tpu.memory_space<vmem>>, vector<16xf32>,
          %get3A_1005 = vector.shape_cast %get3A_1004 : vector<16xf32> to vector<16xf32>
          %add3A_1006 = arith.constant 768 : i32
          %add3A_1007 = arith.addi %mul3A_39, %add3A_1006 : i32
          %add3A_1008 = arith.constant 16 : i32
          %add3A_1009 = arith.addi %add3A_1007, %add3A_1008 : i32
          %get3A_1010 = arith.index_cast %add3A_1009 : i32 to index
          %get3A_1011 = tpu.vector_load %arg6[%get3A_1010] {strides = array<i32>} : memref<51200xf32, #tpu.memory_space<vmem>>, vector<16xf32>,
          %get3A_1012 = vector.shape_cast %get3A_1011 : vector<16xf32> to vector<16xf32>
          %max3A_1013 = arith.maximumf %get3A_1005, %get3A_1012 : vector<16xf32>
          %add3A_1014 = arith.constant 16 : i32
          %add3A_1015 = arith.addi %mul3A_981, %add3A_1014 : i32
          %swap3A_1016 = arith.index_cast %add3A_1015 : i32 to index
          %swap3A_1017 = tpu.vector_load %arg7[%swap3A_1016] {strides = array<i32>} : memref<16384xf32, #tpu.memory_space<vmem>>, vector<16xf32>,
          %swap3A_1018 = vector.shape_cast %swap3A_1017 : vector<16xf32> to vector<16xf32>
          %swap3A_1019 = vector.shape_cast %max3A_1013 : vector<16xf32> to vector<16xf32>
          tpu.vector_store %arg7[%swap3A_1016], %swap3A_1019 {strides = array<i32>} : memref<16384xf32, #tpu.memory_space<vmem>>, vector<16xf32>,
          %add3A_1020 = arith.constant 32 : i32
          %add3A_1021 = arith.addi %mul3A_981, %add3A_1020 : i32
          %get3A_1022 = arith.index_cast %add3A_1021 : i32 to index
          %get3A_1023 = tpu.vector_load %arg7[%get3A_1022] {strides = array<i32>} : memref<16384xf32, #tpu.memory_space<vmem>>, vector<16xf32>,
          %get3A_1024 = vector.shape_cast %get3A_1023 : vector<16xf32> to vector<16xf32>
          %add3A_1025 = arith.constant 768 : i32
          %add3A_1026 = arith.addi %mul3A_39, %add3A_1025 : i32
          %add3A_1027 = arith.constant 32 : i32
          %add3A_1028 = arith.addi %add3A_1026, %add3A_1027 : i32
          %get3A_1029 = arith.index_cast %add3A_1028 : i32 to index
          %get3A_1030 = tpu.vector_load %arg6[%get3A_1029] {strides = array<i32>} : memref<51200xf32, #tpu.memory_space<vmem>>, vector<16xf32>,
          %get3A_1031 = vector.shape_cast %get3A_1030 : vector<16xf32> to vector<16xf32>
          %max3A_1032 = arith.maximumf %get3A_1024, %get3A_1031 : vector<16xf32>
          %add3A_1033 = arith.constant 32 : i32
          %add3A_1034 = arith.addi %mul3A_981, %add3A_1033 : i32
          %swap3A_1035 = arith.index_cast %add3A_1034 : i32 to index
          %swap3A_1036 = tpu.vector_load %arg7[%swap3A_1035] {strides = array<i32>} : memref<16384xf32, #tpu.memory_space<vmem>>, vector<16xf32>,
          %swap3A_1037 = vector.shape_cast %swap3A_1036 : vector<16xf32> to vector<16xf32>
          %swap3A_1038 = vector.shape_cast %max3A_1032 : vector<16xf32> to vector<16xf32>
          tpu.vector_store %arg7[%swap3A_1035], %swap3A_1038 {strides = array<i32>} : memref<16384xf32, #tpu.memory_space<vmem>>, vector<16xf32>,
          %add3A_1039 = arith.constant 48 : i32
          %add3A_1040 = arith.addi %mul3A_981, %add3A_1039 : i32
          %get3A_1041 = arith.index_cast %add3A_1040 : i32 to index
          %get3A_1042 = tpu.vector_load %arg7[%get3A_1041] {strides = array<i32>} : memref<16384xf32, #tpu.memory_space<vmem>>, vector<16xf32>,
          %get3A_1043 = vector.shape_cast %get3A_1042 : vector<16xf32> to vector<16xf32>
          %add3A_1044 = arith.constant 768 : i32
          %add3A_1045 = arith.addi %mul3A_39, %add3A_1044 : i32
          %add3A_1046 = arith.constant 48 : i32
          %add3A_1047 = arith.addi %add3A_1045, %add3A_1046 : i32
          %get3A_1048 = arith.index_cast %add3A_1047 : i32 to index
          %get3A_1049 = tpu.vector_load %arg6[%get3A_1048] {strides = array<i32>} : memref<51200xf32, #tpu.memory_space<vmem>>, vector<16xf32>,
          %get3A_1050 = vector.shape_cast %get3A_1049 : vector<16xf32> to vector<16xf32>
          %max3A_1051 = arith.maximumf %get3A_1043, %get3A_1050 : vector<16xf32>
          %add3A_1052 = arith.constant 48 : i32
          %add3A_1053 = arith.addi %mul3A_981, %add3A_1052 : i32
          %swap3A_1054 = arith.index_cast %add3A_1053 : i32 to index
          %swap3A_1055 = tpu.vector_load %arg7[%swap3A_1054] {strides = array<i32>} : memref<16384xf32, #tpu.memory_space<vmem>>, vector<16xf32>,
          %swap3A_1056 = vector.shape_cast %swap3A_1055 : vector<16xf32> to vector<16xf32>
          %swap3A_1057 = vector.shape_cast %max3A_1051 : vector<16xf32> to vector<16xf32>
          tpu.vector_store %arg7[%swap3A_1054], %swap3A_1057 {strides = array<i32>} : memref<16384xf32, #tpu.memory_space<vmem>>, vector<16xf32>,
          %add3A_1058 = arith.constant 64 : i32
          %add3A_1059 = arith.addi %mul3A_981, %add3A_1058 : i32
          %get3A_1060 = arith.index_cast %add3A_1059 : i32 to index
          %get3A_1061 = tpu.vector_load %arg7[%get3A_1060] {strides = array<i32>} : memref<16384xf32, #tpu.memory_space<vmem>>, vector<16xf32>,
          %get3A_1062 = vector.shape_cast %get3A_1061 : vector<16xf32> to vector<16xf32>
          %add3A_1063 = arith.constant 768 : i32
          %add3A_1064 = arith.addi %mul3A_39, %add3A_1063 : i32
          %add3A_1065 = arith.constant 64 : i32
          %add3A_1066 = arith.addi %add3A_1064, %add3A_1065 : i32
          %get3A_1067 = arith.index_cast %add3A_1066 : i32 to index
          %get3A_1068 = tpu.vector_load %arg6[%get3A_1067] {strides = array<i32>} : memref<51200xf32, #tpu.memory_space<vmem>>, vector<16xf32>,
          %get3A_1069 = vector.shape_cast %get3A_1068 : vector<16xf32> to vector<16xf32>
          %max3A_1070 = arith.maximumf %get3A_1062, %get3A_1069 : vector<16xf32>
          %add3A_1071 = arith.constant 64 : i32
          %add3A_1072 = arith.addi %mul3A_981, %add3A_1071 : i32
          %swap3A_1073 = arith.index_cast %add3A_1072 : i32 to index
          %swap3A_1074 = tpu.vector_load %arg7[%swap3A_1073] {strides = array<i32>} : memref<16384xf32, #tpu.memory_space<vmem>>, vector<16xf32>,
          %swap3A_1075 = vector.shape_cast %swap3A_1074 : vector<16xf32> to vector<16xf32>
          %swap3A_1076 = vector.shape_cast %max3A_1070 : vector<16xf32> to vector<16xf32>
          tpu.vector_store %arg7[%swap3A_1073], %swap3A_1076 {strides = array<i32>} : memref<16384xf32, #tpu.memory_space<vmem>>, vector<16xf32>,
          %add3A_1077 = arith.constant 80 : i32
          %add3A_1078 = arith.addi %mul3A_981, %add3A_1077 : i32
          %get3A_1079 = arith.index_cast %add3A_1078 : i32 to index
          %get3A_1080 = tpu.vector_load %arg7[%get3A_1079] {strides = array<i32>} : memref<16384xf32, #tpu.memory_space<vmem>>, vector<16xf32>,
          %get3A_1081 = vector.shape_cast %get3A_1080 : vector<16xf32> to vector<16xf32>
          %add3A_1082 = arith.constant 768 : i32
          %add3A_1083 = arith.addi %mul3A_39, %add3A_1082 : i32
          %add3A_1084 = arith.constant 80 : i32
          %add3A_1085 = arith.addi %add3A_1083, %add3A_1084 : i32
          %get3A_1086 = arith.index_cast %add3A_1085 : i32 to index
          %get3A_1087 = tpu.vector_load %arg6[%get3A_1086] {strides = array<i32>} : memref<51200xf32, #tpu.memory_space<vmem>>, vector<16xf32>,
          %get3A_1088 = vector.shape_cast %get3A_1087 : vector<16xf32> to vector<16xf32>
          %max3A_1089 = arith.maximumf %get3A_1081, %get3A_1088 : vector<16xf32>
          %add3A_1090 = arith.constant 80 : i32
          %add3A_1091 = arith.addi %mul3A_981, %add3A_1090 : i32
          %swap3A_1092 = arith.index_cast %add3A_1091 : i32 to index
          %swap3A_1093 = tpu.vector_load %arg7[%swap3A_1092] {strides = array<i32>} : memref<16384xf32, #tpu.memory_space<vmem>>, vector<16xf32>,
          %swap3A_1094 = vector.shape_cast %swap3A_1093 : vector<16xf32> to vector<16xf32>
          %swap3A_1095 = vector.shape_cast %max3A_1089 : vector<16xf32> to vector<16xf32>
          tpu.vector_store %arg7[%swap3A_1092], %swap3A_1095 {strides = array<i32>} : memref<16384xf32, #tpu.memory_space<vmem>>, vector<16xf32>,
          %add3A_1096 = arith.constant 96 : i32
          %add3A_1097 = arith.addi %mul3A_981, %add3A_1096 : i32
          %get3A_1098 = arith.index_cast %add3A_1097 : i32 to index
          %get3A_1099 = tpu.vector_load %arg7[%get3A_1098] {strides = array<i32>} : memref<16384xf32, #tpu.memory_space<vmem>>, vector<16xf32>,
          %get3A_1100 = vector.shape_cast %get3A_1099 : vector<16xf32> to vector<16xf32>
          %add3A_1101 = arith.constant 768 : i32
          %add3A_1102 = arith.addi %mul3A_39, %add3A_1101 : i32
          %add3A_1103 = arith.constant 96 : i32
          %add3A_1104 = arith.addi %add3A_1102, %add3A_1103 : i32
          %get3A_1105 = arith.index_cast %add3A_1104 : i32 to index
          %get3A_1106 = tpu.vector_load %arg6[%get3A_1105] {strides = array<i32>} : memref<51200xf32, #tpu.memory_space<vmem>>, vector<16xf32>,
          %get3A_1107 = vector.shape_cast %get3A_1106 : vector<16xf32> to vector<16xf32>
          %max3A_1108 = arith.maximumf %get3A_1100, %get3A_1107 : vector<16xf32>
          %add3A_1109 = arith.constant 96 : i32
          %add3A_1110 = arith.addi %mul3A_981, %add3A_1109 : i32
          %swap3A_1111 = arith.index_cast %add3A_1110 : i32 to index
          %swap3A_1112 = tpu.vector_load %arg7[%swap3A_1111] {strides = array<i32>} : memref<16384xf32, #tpu.memory_space<vmem>>, vector<16xf32>,
          %swap3A_1113 = vector.shape_cast %swap3A_1112 : vector<16xf32> to vector<16xf32>
          %swap3A_1114 = vector.shape_cast %max3A_1108 : vector<16xf32> to vector<16xf32>
          tpu.vector_store %arg7[%swap3A_1111], %swap3A_1114 {strides = array<i32>} : memref<16384xf32, #tpu.memory_space<vmem>>, vector<16xf32>,
          %add3A_1115 = arith.constant 112 : i32
          %add3A_1116 = arith.addi %mul3A_981, %add3A_1115 : i32
          %get3A_1117 = arith.index_cast %add3A_1116 : i32 to index
          %get3A_1118 = tpu.vector_load %arg7[%get3A_1117] {strides = array<i32>} : memref<16384xf32, #tpu.memory_space<vmem>>, vector<16xf32>,
          %get3A_1119 = vector.shape_cast %get3A_1118 : vector<16xf32> to vector<16xf32>
          %add3A_1120 = arith.constant 768 : i32
          %add3A_1121 = arith.addi %mul3A_39, %add3A_1120 : i32
          %add3A_1122 = arith.constant 112 : i32
          %add3A_1123 = arith.addi %add3A_1121, %add3A_1122 : i32
          %get3A_1124 = arith.index_cast %add3A_1123 : i32 to index
          %get3A_1125 = tpu.vector_load %arg6[%get3A_1124] {strides = array<i32>} : memref<51200xf32, #tpu.memory_space<vmem>>, vector<16xf32>,
          %get3A_1126 = vector.shape_cast %get3A_1125 : vector<16xf32> to vector<16xf32>
          %max3A_1127 = arith.maximumf %get3A_1119, %get3A_1126 : vector<16xf32>
          %add3A_1128 = arith.constant 112 : i32
          %add3A_1129 = arith.addi %mul3A_981, %add3A_1128 : i32
          %swap3A_1130 = arith.index_cast %add3A_1129 : i32 to index
          %swap3A_1131 = tpu.vector_load %arg7[%swap3A_1130] {strides = array<i32>} : memref<16384xf32, #tpu.memory_space<vmem>>, vector<16xf32>,
          %swap3A_1132 = vector.shape_cast %swap3A_1131 : vector<16xf32> to vector<16xf32>
          %swap3A_1133 = vector.shape_cast %max3A_1127 : vector<16xf32> to vector<16xf32>
          tpu.vector_store %arg7[%swap3A_1130], %swap3A_1133 {strides = array<i32>} : memref<16384xf32, #tpu.memory_space<vmem>>, vector<16xf32>,
          %slice3A_1134 = vector.extract_strided_slice %get3A_35 {offsets = [7], sizes = [1], strides = [1]} : vector<16xi32> to vector<1xi32>
          %squeeze3A_1135 = vector.extract %slice3A_1134[0] : i32 from vector<1xi32>
          %mul3A_1136 = arith.constant 128 : i32
          %mul3A_1137 = arith.muli %squeeze3A_1135, %mul3A_1136 : i32
          %add3A_1138 = arith.constant 0 : i32
          %add3A_1139 = arith.addi %mul3A_1137, %add3A_1138 : i32
          %get3A_1140 = arith.index_cast %add3A_1139 : i32 to index
          %get3A_1141 = tpu.vector_load %arg7[%get3A_1140] {strides = array<i32>} : memref<16384xf32, #tpu.memory_space<vmem>>, vector<16xf32>,
          %get3A_1142 = vector.shape_cast %get3A_1141 : vector<16xf32> to vector<16xf32>
          %add3A_1143 = arith.constant 896 : i32
          %add3A_1144 = arith.addi %mul3A_39, %add3A_1143 : i32
          %add3A_1145 = arith.constant 0 : i32
          %add3A_1146 = arith.addi %add3A_1144, %add3A_1145 : i32
          %get3A_1147 = arith.index_cast %add3A_1146 : i32 to index
          %get3A_1148 = tpu.vector_load %arg6[%get3A_1147] {strides = array<i32>} : memref<51200xf32, #tpu.memory_space<vmem>>, vector<16xf32>,
          %get3A_1149 = vector.shape_cast %get3A_1148 : vector<16xf32> to vector<16xf32>
          %max3A_1150 = arith.maximumf %get3A_1142, %get3A_1149 : vector<16xf32>
          %add3A_1151 = arith.constant 0 : i32
          %add3A_1152 = arith.addi %mul3A_1137, %add3A_1151 : i32
          %swap3A_1153 = arith.index_cast %add3A_1152 : i32 to index
          %swap3A_1154 = tpu.vector_load %arg7[%swap3A_1153] {strides = array<i32>} : memref<16384xf32, #tpu.memory_space<vmem>>, vector<16xf32>,
          %swap3A_1155 = vector.shape_cast %swap3A_1154 : vector<16xf32> to vector<16xf32>
          %swap3A_1156 = vector.shape_cast %max3A_1150 : vector<16xf32> to vector<16xf32>
          tpu.vector_store %arg7[%swap3A_1153], %swap3A_1156 {strides = array<i32>} : memref<16384xf32, #tpu.memory_space<vmem>>, vector<16xf32>,
          %add3A_1157 = arith.constant 16 : i32
          %add3A_1158 = arith.addi %mul3A_1137, %add3A_1157 : i32
          %get3A_1159 = arith.index_cast %add3A_1158 : i32 to index
          %get3A_1160 = tpu.vector_load %arg7[%get3A_1159] {strides = array<i32>} : memref<16384xf32, #tpu.memory_space<vmem>>, vector<16xf32>,
          %get3A_1161 = vector.shape_cast %get3A_1160 : vector<16xf32> to vector<16xf32>
          %add3A_1162 = arith.constant 896 : i32
          %add3A_1163 = arith.addi %mul3A_39, %add3A_1162 : i32
          %add3A_1164 = arith.constant 16 : i32
          %add3A_1165 = arith.addi %add3A_1163, %add3A_1164 : i32
          %get3A_1166 = arith.index_cast %add3A_1165 : i32 to index
          %get3A_1167 = tpu.vector_load %arg6[%get3A_1166] {strides = array<i32>} : memref<51200xf32, #tpu.memory_space<vmem>>, vector<16xf32>,
          %get3A_1168 = vector.shape_cast %get3A_1167 : vector<16xf32> to vector<16xf32>
          %max3A_1169 = arith.maximumf %get3A_1161, %get3A_1168 : vector<16xf32>
          %add3A_1170 = arith.constant 16 : i32
          %add3A_1171 = arith.addi %mul3A_1137, %add3A_1170 : i32
          %swap3A_1172 = arith.index_cast %add3A_1171 : i32 to index
          %swap3A_1173 = tpu.vector_load %arg7[%swap3A_1172] {strides = array<i32>} : memref<16384xf32, #tpu.memory_space<vmem>>, vector<16xf32>,
          %swap3A_1174 = vector.shape_cast %swap3A_1173 : vector<16xf32> to vector<16xf32>
          %swap3A_1175 = vector.shape_cast %max3A_1169 : vector<16xf32> to vector<16xf32>
          tpu.vector_store %arg7[%swap3A_1172], %swap3A_1175 {strides = array<i32>} : memref<16384xf32, #tpu.memory_space<vmem>>, vector<16xf32>,
          %add3A_1176 = arith.constant 32 : i32
          %add3A_1177 = arith.addi %mul3A_1137, %add3A_1176 : i32
          %get3A_1178 = arith.index_cast %add3A_1177 : i32 to index
          %get3A_1179 = tpu.vector_load %arg7[%get3A_1178] {strides = array<i32>} : memref<16384xf32, #tpu.memory_space<vmem>>, vector<16xf32>,
          %get3A_1180 = vector.shape_cast %get3A_1179 : vector<16xf32> to vector<16xf32>
          %add3A_1181 = arith.constant 896 : i32
          %add3A_1182 = arith.addi %mul3A_39, %add3A_1181 : i32
          %add3A_1183 = arith.constant 32 : i32
          %add3A_1184 = arith.addi %add3A_1182, %add3A_1183 : i32
          %get3A_1185 = arith.index_cast %add3A_1184 : i32 to index
          %get3A_1186 = tpu.vector_load %arg6[%get3A_1185] {strides = array<i32>} : memref<51200xf32, #tpu.memory_space<vmem>>, vector<16xf32>,
          %get3A_1187 = vector.shape_cast %get3A_1186 : vector<16xf32> to vector<16xf32>
          %max3A_1188 = arith.maximumf %get3A_1180, %get3A_1187 : vector<16xf32>
          %add3A_1189 = arith.constant 32 : i32
          %add3A_1190 = arith.addi %mul3A_1137, %add3A_1189 : i32
          %swap3A_1191 = arith.index_cast %add3A_1190 : i32 to index
          %swap3A_1192 = tpu.vector_load %arg7[%swap3A_1191] {strides = array<i32>} : memref<16384xf32, #tpu.memory_space<vmem>>, vector<16xf32>,
          %swap3A_1193 = vector.shape_cast %swap3A_1192 : vector<16xf32> to vector<16xf32>
          %swap3A_1194 = vector.shape_cast %max3A_1188 : vector<16xf32> to vector<16xf32>
          tpu.vector_store %arg7[%swap3A_1191], %swap3A_1194 {strides = array<i32>} : memref<16384xf32, #tpu.memory_space<vmem>>, vector<16xf32>,
          %add3A_1195 = arith.constant 48 : i32
          %add3A_1196 = arith.addi %mul3A_1137, %add3A_1195 : i32
          %get3A_1197 = arith.index_cast %add3A_1196 : i32 to index
          %get3A_1198 = tpu.vector_load %arg7[%get3A_1197] {strides = array<i32>} : memref<16384xf32, #tpu.memory_space<vmem>>, vector<16xf32>,
          %get3A_1199 = vector.shape_cast %get3A_1198 : vector<16xf32> to vector<16xf32>
          %add3A_1200 = arith.constant 896 : i32
          %add3A_1201 = arith.addi %mul3A_39, %add3A_1200 : i32
          %add3A_1202 = arith.constant 48 : i32
          %add3A_1203 = arith.addi %add3A_1201, %add3A_1202 : i32
          %get3A_1204 = arith.index_cast %add3A_1203 : i32 to index
          %get3A_1205 = tpu.vector_load %arg6[%get3A_1204] {strides = array<i32>} : memref<51200xf32, #tpu.memory_space<vmem>>, vector<16xf32>,
          %get3A_1206 = vector.shape_cast %get3A_1205 : vector<16xf32> to vector<16xf32>
          %max3A_1207 = arith.maximumf %get3A_1199, %get3A_1206 : vector<16xf32>
          %add3A_1208 = arith.constant 48 : i32
          %add3A_1209 = arith.addi %mul3A_1137, %add3A_1208 : i32
          %swap3A_1210 = arith.index_cast %add3A_1209 : i32 to index
          %swap3A_1211 = tpu.vector_load %arg7[%swap3A_1210] {strides = array<i32>} : memref<16384xf32, #tpu.memory_space<vmem>>, vector<16xf32>,
          %swap3A_1212 = vector.shape_cast %swap3A_1211 : vector<16xf32> to vector<16xf32>
          %swap3A_1213 = vector.shape_cast %max3A_1207 : vector<16xf32> to vector<16xf32>
          tpu.vector_store %arg7[%swap3A_1210], %swap3A_1213 {strides = array<i32>} : memref<16384xf32, #tpu.memory_space<vmem>>, vector<16xf32>,
          %add3A_1214 = arith.constant 64 : i32
          %add3A_1215 = arith.addi %mul3A_1137, %add3A_1214 : i32
          %get3A_1216 = arith.index_cast %add3A_1215 : i32 to index
          %get3A_1217 = tpu.vector_load %arg7[%get3A_1216] {strides = array<i32>} : memref<16384xf32, #tpu.memory_space<vmem>>, vector<16xf32>,
          %get3A_1218 = vector.shape_cast %get3A_1217 : vector<16xf32> to vector<16xf32>
          %add3A_1219 = arith.constant 896 : i32
          %add3A_1220 = arith.addi %mul3A_39, %add3A_1219 : i32
          %add3A_1221 = arith.constant 64 : i32
          %add3A_1222 = arith.addi %add3A_1220, %add3A_1221 : i32
          %get3A_1223 = arith.index_cast %add3A_1222 : i32 to index
          %get3A_1224 = tpu.vector_load %arg6[%get3A_1223] {strides = array<i32>} : memref<51200xf32, #tpu.memory_space<vmem>>, vector<16xf32>,
          %get3A_1225 = vector.shape_cast %get3A_1224 : vector<16xf32> to vector<16xf32>
          %max3A_1226 = arith.maximumf %get3A_1218, %get3A_1225 : vector<16xf32>
          %add3A_1227 = arith.constant 64 : i32
          %add3A_1228 = arith.addi %mul3A_1137, %add3A_1227 : i32
          %swap3A_1229 = arith.index_cast %add3A_1228 : i32 to index
          %swap3A_1230 = tpu.vector_load %arg7[%swap3A_1229] {strides = array<i32>} : memref<16384xf32, #tpu.memory_space<vmem>>, vector<16xf32>,
          %swap3A_1231 = vector.shape_cast %swap3A_1230 : vector<16xf32> to vector<16xf32>
          %swap3A_1232 = vector.shape_cast %max3A_1226 : vector<16xf32> to vector<16xf32>
          tpu.vector_store %arg7[%swap3A_1229], %swap3A_1232 {strides = array<i32>} : memref<16384xf32, #tpu.memory_space<vmem>>, vector<16xf32>,
          %add3A_1233 = arith.constant 80 : i32
          %add3A_1234 = arith.addi %mul3A_1137, %add3A_1233 : i32
          %get3A_1235 = arith.index_cast %add3A_1234 : i32 to index
          %get3A_1236 = tpu.vector_load %arg7[%get3A_1235] {strides = array<i32>} : memref<16384xf32, #tpu.memory_space<vmem>>, vector<16xf32>,
          %get3A_1237 = vector.shape_cast %get3A_1236 : vector<16xf32> to vector<16xf32>
          %add3A_1238 = arith.constant 896 : i32
          %add3A_1239 = arith.addi %mul3A_39, %add3A_1238 : i32
          %add3A_1240 = arith.constant 80 : i32
          %add3A_1241 = arith.addi %add3A_1239, %add3A_1240 : i32
          %get3A_1242 = arith.index_cast %add3A_1241 : i32 to index
          %get3A_1243 = tpu.vector_load %arg6[%get3A_1242] {strides = array<i32>} : memref<51200xf32, #tpu.memory_space<vmem>>, vector<16xf32>,
          %get3A_1244 = vector.shape_cast %get3A_1243 : vector<16xf32> to vector<16xf32>
          %max3A_1245 = arith.maximumf %get3A_1237, %get3A_1244 : vector<16xf32>
          %add3A_1246 = arith.constant 80 : i32
          %add3A_1247 = arith.addi %mul3A_1137, %add3A_1246 : i32
          %swap3A_1248 = arith.index_cast %add3A_1247 : i32 to index
          %swap3A_1249 = tpu.vector_load %arg7[%swap3A_1248] {strides = array<i32>} : memref<16384xf32, #tpu.memory_space<vmem>>, vector<16xf32>,
          %swap3A_1250 = vector.shape_cast %swap3A_1249 : vector<16xf32> to vector<16xf32>
          %swap3A_1251 = vector.shape_cast %max3A_1245 : vector<16xf32> to vector<16xf32>
          tpu.vector_store %arg7[%swap3A_1248], %swap3A_1251 {strides = array<i32>} : memref<16384xf32, #tpu.memory_space<vmem>>, vector<16xf32>,
          %add3A_1252 = arith.constant 96 : i32
          %add3A_1253 = arith.addi %mul3A_1137, %add3A_1252 : i32
          %get3A_1254 = arith.index_cast %add3A_1253 : i32 to index
          %get3A_1255 = tpu.vector_load %arg7[%get3A_1254] {strides = array<i32>} : memref<16384xf32, #tpu.memory_space<vmem>>, vector<16xf32>,
          %get3A_1256 = vector.shape_cast %get3A_1255 : vector<16xf32> to vector<16xf32>
          %add3A_1257 = arith.constant 896 : i32
          %add3A_1258 = arith.addi %mul3A_39, %add3A_1257 : i32
          %add3A_1259 = arith.constant 96 : i32
          %add3A_1260 = arith.addi %add3A_1258, %add3A_1259 : i32
          %get3A_1261 = arith.index_cast %add3A_1260 : i32 to index
          %get3A_1262 = tpu.vector_load %arg6[%get3A_1261] {strides = array<i32>} : memref<51200xf32, #tpu.memory_space<vmem>>, vector<16xf32>,
          %get3A_1263 = vector.shape_cast %get3A_1262 : vector<16xf32> to vector<16xf32>
          %max3A_1264 = arith.maximumf %get3A_1256, %get3A_1263 : vector<16xf32>
          %add3A_1265 = arith.constant 96 : i32
          %add3A_1266 = arith.addi %mul3A_1137, %add3A_1265 : i32
          %swap3A_1267 = arith.index_cast %add3A_1266 : i32 to index
          %swap3A_1268 = tpu.vector_load %arg7[%swap3A_1267] {strides = array<i32>} : memref<16384xf32, #tpu.memory_space<vmem>>, vector<16xf32>,
          %swap3A_1269 = vector.shape_cast %swap3A_1268 : vector<16xf32> to vector<16xf32>
          %swap3A_1270 = vector.shape_cast %max3A_1264 : vector<16xf32> to vector<16xf32>
          tpu.vector_store %arg7[%swap3A_1267], %swap3A_1270 {strides = array<i32>} : memref<16384xf32, #tpu.memory_space<vmem>>, vector<16xf32>,
          %add3A_1271 = arith.constant 112 : i32
          %add3A_1272 = arith.addi %mul3A_1137, %add3A_1271 : i32
          %get3A_1273 = arith.index_cast %add3A_1272 : i32 to index
          %get3A_1274 = tpu.vector_load %arg7[%get3A_1273] {strides = array<i32>} : memref<16384xf32, #tpu.memory_space<vmem>>, vector<16xf32>,
          %get3A_1275 = vector.shape_cast %get3A_1274 : vector<16xf32> to vector<16xf32>
          %add3A_1276 = arith.constant 896 : i32
          %add3A_1277 = arith.addi %mul3A_39, %add3A_1276 : i32
          %add3A_1278 = arith.constant 112 : i32
          %add3A_1279 = arith.addi %add3A_1277, %add3A_1278 : i32
          %get3A_1280 = arith.index_cast %add3A_1279 : i32 to index
          %get3A_1281 = tpu.vector_load %arg6[%get3A_1280] {strides = array<i32>} : memref<51200xf32, #tpu.memory_space<vmem>>, vector<16xf32>,
          %get3A_1282 = vector.shape_cast %get3A_1281 : vector<16xf32> to vector<16xf32>
          %max3A_1283 = arith.maximumf %get3A_1275, %get3A_1282 : vector<16xf32>
          %add3A_1284 = arith.constant 112 : i32
          %add3A_1285 = arith.addi %mul3A_1137, %add3A_1284 : i32
          %swap3A_1286 = arith.index_cast %add3A_1285 : i32 to index
          %swap3A_1287 = tpu.vector_load %arg7[%swap3A_1286] {strides = array<i32>} : memref<16384xf32, #tpu.memory_space<vmem>>, vector<16xf32>,
          %swap3A_1288 = vector.shape_cast %swap3A_1287 : vector<16xf32> to vector<16xf32>
          %swap3A_1289 = vector.shape_cast %max3A_1283 : vector<16xf32> to vector<16xf32>
          tpu.vector_store %arg7[%swap3A_1286], %swap3A_1289 {strides = array<i32>} : memref<16384xf32, #tpu.memory_space<vmem>>, vector<16xf32>,
          %slice3A_1290 = vector.extract_strided_slice %get3A_35 {offsets = [8], sizes = [1], strides = [1]} : vector<16xi32> to vector<1xi32>
          %squeeze3A_1291 = vector.extract %slice3A_1290[0] : i32 from vector<1xi32>
          %mul3A_1292 = arith.constant 128 : i32
          %mul3A_1293 = arith.muli %squeeze3A_1291, %mul3A_1292 : i32
          %add3A_1294 = arith.constant 0 : i32
          %add3A_1295 = arith.addi %mul3A_1293, %add3A_1294 : i32
          %get3A_1296 = arith.index_cast %add3A_1295 : i32 to index
          %get3A_1297 = tpu.vector_load %arg7[%get3A_1296] {strides = array<i32>} : memref<16384xf32, #tpu.memory_space<vmem>>, vector<16xf32>,
          %get3A_1298 = vector.shape_cast %get3A_1297 : vector<16xf32> to vector<16xf32>
          %add3A_1299 = arith.constant 1024 : i32
          %add3A_1300 = arith.addi %mul3A_39, %add3A_1299 : i32
          %add3A_1301 = arith.constant 0 : i32
          %add3A_1302 = arith.addi %add3A_1300, %add3A_1301 : i32
          %get3A_1303 = arith.index_cast %add3A_1302 : i32 to index
          %get3A_1304 = tpu.vector_load %arg6[%get3A_1303] {strides = array<i32>} : memref<51200xf32, #tpu.memory_space<vmem>>, vector<16xf32>,
          %get3A_1305 = vector.shape_cast %get3A_1304 : vector<16xf32> to vector<16xf32>
          %max3A_1306 = arith.maximumf %get3A_1298, %get3A_1305 : vector<16xf32>
          %add3A_1307 = arith.constant 0 : i32
          %add3A_1308 = arith.addi %mul3A_1293, %add3A_1307 : i32
          %swap3A_1309 = arith.index_cast %add3A_1308 : i32 to index
          %swap3A_1310 = tpu.vector_load %arg7[%swap3A_1309] {strides = array<i32>} : memref<16384xf32, #tpu.memory_space<vmem>>, vector<16xf32>,
          %swap3A_1311 = vector.shape_cast %swap3A_1310 : vector<16xf32> to vector<16xf32>
          %swap3A_1312 = vector.shape_cast %max3A_1306 : vector<16xf32> to vector<16xf32>
          tpu.vector_store %arg7[%swap3A_1309], %swap3A_1312 {strides = array<i32>} : memref<16384xf32, #tpu.memory_space<vmem>>, vector<16xf32>,
          %add3A_1313 = arith.constant 16 : i32
          %add3A_1314 = arith.addi %mul3A_1293, %add3A_1313 : i32
          %get3A_1315 = arith.index_cast %add3A_1314 : i32 to index
          %get3A_1316 = tpu.vector_load %arg7[%get3A_1315] {strides = array<i32>} : memref<16384xf32, #tpu.memory_space<vmem>>, vector<16xf32>,
          %get3A_1317 = vector.shape_cast %get3A_1316 : vector<16xf32> to vector<16xf32>
          %add3A_1318 = arith.constant 1024 : i32
          %add3A_1319 = arith.addi %mul3A_39, %add3A_1318 : i32
          %add3A_1320 = arith.constant 16 : i32
          %add3A_1321 = arith.addi %add3A_1319, %add3A_1320 : i32
          %get3A_1322 = arith.index_cast %add3A_1321 : i32 to index
          %get3A_1323 = tpu.vector_load %arg6[%get3A_1322] {strides = array<i32>} : memref<51200xf32, #tpu.memory_space<vmem>>, vector<16xf32>,
          %get3A_1324 = vector.shape_cast %get3A_1323 : vector<16xf32> to vector<16xf32>
          %max3A_1325 = arith.maximumf %get3A_1317, %get3A_1324 : vector<16xf32>
          %add3A_1326 = arith.constant 16 : i32
          %add3A_1327 = arith.addi %mul3A_1293, %add3A_1326 : i32
          %swap3A_1328 = arith.index_cast %add3A_1327 : i32 to index
          %swap3A_1329 = tpu.vector_load %arg7[%swap3A_1328] {strides = array<i32>} : memref<16384xf32, #tpu.memory_space<vmem>>, vector<16xf32>,
          %swap3A_1330 = vector.shape_cast %swap3A_1329 : vector<16xf32> to vector<16xf32>
          %swap3A_1331 = vector.shape_cast %max3A_1325 : vector<16xf32> to vector<16xf32>
          tpu.vector_store %arg7[%swap3A_1328], %swap3A_1331 {strides = array<i32>} : memref<16384xf32, #tpu.memory_space<vmem>>, vector<16xf32>,
          %add3A_1332 = arith.constant 32 : i32
          %add3A_1333 = arith.addi %mul3A_1293, %add3A_1332 : i32
          %get3A_1334 = arith.index_cast %add3A_1333 : i32 to index
          %get3A_1335 = tpu.vector_load %arg7[%get3A_1334] {strides = array<i32>} : memref<16384xf32, #tpu.memory_space<vmem>>, vector<16xf32>,
          %get3A_1336 = vector.shape_cast %get3A_1335 : vector<16xf32> to vector<16xf32>
          %add3A_1337 = arith.constant 1024 : i32
          %add3A_1338 = arith.addi %mul3A_39, %add3A_1337 : i32
          %add3A_1339 = arith.constant 32 : i32
          %add3A_1340 = arith.addi %add3A_1338, %add3A_1339 : i32
          %get3A_1341 = arith.index_cast %add3A_1340 : i32 to index
          %get3A_1342 = tpu.vector_load %arg6[%get3A_1341] {strides = array<i32>} : memref<51200xf32, #tpu.memory_space<vmem>>, vector<16xf32>,
          %get3A_1343 = vector.shape_cast %get3A_1342 : vector<16xf32> to vector<16xf32>
          %max3A_1344 = arith.maximumf %get3A_1336, %get3A_1343 : vector<16xf32>
          %add3A_1345 = arith.constant 32 : i32
          %add3A_1346 = arith.addi %mul3A_1293, %add3A_1345 : i32
          %swap3A_1347 = arith.index_cast %add3A_1346 : i32 to index
          %swap3A_1348 = tpu.vector_load %arg7[%swap3A_1347] {strides = array<i32>} : memref<16384xf32, #tpu.memory_space<vmem>>, vector<16xf32>,
          %swap3A_1349 = vector.shape_cast %swap3A_1348 : vector<16xf32> to vector<16xf32>
          %swap3A_1350 = vector.shape_cast %max3A_1344 : vector<16xf32> to vector<16xf32>
          tpu.vector_store %arg7[%swap3A_1347], %swap3A_1350 {strides = array<i32>} : memref<16384xf32, #tpu.memory_space<vmem>>, vector<16xf32>,
          %add3A_1351 = arith.constant 48 : i32
          %add3A_1352 = arith.addi %mul3A_1293, %add3A_1351 : i32
          %get3A_1353 = arith.index_cast %add3A_1352 : i32 to index
          %get3A_1354 = tpu.vector_load %arg7[%get3A_1353] {strides = array<i32>} : memref<16384xf32, #tpu.memory_space<vmem>>, vector<16xf32>,
          %get3A_1355 = vector.shape_cast %get3A_1354 : vector<16xf32> to vector<16xf32>
          %add3A_1356 = arith.constant 1024 : i32
          %add3A_1357 = arith.addi %mul3A_39, %add3A_1356 : i32
          %add3A_1358 = arith.constant 48 : i32
          %add3A_1359 = arith.addi %add3A_1357, %add3A_1358 : i32
          %get3A_1360 = arith.index_cast %add3A_1359 : i32 to index
          %get3A_1361 = tpu.vector_load %arg6[%get3A_1360] {strides = array<i32>} : memref<51200xf32, #tpu.memory_space<vmem>>, vector<16xf32>,
          %get3A_1362 = vector.shape_cast %get3A_1361 : vector<16xf32> to vector<16xf32>
          %max3A_1363 = arith.maximumf %get3A_1355, %get3A_1362 : vector<16xf32>
          %add3A_1364 = arith.constant 48 : i32
          %add3A_1365 = arith.addi %mul3A_1293, %add3A_1364 : i32
          %swap3A_1366 = arith.index_cast %add3A_1365 : i32 to index
          %swap3A_1367 = tpu.vector_load %arg7[%swap3A_1366] {strides = array<i32>} : memref<16384xf32, #tpu.memory_space<vmem>>, vector<16xf32>,
          %swap3A_1368 = vector.shape_cast %swap3A_1367 : vector<16xf32> to vector<16xf32>
          %swap3A_1369 = vector.shape_cast %max3A_1363 : vector<16xf32> to vector<16xf32>
          tpu.vector_store %arg7[%swap3A_1366], %swap3A_1369 {strides = array<i32>} : memref<16384xf32, #tpu.memory_space<vmem>>, vector<16xf32>,
          %add3A_1370 = arith.constant 64 : i32
          %add3A_1371 = arith.addi %mul3A_1293, %add3A_1370 : i32
          %get3A_1372 = arith.index_cast %add3A_1371 : i32 to index
          %get3A_1373 = tpu.vector_load %arg7[%get3A_1372] {strides = array<i32>} : memref<16384xf32, #tpu.memory_space<vmem>>, vector<16xf32>,
          %get3A_1374 = vector.shape_cast %get3A_1373 : vector<16xf32> to vector<16xf32>
          %add3A_1375 = arith.constant 1024 : i32
          %add3A_1376 = arith.addi %mul3A_39, %add3A_1375 : i32
          %add3A_1377 = arith.constant 64 : i32
          %add3A_1378 = arith.addi %add3A_1376, %add3A_1377 : i32
          %get3A_1379 = arith.index_cast %add3A_1378 : i32 to index
          %get3A_1380 = tpu.vector_load %arg6[%get3A_1379] {strides = array<i32>} : memref<51200xf32, #tpu.memory_space<vmem>>, vector<16xf32>,
          %get3A_1381 = vector.shape_cast %get3A_1380 : vector<16xf32> to vector<16xf32>
          %max3A_1382 = arith.maximumf %get3A_1374, %get3A_1381 : vector<16xf32>
          %add3A_1383 = arith.constant 64 : i32
          %add3A_1384 = arith.addi %mul3A_1293, %add3A_1383 : i32
          %swap3A_1385 = arith.index_cast %add3A_1384 : i32 to index
          %swap3A_1386 = tpu.vector_load %arg7[%swap3A_1385] {strides = array<i32>} : memref<16384xf32, #tpu.memory_space<vmem>>, vector<16xf32>,
          %swap3A_1387 = vector.shape_cast %swap3A_1386 : vector<16xf32> to vector<16xf32>
          %swap3A_1388 = vector.shape_cast %max3A_1382 : vector<16xf32> to vector<16xf32>
          tpu.vector_store %arg7[%swap3A_1385], %swap3A_1388 {strides = array<i32>} : memref<16384xf32, #tpu.memory_space<vmem>>, vector<16xf32>,
          %add3A_1389 = arith.constant 80 : i32
          %add3A_1390 = arith.addi %mul3A_1293, %add3A_1389 : i32
          %get3A_1391 = arith.index_cast %add3A_1390 : i32 to index
          %get3A_1392 = tpu.vector_load %arg7[%get3A_1391] {strides = array<i32>} : memref<16384xf32, #tpu.memory_space<vmem>>, vector<16xf32>,
          %get3A_1393 = vector.shape_cast %get3A_1392 : vector<16xf32> to vector<16xf32>
          %add3A_1394 = arith.constant 1024 : i32
          %add3A_1395 = arith.addi %mul3A_39, %add3A_1394 : i32
          %add3A_1396 = arith.constant 80 : i32
          %add3A_1397 = arith.addi %add3A_1395, %add3A_1396 : i32
          %get3A_1398 = arith.index_cast %add3A_1397 : i32 to index
          %get3A_1399 = tpu.vector_load %arg6[%get3A_1398] {strides = array<i32>} : memref<51200xf32, #tpu.memory_space<vmem>>, vector<16xf32>,
          %get3A_1400 = vector.shape_cast %get3A_1399 : vector<16xf32> to vector<16xf32>
          %max3A_1401 = arith.maximumf %get3A_1393, %get3A_1400 : vector<16xf32>
          %add3A_1402 = arith.constant 80 : i32
          %add3A_1403 = arith.addi %mul3A_1293, %add3A_1402 : i32
          %swap3A_1404 = arith.index_cast %add3A_1403 : i32 to index
          %swap3A_1405 = tpu.vector_load %arg7[%swap3A_1404] {strides = array<i32>} : memref<16384xf32, #tpu.memory_space<vmem>>, vector<16xf32>,
          %swap3A_1406 = vector.shape_cast %swap3A_1405 : vector<16xf32> to vector<16xf32>
          %swap3A_1407 = vector.shape_cast %max3A_1401 : vector<16xf32> to vector<16xf32>
          tpu.vector_store %arg7[%swap3A_1404], %swap3A_1407 {strides = array<i32>} : memref<16384xf32, #tpu.memory_space<vmem>>, vector<16xf32>,
          %add3A_1408 = arith.constant 96 : i32
          %add3A_1409 = arith.addi %mul3A_1293, %add3A_1408 : i32
          %get3A_1410 = arith.index_cast %add3A_1409 : i32 to index
          %get3A_1411 = tpu.vector_load %arg7[%get3A_1410] {strides = array<i32>} : memref<16384xf32, #tpu.memory_space<vmem>>, vector<16xf32>,
          %get3A_1412 = vector.shape_cast %get3A_1411 : vector<16xf32> to vector<16xf32>
          %add3A_1413 = arith.constant 1024 : i32
          %add3A_1414 = arith.addi %mul3A_39, %add3A_1413 : i32
          %add3A_1415 = arith.constant 96 : i32
          %add3A_1416 = arith.addi %add3A_1414, %add3A_1415 : i32
          %get3A_1417 = arith.index_cast %add3A_1416 : i32 to index
          %get3A_1418 = tpu.vector_load %arg6[%get3A_1417] {strides = array<i32>} : memref<51200xf32, #tpu.memory_space<vmem>>, vector<16xf32>,
          %get3A_1419 = vector.shape_cast %get3A_1418 : vector<16xf32> to vector<16xf32>
          %max3A_1420 = arith.maximumf %get3A_1412, %get3A_1419 : vector<16xf32>
          %add3A_1421 = arith.constant 96 : i32
          %add3A_1422 = arith.addi %mul3A_1293, %add3A_1421 : i32
          %swap3A_1423 = arith.index_cast %add3A_1422 : i32 to index
          %swap3A_1424 = tpu.vector_load %arg7[%swap3A_1423] {strides = array<i32>} : memref<16384xf32, #tpu.memory_space<vmem>>, vector<16xf32>,
          %swap3A_1425 = vector.shape_cast %swap3A_1424 : vector<16xf32> to vector<16xf32>
          %swap3A_1426 = vector.shape_cast %max3A_1420 : vector<16xf32> to vector<16xf32>
          tpu.vector_store %arg7[%swap3A_1423], %swap3A_1426 {strides = array<i32>} : memref<16384xf32, #tpu.memory_space<vmem>>, vector<16xf32>,
          %add3A_1427 = arith.constant 112 : i32
          %add3A_1428 = arith.addi %mul3A_1293, %add3A_1427 : i32
          %get3A_1429 = arith.index_cast %add3A_1428 : i32 to index
          %get3A_1430 = tpu.vector_load %arg7[%get3A_1429] {strides = array<i32>} : memref<16384xf32, #tpu.memory_space<vmem>>, vector<16xf32>,
          %get3A_1431 = vector.shape_cast %get3A_1430 : vector<16xf32> to vector<16xf32>
          %add3A_1432 = arith.constant 1024 : i32
          %add3A_1433 = arith.addi %mul3A_39, %add3A_1432 : i32
          %add3A_1434 = arith.constant 112 : i32
          %add3A_1435 = arith.addi %add3A_1433, %add3A_1434 : i32
          %get3A_1436 = arith.index_cast %add3A_1435 : i32 to index
          %get3A_1437 = tpu.vector_load %arg6[%get3A_1436] {strides = array<i32>} : memref<51200xf32, #tpu.memory_space<vmem>>, vector<16xf32>,
          %get3A_1438 = vector.shape_cast %get3A_1437 : vector<16xf32> to vector<16xf32>
          %max3A_1439 = arith.maximumf %get3A_1431, %get3A_1438 : vector<16xf32>
          %add3A_1440 = arith.constant 112 : i32
          %add3A_1441 = arith.addi %mul3A_1293, %add3A_1440 : i32
          %swap3A_1442 = arith.index_cast %add3A_1441 : i32 to index
          %swap3A_1443 = tpu.vector_load %arg7[%swap3A_1442] {strides = array<i32>} : memref<16384xf32, #tpu.memory_space<vmem>>, vector<16xf32>,
          %swap3A_1444 = vector.shape_cast %swap3A_1443 : vector<16xf32> to vector<16xf32>
          %swap3A_1445 = vector.shape_cast %max3A_1439 : vector<16xf32> to vector<16xf32>
          tpu.vector_store %arg7[%swap3A_1442], %swap3A_1445 {strides = array<i32>} : memref<16384xf32, #tpu.memory_space<vmem>>, vector<16xf32>,
          %slice3A_1446 = vector.extract_strided_slice %get3A_35 {offsets = [9], sizes = [1], strides = [1]} : vector<16xi32> to vector<1xi32>
          %squeeze3A_1447 = vector.extract %slice3A_1446[0] : i32 from vector<1xi32>
          %mul3A_1448 = arith.constant 128 : i32
          %mul3A_1449 = arith.muli %squeeze3A_1447, %mul3A_1448 : i32
          %add3A_1450 = arith.constant 0 : i32
          %add3A_1451 = arith.addi %mul3A_1449, %add3A_1450 : i32
          %get3A_1452 = arith.index_cast %add3A_1451 : i32 to index
          %get3A_1453 = tpu.vector_load %arg7[%get3A_1452] {strides = array<i32>} : memref<16384xf32, #tpu.memory_space<vmem>>, vector<16xf32>,
          %get3A_1454 = vector.shape_cast %get3A_1453 : vector<16xf32> to vector<16xf32>
          %add3A_1455 = arith.constant 1152 : i32
          %add3A_1456 = arith.addi %mul3A_39, %add3A_1455 : i32
          %add3A_1457 = arith.constant 0 : i32
          %add3A_1458 = arith.addi %add3A_1456, %add3A_1457 : i32
          %get3A_1459 = arith.index_cast %add3A_1458 : i32 to index
          %get3A_1460 = tpu.vector_load %arg6[%get3A_1459] {strides = array<i32>} : memref<51200xf32, #tpu.memory_space<vmem>>, vector<16xf32>,
          %get3A_1461 = vector.shape_cast %get3A_1460 : vector<16xf32> to vector<16xf32>
          %max3A_1462 = arith.maximumf %get3A_1454, %get3A_1461 : vector<16xf32>
          %add3A_1463 = arith.constant 0 : i32
          %add3A_1464 = arith.addi %mul3A_1449, %add3A_1463 : i32
          %swap3A_1465 = arith.index_cast %add3A_1464 : i32 to index
          %swap3A_1466 = tpu.vector_load %arg7[%swap3A_1465] {strides = array<i32>} : memref<16384xf32, #tpu.memory_space<vmem>>, vector<16xf32>,
          %swap3A_1467 = vector.shape_cast %swap3A_1466 : vector<16xf32> to vector<16xf32>
          %swap3A_1468 = vector.shape_cast %max3A_1462 : vector<16xf32> to vector<16xf32>
          tpu.vector_store %arg7[%swap3A_1465], %swap3A_1468 {strides = array<i32>} : memref<16384xf32, #tpu.memory_space<vmem>>, vector<16xf32>,
          %add3A_1469 = arith.constant 16 : i32
          %add3A_1470 = arith.addi %mul3A_1449, %add3A_1469 : i32
          %get3A_1471 = arith.index_cast %add3A_1470 : i32 to index
          %get3A_1472 = tpu.vector_load %arg7[%get3A_1471] {strides = array<i32>} : memref<16384xf32, #tpu.memory_space<vmem>>, vector<16xf32>,
          %get3A_1473 = vector.shape_cast %get3A_1472 : vector<16xf32> to vector<16xf32>
          %add3A_1474 = arith.constant 1152 : i32
          %add3A_1475 = arith.addi %mul3A_39, %add3A_1474 : i32
          %add3A_1476 = arith.constant 16 : i32
          %add3A_1477 = arith.addi %add3A_1475, %add3A_1476 : i32
          %get3A_1478 = arith.index_cast %add3A_1477 : i32 to index
          %get3A_1479 = tpu.vector_load %arg6[%get3A_1478] {strides = array<i32>} : memref<51200xf32, #tpu.memory_space<vmem>>, vector<16xf32>,
          %get3A_1480 = vector.shape_cast %get3A_1479 : vector<16xf32> to vector<16xf32>
          %max3A_1481 = arith.maximumf %get3A_1473, %get3A_1480 : vector<16xf32>
          %add3A_1482 = arith.constant 16 : i32
          %add3A_1483 = arith.addi %mul3A_1449, %add3A_1482 : i32
          %swap3A_1484 = arith.index_cast %add3A_1483 : i32 to index
          %swap3A_1485 = tpu.vector_load %arg7[%swap3A_1484] {strides = array<i32>} : memref<16384xf32, #tpu.memory_space<vmem>>, vector<16xf32>,
          %swap3A_1486 = vector.shape_cast %swap3A_1485 : vector<16xf32> to vector<16xf32>
          %swap3A_1487 = vector.shape_cast %max3A_1481 : vector<16xf32> to vector<16xf32>
          tpu.vector_store %arg7[%swap3A_1484], %swap3A_1487 {strides = array<i32>} : memref<16384xf32, #tpu.memory_space<vmem>>, vector<16xf32>,
          %add3A_1488 = arith.constant 32 : i32
          %add3A_1489 = arith.addi %mul3A_1449, %add3A_1488 : i32
          %get3A_1490 = arith.index_cast %add3A_1489 : i32 to index
          %get3A_1491 = tpu.vector_load %arg7[%get3A_1490] {strides = array<i32>} : memref<16384xf32, #tpu.memory_space<vmem>>, vector<16xf32>,
          %get3A_1492 = vector.shape_cast %get3A_1491 : vector<16xf32> to vector<16xf32>
          %add3A_1493 = arith.constant 1152 : i32
          %add3A_1494 = arith.addi %mul3A_39, %add3A_1493 : i32
          %add3A_1495 = arith.constant 32 : i32
          %add3A_1496 = arith.addi %add3A_1494, %add3A_1495 : i32
          %get3A_1497 = arith.index_cast %add3A_1496 : i32 to index
          %get3A_1498 = tpu.vector_load %arg6[%get3A_1497] {strides = array<i32>} : memref<51200xf32, #tpu.memory_space<vmem>>, vector<16xf32>,
          %get3A_1499 = vector.shape_cast %get3A_1498 : vector<16xf32> to vector<16xf32>
          %max3A_1500 = arith.maximumf %get3A_1492, %get3A_1499 : vector<16xf32>
          %add3A_1501 = arith.constant 32 : i32
          %add3A_1502 = arith.addi %mul3A_1449, %add3A_1501 : i32
          %swap3A_1503 = arith.index_cast %add3A_1502 : i32 to index
          %swap3A_1504 = tpu.vector_load %arg7[%swap3A_1503] {strides = array<i32>} : memref<16384xf32, #tpu.memory_space<vmem>>, vector<16xf32>,
          %swap3A_1505 = vector.shape_cast %swap3A_1504 : vector<16xf32> to vector<16xf32>
          %swap3A_1506 = vector.shape_cast %max3A_1500 : vector<16xf32> to vector<16xf32>
          tpu.vector_store %arg7[%swap3A_1503], %swap3A_1506 {strides = array<i32>} : memref<16384xf32, #tpu.memory_space<vmem>>, vector<16xf32>,
          %add3A_1507 = arith.constant 48 : i32
          %add3A_1508 = arith.addi %mul3A_1449, %add3A_1507 : i32
          %get3A_1509 = arith.index_cast %add3A_1508 : i32 to index
          %get3A_1510 = tpu.vector_load %arg7[%get3A_1509] {strides = array<i32>} : memref<16384xf32, #tpu.memory_space<vmem>>, vector<16xf32>,
          %get3A_1511 = vector.shape_cast %get3A_1510 : vector<16xf32> to vector<16xf32>
          %add3A_1512 = arith.constant 1152 : i32
          %add3A_1513 = arith.addi %mul3A_39, %add3A_1512 : i32
          %add3A_1514 = arith.constant 48 : i32
          %add3A_1515 = arith.addi %add3A_1513, %add3A_1514 : i32
          %get3A_1516 = arith.index_cast %add3A_1515 : i32 to index
          %get3A_1517 = tpu.vector_load %arg6[%get3A_1516] {strides = array<i32>} : memref<51200xf32, #tpu.memory_space<vmem>>, vector<16xf32>,
          %get3A_1518 = vector.shape_cast %get3A_1517 : vector<16xf32> to vector<16xf32>
          %max3A_1519 = arith.maximumf %get3A_1511, %get3A_1518 : vector<16xf32>
          %add3A_1520 = arith.constant 48 : i32
          %add3A_1521 = arith.addi %mul3A_1449, %add3A_1520 : i32
          %swap3A_1522 = arith.index_cast %add3A_1521 : i32 to index
          %swap3A_1523 = tpu.vector_load %arg7[%swap3A_1522] {strides = array<i32>} : memref<16384xf32, #tpu.memory_space<vmem>>, vector<16xf32>,
          %swap3A_1524 = vector.shape_cast %swap3A_1523 : vector<16xf32> to vector<16xf32>
          %swap3A_1525 = vector.shape_cast %max3A_1519 : vector<16xf32> to vector<16xf32>
          tpu.vector_store %arg7[%swap3A_1522], %swap3A_1525 {strides = array<i32>} : memref<16384xf32, #tpu.memory_space<vmem>>, vector<16xf32>,
          %add3A_1526 = arith.constant 64 : i32
          %add3A_1527 = arith.addi %mul3A_1449, %add3A_1526 : i32
          %get3A_1528 = arith.index_cast %add3A_1527 : i32 to index
          %get3A_1529 = tpu.vector_load %arg7[%get3A_1528] {strides = array<i32>} : memref<16384xf32, #tpu.memory_space<vmem>>, vector<16xf32>,
          %get3A_1530 = vector.shape_cast %get3A_1529 : vector<16xf32> to vector<16xf32>
          %add3A_1531 = arith.constant 1152 : i32
          %add3A_1532 = arith.addi %mul3A_39, %add3A_1531 : i32
          %add3A_1533 = arith.constant 64 : i32
          %add3A_1534 = arith.addi %add3A_1532, %add3A_1533 : i32
          %get3A_1535 = arith.index_cast %add3A_1534 : i32 to index
          %get3A_1536 = tpu.vector_load %arg6[%get3A_1535] {strides = array<i32>} : memref<51200xf32, #tpu.memory_space<vmem>>, vector<16xf32>,
          %get3A_1537 = vector.shape_cast %get3A_1536 : vector<16xf32> to vector<16xf32>
          %max3A_1538 = arith.maximumf %get3A_1530, %get3A_1537 : vector<16xf32>
          %add3A_1539 = arith.constant 64 : i32
          %add3A_1540 = arith.addi %mul3A_1449, %add3A_1539 : i32
          %swap3A_1541 = arith.index_cast %add3A_1540 : i32 to index
          %swap3A_1542 = tpu.vector_load %arg7[%swap3A_1541] {strides = array<i32>} : memref<16384xf32, #tpu.memory_space<vmem>>, vector<16xf32>,
          %swap3A_1543 = vector.shape_cast %swap3A_1542 : vector<16xf32> to vector<16xf32>
          %swap3A_1544 = vector.shape_cast %max3A_1538 : vector<16xf32> to vector<16xf32>
          tpu.vector_store %arg7[%swap3A_1541], %swap3A_1544 {strides = array<i32>} : memref<16384xf32, #tpu.memory_space<vmem>>, vector<16xf32>,
          %add3A_1545 = arith.constant 80 : i32
          %add3A_1546 = arith.addi %mul3A_1449, %add3A_1545 : i32
          %get3A_1547 = arith.index_cast %add3A_1546 : i32 to index
          %get3A_1548 = tpu.vector_load %arg7[%get3A_1547] {strides = array<i32>} : memref<16384xf32, #tpu.memory_space<vmem>>, vector<16xf32>,
          %get3A_1549 = vector.shape_cast %get3A_1548 : vector<16xf32> to vector<16xf32>
          %add3A_1550 = arith.constant 1152 : i32
          %add3A_1551 = arith.addi %mul3A_39, %add3A_1550 : i32
          %add3A_1552 = arith.constant 80 : i32
          %add3A_1553 = arith.addi %add3A_1551, %add3A_1552 : i32
          %get3A_1554 = arith.index_cast %add3A_1553 : i32 to index
          %get3A_1555 = tpu.vector_load %arg6[%get3A_1554] {strides = array<i32>} : memref<51200xf32, #tpu.memory_space<vmem>>, vector<16xf32>,
          %get3A_1556 = vector.shape_cast %get3A_1555 : vector<16xf32> to vector<16xf32>
          %max3A_1557 = arith.maximumf %get3A_1549, %get3A_1556 : vector<16xf32>
          %add3A_1558 = arith.constant 80 : i32
          %add3A_1559 = arith.addi %mul3A_1449, %add3A_1558 : i32
          %swap3A_1560 = arith.index_cast %add3A_1559 : i32 to index
          %swap3A_1561 = tpu.vector_load %arg7[%swap3A_1560] {strides = array<i32>} : memref<16384xf32, #tpu.memory_space<vmem>>, vector<16xf32>,
          %swap3A_1562 = vector.shape_cast %swap3A_1561 : vector<16xf32> to vector<16xf32>
          %swap3A_1563 = vector.shape_cast %max3A_1557 : vector<16xf32> to vector<16xf32>
          tpu.vector_store %arg7[%swap3A_1560], %swap3A_1563 {strides = array<i32>} : memref<16384xf32, #tpu.memory_space<vmem>>, vector<16xf32>,
          %add3A_1564 = arith.constant 96 : i32
          %add3A_1565 = arith.addi %mul3A_1449, %add3A_1564 : i32
          %get3A_1566 = arith.index_cast %add3A_1565 : i32 to index
          %get3A_1567 = tpu.vector_load %arg7[%get3A_1566] {strides = array<i32>} : memref<16384xf32, #tpu.memory_space<vmem>>, vector<16xf32>,
          %get3A_1568 = vector.shape_cast %get3A_1567 : vector<16xf32> to vector<16xf32>
          %add3A_1569 = arith.constant 1152 : i32
          %add3A_1570 = arith.addi %mul3A_39, %add3A_1569 : i32
          %add3A_1571 = arith.constant 96 : i32
          %add3A_1572 = arith.addi %add3A_1570, %add3A_1571 : i32
          %get3A_1573 = arith.index_cast %add3A_1572 : i32 to index
          %get3A_1574 = tpu.vector_load %arg6[%get3A_1573] {strides = array<i32>} : memref<51200xf32, #tpu.memory_space<vmem>>, vector<16xf32>,
          %get3A_1575 = vector.shape_cast %get3A_1574 : vector<16xf32> to vector<16xf32>
          %max3A_1576 = arith.maximumf %get3A_1568, %get3A_1575 : vector<16xf32>
          %add3A_1577 = arith.constant 96 : i32
          %add3A_1578 = arith.addi %mul3A_1449, %add3A_1577 : i32
          %swap3A_1579 = arith.index_cast %add3A_1578 : i32 to index
          %swap3A_1580 = tpu.vector_load %arg7[%swap3A_1579] {strides = array<i32>} : memref<16384xf32, #tpu.memory_space<vmem>>, vector<16xf32>,
          %swap3A_1581 = vector.shape_cast %swap3A_1580 : vector<16xf32> to vector<16xf32>
          %swap3A_1582 = vector.shape_cast %max3A_1576 : vector<16xf32> to vector<16xf32>
          tpu.vector_store %arg7[%swap3A_1579], %swap3A_1582 {strides = array<i32>} : memref<16384xf32, #tpu.memory_space<vmem>>, vector<16xf32>,
          %add3A_1583 = arith.constant 112 : i32
          %add3A_1584 = arith.addi %mul3A_1449, %add3A_1583 : i32
          %get3A_1585 = arith.index_cast %add3A_1584 : i32 to index
          %get3A_1586 = tpu.vector_load %arg7[%get3A_1585] {strides = array<i32>} : memref<16384xf32, #tpu.memory_space<vmem>>, vector<16xf32>,
          %get3A_1587 = vector.shape_cast %get3A_1586 : vector<16xf32> to vector<16xf32>
          %add3A_1588 = arith.constant 1152 : i32
          %add3A_1589 = arith.addi %mul3A_39, %add3A_1588 : i32
          %add3A_1590 = arith.constant 112 : i32
          %add3A_1591 = arith.addi %add3A_1589, %add3A_1590 : i32
          %get3A_1592 = arith.index_cast %add3A_1591 : i32 to index
          %get3A_1593 = tpu.vector_load %arg6[%get3A_1592] {strides = array<i32>} : memref<51200xf32, #tpu.memory_space<vmem>>, vector<16xf32>,
          %get3A_1594 = vector.shape_cast %get3A_1593 : vector<16xf32> to vector<16xf32>
          %max3A_1595 = arith.maximumf %get3A_1587, %get3A_1594 : vector<16xf32>
          %add3A_1596 = arith.constant 112 : i32
          %add3A_1597 = arith.addi %mul3A_1449, %add3A_1596 : i32
          %swap3A_1598 = arith.index_cast %add3A_1597 : i32 to index
          %swap3A_1599 = tpu.vector_load %arg7[%swap3A_1598] {strides = array<i32>} : memref<16384xf32, #tpu.memory_space<vmem>>, vector<16xf32>,
          %swap3A_1600 = vector.shape_cast %swap3A_1599 : vector<16xf32> to vector<16xf32>
          %swap3A_1601 = vector.shape_cast %max3A_1595 : vector<16xf32> to vector<16xf32>
          tpu.vector_store %arg7[%swap3A_1598], %swap3A_1601 {strides = array<i32>} : memref<16384xf32, #tpu.memory_space<vmem>>, vector<16xf32>,
          %slice3A_1602 = vector.extract_strided_slice %get3A_35 {offsets = [10], sizes = [1], strides = [1]} : vector<16xi32> to vector<1xi32>
          %squeeze3A_1603 = vector.extract %slice3A_1602[0] : i32 from vector<1xi32>
          %mul3A_1604 = arith.constant 128 : i32
          %mul3A_1605 = arith.muli %squeeze3A_1603, %mul3A_1604 : i32
          %add3A_1606 = arith.constant 0 : i32
          %add3A_1607 = arith.addi %mul3A_1605, %add3A_1606 : i32
          %get3A_1608 = arith.index_cast %add3A_1607 : i32 to index
          %get3A_1609 = tpu.vector_load %arg7[%get3A_1608] {strides = array<i32>} : memref<16384xf32, #tpu.memory_space<vmem>>, vector<16xf32>,
          %get3A_1610 = vector.shape_cast %get3A_1609 : vector<16xf32> to vector<16xf32>
          %add3A_1611 = arith.constant 1280 : i32
          %add3A_1612 = arith.addi %mul3A_39, %add3A_1611 : i32
          %add3A_1613 = arith.constant 0 : i32
          %add3A_1614 = arith.addi %add3A_1612, %add3A_1613 : i32
          %get3A_1615 = arith.index_cast %add3A_1614 : i32 to index
          %get3A_1616 = tpu.vector_load %arg6[%get3A_1615] {strides = array<i32>} : memref<51200xf32, #tpu.memory_space<vmem>>, vector<16xf32>,
          %get3A_1617 = vector.shape_cast %get3A_1616 : vector<16xf32> to vector<16xf32>
          %max3A_1618 = arith.maximumf %get3A_1610, %get3A_1617 : vector<16xf32>
          %add3A_1619 = arith.constant 0 : i32
          %add3A_1620 = arith.addi %mul3A_1605, %add3A_1619 : i32
          %swap3A_1621 = arith.index_cast %add3A_1620 : i32 to index
          %swap3A_1622 = tpu.vector_load %arg7[%swap3A_1621] {strides = array<i32>} : memref<16384xf32, #tpu.memory_space<vmem>>, vector<16xf32>,
          %swap3A_1623 = vector.shape_cast %swap3A_1622 : vector<16xf32> to vector<16xf32>
          %swap3A_1624 = vector.shape_cast %max3A_1618 : vector<16xf32> to vector<16xf32>
          tpu.vector_store %arg7[%swap3A_1621], %swap3A_1624 {strides = array<i32>} : memref<16384xf32, #tpu.memory_space<vmem>>, vector<16xf32>,
          %add3A_1625 = arith.constant 16 : i32
          %add3A_1626 = arith.addi %mul3A_1605, %add3A_1625 : i32
          %get3A_1627 = arith.index_cast %add3A_1626 : i32 to index
          %get3A_1628 = tpu.vector_load %arg7[%get3A_1627] {strides = array<i32>} : memref<16384xf32, #tpu.memory_space<vmem>>, vector<16xf32>,
          %get3A_1629 = vector.shape_cast %get3A_1628 : vector<16xf32> to vector<16xf32>
          %add3A_1630 = arith.constant 1280 : i32
          %add3A_1631 = arith.addi %mul3A_39, %add3A_1630 : i32
          %add3A_1632 = arith.constant 16 : i32
          %add3A_1633 = arith.addi %add3A_1631, %add3A_1632 : i32
          %get3A_1634 = arith.index_cast %add3A_1633 : i32 to index
          %get3A_1635 = tpu.vector_load %arg6[%get3A_1634] {strides = array<i32>} : memref<51200xf32, #tpu.memory_space<vmem>>, vector<16xf32>,
          %get3A_1636 = vector.shape_cast %get3A_1635 : vector<16xf32> to vector<16xf32>
          %max3A_1637 = arith.maximumf %get3A_1629, %get3A_1636 : vector<16xf32>
          %add3A_1638 = arith.constant 16 : i32
          %add3A_1639 = arith.addi %mul3A_1605, %add3A_1638 : i32
          %swap3A_1640 = arith.index_cast %add3A_1639 : i32 to index
          %swap3A_1641 = tpu.vector_load %arg7[%swap3A_1640] {strides = array<i32>} : memref<16384xf32, #tpu.memory_space<vmem>>, vector<16xf32>,
          %swap3A_1642 = vector.shape_cast %swap3A_1641 : vector<16xf32> to vector<16xf32>
          %swap3A_1643 = vector.shape_cast %max3A_1637 : vector<16xf32> to vector<16xf32>
          tpu.vector_store %arg7[%swap3A_1640], %swap3A_1643 {strides = array<i32>} : memref<16384xf32, #tpu.memory_space<vmem>>, vector<16xf32>,
          %add3A_1644 = arith.constant 32 : i32
          %add3A_1645 = arith.addi %mul3A_1605, %add3A_1644 : i32
          %get3A_1646 = arith.index_cast %add3A_1645 : i32 to index
          %get3A_1647 = tpu.vector_load %arg7[%get3A_1646] {strides = array<i32>} : memref<16384xf32, #tpu.memory_space<vmem>>, vector<16xf32>,
          %get3A_1648 = vector.shape_cast %get3A_1647 : vector<16xf32> to vector<16xf32>
          %add3A_1649 = arith.constant 1280 : i32
          %add3A_1650 = arith.addi %mul3A_39, %add3A_1649 : i32
          %add3A_1651 = arith.constant 32 : i32
          %add3A_1652 = arith.addi %add3A_1650, %add3A_1651 : i32
          %get3A_1653 = arith.index_cast %add3A_1652 : i32 to index
          %get3A_1654 = tpu.vector_load %arg6[%get3A_1653] {strides = array<i32>} : memref<51200xf32, #tpu.memory_space<vmem>>, vector<16xf32>,
          %get3A_1655 = vector.shape_cast %get3A_1654 : vector<16xf32> to vector<16xf32>
          %max3A_1656 = arith.maximumf %get3A_1648, %get3A_1655 : vector<16xf32>
          %add3A_1657 = arith.constant 32 : i32
          %add3A_1658 = arith.addi %mul3A_1605, %add3A_1657 : i32
          %swap3A_1659 = arith.index_cast %add3A_1658 : i32 to index
          %swap3A_1660 = tpu.vector_load %arg7[%swap3A_1659] {strides = array<i32>} : memref<16384xf32, #tpu.memory_space<vmem>>, vector<16xf32>,
          %swap3A_1661 = vector.shape_cast %swap3A_1660 : vector<16xf32> to vector<16xf32>
          %swap3A_1662 = vector.shape_cast %max3A_1656 : vector<16xf32> to vector<16xf32>
          tpu.vector_store %arg7[%swap3A_1659], %swap3A_1662 {strides = array<i32>} : memref<16384xf32, #tpu.memory_space<vmem>>, vector<16xf32>,
          %add3A_1663 = arith.constant 48 : i32
          %add3A_1664 = arith.addi %mul3A_1605, %add3A_1663 : i32
          %get3A_1665 = arith.index_cast %add3A_1664 : i32 to index
          %get3A_1666 = tpu.vector_load %arg7[%get3A_1665] {strides = array<i32>} : memref<16384xf32, #tpu.memory_space<vmem>>, vector<16xf32>,
          %get3A_1667 = vector.shape_cast %get3A_1666 : vector<16xf32> to vector<16xf32>
          %add3A_1668 = arith.constant 1280 : i32
          %add3A_1669 = arith.addi %mul3A_39, %add3A_1668 : i32
          %add3A_1670 = arith.constant 48 : i32
          %add3A_1671 = arith.addi %add3A_1669, %add3A_1670 : i32
          %get3A_1672 = arith.index_cast %add3A_1671 : i32 to index
          %get3A_1673 = tpu.vector_load %arg6[%get3A_1672] {strides = array<i32>} : memref<51200xf32, #tpu.memory_space<vmem>>, vector<16xf32>,
          %get3A_1674 = vector.shape_cast %get3A_1673 : vector<16xf32> to vector<16xf32>
          %max3A_1675 = arith.maximumf %get3A_1667, %get3A_1674 : vector<16xf32>
          %add3A_1676 = arith.constant 48 : i32
          %add3A_1677 = arith.addi %mul3A_1605, %add3A_1676 : i32
          %swap3A_1678 = arith.index_cast %add3A_1677 : i32 to index
          %swap3A_1679 = tpu.vector_load %arg7[%swap3A_1678] {strides = array<i32>} : memref<16384xf32, #tpu.memory_space<vmem>>, vector<16xf32>,
          %swap3A_1680 = vector.shape_cast %swap3A_1679 : vector<16xf32> to vector<16xf32>
          %swap3A_1681 = vector.shape_cast %max3A_1675 : vector<16xf32> to vector<16xf32>
          tpu.vector_store %arg7[%swap3A_1678], %swap3A_1681 {strides = array<i32>} : memref<16384xf32, #tpu.memory_space<vmem>>, vector<16xf32>,
          %add3A_1682 = arith.constant 64 : i32
          %add3A_1683 = arith.addi %mul3A_1605, %add3A_1682 : i32
          %get3A_1684 = arith.index_cast %add3A_1683 : i32 to index
          %get3A_1685 = tpu.vector_load %arg7[%get3A_1684] {strides = array<i32>} : memref<16384xf32, #tpu.memory_space<vmem>>, vector<16xf32>,
          %get3A_1686 = vector.shape_cast %get3A_1685 : vector<16xf32> to vector<16xf32>
          %add3A_1687 = arith.constant 1280 : i32
          %add3A_1688 = arith.addi %mul3A_39, %add3A_1687 : i32
          %add3A_1689 = arith.constant 64 : i32
          %add3A_1690 = arith.addi %add3A_1688, %add3A_1689 : i32
          %get3A_1691 = arith.index_cast %add3A_1690 : i32 to index
          %get3A_1692 = tpu.vector_load %arg6[%get3A_1691] {strides = array<i32>} : memref<51200xf32, #tpu.memory_space<vmem>>, vector<16xf32>,
          %get3A_1693 = vector.shape_cast %get3A_1692 : vector<16xf32> to vector<16xf32>
          %max3A_1694 = arith.maximumf %get3A_1686, %get3A_1693 : vector<16xf32>
          %add3A_1695 = arith.constant 64 : i32
          %add3A_1696 = arith.addi %mul3A_1605, %add3A_1695 : i32
          %swap3A_1697 = arith.index_cast %add3A_1696 : i32 to index
          %swap3A_1698 = tpu.vector_load %arg7[%swap3A_1697] {strides = array<i32>} : memref<16384xf32, #tpu.memory_space<vmem>>, vector<16xf32>,
          %swap3A_1699 = vector.shape_cast %swap3A_1698 : vector<16xf32> to vector<16xf32>
          %swap3A_1700 = vector.shape_cast %max3A_1694 : vector<16xf32> to vector<16xf32>
          tpu.vector_store %arg7[%swap3A_1697], %swap3A_1700 {strides = array<i32>} : memref<16384xf32, #tpu.memory_space<vmem>>, vector<16xf32>,
          %add3A_1701 = arith.constant 80 : i32
          %add3A_1702 = arith.addi %mul3A_1605, %add3A_1701 : i32
          %get3A_1703 = arith.index_cast %add3A_1702 : i32 to index
          %get3A_1704 = tpu.vector_load %arg7[%get3A_1703] {strides = array<i32>} : memref<16384xf32, #tpu.memory_space<vmem>>, vector<16xf32>,
          %get3A_1705 = vector.shape_cast %get3A_1704 : vector<16xf32> to vector<16xf32>
          %add3A_1706 = arith.constant 1280 : i32
          %add3A_1707 = arith.addi %mul3A_39, %add3A_1706 : i32
          %add3A_1708 = arith.constant 80 : i32
          %add3A_1709 = arith.addi %add3A_1707, %add3A_1708 : i32
          %get3A_1710 = arith.index_cast %add3A_1709 : i32 to index
          %get3A_1711 = tpu.vector_load %arg6[%get3A_1710] {strides = array<i32>} : memref<51200xf32, #tpu.memory_space<vmem>>, vector<16xf32>,
          %get3A_1712 = vector.shape_cast %get3A_1711 : vector<16xf32> to vector<16xf32>
          %max3A_1713 = arith.maximumf %get3A_1705, %get3A_1712 : vector<16xf32>
          %add3A_1714 = arith.constant 80 : i32
          %add3A_1715 = arith.addi %mul3A_1605, %add3A_1714 : i32
          %swap3A_1716 = arith.index_cast %add3A_1715 : i32 to index
          %swap3A_1717 = tpu.vector_load %arg7[%swap3A_1716] {strides = array<i32>} : memref<16384xf32, #tpu.memory_space<vmem>>, vector<16xf32>,
          %swap3A_1718 = vector.shape_cast %swap3A_1717 : vector<16xf32> to vector<16xf32>
          %swap3A_1719 = vector.shape_cast %max3A_1713 : vector<16xf32> to vector<16xf32>
          tpu.vector_store %arg7[%swap3A_1716], %swap3A_1719 {strides = array<i32>} : memref<16384xf32, #tpu.memory_space<vmem>>, vector<16xf32>,
          %add3A_1720 = arith.constant 96 : i32
          %add3A_1721 = arith.addi %mul3A_1605, %add3A_1720 : i32
          %get3A_1722 = arith.index_cast %add3A_1721 : i32 to index
          %get3A_1723 = tpu.vector_load %arg7[%get3A_1722] {strides = array<i32>} : memref<16384xf32, #tpu.memory_space<vmem>>, vector<16xf32>,
          %get3A_1724 = vector.shape_cast %get3A_1723 : vector<16xf32> to vector<16xf32>
          %add3A_1725 = arith.constant 1280 : i32
          %add3A_1726 = arith.addi %mul3A_39, %add3A_1725 : i32
          %add3A_1727 = arith.constant 96 : i32
          %add3A_1728 = arith.addi %add3A_1726, %add3A_1727 : i32
          %get3A_1729 = arith.index_cast %add3A_1728 : i32 to index
          %get3A_1730 = tpu.vector_load %arg6[%get3A_1729] {strides = array<i32>} : memref<51200xf32, #tpu.memory_space<vmem>>, vector<16xf32>,
          %get3A_1731 = vector.shape_cast %get3A_1730 : vector<16xf32> to vector<16xf32>
          %max3A_1732 = arith.maximumf %get3A_1724, %get3A_1731 : vector<16xf32>
          %add3A_1733 = arith.constant 96 : i32
          %add3A_1734 = arith.addi %mul3A_1605, %add3A_1733 : i32
          %swap3A_1735 = arith.index_cast %add3A_1734 : i32 to index
          %swap3A_1736 = tpu.vector_load %arg7[%swap3A_1735] {strides = array<i32>} : memref<16384xf32, #tpu.memory_space<vmem>>, vector<16xf32>,
          %swap3A_1737 = vector.shape_cast %swap3A_1736 : vector<16xf32> to vector<16xf32>
          %swap3A_1738 = vector.shape_cast %max3A_1732 : vector<16xf32> to vector<16xf32>
          tpu.vector_store %arg7[%swap3A_1735], %swap3A_1738 {strides = array<i32>} : memref<16384xf32, #tpu.memory_space<vmem>>, vector<16xf32>,
          %add3A_1739 = arith.constant 112 : i32
          %add3A_1740 = arith.addi %mul3A_1605, %add3A_1739 : i32
          %get3A_1741 = arith.index_cast %add3A_1740 : i32 to index
          %get3A_1742 = tpu.vector_load %arg7[%get3A_1741] {strides = array<i32>} : memref<16384xf32, #tpu.memory_space<vmem>>, vector<16xf32>,
          %get3A_1743 = vector.shape_cast %get3A_1742 : vector<16xf32> to vector<16xf32>
          %add3A_1744 = arith.constant 1280 : i32
          %add3A_1745 = arith.addi %mul3A_39, %add3A_1744 : i32
          %add3A_1746 = arith.constant 112 : i32
          %add3A_1747 = arith.addi %add3A_1745, %add3A_1746 : i32
          %get3A_1748 = arith.index_cast %add3A_1747 : i32 to index
          %get3A_1749 = tpu.vector_load %arg6[%get3A_1748] {strides = array<i32>} : memref<51200xf32, #tpu.memory_space<vmem>>, vector<16xf32>,
          %get3A_1750 = vector.shape_cast %get3A_1749 : vector<16xf32> to vector<16xf32>
          %max3A_1751 = arith.maximumf %get3A_1743, %get3A_1750 : vector<16xf32>
          %add3A_1752 = arith.constant 112 : i32
          %add3A_1753 = arith.addi %mul3A_1605, %add3A_1752 : i32
          %swap3A_1754 = arith.index_cast %add3A_1753 : i32 to index
          %swap3A_1755 = tpu.vector_load %arg7[%swap3A_1754] {strides = array<i32>} : memref<16384xf32, #tpu.memory_space<vmem>>, vector<16xf32>,
          %swap3A_1756 = vector.shape_cast %swap3A_1755 : vector<16xf32> to vector<16xf32>
          %swap3A_1757 = vector.shape_cast %max3A_1751 : vector<16xf32> to vector<16xf32>
          tpu.vector_store %arg7[%swap3A_1754], %swap3A_1757 {strides = array<i32>} : memref<16384xf32, #tpu.memory_space<vmem>>, vector<16xf32>,
          %slice3A_1758 = vector.extract_strided_slice %get3A_35 {offsets = [11], sizes = [1], strides = [1]} : vector<16xi32> to vector<1xi32>
          %squeeze3A_1759 = vector.extract %slice3A_1758[0] : i32 from vector<1xi32>
          %mul3A_1760 = arith.constant 128 : i32
          %mul3A_1761 = arith.muli %squeeze3A_1759, %mul3A_1760 : i32
          %add3A_1762 = arith.constant 0 : i32
          %add3A_1763 = arith.addi %mul3A_1761, %add3A_1762 : i32
          %get3A_1764 = arith.index_cast %add3A_1763 : i32 to index
          %get3A_1765 = tpu.vector_load %arg7[%get3A_1764] {strides = array<i32>} : memref<16384xf32, #tpu.memory_space<vmem>>, vector<16xf32>,
          %get3A_1766 = vector.shape_cast %get3A_1765 : vector<16xf32> to vector<16xf32>
          %add3A_1767 = arith.constant 1408 : i32
          %add3A_1768 = arith.addi %mul3A_39, %add3A_1767 : i32
          %add3A_1769 = arith.constant 0 : i32
          %add3A_1770 = arith.addi %add3A_1768, %add3A_1769 : i32
          %get3A_1771 = arith.index_cast %add3A_1770 : i32 to index
          %get3A_1772 = tpu.vector_load %arg6[%get3A_1771] {strides = array<i32>} : memref<51200xf32, #tpu.memory_space<vmem>>, vector<16xf32>,
          %get3A_1773 = vector.shape_cast %get3A_1772 : vector<16xf32> to vector<16xf32>
          %max3A_1774 = arith.maximumf %get3A_1766, %get3A_1773 : vector<16xf32>
          %add3A_1775 = arith.constant 0 : i32
          %add3A_1776 = arith.addi %mul3A_1761, %add3A_1775 : i32
          %swap3A_1777 = arith.index_cast %add3A_1776 : i32 to index
          %swap3A_1778 = tpu.vector_load %arg7[%swap3A_1777] {strides = array<i32>} : memref<16384xf32, #tpu.memory_space<vmem>>, vector<16xf32>,
          %swap3A_1779 = vector.shape_cast %swap3A_1778 : vector<16xf32> to vector<16xf32>
          %swap3A_1780 = vector.shape_cast %max3A_1774 : vector<16xf32> to vector<16xf32>
          tpu.vector_store %arg7[%swap3A_1777], %swap3A_1780 {strides = array<i32>} : memref<16384xf32, #tpu.memory_space<vmem>>, vector<16xf32>,
          %add3A_1781 = arith.constant 16 : i32
          %add3A_1782 = arith.addi %mul3A_1761, %add3A_1781 : i32
          %get3A_1783 = arith.index_cast %add3A_1782 : i32 to index
          %get3A_1784 = tpu.vector_load %arg7[%get3A_1783] {strides = array<i32>} : memref<16384xf32, #tpu.memory_space<vmem>>, vector<16xf32>,
          %get3A_1785 = vector.shape_cast %get3A_1784 : vector<16xf32> to vector<16xf32>
          %add3A_1786 = arith.constant 1408 : i32
          %add3A_1787 = arith.addi %mul3A_39, %add3A_1786 : i32
          %add3A_1788 = arith.constant 16 : i32
          %add3A_1789 = arith.addi %add3A_1787, %add3A_1788 : i32
          %get3A_1790 = arith.index_cast %add3A_1789 : i32 to index
          %get3A_1791 = tpu.vector_load %arg6[%get3A_1790] {strides = array<i32>} : memref<51200xf32, #tpu.memory_space<vmem>>, vector<16xf32>,
          %get3A_1792 = vector.shape_cast %get3A_1791 : vector<16xf32> to vector<16xf32>
          %max3A_1793 = arith.maximumf %get3A_1785, %get3A_1792 : vector<16xf32>
          %add3A_1794 = arith.constant 16 : i32
          %add3A_1795 = arith.addi %mul3A_1761, %add3A_1794 : i32
          %swap3A_1796 = arith.index_cast %add3A_1795 : i32 to index
          %swap3A_1797 = tpu.vector_load %arg7[%swap3A_1796] {strides = array<i32>} : memref<16384xf32, #tpu.memory_space<vmem>>, vector<16xf32>,
          %swap3A_1798 = vector.shape_cast %swap3A_1797 : vector<16xf32> to vector<16xf32>
          %swap3A_1799 = vector.shape_cast %max3A_1793 : vector<16xf32> to vector<16xf32>
          tpu.vector_store %arg7[%swap3A_1796], %swap3A_1799 {strides = array<i32>} : memref<16384xf32, #tpu.memory_space<vmem>>, vector<16xf32>,
          %add3A_1800 = arith.constant 32 : i32
          %add3A_1801 = arith.addi %mul3A_1761, %add3A_1800 : i32
          %get3A_1802 = arith.index_cast %add3A_1801 : i32 to index
          %get3A_1803 = tpu.vector_load %arg7[%get3A_1802] {strides = array<i32>} : memref<16384xf32, #tpu.memory_space<vmem>>, vector<16xf32>,
          %get3A_1804 = vector.shape_cast %get3A_1803 : vector<16xf32> to vector<16xf32>
          %add3A_1805 = arith.constant 1408 : i32
          %add3A_1806 = arith.addi %mul3A_39, %add3A_1805 : i32
          %add3A_1807 = arith.constant 32 : i32
          %add3A_1808 = arith.addi %add3A_1806, %add3A_1807 : i32
          %get3A_1809 = arith.index_cast %add3A_1808 : i32 to index
          %get3A_1810 = tpu.vector_load %arg6[%get3A_1809] {strides = array<i32>} : memref<51200xf32, #tpu.memory_space<vmem>>, vector<16xf32>,
          %get3A_1811 = vector.shape_cast %get3A_1810 : vector<16xf32> to vector<16xf32>
          %max3A_1812 = arith.maximumf %get3A_1804, %get3A_1811 : vector<16xf32>
          %add3A_1813 = arith.constant 32 : i32
          %add3A_1814 = arith.addi %mul3A_1761, %add3A_1813 : i32
          %swap3A_1815 = arith.index_cast %add3A_1814 : i32 to index
          %swap3A_1816 = tpu.vector_load %arg7[%swap3A_1815] {strides = array<i32>} : memref<16384xf32, #tpu.memory_space<vmem>>, vector<16xf32>,
          %swap3A_1817 = vector.shape_cast %swap3A_1816 : vector<16xf32> to vector<16xf32>
          %swap3A_1818 = vector.shape_cast %max3A_1812 : vector<16xf32> to vector<16xf32>
          tpu.vector_store %arg7[%swap3A_1815], %swap3A_1818 {strides = array<i32>} : memref<16384xf32, #tpu.memory_space<vmem>>, vector<16xf32>,
          %add3A_1819 = arith.constant 48 : i32
          %add3A_1820 = arith.addi %mul3A_1761, %add3A_1819 : i32
          %get3A_1821 = arith.index_cast %add3A_1820 : i32 to index
          %get3A_1822 = tpu.vector_load %arg7[%get3A_1821] {strides = array<i32>} : memref<16384xf32, #tpu.memory_space<vmem>>, vector<16xf32>,
          %get3A_1823 = vector.shape_cast %get3A_1822 : vector<16xf32> to vector<16xf32>
          %add3A_1824 = arith.constant 1408 : i32
          %add3A_1825 = arith.addi %mul3A_39, %add3A_1824 : i32
          %add3A_1826 = arith.constant 48 : i32
          %add3A_1827 = arith.addi %add3A_1825, %add3A_1826 : i32
          %get3A_1828 = arith.index_cast %add3A_1827 : i32 to index
          %get3A_1829 = tpu.vector_load %arg6[%get3A_1828] {strides = array<i32>} : memref<51200xf32, #tpu.memory_space<vmem>>, vector<16xf32>,
          %get3A_1830 = vector.shape_cast %get3A_1829 : vector<16xf32> to vector<16xf32>
          %max3A_1831 = arith.maximumf %get3A_1823, %get3A_1830 : vector<16xf32>
          %add3A_1832 = arith.constant 48 : i32
          %add3A_1833 = arith.addi %mul3A_1761, %add3A_1832 : i32
          %swap3A_1834 = arith.index_cast %add3A_1833 : i32 to index
          %swap3A_1835 = tpu.vector_load %arg7[%swap3A_1834] {strides = array<i32>} : memref<16384xf32, #tpu.memory_space<vmem>>, vector<16xf32>,
          %swap3A_1836 = vector.shape_cast %swap3A_1835 : vector<16xf32> to vector<16xf32>
          %swap3A_1837 = vector.shape_cast %max3A_1831 : vector<16xf32> to vector<16xf32>
          tpu.vector_store %arg7[%swap3A_1834], %swap3A_1837 {strides = array<i32>} : memref<16384xf32, #tpu.memory_space<vmem>>, vector<16xf32>,
          %add3A_1838 = arith.constant 64 : i32
          %add3A_1839 = arith.addi %mul3A_1761, %add3A_1838 : i32
          %get3A_1840 = arith.index_cast %add3A_1839 : i32 to index
          %get3A_1841 = tpu.vector_load %arg7[%get3A_1840] {strides = array<i32>} : memref<16384xf32, #tpu.memory_space<vmem>>, vector<16xf32>,
          %get3A_1842 = vector.shape_cast %get3A_1841 : vector<16xf32> to vector<16xf32>
          %add3A_1843 = arith.constant 1408 : i32
          %add3A_1844 = arith.addi %mul3A_39, %add3A_1843 : i32
          %add3A_1845 = arith.constant 64 : i32
          %add3A_1846 = arith.addi %add3A_1844, %add3A_1845 : i32
          %get3A_1847 = arith.index_cast %add3A_1846 : i32 to index
          %get3A_1848 = tpu.vector_load %arg6[%get3A_1847] {strides = array<i32>} : memref<51200xf32, #tpu.memory_space<vmem>>, vector<16xf32>,
          %get3A_1849 = vector.shape_cast %get3A_1848 : vector<16xf32> to vector<16xf32>
          %max3A_1850 = arith.maximumf %get3A_1842, %get3A_1849 : vector<16xf32>
          %add3A_1851 = arith.constant 64 : i32
          %add3A_1852 = arith.addi %mul3A_1761, %add3A_1851 : i32
          %swap3A_1853 = arith.index_cast %add3A_1852 : i32 to index
          %swap3A_1854 = tpu.vector_load %arg7[%swap3A_1853] {strides = array<i32>} : memref<16384xf32, #tpu.memory_space<vmem>>, vector<16xf32>,
          %swap3A_1855 = vector.shape_cast %swap3A_1854 : vector<16xf32> to vector<16xf32>
          %swap3A_1856 = vector.shape_cast %max3A_1850 : vector<16xf32> to vector<16xf32>
          tpu.vector_store %arg7[%swap3A_1853], %swap3A_1856 {strides = array<i32>} : memref<16384xf32, #tpu.memory_space<vmem>>, vector<16xf32>,
          %add3A_1857 = arith.constant 80 : i32
          %add3A_1858 = arith.addi %mul3A_1761, %add3A_1857 : i32
          %get3A_1859 = arith.index_cast %add3A_1858 : i32 to index
          %get3A_1860 = tpu.vector_load %arg7[%get3A_1859] {strides = array<i32>} : memref<16384xf32, #tpu.memory_space<vmem>>, vector<16xf32>,
          %get3A_1861 = vector.shape_cast %get3A_1860 : vector<16xf32> to vector<16xf32>
          %add3A_1862 = arith.constant 1408 : i32
          %add3A_1863 = arith.addi %mul3A_39, %add3A_1862 : i32
          %add3A_1864 = arith.constant 80 : i32
          %add3A_1865 = arith.addi %add3A_1863, %add3A_1864 : i32
          %get3A_1866 = arith.index_cast %add3A_1865 : i32 to index
          %get3A_1867 = tpu.vector_load %arg6[%get3A_1866] {strides = array<i32>} : memref<51200xf32, #tpu.memory_space<vmem>>, vector<16xf32>,
          %get3A_1868 = vector.shape_cast %get3A_1867 : vector<16xf32> to vector<16xf32>
          %max3A_1869 = arith.maximumf %get3A_1861, %get3A_1868 : vector<16xf32>
          %add3A_1870 = arith.constant 80 : i32
          %add3A_1871 = arith.addi %mul3A_1761, %add3A_1870 : i32
          %swap3A_1872 = arith.index_cast %add3A_1871 : i32 to index
          %swap3A_1873 = tpu.vector_load %arg7[%swap3A_1872] {strides = array<i32>} : memref<16384xf32, #tpu.memory_space<vmem>>, vector<16xf32>,
          %swap3A_1874 = vector.shape_cast %swap3A_1873 : vector<16xf32> to vector<16xf32>
          %swap3A_1875 = vector.shape_cast %max3A_1869 : vector<16xf32> to vector<16xf32>
          tpu.vector_store %arg7[%swap3A_1872], %swap3A_1875 {strides = array<i32>} : memref<16384xf32, #tpu.memory_space<vmem>>, vector<16xf32>,
          %add3A_1876 = arith.constant 96 : i32
          %add3A_1877 = arith.addi %mul3A_1761, %add3A_1876 : i32
          %get3A_1878 = arith.index_cast %add3A_1877 : i32 to index
          %get3A_1879 = tpu.vector_load %arg7[%get3A_1878] {strides = array<i32>} : memref<16384xf32, #tpu.memory_space<vmem>>, vector<16xf32>,
          %get3A_1880 = vector.shape_cast %get3A_1879 : vector<16xf32> to vector<16xf32>
          %add3A_1881 = arith.constant 1408 : i32
          %add3A_1882 = arith.addi %mul3A_39, %add3A_1881 : i32
          %add3A_1883 = arith.constant 96 : i32
          %add3A_1884 = arith.addi %add3A_1882, %add3A_1883 : i32
          %get3A_1885 = arith.index_cast %add3A_1884 : i32 to index
          %get3A_1886 = tpu.vector_load %arg6[%get3A_1885] {strides = array<i32>} : memref<51200xf32, #tpu.memory_space<vmem>>, vector<16xf32>,
          %get3A_1887 = vector.shape_cast %get3A_1886 : vector<16xf32> to vector<16xf32>
          %max3A_1888 = arith.maximumf %get3A_1880, %get3A_1887 : vector<16xf32>
          %add3A_1889 = arith.constant 96 : i32
          %add3A_1890 = arith.addi %mul3A_1761, %add3A_1889 : i32
          %swap3A_1891 = arith.index_cast %add3A_1890 : i32 to index
          %swap3A_1892 = tpu.vector_load %arg7[%swap3A_1891] {strides = array<i32>} : memref<16384xf32, #tpu.memory_space<vmem>>, vector<16xf32>,
          %swap3A_1893 = vector.shape_cast %swap3A_1892 : vector<16xf32> to vector<16xf32>
          %swap3A_1894 = vector.shape_cast %max3A_1888 : vector<16xf32> to vector<16xf32>
          tpu.vector_store %arg7[%swap3A_1891], %swap3A_1894 {strides = array<i32>} : memref<16384xf32, #tpu.memory_space<vmem>>, vector<16xf32>,
          %add3A_1895 = arith.constant 112 : i32
          %add3A_1896 = arith.addi %mul3A_1761, %add3A_1895 : i32
          %get3A_1897 = arith.index_cast %add3A_1896 : i32 to index
          %get3A_1898 = tpu.vector_load %arg7[%get3A_1897] {strides = array<i32>} : memref<16384xf32, #tpu.memory_space<vmem>>, vector<16xf32>,
          %get3A_1899 = vector.shape_cast %get3A_1898 : vector<16xf32> to vector<16xf32>
          %add3A_1900 = arith.constant 1408 : i32
          %add3A_1901 = arith.addi %mul3A_39, %add3A_1900 : i32
          %add3A_1902 = arith.constant 112 : i32
          %add3A_1903 = arith.addi %add3A_1901, %add3A_1902 : i32
          %get3A_1904 = arith.index_cast %add3A_1903 : i32 to index
          %get3A_1905 = tpu.vector_load %arg6[%get3A_1904] {strides = array<i32>} : memref<51200xf32, #tpu.memory_space<vmem>>, vector<16xf32>,
          %get3A_1906 = vector.shape_cast %get3A_1905 : vector<16xf32> to vector<16xf32>
          %max3A_1907 = arith.maximumf %get3A_1899, %get3A_1906 : vector<16xf32>
          %add3A_1908 = arith.constant 112 : i32
          %add3A_1909 = arith.addi %mul3A_1761, %add3A_1908 : i32
          %swap3A_1910 = arith.index_cast %add3A_1909 : i32 to index
          %swap3A_1911 = tpu.vector_load %arg7[%swap3A_1910] {strides = array<i32>} : memref<16384xf32, #tpu.memory_space<vmem>>, vector<16xf32>,
          %swap3A_1912 = vector.shape_cast %swap3A_1911 : vector<16xf32> to vector<16xf32>
          %swap3A_1913 = vector.shape_cast %max3A_1907 : vector<16xf32> to vector<16xf32>
          tpu.vector_store %arg7[%swap3A_1910], %swap3A_1913 {strides = array<i32>} : memref<16384xf32, #tpu.memory_space<vmem>>, vector<16xf32>,
          %slice3A_1914 = vector.extract_strided_slice %get3A_35 {offsets = [12], sizes = [1], strides = [1]} : vector<16xi32> to vector<1xi32>
          %squeeze3A_1915 = vector.extract %slice3A_1914[0] : i32 from vector<1xi32>
          %mul3A_1916 = arith.constant 128 : i32
          %mul3A_1917 = arith.muli %squeeze3A_1915, %mul3A_1916 : i32
          %add3A_1918 = arith.constant 0 : i32
          %add3A_1919 = arith.addi %mul3A_1917, %add3A_1918 : i32
          %get3A_1920 = arith.index_cast %add3A_1919 : i32 to index
          %get3A_1921 = tpu.vector_load %arg7[%get3A_1920] {strides = array<i32>} : memref<16384xf32, #tpu.memory_space<vmem>>, vector<16xf32>,
          %get3A_1922 = vector.shape_cast %get3A_1921 : vector<16xf32> to vector<16xf32>
          %add3A_1923 = arith.constant 1536 : i32
          %add3A_1924 = arith.addi %mul3A_39, %add3A_1923 : i32
          %add3A_1925 = arith.constant 0 : i32
          %add3A_1926 = arith.addi %add3A_1924, %add3A_1925 : i32
          %get3A_1927 = arith.index_cast %add3A_1926 : i32 to index
          %get3A_1928 = tpu.vector_load %arg6[%get3A_1927] {strides = array<i32>} : memref<51200xf32, #tpu.memory_space<vmem>>, vector<16xf32>,
          %get3A_1929 = vector.shape_cast %get3A_1928 : vector<16xf32> to vector<16xf32>
          %max3A_1930 = arith.maximumf %get3A_1922, %get3A_1929 : vector<16xf32>
          %add3A_1931 = arith.constant 0 : i32
          %add3A_1932 = arith.addi %mul3A_1917, %add3A_1931 : i32
          %swap3A_1933 = arith.index_cast %add3A_1932 : i32 to index
          %swap3A_1934 = tpu.vector_load %arg7[%swap3A_1933] {strides = array<i32>} : memref<16384xf32, #tpu.memory_space<vmem>>, vector<16xf32>,
          %swap3A_1935 = vector.shape_cast %swap3A_1934 : vector<16xf32> to vector<16xf32>
          %swap3A_1936 = vector.shape_cast %max3A_1930 : vector<16xf32> to vector<16xf32>
          tpu.vector_store %arg7[%swap3A_1933], %swap3A_1936 {strides = array<i32>} : memref<16384xf32, #tpu.memory_space<vmem>>, vector<16xf32>,
          %add3A_1937 = arith.constant 16 : i32
          %add3A_1938 = arith.addi %mul3A_1917, %add3A_1937 : i32
          %get3A_1939 = arith.index_cast %add3A_1938 : i32 to index
          %get3A_1940 = tpu.vector_load %arg7[%get3A_1939] {strides = array<i32>} : memref<16384xf32, #tpu.memory_space<vmem>>, vector<16xf32>,
          %get3A_1941 = vector.shape_cast %get3A_1940 : vector<16xf32> to vector<16xf32>
          %add3A_1942 = arith.constant 1536 : i32
          %add3A_1943 = arith.addi %mul3A_39, %add3A_1942 : i32
          %add3A_1944 = arith.constant 16 : i32
          %add3A_1945 = arith.addi %add3A_1943, %add3A_1944 : i32
          %get3A_1946 = arith.index_cast %add3A_1945 : i32 to index
          %get3A_1947 = tpu.vector_load %arg6[%get3A_1946] {strides = array<i32>} : memref<51200xf32, #tpu.memory_space<vmem>>, vector<16xf32>,
          %get3A_1948 = vector.shape_cast %get3A_1947 : vector<16xf32> to vector<16xf32>
          %max3A_1949 = arith.maximumf %get3A_1941, %get3A_1948 : vector<16xf32>
          %add3A_1950 = arith.constant 16 : i32
          %add3A_1951 = arith.addi %mul3A_1917, %add3A_1950 : i32
          %swap3A_1952 = arith.index_cast %add3A_1951 : i32 to index
          %swap3A_1953 = tpu.vector_load %arg7[%swap3A_1952] {strides = array<i32>} : memref<16384xf32, #tpu.memory_space<vmem>>, vector<16xf32>,
          %swap3A_1954 = vector.shape_cast %swap3A_1953 : vector<16xf32> to vector<16xf32>
          %swap3A_1955 = vector.shape_cast %max3A_1949 : vector<16xf32> to vector<16xf32>
          tpu.vector_store %arg7[%swap3A_1952], %swap3A_1955 {strides = array<i32>} : memref<16384xf32, #tpu.memory_space<vmem>>, vector<16xf32>,
          %add3A_1956 = arith.constant 32 : i32
          %add3A_1957 = arith.addi %mul3A_1917, %add3A_1956 : i32
          %get3A_1958 = arith.index_cast %add3A_1957 : i32 to index
          %get3A_1959 = tpu.vector_load %arg7[%get3A_1958] {strides = array<i32>} : memref<16384xf32, #tpu.memory_space<vmem>>, vector<16xf32>,
          %get3A_1960 = vector.shape_cast %get3A_1959 : vector<16xf32> to vector<16xf32>
          %add3A_1961 = arith.constant 1536 : i32
          %add3A_1962 = arith.addi %mul3A_39, %add3A_1961 : i32
          %add3A_1963 = arith.constant 32 : i32
          %add3A_1964 = arith.addi %add3A_1962, %add3A_1963 : i32
          %get3A_1965 = arith.index_cast %add3A_1964 : i32 to index
          %get3A_1966 = tpu.vector_load %arg6[%get3A_1965] {strides = array<i32>} : memref<51200xf32, #tpu.memory_space<vmem>>, vector<16xf32>,
          %get3A_1967 = vector.shape_cast %get3A_1966 : vector<16xf32> to vector<16xf32>
          %max3A_1968 = arith.maximumf %get3A_1960, %get3A_1967 : vector<16xf32>
          %add3A_1969 = arith.constant 32 : i32
          %add3A_1970 = arith.addi %mul3A_1917, %add3A_1969 : i32
          %swap3A_1971 = arith.index_cast %add3A_1970 : i32 to index
          %swap3A_1972 = tpu.vector_load %arg7[%swap3A_1971] {strides = array<i32>} : memref<16384xf32, #tpu.memory_space<vmem>>, vector<16xf32>,
          %swap3A_1973 = vector.shape_cast %swap3A_1972 : vector<16xf32> to vector<16xf32>
          %swap3A_1974 = vector.shape_cast %max3A_1968 : vector<16xf32> to vector<16xf32>
          tpu.vector_store %arg7[%swap3A_1971], %swap3A_1974 {strides = array<i32>} : memref<16384xf32, #tpu.memory_space<vmem>>, vector<16xf32>,
          %add3A_1975 = arith.constant 48 : i32
          %add3A_1976 = arith.addi %mul3A_1917, %add3A_1975 : i32
          %get3A_1977 = arith.index_cast %add3A_1976 : i32 to index
          %get3A_1978 = tpu.vector_load %arg7[%get3A_1977] {strides = array<i32>} : memref<16384xf32, #tpu.memory_space<vmem>>, vector<16xf32>,
          %get3A_1979 = vector.shape_cast %get3A_1978 : vector<16xf32> to vector<16xf32>
          %add3A_1980 = arith.constant 1536 : i32
          %add3A_1981 = arith.addi %mul3A_39, %add3A_1980 : i32
          %add3A_1982 = arith.constant 48 : i32
          %add3A_1983 = arith.addi %add3A_1981, %add3A_1982 : i32
          %get3A_1984 = arith.index_cast %add3A_1983 : i32 to index
          %get3A_1985 = tpu.vector_load %arg6[%get3A_1984] {strides = array<i32>} : memref<51200xf32, #tpu.memory_space<vmem>>, vector<16xf32>,
          %get3A_1986 = vector.shape_cast %get3A_1985 : vector<16xf32> to vector<16xf32>
          %max3A_1987 = arith.maximumf %get3A_1979, %get3A_1986 : vector<16xf32>
          %add3A_1988 = arith.constant 48 : i32
          %add3A_1989 = arith.addi %mul3A_1917, %add3A_1988 : i32
          %swap3A_1990 = arith.index_cast %add3A_1989 : i32 to index
          %swap3A_1991 = tpu.vector_load %arg7[%swap3A_1990] {strides = array<i32>} : memref<16384xf32, #tpu.memory_space<vmem>>, vector<16xf32>,
          %swap3A_1992 = vector.shape_cast %swap3A_1991 : vector<16xf32> to vector<16xf32>
          %swap3A_1993 = vector.shape_cast %max3A_1987 : vector<16xf32> to vector<16xf32>
          tpu.vector_store %arg7[%swap3A_1990], %swap3A_1993 {strides = array<i32>} : memref<16384xf32, #tpu.memory_space<vmem>>, vector<16xf32>,
          %add3A_1994 = arith.constant 64 : i32
          %add3A_1995 = arith.addi %mul3A_1917, %add3A_1994 : i32
          %get3A_1996 = arith.index_cast %add3A_1995 : i32 to index
          %get3A_1997 = tpu.vector_load %arg7[%get3A_1996] {strides = array<i32>} : memref<16384xf32, #tpu.memory_space<vmem>>, vector<16xf32>,
          %get3A_1998 = vector.shape_cast %get3A_1997 : vector<16xf32> to vector<16xf32>
          %add3A_1999 = arith.constant 1536 : i32
          %add3A_2000 = arith.addi %mul3A_39, %add3A_1999 : i32
          %add3A_2001 = arith.constant 64 : i32
          %add3A_2002 = arith.addi %add3A_2000, %add3A_2001 : i32
          %get3A_2003 = arith.index_cast %add3A_2002 : i32 to index
          %get3A_2004 = tpu.vector_load %arg6[%get3A_2003] {strides = array<i32>} : memref<51200xf32, #tpu.memory_space<vmem>>, vector<16xf32>,
          %get3A_2005 = vector.shape_cast %get3A_2004 : vector<16xf32> to vector<16xf32>
          %max3A_2006 = arith.maximumf %get3A_1998, %get3A_2005 : vector<16xf32>
          %add3A_2007 = arith.constant 64 : i32
          %add3A_2008 = arith.addi %mul3A_1917, %add3A_2007 : i32
          %swap3A_2009 = arith.index_cast %add3A_2008 : i32 to index
          %swap3A_2010 = tpu.vector_load %arg7[%swap3A_2009] {strides = array<i32>} : memref<16384xf32, #tpu.memory_space<vmem>>, vector<16xf32>,
          %swap3A_2011 = vector.shape_cast %swap3A_2010 : vector<16xf32> to vector<16xf32>
          %swap3A_2012 = vector.shape_cast %max3A_2006 : vector<16xf32> to vector<16xf32>
          tpu.vector_store %arg7[%swap3A_2009], %swap3A_2012 {strides = array<i32>} : memref<16384xf32, #tpu.memory_space<vmem>>, vector<16xf32>,
          %add3A_2013 = arith.constant 80 : i32
          %add3A_2014 = arith.addi %mul3A_1917, %add3A_2013 : i32
          %get3A_2015 = arith.index_cast %add3A_2014 : i32 to index
          %get3A_2016 = tpu.vector_load %arg7[%get3A_2015] {strides = array<i32>} : memref<16384xf32, #tpu.memory_space<vmem>>, vector<16xf32>,
          %get3A_2017 = vector.shape_cast %get3A_2016 : vector<16xf32> to vector<16xf32>
          %add3A_2018 = arith.constant 1536 : i32
          %add3A_2019 = arith.addi %mul3A_39, %add3A_2018 : i32
          %add3A_2020 = arith.constant 80 : i32
          %add3A_2021 = arith.addi %add3A_2019, %add3A_2020 : i32
          %get3A_2022 = arith.index_cast %add3A_2021 : i32 to index
          %get3A_2023 = tpu.vector_load %arg6[%get3A_2022] {strides = array<i32>} : memref<51200xf32, #tpu.memory_space<vmem>>, vector<16xf32>,
          %get3A_2024 = vector.shape_cast %get3A_2023 : vector<16xf32> to vector<16xf32>
          %max3A_2025 = arith.maximumf %get3A_2017, %get3A_2024 : vector<16xf32>
          %add3A_2026 = arith.constant 80 : i32
          %add3A_2027 = arith.addi %mul3A_1917, %add3A_2026 : i32
          %swap3A_2028 = arith.index_cast %add3A_2027 : i32 to index
          %swap3A_2029 = tpu.vector_load %arg7[%swap3A_2028] {strides = array<i32>} : memref<16384xf32, #tpu.memory_space<vmem>>, vector<16xf32>,
          %swap3A_2030 = vector.shape_cast %swap3A_2029 : vector<16xf32> to vector<16xf32>
          %swap3A_2031 = vector.shape_cast %max3A_2025 : vector<16xf32> to vector<16xf32>
          tpu.vector_store %arg7[%swap3A_2028], %swap3A_2031 {strides = array<i32>} : memref<16384xf32, #tpu.memory_space<vmem>>, vector<16xf32>,
          %add3A_2032 = arith.constant 96 : i32
          %add3A_2033 = arith.addi %mul3A_1917, %add3A_2032 : i32
          %get3A_2034 = arith.index_cast %add3A_2033 : i32 to index
          %get3A_2035 = tpu.vector_load %arg7[%get3A_2034] {strides = array<i32>} : memref<16384xf32, #tpu.memory_space<vmem>>, vector<16xf32>,
          %get3A_2036 = vector.shape_cast %get3A_2035 : vector<16xf32> to vector<16xf32>
          %add3A_2037 = arith.constant 1536 : i32
          %add3A_2038 = arith.addi %mul3A_39, %add3A_2037 : i32
          %add3A_2039 = arith.constant 96 : i32
          %add3A_2040 = arith.addi %add3A_2038, %add3A_2039 : i32
          %get3A_2041 = arith.index_cast %add3A_2040 : i32 to index
          %get3A_2042 = tpu.vector_load %arg6[%get3A_2041] {strides = array<i32>} : memref<51200xf32, #tpu.memory_space<vmem>>, vector<16xf32>,
          %get3A_2043 = vector.shape_cast %get3A_2042 : vector<16xf32> to vector<16xf32>
          %max3A_2044 = arith.maximumf %get3A_2036, %get3A_2043 : vector<16xf32>
          %add3A_2045 = arith.constant 96 : i32
          %add3A_2046 = arith.addi %mul3A_1917, %add3A_2045 : i32
          %swap3A_2047 = arith.index_cast %add3A_2046 : i32 to index
          %swap3A_2048 = tpu.vector_load %arg7[%swap3A_2047] {strides = array<i32>} : memref<16384xf32, #tpu.memory_space<vmem>>, vector<16xf32>,
          %swap3A_2049 = vector.shape_cast %swap3A_2048 : vector<16xf32> to vector<16xf32>
          %swap3A_2050 = vector.shape_cast %max3A_2044 : vector<16xf32> to vector<16xf32>
          tpu.vector_store %arg7[%swap3A_2047], %swap3A_2050 {strides = array<i32>} : memref<16384xf32, #tpu.memory_space<vmem>>, vector<16xf32>,
          %add3A_2051 = arith.constant 112 : i32
          %add3A_2052 = arith.addi %mul3A_1917, %add3A_2051 : i32
          %get3A_2053 = arith.index_cast %add3A_2052 : i32 to index
          %get3A_2054 = tpu.vector_load %arg7[%get3A_2053] {strides = array<i32>} : memref<16384xf32, #tpu.memory_space<vmem>>, vector<16xf32>,
          %get3A_2055 = vector.shape_cast %get3A_2054 : vector<16xf32> to vector<16xf32>
          %add3A_2056 = arith.constant 1536 : i32
          %add3A_2057 = arith.addi %mul3A_39, %add3A_2056 : i32
          %add3A_2058 = arith.constant 112 : i32
          %add3A_2059 = arith.addi %add3A_2057, %add3A_2058 : i32
          %get3A_2060 = arith.index_cast %add3A_2059 : i32 to index
          %get3A_2061 = tpu.vector_load %arg6[%get3A_2060] {strides = array<i32>} : memref<51200xf32, #tpu.memory_space<vmem>>, vector<16xf32>,
          %get3A_2062 = vector.shape_cast %get3A_2061 : vector<16xf32> to vector<16xf32>
          %max3A_2063 = arith.maximumf %get3A_2055, %get3A_2062 : vector<16xf32>
          %add3A_2064 = arith.constant 112 : i32
          %add3A_2065 = arith.addi %mul3A_1917, %add3A_2064 : i32
          %swap3A_2066 = arith.index_cast %add3A_2065 : i32 to index
          %swap3A_2067 = tpu.vector_load %arg7[%swap3A_2066] {strides = array<i32>} : memref<16384xf32, #tpu.memory_space<vmem>>, vector<16xf32>,
          %swap3A_2068 = vector.shape_cast %swap3A_2067 : vector<16xf32> to vector<16xf32>
          %swap3A_2069 = vector.shape_cast %max3A_2063 : vector<16xf32> to vector<16xf32>
          tpu.vector_store %arg7[%swap3A_2066], %swap3A_2069 {strides = array<i32>} : memref<16384xf32, #tpu.memory_space<vmem>>, vector<16xf32>,
          %slice3A_2070 = vector.extract_strided_slice %get3A_35 {offsets = [13], sizes = [1], strides = [1]} : vector<16xi32> to vector<1xi32>
          %squeeze3A_2071 = vector.extract %slice3A_2070[0] : i32 from vector<1xi32>
          %mul3A_2072 = arith.constant 128 : i32
          %mul3A_2073 = arith.muli %squeeze3A_2071, %mul3A_2072 : i32
          %add3A_2074 = arith.constant 0 : i32
          %add3A_2075 = arith.addi %mul3A_2073, %add3A_2074 : i32
          %get3A_2076 = arith.index_cast %add3A_2075 : i32 to index
          %get3A_2077 = tpu.vector_load %arg7[%get3A_2076] {strides = array<i32>} : memref<16384xf32, #tpu.memory_space<vmem>>, vector<16xf32>,
          %get3A_2078 = vector.shape_cast %get3A_2077 : vector<16xf32> to vector<16xf32>
          %add3A_2079 = arith.constant 1664 : i32
          %add3A_2080 = arith.addi %mul3A_39, %add3A_2079 : i32
          %add3A_2081 = arith.constant 0 : i32
          %add3A_2082 = arith.addi %add3A_2080, %add3A_2081 : i32
          %get3A_2083 = arith.index_cast %add3A_2082 : i32 to index
          %get3A_2084 = tpu.vector_load %arg6[%get3A_2083] {strides = array<i32>} : memref<51200xf32, #tpu.memory_space<vmem>>, vector<16xf32>,
          %get3A_2085 = vector.shape_cast %get3A_2084 : vector<16xf32> to vector<16xf32>
          %max3A_2086 = arith.maximumf %get3A_2078, %get3A_2085 : vector<16xf32>
          %add3A_2087 = arith.constant 0 : i32
          %add3A_2088 = arith.addi %mul3A_2073, %add3A_2087 : i32
          %swap3A_2089 = arith.index_cast %add3A_2088 : i32 to index
          %swap3A_2090 = tpu.vector_load %arg7[%swap3A_2089] {strides = array<i32>} : memref<16384xf32, #tpu.memory_space<vmem>>, vector<16xf32>,
          %swap3A_2091 = vector.shape_cast %swap3A_2090 : vector<16xf32> to vector<16xf32>
          %swap3A_2092 = vector.shape_cast %max3A_2086 : vector<16xf32> to vector<16xf32>
          tpu.vector_store %arg7[%swap3A_2089], %swap3A_2092 {strides = array<i32>} : memref<16384xf32, #tpu.memory_space<vmem>>, vector<16xf32>,
          %add3A_2093 = arith.constant 16 : i32
          %add3A_2094 = arith.addi %mul3A_2073, %add3A_2093 : i32
          %get3A_2095 = arith.index_cast %add3A_2094 : i32 to index
          %get3A_2096 = tpu.vector_load %arg7[%get3A_2095] {strides = array<i32>} : memref<16384xf32, #tpu.memory_space<vmem>>, vector<16xf32>,
          %get3A_2097 = vector.shape_cast %get3A_2096 : vector<16xf32> to vector<16xf32>
          %add3A_2098 = arith.constant 1664 : i32
          %add3A_2099 = arith.addi %mul3A_39, %add3A_2098 : i32
          %add3A_2100 = arith.constant 16 : i32
          %add3A_2101 = arith.addi %add3A_2099, %add3A_2100 : i32
          %get3A_2102 = arith.index_cast %add3A_2101 : i32 to index
          %get3A_2103 = tpu.vector_load %arg6[%get3A_2102] {strides = array<i32>} : memref<51200xf32, #tpu.memory_space<vmem>>, vector<16xf32>,
          %get3A_2104 = vector.shape_cast %get3A_2103 : vector<16xf32> to vector<16xf32>
          %max3A_2105 = arith.maximumf %get3A_2097, %get3A_2104 : vector<16xf32>
          %add3A_2106 = arith.constant 16 : i32
          %add3A_2107 = arith.addi %mul3A_2073, %add3A_2106 : i32
          %swap3A_2108 = arith.index_cast %add3A_2107 : i32 to index
          %swap3A_2109 = tpu.vector_load %arg7[%swap3A_2108] {strides = array<i32>} : memref<16384xf32, #tpu.memory_space<vmem>>, vector<16xf32>,
          %swap3A_2110 = vector.shape_cast %swap3A_2109 : vector<16xf32> to vector<16xf32>
          %swap3A_2111 = vector.shape_cast %max3A_2105 : vector<16xf32> to vector<16xf32>
          tpu.vector_store %arg7[%swap3A_2108], %swap3A_2111 {strides = array<i32>} : memref<16384xf32, #tpu.memory_space<vmem>>, vector<16xf32>,
          %add3A_2112 = arith.constant 32 : i32
          %add3A_2113 = arith.addi %mul3A_2073, %add3A_2112 : i32
          %get3A_2114 = arith.index_cast %add3A_2113 : i32 to index
          %get3A_2115 = tpu.vector_load %arg7[%get3A_2114] {strides = array<i32>} : memref<16384xf32, #tpu.memory_space<vmem>>, vector<16xf32>,
          %get3A_2116 = vector.shape_cast %get3A_2115 : vector<16xf32> to vector<16xf32>
          %add3A_2117 = arith.constant 1664 : i32
          %add3A_2118 = arith.addi %mul3A_39, %add3A_2117 : i32
          %add3A_2119 = arith.constant 32 : i32
          %add3A_2120 = arith.addi %add3A_2118, %add3A_2119 : i32
          %get3A_2121 = arith.index_cast %add3A_2120 : i32 to index
          %get3A_2122 = tpu.vector_load %arg6[%get3A_2121] {strides = array<i32>} : memref<51200xf32, #tpu.memory_space<vmem>>, vector<16xf32>,
          %get3A_2123 = vector.shape_cast %get3A_2122 : vector<16xf32> to vector<16xf32>
          %max3A_2124 = arith.maximumf %get3A_2116, %get3A_2123 : vector<16xf32>
          %add3A_2125 = arith.constant 32 : i32
          %add3A_2126 = arith.addi %mul3A_2073, %add3A_2125 : i32
          %swap3A_2127 = arith.index_cast %add3A_2126 : i32 to index
          %swap3A_2128 = tpu.vector_load %arg7[%swap3A_2127] {strides = array<i32>} : memref<16384xf32, #tpu.memory_space<vmem>>, vector<16xf32>,
          %swap3A_2129 = vector.shape_cast %swap3A_2128 : vector<16xf32> to vector<16xf32>
          %swap3A_2130 = vector.shape_cast %max3A_2124 : vector<16xf32> to vector<16xf32>
          tpu.vector_store %arg7[%swap3A_2127], %swap3A_2130 {strides = array<i32>} : memref<16384xf32, #tpu.memory_space<vmem>>, vector<16xf32>,
          %add3A_2131 = arith.constant 48 : i32
          %add3A_2132 = arith.addi %mul3A_2073, %add3A_2131 : i32
          %get3A_2133 = arith.index_cast %add3A_2132 : i32 to index
          %get3A_2134 = tpu.vector_load %arg7[%get3A_2133] {strides = array<i32>} : memref<16384xf32, #tpu.memory_space<vmem>>, vector<16xf32>,
          %get3A_2135 = vector.shape_cast %get3A_2134 : vector<16xf32> to vector<16xf32>
          %add3A_2136 = arith.constant 1664 : i32
          %add3A_2137 = arith.addi %mul3A_39, %add3A_2136 : i32
          %add3A_2138 = arith.constant 48 : i32
          %add3A_2139 = arith.addi %add3A_2137, %add3A_2138 : i32
          %get3A_2140 = arith.index_cast %add3A_2139 : i32 to index
          %get3A_2141 = tpu.vector_load %arg6[%get3A_2140] {strides = array<i32>} : memref<51200xf32, #tpu.memory_space<vmem>>, vector<16xf32>,
          %get3A_2142 = vector.shape_cast %get3A_2141 : vector<16xf32> to vector<16xf32>
          %max3A_2143 = arith.maximumf %get3A_2135, %get3A_2142 : vector<16xf32>
          %add3A_2144 = arith.constant 48 : i32
          %add3A_2145 = arith.addi %mul3A_2073, %add3A_2144 : i32
          %swap3A_2146 = arith.index_cast %add3A_2145 : i32 to index
          %swap3A_2147 = tpu.vector_load %arg7[%swap3A_2146] {strides = array<i32>} : memref<16384xf32, #tpu.memory_space<vmem>>, vector<16xf32>,
          %swap3A_2148 = vector.shape_cast %swap3A_2147 : vector<16xf32> to vector<16xf32>
          %swap3A_2149 = vector.shape_cast %max3A_2143 : vector<16xf32> to vector<16xf32>
          tpu.vector_store %arg7[%swap3A_2146], %swap3A_2149 {strides = array<i32>} : memref<16384xf32, #tpu.memory_space<vmem>>, vector<16xf32>,
          %add3A_2150 = arith.constant 64 : i32
          %add3A_2151 = arith.addi %mul3A_2073, %add3A_2150 : i32
          %get3A_2152 = arith.index_cast %add3A_2151 : i32 to index
          %get3A_2153 = tpu.vector_load %arg7[%get3A_2152] {strides = array<i32>} : memref<16384xf32, #tpu.memory_space<vmem>>, vector<16xf32>,
          %get3A_2154 = vector.shape_cast %get3A_2153 : vector<16xf32> to vector<16xf32>
          %add3A_2155 = arith.constant 1664 : i32
          %add3A_2156 = arith.addi %mul3A_39, %add3A_2155 : i32
          %add3A_2157 = arith.constant 64 : i32
          %add3A_2158 = arith.addi %add3A_2156, %add3A_2157 : i32
          %get3A_2159 = arith.index_cast %add3A_2158 : i32 to index
          %get3A_2160 = tpu.vector_load %arg6[%get3A_2159] {strides = array<i32>} : memref<51200xf32, #tpu.memory_space<vmem>>, vector<16xf32>,
          %get3A_2161 = vector.shape_cast %get3A_2160 : vector<16xf32> to vector<16xf32>
          %max3A_2162 = arith.maximumf %get3A_2154, %get3A_2161 : vector<16xf32>
          %add3A_2163 = arith.constant 64 : i32
          %add3A_2164 = arith.addi %mul3A_2073, %add3A_2163 : i32
          %swap3A_2165 = arith.index_cast %add3A_2164 : i32 to index
          %swap3A_2166 = tpu.vector_load %arg7[%swap3A_2165] {strides = array<i32>} : memref<16384xf32, #tpu.memory_space<vmem>>, vector<16xf32>,
          %swap3A_2167 = vector.shape_cast %swap3A_2166 : vector<16xf32> to vector<16xf32>
          %swap3A_2168 = vector.shape_cast %max3A_2162 : vector<16xf32> to vector<16xf32>
          tpu.vector_store %arg7[%swap3A_2165], %swap3A_2168 {strides = array<i32>} : memref<16384xf32, #tpu.memory_space<vmem>>, vector<16xf32>,
          %add3A_2169 = arith.constant 80 : i32
          %add3A_2170 = arith.addi %mul3A_2073, %add3A_2169 : i32
          %get3A_2171 = arith.index_cast %add3A_2170 : i32 to index
          %get3A_2172 = tpu.vector_load %arg7[%get3A_2171] {strides = array<i32>} : memref<16384xf32, #tpu.memory_space<vmem>>, vector<16xf32>,
          %get3A_2173 = vector.shape_cast %get3A_2172 : vector<16xf32> to vector<16xf32>
          %add3A_2174 = arith.constant 1664 : i32
          %add3A_2175 = arith.addi %mul3A_39, %add3A_2174 : i32
          %add3A_2176 = arith.constant 80 : i32
          %add3A_2177 = arith.addi %add3A_2175, %add3A_2176 : i32
          %get3A_2178 = arith.index_cast %add3A_2177 : i32 to index
          %get3A_2179 = tpu.vector_load %arg6[%get3A_2178] {strides = array<i32>} : memref<51200xf32, #tpu.memory_space<vmem>>, vector<16xf32>,
          %get3A_2180 = vector.shape_cast %get3A_2179 : vector<16xf32> to vector<16xf32>
          %max3A_2181 = arith.maximumf %get3A_2173, %get3A_2180 : vector<16xf32>
          %add3A_2182 = arith.constant 80 : i32
          %add3A_2183 = arith.addi %mul3A_2073, %add3A_2182 : i32
          %swap3A_2184 = arith.index_cast %add3A_2183 : i32 to index
          %swap3A_2185 = tpu.vector_load %arg7[%swap3A_2184] {strides = array<i32>} : memref<16384xf32, #tpu.memory_space<vmem>>, vector<16xf32>,
          %swap3A_2186 = vector.shape_cast %swap3A_2185 : vector<16xf32> to vector<16xf32>
          %swap3A_2187 = vector.shape_cast %max3A_2181 : vector<16xf32> to vector<16xf32>
          tpu.vector_store %arg7[%swap3A_2184], %swap3A_2187 {strides = array<i32>} : memref<16384xf32, #tpu.memory_space<vmem>>, vector<16xf32>,
          %add3A_2188 = arith.constant 96 : i32
          %add3A_2189 = arith.addi %mul3A_2073, %add3A_2188 : i32
          %get3A_2190 = arith.index_cast %add3A_2189 : i32 to index
          %get3A_2191 = tpu.vector_load %arg7[%get3A_2190] {strides = array<i32>} : memref<16384xf32, #tpu.memory_space<vmem>>, vector<16xf32>,
          %get3A_2192 = vector.shape_cast %get3A_2191 : vector<16xf32> to vector<16xf32>
          %add3A_2193 = arith.constant 1664 : i32
          %add3A_2194 = arith.addi %mul3A_39, %add3A_2193 : i32
          %add3A_2195 = arith.constant 96 : i32
          %add3A_2196 = arith.addi %add3A_2194, %add3A_2195 : i32
          %get3A_2197 = arith.index_cast %add3A_2196 : i32 to index
          %get3A_2198 = tpu.vector_load %arg6[%get3A_2197] {strides = array<i32>} : memref<51200xf32, #tpu.memory_space<vmem>>, vector<16xf32>,
          %get3A_2199 = vector.shape_cast %get3A_2198 : vector<16xf32> to vector<16xf32>
          %max3A_2200 = arith.maximumf %get3A_2192, %get3A_2199 : vector<16xf32>
          %add3A_2201 = arith.constant 96 : i32
          %add3A_2202 = arith.addi %mul3A_2073, %add3A_2201 : i32
          %swap3A_2203 = arith.index_cast %add3A_2202 : i32 to index
          %swap3A_2204 = tpu.vector_load %arg7[%swap3A_2203] {strides = array<i32>} : memref<16384xf32, #tpu.memory_space<vmem>>, vector<16xf32>,
          %swap3A_2205 = vector.shape_cast %swap3A_2204 : vector<16xf32> to vector<16xf32>
          %swap3A_2206 = vector.shape_cast %max3A_2200 : vector<16xf32> to vector<16xf32>
          tpu.vector_store %arg7[%swap3A_2203], %swap3A_2206 {strides = array<i32>} : memref<16384xf32, #tpu.memory_space<vmem>>, vector<16xf32>,
          %add3A_2207 = arith.constant 112 : i32
          %add3A_2208 = arith.addi %mul3A_2073, %add3A_2207 : i32
          %get3A_2209 = arith.index_cast %add3A_2208 : i32 to index
          %get3A_2210 = tpu.vector_load %arg7[%get3A_2209] {strides = array<i32>} : memref<16384xf32, #tpu.memory_space<vmem>>, vector<16xf32>,
          %get3A_2211 = vector.shape_cast %get3A_2210 : vector<16xf32> to vector<16xf32>
          %add3A_2212 = arith.constant 1664 : i32
          %add3A_2213 = arith.addi %mul3A_39, %add3A_2212 : i32
          %add3A_2214 = arith.constant 112 : i32
          %add3A_2215 = arith.addi %add3A_2213, %add3A_2214 : i32
          %get3A_2216 = arith.index_cast %add3A_2215 : i32 to index
          %get3A_2217 = tpu.vector_load %arg6[%get3A_2216] {strides = array<i32>} : memref<51200xf32, #tpu.memory_space<vmem>>, vector<16xf32>,
          %get3A_2218 = vector.shape_cast %get3A_2217 : vector<16xf32> to vector<16xf32>
          %max3A_2219 = arith.maximumf %get3A_2211, %get3A_2218 : vector<16xf32>
          %add3A_2220 = arith.constant 112 : i32
          %add3A_2221 = arith.addi %mul3A_2073, %add3A_2220 : i32
          %swap3A_2222 = arith.index_cast %add3A_2221 : i32 to index
          %swap3A_2223 = tpu.vector_load %arg7[%swap3A_2222] {strides = array<i32>} : memref<16384xf32, #tpu.memory_space<vmem>>, vector<16xf32>,
          %swap3A_2224 = vector.shape_cast %swap3A_2223 : vector<16xf32> to vector<16xf32>
          %swap3A_2225 = vector.shape_cast %max3A_2219 : vector<16xf32> to vector<16xf32>
          tpu.vector_store %arg7[%swap3A_2222], %swap3A_2225 {strides = array<i32>} : memref<16384xf32, #tpu.memory_space<vmem>>, vector<16xf32>,
          %slice3A_2226 = vector.extract_strided_slice %get3A_35 {offsets = [14], sizes = [1], strides = [1]} : vector<16xi32> to vector<1xi32>
          %squeeze3A_2227 = vector.extract %slice3A_2226[0] : i32 from vector<1xi32>
          %mul3A_2228 = arith.constant 128 : i32
          %mul3A_2229 = arith.muli %squeeze3A_2227, %mul3A_2228 : i32
          %add3A_2230 = arith.constant 0 : i32
          %add3A_2231 = arith.addi %mul3A_2229, %add3A_2230 : i32
          %get3A_2232 = arith.index_cast %add3A_2231 : i32 to index
          %get3A_2233 = tpu.vector_load %arg7[%get3A_2232] {strides = array<i32>} : memref<16384xf32, #tpu.memory_space<vmem>>, vector<16xf32>,
          %get3A_2234 = vector.shape_cast %get3A_2233 : vector<16xf32> to vector<16xf32>
          %add3A_2235 = arith.constant 1792 : i32
          %add3A_2236 = arith.addi %mul3A_39, %add3A_2235 : i32
          %add3A_2237 = arith.constant 0 : i32
          %add3A_2238 = arith.addi %add3A_2236, %add3A_2237 : i32
          %get3A_2239 = arith.index_cast %add3A_2238 : i32 to index
          %get3A_2240 = tpu.vector_load %arg6[%get3A_2239] {strides = array<i32>} : memref<51200xf32, #tpu.memory_space<vmem>>, vector<16xf32>,
          %get3A_2241 = vector.shape_cast %get3A_2240 : vector<16xf32> to vector<16xf32>
          %max3A_2242 = arith.maximumf %get3A_2234, %get3A_2241 : vector<16xf32>
          %add3A_2243 = arith.constant 0 : i32
          %add3A_2244 = arith.addi %mul3A_2229, %add3A_2243 : i32
          %swap3A_2245 = arith.index_cast %add3A_2244 : i32 to index
          %swap3A_2246 = tpu.vector_load %arg7[%swap3A_2245] {strides = array<i32>} : memref<16384xf32, #tpu.memory_space<vmem>>, vector<16xf32>,
          %swap3A_2247 = vector.shape_cast %swap3A_2246 : vector<16xf32> to vector<16xf32>
          %swap3A_2248 = vector.shape_cast %max3A_2242 : vector<16xf32> to vector<16xf32>
          tpu.vector_store %arg7[%swap3A_2245], %swap3A_2248 {strides = array<i32>} : memref<16384xf32, #tpu.memory_space<vmem>>, vector<16xf32>,
          %add3A_2249 = arith.constant 16 : i32
          %add3A_2250 = arith.addi %mul3A_2229, %add3A_2249 : i32
          %get3A_2251 = arith.index_cast %add3A_2250 : i32 to index
          %get3A_2252 = tpu.vector_load %arg7[%get3A_2251] {strides = array<i32>} : memref<16384xf32, #tpu.memory_space<vmem>>, vector<16xf32>,
          %get3A_2253 = vector.shape_cast %get3A_2252 : vector<16xf32> to vector<16xf32>
          %add3A_2254 = arith.constant 1792 : i32
          %add3A_2255 = arith.addi %mul3A_39, %add3A_2254 : i32
          %add3A_2256 = arith.constant 16 : i32
          %add3A_2257 = arith.addi %add3A_2255, %add3A_2256 : i32
          %get3A_2258 = arith.index_cast %add3A_2257 : i32 to index
          %get3A_2259 = tpu.vector_load %arg6[%get3A_2258] {strides = array<i32>} : memref<51200xf32, #tpu.memory_space<vmem>>, vector<16xf32>,
          %get3A_2260 = vector.shape_cast %get3A_2259 : vector<16xf32> to vector<16xf32>
          %max3A_2261 = arith.maximumf %get3A_2253, %get3A_2260 : vector<16xf32>
          %add3A_2262 = arith.constant 16 : i32
          %add3A_2263 = arith.addi %mul3A_2229, %add3A_2262 : i32
          %swap3A_2264 = arith.index_cast %add3A_2263 : i32 to index
          %swap3A_2265 = tpu.vector_load %arg7[%swap3A_2264] {strides = array<i32>} : memref<16384xf32, #tpu.memory_space<vmem>>, vector<16xf32>,
          %swap3A_2266 = vector.shape_cast %swap3A_2265 : vector<16xf32> to vector<16xf32>
          %swap3A_2267 = vector.shape_cast %max3A_2261 : vector<16xf32> to vector<16xf32>
          tpu.vector_store %arg7[%swap3A_2264], %swap3A_2267 {strides = array<i32>} : memref<16384xf32, #tpu.memory_space<vmem>>, vector<16xf32>,
          %add3A_2268 = arith.constant 32 : i32
          %add3A_2269 = arith.addi %mul3A_2229, %add3A_2268 : i32
          %get3A_2270 = arith.index_cast %add3A_2269 : i32 to index
          %get3A_2271 = tpu.vector_load %arg7[%get3A_2270] {strides = array<i32>} : memref<16384xf32, #tpu.memory_space<vmem>>, vector<16xf32>,
          %get3A_2272 = vector.shape_cast %get3A_2271 : vector<16xf32> to vector<16xf32>
          %add3A_2273 = arith.constant 1792 : i32
          %add3A_2274 = arith.addi %mul3A_39, %add3A_2273 : i32
          %add3A_2275 = arith.constant 32 : i32
          %add3A_2276 = arith.addi %add3A_2274, %add3A_2275 : i32
          %get3A_2277 = arith.index_cast %add3A_2276 : i32 to index
          %get3A_2278 = tpu.vector_load %arg6[%get3A_2277] {strides = array<i32>} : memref<51200xf32, #tpu.memory_space<vmem>>, vector<16xf32>,
          %get3A_2279 = vector.shape_cast %get3A_2278 : vector<16xf32> to vector<16xf32>
          %max3A_2280 = arith.maximumf %get3A_2272, %get3A_2279 : vector<16xf32>
          %add3A_2281 = arith.constant 32 : i32
          %add3A_2282 = arith.addi %mul3A_2229, %add3A_2281 : i32
          %swap3A_2283 = arith.index_cast %add3A_2282 : i32 to index
          %swap3A_2284 = tpu.vector_load %arg7[%swap3A_2283] {strides = array<i32>} : memref<16384xf32, #tpu.memory_space<vmem>>, vector<16xf32>,
          %swap3A_2285 = vector.shape_cast %swap3A_2284 : vector<16xf32> to vector<16xf32>
          %swap3A_2286 = vector.shape_cast %max3A_2280 : vector<16xf32> to vector<16xf32>
          tpu.vector_store %arg7[%swap3A_2283], %swap3A_2286 {strides = array<i32>} : memref<16384xf32, #tpu.memory_space<vmem>>, vector<16xf32>,
          %add3A_2287 = arith.constant 48 : i32
          %add3A_2288 = arith.addi %mul3A_2229, %add3A_2287 : i32
          %get3A_2289 = arith.index_cast %add3A_2288 : i32 to index
          %get3A_2290 = tpu.vector_load %arg7[%get3A_2289] {strides = array<i32>} : memref<16384xf32, #tpu.memory_space<vmem>>, vector<16xf32>,
          %get3A_2291 = vector.shape_cast %get3A_2290 : vector<16xf32> to vector<16xf32>
          %add3A_2292 = arith.constant 1792 : i32
          %add3A_2293 = arith.addi %mul3A_39, %add3A_2292 : i32
          %add3A_2294 = arith.constant 48 : i32
          %add3A_2295 = arith.addi %add3A_2293, %add3A_2294 : i32
          %get3A_2296 = arith.index_cast %add3A_2295 : i32 to index
          %get3A_2297 = tpu.vector_load %arg6[%get3A_2296] {strides = array<i32>} : memref<51200xf32, #tpu.memory_space<vmem>>, vector<16xf32>,
          %get3A_2298 = vector.shape_cast %get3A_2297 : vector<16xf32> to vector<16xf32>
          %max3A_2299 = arith.maximumf %get3A_2291, %get3A_2298 : vector<16xf32>
          %add3A_2300 = arith.constant 48 : i32
          %add3A_2301 = arith.addi %mul3A_2229, %add3A_2300 : i32
          %swap3A_2302 = arith.index_cast %add3A_2301 : i32 to index
          %swap3A_2303 = tpu.vector_load %arg7[%swap3A_2302] {strides = array<i32>} : memref<16384xf32, #tpu.memory_space<vmem>>, vector<16xf32>,
          %swap3A_2304 = vector.shape_cast %swap3A_2303 : vector<16xf32> to vector<16xf32>
          %swap3A_2305 = vector.shape_cast %max3A_2299 : vector<16xf32> to vector<16xf32>
          tpu.vector_store %arg7[%swap3A_2302], %swap3A_2305 {strides = array<i32>} : memref<16384xf32, #tpu.memory_space<vmem>>, vector<16xf32>,
          %add3A_2306 = arith.constant 64 : i32
          %add3A_2307 = arith.addi %mul3A_2229, %add3A_2306 : i32
          %get3A_2308 = arith.index_cast %add3A_2307 : i32 to index
          %get3A_2309 = tpu.vector_load %arg7[%get3A_2308] {strides = array<i32>} : memref<16384xf32, #tpu.memory_space<vmem>>, vector<16xf32>,
          %get3A_2310 = vector.shape_cast %get3A_2309 : vector<16xf32> to vector<16xf32>
          %add3A_2311 = arith.constant 1792 : i32
          %add3A_2312 = arith.addi %mul3A_39, %add3A_2311 : i32
          %add3A_2313 = arith.constant 64 : i32
          %add3A_2314 = arith.addi %add3A_2312, %add3A_2313 : i32
          %get3A_2315 = arith.index_cast %add3A_2314 : i32 to index
          %get3A_2316 = tpu.vector_load %arg6[%get3A_2315] {strides = array<i32>} : memref<51200xf32, #tpu.memory_space<vmem>>, vector<16xf32>,
          %get3A_2317 = vector.shape_cast %get3A_2316 : vector<16xf32> to vector<16xf32>
          %max3A_2318 = arith.maximumf %get3A_2310, %get3A_2317 : vector<16xf32>
          %add3A_2319 = arith.constant 64 : i32
          %add3A_2320 = arith.addi %mul3A_2229, %add3A_2319 : i32
          %swap3A_2321 = arith.index_cast %add3A_2320 : i32 to index
          %swap3A_2322 = tpu.vector_load %arg7[%swap3A_2321] {strides = array<i32>} : memref<16384xf32, #tpu.memory_space<vmem>>, vector<16xf32>,
          %swap3A_2323 = vector.shape_cast %swap3A_2322 : vector<16xf32> to vector<16xf32>
          %swap3A_2324 = vector.shape_cast %max3A_2318 : vector<16xf32> to vector<16xf32>
          tpu.vector_store %arg7[%swap3A_2321], %swap3A_2324 {strides = array<i32>} : memref<16384xf32, #tpu.memory_space<vmem>>, vector<16xf32>,
          %add3A_2325 = arith.constant 80 : i32
          %add3A_2326 = arith.addi %mul3A_2229, %add3A_2325 : i32
          %get3A_2327 = arith.index_cast %add3A_2326 : i32 to index
          %get3A_2328 = tpu.vector_load %arg7[%get3A_2327] {strides = array<i32>} : memref<16384xf32, #tpu.memory_space<vmem>>, vector<16xf32>,
          %get3A_2329 = vector.shape_cast %get3A_2328 : vector<16xf32> to vector<16xf32>
          %add3A_2330 = arith.constant 1792 : i32
          %add3A_2331 = arith.addi %mul3A_39, %add3A_2330 : i32
          %add3A_2332 = arith.constant 80 : i32
          %add3A_2333 = arith.addi %add3A_2331, %add3A_2332 : i32
          %get3A_2334 = arith.index_cast %add3A_2333 : i32 to index
          %get3A_2335 = tpu.vector_load %arg6[%get3A_2334] {strides = array<i32>} : memref<51200xf32, #tpu.memory_space<vmem>>, vector<16xf32>,
          %get3A_2336 = vector.shape_cast %get3A_2335 : vector<16xf32> to vector<16xf32>
          %max3A_2337 = arith.maximumf %get3A_2329, %get3A_2336 : vector<16xf32>
          %add3A_2338 = arith.constant 80 : i32
          %add3A_2339 = arith.addi %mul3A_2229, %add3A_2338 : i32
          %swap3A_2340 = arith.index_cast %add3A_2339 : i32 to index
          %swap3A_2341 = tpu.vector_load %arg7[%swap3A_2340] {strides = array<i32>} : memref<16384xf32, #tpu.memory_space<vmem>>, vector<16xf32>,
          %swap3A_2342 = vector.shape_cast %swap3A_2341 : vector<16xf32> to vector<16xf32>
          %swap3A_2343 = vector.shape_cast %max3A_2337 : vector<16xf32> to vector<16xf32>
          tpu.vector_store %arg7[%swap3A_2340], %swap3A_2343 {strides = array<i32>} : memref<16384xf32, #tpu.memory_space<vmem>>, vector<16xf32>,
          %add3A_2344 = arith.constant 96 : i32
          %add3A_2345 = arith.addi %mul3A_2229, %add3A_2344 : i32
          %get3A_2346 = arith.index_cast %add3A_2345 : i32 to index
          %get3A_2347 = tpu.vector_load %arg7[%get3A_2346] {strides = array<i32>} : memref<16384xf32, #tpu.memory_space<vmem>>, vector<16xf32>,
          %get3A_2348 = vector.shape_cast %get3A_2347 : vector<16xf32> to vector<16xf32>
          %add3A_2349 = arith.constant 1792 : i32
          %add3A_2350 = arith.addi %mul3A_39, %add3A_2349 : i32
          %add3A_2351 = arith.constant 96 : i32
          %add3A_2352 = arith.addi %add3A_2350, %add3A_2351 : i32
          %get3A_2353 = arith.index_cast %add3A_2352 : i32 to index
          %get3A_2354 = tpu.vector_load %arg6[%get3A_2353] {strides = array<i32>} : memref<51200xf32, #tpu.memory_space<vmem>>, vector<16xf32>,
          %get3A_2355 = vector.shape_cast %get3A_2354 : vector<16xf32> to vector<16xf32>
          %max3A_2356 = arith.maximumf %get3A_2348, %get3A_2355 : vector<16xf32>
          %add3A_2357 = arith.constant 96 : i32
          %add3A_2358 = arith.addi %mul3A_2229, %add3A_2357 : i32
          %swap3A_2359 = arith.index_cast %add3A_2358 : i32 to index
          %swap3A_2360 = tpu.vector_load %arg7[%swap3A_2359] {strides = array<i32>} : memref<16384xf32, #tpu.memory_space<vmem>>, vector<16xf32>,
          %swap3A_2361 = vector.shape_cast %swap3A_2360 : vector<16xf32> to vector<16xf32>
          %swap3A_2362 = vector.shape_cast %max3A_2356 : vector<16xf32> to vector<16xf32>
          tpu.vector_store %arg7[%swap3A_2359], %swap3A_2362 {strides = array<i32>} : memref<16384xf32, #tpu.memory_space<vmem>>, vector<16xf32>,
          %add3A_2363 = arith.constant 112 : i32
          %add3A_2364 = arith.addi %mul3A_2229, %add3A_2363 : i32
          %get3A_2365 = arith.index_cast %add3A_2364 : i32 to index
          %get3A_2366 = tpu.vector_load %arg7[%get3A_2365] {strides = array<i32>} : memref<16384xf32, #tpu.memory_space<vmem>>, vector<16xf32>,
          %get3A_2367 = vector.shape_cast %get3A_2366 : vector<16xf32> to vector<16xf32>
          %add3A_2368 = arith.constant 1792 : i32
          %add3A_2369 = arith.addi %mul3A_39, %add3A_2368 : i32
          %add3A_2370 = arith.constant 112 : i32
          %add3A_2371 = arith.addi %add3A_2369, %add3A_2370 : i32
          %get3A_2372 = arith.index_cast %add3A_2371 : i32 to index
          %get3A_2373 = tpu.vector_load %arg6[%get3A_2372] {strides = array<i32>} : memref<51200xf32, #tpu.memory_space<vmem>>, vector<16xf32>,
          %get3A_2374 = vector.shape_cast %get3A_2373 : vector<16xf32> to vector<16xf32>
          %max3A_2375 = arith.maximumf %get3A_2367, %get3A_2374 : vector<16xf32>
          %add3A_2376 = arith.constant 112 : i32
          %add3A_2377 = arith.addi %mul3A_2229, %add3A_2376 : i32
          %swap3A_2378 = arith.index_cast %add3A_2377 : i32 to index
          %swap3A_2379 = tpu.vector_load %arg7[%swap3A_2378] {strides = array<i32>} : memref<16384xf32, #tpu.memory_space<vmem>>, vector<16xf32>,
          %swap3A_2380 = vector.shape_cast %swap3A_2379 : vector<16xf32> to vector<16xf32>
          %swap3A_2381 = vector.shape_cast %max3A_2375 : vector<16xf32> to vector<16xf32>
          tpu.vector_store %arg7[%swap3A_2378], %swap3A_2381 {strides = array<i32>} : memref<16384xf32, #tpu.memory_space<vmem>>, vector<16xf32>,
          %slice3A_2382 = vector.extract_strided_slice %get3A_35 {offsets = [15], sizes = [1], strides = [1]} : vector<16xi32> to vector<1xi32>
          %squeeze3A_2383 = vector.extract %slice3A_2382[0] : i32 from vector<1xi32>
          %mul3A_2384 = arith.constant 128 : i32
          %mul3A_2385 = arith.muli %squeeze3A_2383, %mul3A_2384 : i32
          %add3A_2386 = arith.constant 0 : i32
          %add3A_2387 = arith.addi %mul3A_2385, %add3A_2386 : i32
          %get3A_2388 = arith.index_cast %add3A_2387 : i32 to index
          %get3A_2389 = tpu.vector_load %arg7[%get3A_2388] {strides = array<i32>} : memref<16384xf32, #tpu.memory_space<vmem>>, vector<16xf32>,
          %get3A_2390 = vector.shape_cast %get3A_2389 : vector<16xf32> to vector<16xf32>
          %add3A_2391 = arith.constant 1920 : i32
          %add3A_2392 = arith.addi %mul3A_39, %add3A_2391 : i32
          %add3A_2393 = arith.constant 0 : i32
          %add3A_2394 = arith.addi %add3A_2392, %add3A_2393 : i32
          %get3A_2395 = arith.index_cast %add3A_2394 : i32 to index
          %get3A_2396 = tpu.vector_load %arg6[%get3A_2395] {strides = array<i32>} : memref<51200xf32, #tpu.memory_space<vmem>>, vector<16xf32>,
          %get3A_2397 = vector.shape_cast %get3A_2396 : vector<16xf32> to vector<16xf32>
          %max3A_2398 = arith.maximumf %get3A_2390, %get3A_2397 : vector<16xf32>
          %add3A_2399 = arith.constant 0 : i32
          %add3A_2400 = arith.addi %mul3A_2385, %add3A_2399 : i32
          %swap3A_2401 = arith.index_cast %add3A_2400 : i32 to index
          %swap3A_2402 = tpu.vector_load %arg7[%swap3A_2401] {strides = array<i32>} : memref<16384xf32, #tpu.memory_space<vmem>>, vector<16xf32>,
          %swap3A_2403 = vector.shape_cast %swap3A_2402 : vector<16xf32> to vector<16xf32>
          %swap3A_2404 = vector.shape_cast %max3A_2398 : vector<16xf32> to vector<16xf32>
          tpu.vector_store %arg7[%swap3A_2401], %swap3A_2404 {strides = array<i32>} : memref<16384xf32, #tpu.memory_space<vmem>>, vector<16xf32>,
          %add3A_2405 = arith.constant 16 : i32
          %add3A_2406 = arith.addi %mul3A_2385, %add3A_2405 : i32
          %get3A_2407 = arith.index_cast %add3A_2406 : i32 to index
          %get3A_2408 = tpu.vector_load %arg7[%get3A_2407] {strides = array<i32>} : memref<16384xf32, #tpu.memory_space<vmem>>, vector<16xf32>,
          %get3A_2409 = vector.shape_cast %get3A_2408 : vector<16xf32> to vector<16xf32>
          %add3A_2410 = arith.constant 1920 : i32
          %add3A_2411 = arith.addi %mul3A_39, %add3A_2410 : i32
          %add3A_2412 = arith.constant 16 : i32
          %add3A_2413 = arith.addi %add3A_2411, %add3A_2412 : i32
          %get3A_2414 = arith.index_cast %add3A_2413 : i32 to index
          %get3A_2415 = tpu.vector_load %arg6[%get3A_2414] {strides = array<i32>} : memref<51200xf32, #tpu.memory_space<vmem>>, vector<16xf32>,
          %get3A_2416 = vector.shape_cast %get3A_2415 : vector<16xf32> to vector<16xf32>
          %max3A_2417 = arith.maximumf %get3A_2409, %get3A_2416 : vector<16xf32>
          %add3A_2418 = arith.constant 16 : i32
          %add3A_2419 = arith.addi %mul3A_2385, %add3A_2418 : i32
          %swap3A_2420 = arith.index_cast %add3A_2419 : i32 to index
          %swap3A_2421 = tpu.vector_load %arg7[%swap3A_2420] {strides = array<i32>} : memref<16384xf32, #tpu.memory_space<vmem>>, vector<16xf32>,
          %swap3A_2422 = vector.shape_cast %swap3A_2421 : vector<16xf32> to vector<16xf32>
          %swap3A_2423 = vector.shape_cast %max3A_2417 : vector<16xf32> to vector<16xf32>
          tpu.vector_store %arg7[%swap3A_2420], %swap3A_2423 {strides = array<i32>} : memref<16384xf32, #tpu.memory_space<vmem>>, vector<16xf32>,
          %add3A_2424 = arith.constant 32 : i32
          %add3A_2425 = arith.addi %mul3A_2385, %add3A_2424 : i32
          %get3A_2426 = arith.index_cast %add3A_2425 : i32 to index
          %get3A_2427 = tpu.vector_load %arg7[%get3A_2426] {strides = array<i32>} : memref<16384xf32, #tpu.memory_space<vmem>>, vector<16xf32>,
          %get3A_2428 = vector.shape_cast %get3A_2427 : vector<16xf32> to vector<16xf32>
          %add3A_2429 = arith.constant 1920 : i32
          %add3A_2430 = arith.addi %mul3A_39, %add3A_2429 : i32
          %add3A_2431 = arith.constant 32 : i32
          %add3A_2432 = arith.addi %add3A_2430, %add3A_2431 : i32
          %get3A_2433 = arith.index_cast %add3A_2432 : i32 to index
          %get3A_2434 = tpu.vector_load %arg6[%get3A_2433] {strides = array<i32>} : memref<51200xf32, #tpu.memory_space<vmem>>, vector<16xf32>,
          %get3A_2435 = vector.shape_cast %get3A_2434 : vector<16xf32> to vector<16xf32>
          %max3A_2436 = arith.maximumf %get3A_2428, %get3A_2435 : vector<16xf32>
          %add3A_2437 = arith.constant 32 : i32
          %add3A_2438 = arith.addi %mul3A_2385, %add3A_2437 : i32
          %swap3A_2439 = arith.index_cast %add3A_2438 : i32 to index
          %swap3A_2440 = tpu.vector_load %arg7[%swap3A_2439] {strides = array<i32>} : memref<16384xf32, #tpu.memory_space<vmem>>, vector<16xf32>,
          %swap3A_2441 = vector.shape_cast %swap3A_2440 : vector<16xf32> to vector<16xf32>
          %swap3A_2442 = vector.shape_cast %max3A_2436 : vector<16xf32> to vector<16xf32>
          tpu.vector_store %arg7[%swap3A_2439], %swap3A_2442 {strides = array<i32>} : memref<16384xf32, #tpu.memory_space<vmem>>, vector<16xf32>,
          %add3A_2443 = arith.constant 48 : i32
          %add3A_2444 = arith.addi %mul3A_2385, %add3A_2443 : i32
          %get3A_2445 = arith.index_cast %add3A_2444 : i32 to index
          %get3A_2446 = tpu.vector_load %arg7[%get3A_2445] {strides = array<i32>} : memref<16384xf32, #tpu.memory_space<vmem>>, vector<16xf32>,
          %get3A_2447 = vector.shape_cast %get3A_2446 : vector<16xf32> to vector<16xf32>
          %add3A_2448 = arith.constant 1920 : i32
          %add3A_2449 = arith.addi %mul3A_39, %add3A_2448 : i32
          %add3A_2450 = arith.constant 48 : i32
          %add3A_2451 = arith.addi %add3A_2449, %add3A_2450 : i32
          %get3A_2452 = arith.index_cast %add3A_2451 : i32 to index
          %get3A_2453 = tpu.vector_load %arg6[%get3A_2452] {strides = array<i32>} : memref<51200xf32, #tpu.memory_space<vmem>>, vector<16xf32>,
          %get3A_2454 = vector.shape_cast %get3A_2453 : vector<16xf32> to vector<16xf32>
          %max3A_2455 = arith.maximumf %get3A_2447, %get3A_2454 : vector<16xf32>
          %add3A_2456 = arith.constant 48 : i32
          %add3A_2457 = arith.addi %mul3A_2385, %add3A_2456 : i32
          %swap3A_2458 = arith.index_cast %add3A_2457 : i32 to index
          %swap3A_2459 = tpu.vector_load %arg7[%swap3A_2458] {strides = array<i32>} : memref<16384xf32, #tpu.memory_space<vmem>>, vector<16xf32>,
          %swap3A_2460 = vector.shape_cast %swap3A_2459 : vector<16xf32> to vector<16xf32>
          %swap3A_2461 = vector.shape_cast %max3A_2455 : vector<16xf32> to vector<16xf32>
          tpu.vector_store %arg7[%swap3A_2458], %swap3A_2461 {strides = array<i32>} : memref<16384xf32, #tpu.memory_space<vmem>>, vector<16xf32>,
          %add3A_2462 = arith.constant 64 : i32
          %add3A_2463 = arith.addi %mul3A_2385, %add3A_2462 : i32
          %get3A_2464 = arith.index_cast %add3A_2463 : i32 to index
          %get3A_2465 = tpu.vector_load %arg7[%get3A_2464] {strides = array<i32>} : memref<16384xf32, #tpu.memory_space<vmem>>, vector<16xf32>,
          %get3A_2466 = vector.shape_cast %get3A_2465 : vector<16xf32> to vector<16xf32>
          %add3A_2467 = arith.constant 1920 : i32
          %add3A_2468 = arith.addi %mul3A_39, %add3A_2467 : i32
          %add3A_2469 = arith.constant 64 : i32
          %add3A_2470 = arith.addi %add3A_2468, %add3A_2469 : i32
          %get3A_2471 = arith.index_cast %add3A_2470 : i32 to index
          %get3A_2472 = tpu.vector_load %arg6[%get3A_2471] {strides = array<i32>} : memref<51200xf32, #tpu.memory_space<vmem>>, vector<16xf32>,
          %get3A_2473 = vector.shape_cast %get3A_2472 : vector<16xf32> to vector<16xf32>
          %max3A_2474 = arith.maximumf %get3A_2466, %get3A_2473 : vector<16xf32>
          %add3A_2475 = arith.constant 64 : i32
          %add3A_2476 = arith.addi %mul3A_2385, %add3A_2475 : i32
          %swap3A_2477 = arith.index_cast %add3A_2476 : i32 to index
          %swap3A_2478 = tpu.vector_load %arg7[%swap3A_2477] {strides = array<i32>} : memref<16384xf32, #tpu.memory_space<vmem>>, vector<16xf32>,
          %swap3A_2479 = vector.shape_cast %swap3A_2478 : vector<16xf32> to vector<16xf32>
          %swap3A_2480 = vector.shape_cast %max3A_2474 : vector<16xf32> to vector<16xf32>
          tpu.vector_store %arg7[%swap3A_2477], %swap3A_2480 {strides = array<i32>} : memref<16384xf32, #tpu.memory_space<vmem>>, vector<16xf32>,
          %add3A_2481 = arith.constant 80 : i32
          %add3A_2482 = arith.addi %mul3A_2385, %add3A_2481 : i32
          %get3A_2483 = arith.index_cast %add3A_2482 : i32 to index
          %get3A_2484 = tpu.vector_load %arg7[%get3A_2483] {strides = array<i32>} : memref<16384xf32, #tpu.memory_space<vmem>>, vector<16xf32>,
          %get3A_2485 = vector.shape_cast %get3A_2484 : vector<16xf32> to vector<16xf32>
          %add3A_2486 = arith.constant 1920 : i32
          %add3A_2487 = arith.addi %mul3A_39, %add3A_2486 : i32
          %add3A_2488 = arith.constant 80 : i32
          %add3A_2489 = arith.addi %add3A_2487, %add3A_2488 : i32
          %get3A_2490 = arith.index_cast %add3A_2489 : i32 to index
          %get3A_2491 = tpu.vector_load %arg6[%get3A_2490] {strides = array<i32>} : memref<51200xf32, #tpu.memory_space<vmem>>, vector<16xf32>,
          %get3A_2492 = vector.shape_cast %get3A_2491 : vector<16xf32> to vector<16xf32>
          %max3A_2493 = arith.maximumf %get3A_2485, %get3A_2492 : vector<16xf32>
          %add3A_2494 = arith.constant 80 : i32
          %add3A_2495 = arith.addi %mul3A_2385, %add3A_2494 : i32
          %swap3A_2496 = arith.index_cast %add3A_2495 : i32 to index
          %swap3A_2497 = tpu.vector_load %arg7[%swap3A_2496] {strides = array<i32>} : memref<16384xf32, #tpu.memory_space<vmem>>, vector<16xf32>,
          %swap3A_2498 = vector.shape_cast %swap3A_2497 : vector<16xf32> to vector<16xf32>
          %swap3A_2499 = vector.shape_cast %max3A_2493 : vector<16xf32> to vector<16xf32>
          tpu.vector_store %arg7[%swap3A_2496], %swap3A_2499 {strides = array<i32>} : memref<16384xf32, #tpu.memory_space<vmem>>, vector<16xf32>,
          %add3A_2500 = arith.constant 96 : i32
          %add3A_2501 = arith.addi %mul3A_2385, %add3A_2500 : i32
          %get3A_2502 = arith.index_cast %add3A_2501 : i32 to index
          %get3A_2503 = tpu.vector_load %arg7[%get3A_2502] {strides = array<i32>} : memref<16384xf32, #tpu.memory_space<vmem>>, vector<16xf32>,
          %get3A_2504 = vector.shape_cast %get3A_2503 : vector<16xf32> to vector<16xf32>
          %add3A_2505 = arith.constant 1920 : i32
          %add3A_2506 = arith.addi %mul3A_39, %add3A_2505 : i32
          %add3A_2507 = arith.constant 96 : i32
          %add3A_2508 = arith.addi %add3A_2506, %add3A_2507 : i32
          %get3A_2509 = arith.index_cast %add3A_2508 : i32 to index
          %get3A_2510 = tpu.vector_load %arg6[%get3A_2509] {strides = array<i32>} : memref<51200xf32, #tpu.memory_space<vmem>>, vector<16xf32>,
          %get3A_2511 = vector.shape_cast %get3A_2510 : vector<16xf32> to vector<16xf32>
          %max3A_2512 = arith.maximumf %get3A_2504, %get3A_2511 : vector<16xf32>
          %add3A_2513 = arith.constant 96 : i32
          %add3A_2514 = arith.addi %mul3A_2385, %add3A_2513 : i32
          %swap3A_2515 = arith.index_cast %add3A_2514 : i32 to index
          %swap3A_2516 = tpu.vector_load %arg7[%swap3A_2515] {strides = array<i32>} : memref<16384xf32, #tpu.memory_space<vmem>>, vector<16xf32>,
          %swap3A_2517 = vector.shape_cast %swap3A_2516 : vector<16xf32> to vector<16xf32>
          %swap3A_2518 = vector.shape_cast %max3A_2512 : vector<16xf32> to vector<16xf32>
          tpu.vector_store %arg7[%swap3A_2515], %swap3A_2518 {strides = array<i32>} : memref<16384xf32, #tpu.memory_space<vmem>>, vector<16xf32>,
          %add3A_2519 = arith.constant 112 : i32
          %add3A_2520 = arith.addi %mul3A_2385, %add3A_2519 : i32
          %get3A_2521 = arith.index_cast %add3A_2520 : i32 to index
          %get3A_2522 = tpu.vector_load %arg7[%get3A_2521] {strides = array<i32>} : memref<16384xf32, #tpu.memory_space<vmem>>, vector<16xf32>,
          %get3A_2523 = vector.shape_cast %get3A_2522 : vector<16xf32> to vector<16xf32>
          %add3A_2524 = arith.constant 1920 : i32
          %add3A_2525 = arith.addi %mul3A_39, %add3A_2524 : i32
          %add3A_2526 = arith.constant 112 : i32
          %add3A_2527 = arith.addi %add3A_2525, %add3A_2526 : i32
          %get3A_2528 = arith.index_cast %add3A_2527 : i32 to index
          %get3A_2529 = tpu.vector_load %arg6[%get3A_2528] {strides = array<i32>} : memref<51200xf32, #tpu.memory_space<vmem>>, vector<16xf32>,
          %get3A_2530 = vector.shape_cast %get3A_2529 : vector<16xf32> to vector<16xf32>
          %max3A_2531 = arith.maximumf %get3A_2523, %get3A_2530 : vector<16xf32>
          %add3A_2532 = arith.constant 112 : i32
          %add3A_2533 = arith.addi %mul3A_2385, %add3A_2532 : i32
          %swap3A_2534 = arith.index_cast %add3A_2533 : i32 to index
          %swap3A_2535 = tpu.vector_load %arg7[%swap3A_2534] {strides = array<i32>} : memref<16384xf32, #tpu.memory_space<vmem>>, vector<16xf32>,
          %swap3A_2536 = vector.shape_cast %swap3A_2535 : vector<16xf32> to vector<16xf32>
          %swap3A_2537 = vector.shape_cast %max3A_2531 : vector<16xf32> to vector<16xf32>
          tpu.vector_store %arg7[%swap3A_2534], %swap3A_2537 {strides = array<i32>} : memref<16384xf32, #tpu.memory_space<vmem>>, vector<16xf32>,
        } else {
        }
      }
      %scan3A_27 = arith.constant 25 : i32
    }
    %scan3A_14 = arith.constant 25 : i32
    %mul3A_15 = arith.constant 16384 : i32
    %mul3A_16 = arith.muli %add3A, %mul3A_15 : i32
    "tpu.region"() ({
      %run_scoped3A = tpu.sem_alloc : memref<!tpu.dma_semaphore, #tpu.memory_space<semaphore_mem>>
      %dma_start3A = tpu.memref_slice %arg4[%mul3A_16] : memref<524288xf32, #tpu.memory_space<hbm>> -> memref<16384xf32, #tpu.memory_space<hbm>>
      %dma_start3A_17 = tpu.memref_slice %arg4[%mul3A_16] : memref<524288xf32, #tpu.memory_space<hbm>> -> memref<16384xf32, #tpu.memory_space<hbm>>
      tpu.enqueue_dma source(%arg7 : memref<16384xf32, #tpu.memory_space<vmem>>) target(%dma_start3A_17 : memref<16384xf32, #tpu.memory_space<hbm>>) target_semaphore(%run_scoped3A : memref<!tpu.dma_semaphore, #tpu.memory_space<semaphore_mem>>)
      %dma_wait3A = tpu.memref_slice %arg4[%mul3A_16] : memref<524288xf32, #tpu.memory_space<hbm>> -> memref<16384xf32, #tpu.memory_space<hbm>>
      %dma_wait3A_18 = tpu.memref_slice %arg4[%mul3A_16] : memref<524288xf32, #tpu.memory_space<hbm>> -> memref<16384xf32, #tpu.memory_space<hbm>>
      tpu.wait_dma2 semaphore(%run_scoped3A : memref<!tpu.dma_semaphore, #tpu.memory_space<semaphore_mem>>) src(%arg7 : memref<16384xf32, #tpu.memory_space<vmem>>) dst(%dma_wait3A_18 : memref<16384xf32, #tpu.memory_space<hbm>>)
      tpu.yield
    }) : () -> ()
    return
  }
}

module attributes {stable_mosaic.version = 14 : i64} {
  func.func @_merge_body(%arg0: memref<32x128x128xf32, #tpu.memory_space<vmem>>, %arg1: memref<128x128xf32, #tpu.memory_space<vmem>>) attributes {dimension_semantics = [], scalar_prefetch = 0 : i64, scratch_operands = 0 : i64, tpu.core_type = #tpu.core_type<tc>} {
    %get3A = arith.constant 0 : index
    %get3A_0 = arith.constant 0 : index
    %get3A_1 = arith.constant 0 : index
    %get3A_2 = vector.load %arg0[%get3A, %get3A_0, %get3A_1] : memref<32x128x128xf32, #tpu.memory_space<vmem>>, vector<32x128x128xf32>
    %reduce_max3A = arith.constant dense<0xFF800000> : vector<128x128xf32>
    %reduce_max3A_3 = vector.multi_reduction <maximumf>, %get3A_2, %reduce_max3A [0] : vector<32x128x128xf32> to vector<128x128xf32>
    %swap3A = arith.constant 0 : index
    %swap3A_4 = arith.constant 0 : index
    %swap3A_5 = vector.load %arg1[%swap3A, %swap3A_4] : memref<128x128xf32, #tpu.memory_space<vmem>>, vector<128x128xf32>
    tpu.vector_store %arg1[%swap3A, %swap3A_4], %reduce_max3A_3 {strides = array<i32>} : memref<128x128xf32, #tpu.memory_space<vmem>>, vector<128x128xf32>,
    return
  }
}

</mosaic_0001>

<sc_bundles>
// kernel: kernel.4.cloned.1.call-start
scs
__scs_entry_jumppad:
0x0: {  	(pc) =	sbr.rel $0x88, $3  }
0x1: {  	(tag) =	ssettag $0x0;
	lr =	simm.s32 $0x1  }
0x2: {  	[smem:$0x3F9F] =	sst lr;
	_ =	strace $0xD0000000  }
0x3: {  	_ = 	snop  }
0x4: {  	_ = 	snop  }
0x5: {  	_ = 	snop  }
0x6: {  	_ = 	snop  }
0x7: {  	_ = 	snop  }
__scs_overlays_trampoline_lowered:
0x8: {  	[smem:$0x3FAE] =	sst s0  }
0x9: {  	[smem:$0x3FAF] =	sst s1  }
0xa: {  	[smem:$0x3FB0] =	sst s2  }
0xb: {  	[smem:$0x3FB1] =	sst s3  }
0xc: {  	[smem:$0x3FB2] =	sst s4  }
0xd: {  	[smem:$0x3FB3] =	sst s5  }
0xe: {  	[smem:$0x3FB4] =	sst s6  }
0xf: {  	[smem:$0x3FB5] =	sst s7  }
0x10: {  	[smem:$0x3FB6] =	sst s8  }
0x11: {  	[smem:$0x3FB7] =	sst s9;
	s0 =	simm.s32 @!p0 $0x0  }
0x12: {  	s1 =	sld [smem:$0x3F9D];
	s0 =	simm.s32 @p0 $0x1  }
0x13: {  	[smem:$0x3FB8] =	sst s0;
	s0 =	simm.s32 @!p1 $0x0  }
0x14: {  	s2 =	sld [smem:$0x3F9C];
	s0 =	simm.s32 @p1 $0x1  }
0x15: {  	[smem:$0x3FB9] =	sst s0;
	s0 =	simm.s32 @!p2 $0x0  }
0x16: {  	s3 =	sld [smem:$0x3FDB];
	s0 =	simm.s32 @p2 $0x1  }
0x17: {  	s4 =	simm.s32 $0x1BF5;
	[smem:$0x3FBB] =	sst s0  }
0x18: {  	s0 =	sld [smem:$0x3F9E];
	_ =	swait.ge [sflag:s4], $0x0  }
0x19: {  	s7 =	sld [smem:$0x3F9F]  }
0x1a: {  	s8 =	sadd.s32 $0xFFFFE003, lr  }
0x1b: {  	s9 =	sadd.s32 $0xFFFFFEF7, lr;
	s5 =	simm.s32 $0xFFFFFFFF;
	p2 =	slt.u32 s8, $0xFFFFF086  }
0x1c: {  	p1 =	slt.u32 s9, $0xF7A;
	s5 =	simm.s32 @!p2 $0x0  }
0x1d: {  	s5 =	simm.s32 @p1 $0x1;
	p0 =	seq.s32 s7, s2  }
0x1e: {  	s7 =	smul.u32 @!p0 $0xF7A, s2;
	p2 =	seq.s32 @!p0 s5, $0x0  }
0x1f: {  	s9 =	smul.u32 $0xF7A, s1;
	s8 =	simm.s32 @!p0 $0x1BF5;
	p2 =	por !p2, p0  }
0x20: {  	[sflag:s8] =	ssyncset.s32 @!p0 $0xFFFFF086;
	s6 =	sadd.s32 @!p0 s3, s7;
	s7 =	simm.s32 @!p0 $0x108  }
0x21: {  	s3 =	sadd.s32 s3, s9;
	s6 =	sadd.s32 @!p0 $0x88, s6;
	s7 =	simm.s32 @p2 $0x1082  }
0x22: {  	[simem:s7], [sflag:s8] =	dma.local @!p0 [hbm:s6], $0xF7A  }
0x23: {  	s9 =	sor.u32 $0xD0000000, s2;
	s6 =	simm.s32 $0x108;
	_ =	swait.ge @!p0 [sflag:s8], $0x0  }
0x24: {  	s3 =	sadd.s32 $0x88, s3;
	s6 =	simm.s32 @!p1 $0x1082;
	[sflag:s4] =	ssyncset.s32 $0xFFFFF086  }
0x25: {  	[simem:s6], [sflag:s4] =	dma.local [hbm:s3], $0xF7A  }
0x26: {  	[smem:$0x3F9F] =	sst s1;
	(tag) =	ssettag s2;
	_ =	strace s9  }
0x27: {  	s1 =	sld [smem:$0x3FAF]  }
0x28: {  	s2 =	sld [smem:$0x3FB0]  }
0x29: {  	s4 =	sld [smem:$0x3FB2]  }
0x2a: {  	p0 =	seq.s32 s5, $0x0;
	s5 =	sld [smem:$0x3FB3]  }
0x2b: {  	s6 =	sld [smem:$0x3FB4]  }
0x2c: {  	s7 =	sld [smem:$0x3FB5]  }
0x2d: {  	s3 =	simm.s32 $0x108;
	s8 =	sld [smem:$0x3FB6]  }
0x2e: {  	s3 =	simm.s32 @!p0 $0x1082;
	s9 =	sld [smem:$0x3FB7]  }
0x2f: {  	lr =	sadd.s32 s0, s3;
	s0 =	sld [smem:$0x3FAE]  }
0x30: {  	s3 =	sld [smem:$0x3FB1]  }
0x31: {  	[smem:$0x3FBA] =	sst s10  }
0x32: {  	s10 =	sld [smem:$0x3FB8];
	_ =	sdelay $0x3  }
0x33: {  	p0 =	seq.s32 s10, $0x1;
	s10 =	sld [smem:$0x3FBA];
	_ =	sdelay $0x3  }
0x34: {  	[smem:$0x3FBA] =	sst s10  }
0x35: {  	s10 =	sld [smem:$0x3FB9];
	_ =	sdelay $0x3  }
0x36: {  	p1 =	seq.s32 s10, $0x1;
	s10 =	sld [smem:$0x3FBA];
	_ =	sdelay $0x3  }
0x37: {  	[smem:$0x3FBA] =	sst s10  }
0x38: {  	s10 =	sld [smem:$0x3FBB]  }
0x39: {  	_ = 	snop;
	(pc) =	sbr.ind lr, $3  }
0x3a: {  	_ = 	snop  }
0x3b: {  	_ = 	snop  }
0x3c: {  	p2 =	seq.s32 s10, $0x1;
	s10 =	sld [smem:$0x3FBA]  }
0x3d: {  	_ =	shalt  }
0x3e: {  	_ =	shalt  }
0x3f: {  	_ =	shalt  }
0x40: {  	_ =	shalt  }
0x41: {  	_ =	shalt  }
0x42: {  	_ =	shalt  }
0x43: {  	_ =	shalt  }
0x44: {  	_ =	shalt  }
0x45: {  	_ =	shalt  }
0x46: {  	_ =	shalt  }
0x47: {  	_ =	shalt  }
0x48: {  	_ =	shalt  }
0x49: {  	_ =	shalt  }
0x4a: {  	_ =	shalt  }
0x4b: {  	_ =	shalt  }
0x4c: {  	_ =	shalt  }
0x4d: {  	_ =	shalt  }
0x4e: {  	_ =	shalt  }
0x4f: {  	_ =	shalt  }
0x50: {  	_ =	shalt  }
0x51: {  	_ =	shalt  }
0x52: {  	_ =	shalt  }
0x53: {  	_ =	shalt  }
0x54: {  	_ =	shalt  }
0x55: {  	_ =	shalt  }
0x56: {  	_ =	shalt  }
0x57: {  	_ =	shalt  }
0x58: {  	_ =	shalt  }
0x59: {  	_ =	shalt  }
0x5a: {  	_ =	shalt  }
0x5b: {  	_ =	shalt  }
0x5c: {  	_ =	shalt  }
0x5d: {  	_ =	shalt  }
0x5e: {  	_ =	shalt  }
0x5f: {  	_ =	shalt  }
0x60: {  	_ =	shalt  }
0x61: {  	_ =	shalt  }
0x62: {  	_ =	shalt  }
0x63: {  	_ =	shalt  }
0x64: {  	_ =	shalt  }
0x65: {  	_ =	shalt  }
0x66: {  	_ =	shalt  }
0x67: {  	_ =	shalt  }
0x68: {  	_ =	shalt  }
0x69: {  	_ =	shalt  }
0x6a: {  	_ =	shalt  }
0x6b: {  	_ =	shalt  }
0x6c: {  	_ =	shalt  }
0x6d: {  	_ =	shalt  }
0x6e: {  	_ =	shalt  }
0x6f: {  	_ =	shalt  }
0x70: {  	_ =	shalt  }
0x71: {  	_ =	shalt  }
0x72: {  	_ =	shalt  }
0x73: {  	_ =	shalt  }
0x74: {  	_ =	shalt  }
0x75: {  	_ =	shalt  }
0x76: {  	_ =	shalt  }
0x77: {  	_ =	shalt  }
0x78: {  	_ =	shalt  }
0x79: {  	_ =	shalt  }
0x7a: {  	_ =	shalt  }
0x7b: {  	_ =	shalt  }
0x7c: {  	_ =	shalt  }
0x7d: {  	_ =	shalt  }
0x7e: {  	_ =	shalt  }
0x7f: {  	_ =	shalt  }
0x80: {  	_ =	shalt  }
0x81: {  	_ =	shalt  }
0x82: {  	_ =	shalt  }
0x83: {  	_ =	shalt  }
0x84: {  	_ =	shalt  }
0x85: {  	_ =	shalt  }
0x86: {  	_ =	shalt  }
0x87: {  	_ =	shalt  }
.Lfunc_end0:
.L_simem_size_0:
called_computation_lowered:
.L_overlay_start_0:
0x88: {  	s2 =	sld [smem:$0x3FD9]  }
0x89: {  	s3 =	sld [smem:$0x3FFE];
	_ =	sdelay $0x1  }
0x8a: {  	s1 =	srdreg.scid  }
0x8b: {  	s0 =	sand.u32 $0x1, s1  }
0x8c: {  	s17 =	sshll.u32 s0, $0xA;
	s2 =	sadd.s32 s3, s2  }
0x8d: {  	s2 =	sadd.s32 s2, s17  }
0x8e: {  	[smem:$0x3FC6] =	sst s2  }
0x8f: {  	_ = 	snop  }
0x90: {  	s2 =	sld [smem:$0x3FC9]  }
0x91: {  	s18 =	sld [smem:$0x3FC8];
	(tm) =	ssettm $0x1  }
0x92: {  	s4 =	sld [smem:$0x3FFB];
	_ =	sdelay $0x3  }
0x93: {  	_ =	strace s4  }
0x94: {  	s4 =	sld [smem:$0x3FFC];
	_ =	sdelay $0x3  }
0x95: {  	_ =	strace s4  }
0x96: {  	s4 =	sld [smem:$0x3FFD];
	_ =	sdelay $0x3  }
0x97: {  	_ =	strace s4  }
0x98: {  	_ =	strace $0x8FFFFFFF  }
0x99: {  	s19 =	sld [smem:$0x3FDB];
	_ =	sdelay $0x1  }
0x9a: {  	s5 =	simm.s32 $_scs_section_size  }
0x9b: {  	s6 =	simm.s32 $_size__tile_overlayer_lowered;
	s7 =	simm.s32 $_tile_overlayer_lowered  }
0x9c: {  	s22 =	simm.s32 $0x1BFF;
	s21 =	sshll.u32 s7, $0x1;
	s4 =	sadd.s32 s5, s19  }
0x9d: {  	s8 =	simm.s32 $0x0;
	s20 =	sshll.u32 s6, $0x1;
	s6 =	sadd.s32 s21, s4  }
0x9e: {  	[timem:s8], [sflag:s22] =	dma.local [hbm:s6], s20  }
0x9f: {  	_ =	swait.ge [sflag:s22], s20  }
0xa0: {  	s5 =	ssub.s32 $0x0, s20;
	[sflag:s22] =	ssyncset.done $0x0  }
0xa1: {  	[sflag:s22] =	ssyncadd.s32 s5;
	_ =	sdelay $0x1  }
0xa2: {  	s23 =	simm.s32 $0x1B8B  }
0xa3: {  	_ =	swait.ge [sflag:s23], $0x1  }
0xa4: {  	[sflag:s23] =	ssyncset.done $0x0  }
0xa5: {  	s25 =	simm.s32 $0x1B8E;
	s24 =	sld [smem:$0x3FFE];
	[sflag:s23] =	ssyncadd.s32 $0xFFFFFFFF  }
0xa6: {  	s26 =	simm.s32 $execute0_lowered;
	[smem:$0x3FD2] =	sst s25  }
0xa7: {  	s6 =	sshll.u32 s26, $0x1;
	_ =	strace $0x80000046;
	[dreg:$0x1] =	wrdreg $0xFFFFFFFF  }
0xa8: {  	s28 =	simm.s32 $_size_execute0_lowered;
	s4 =	sadd.s32 s4, s6;
	[dreg:$0x0] =	wrdreg $0x0  }
0xa9: {  	s6 =	sshll.u32 s28, $0x1;
	[dreg:$0x2] =	wrdreg s4  }
0xaa: {  	[dreg:$0x3] =	wrdreg s6  }
0xab: {  	[dreg:$0x4] =	wrdreg $0xC0  }
0xac: {  	_ =	task [dreg:s8], $0x5FFFF  }
0xad: {  	[dreg:$0x1] =	wrdreg $0xFFFFFFFF  }
0xae: {  	[dreg:$0x0] =	wrdreg $0x60  }
0xaf: {  	[dreg:$0x2] =	wrdreg s2  }
0xb0: {  	[dreg:$0x3] =	wrdreg s18  }
0xb1: {  	[dreg:$0x4] =	wrdreg s24  }
0xb2: {  	[dreg:$0x5] =	wrdreg $0x9  }
0xb3: {  	_ =	task.clear_ibuf [dreg:s8], $0x6FFFF;
	_ =	strace $0x90000046  }
0xb4: {  	s29 =	simm.s32 $0x9;
	_ =	strace $0x80000048  }
0xb5: {  	_ =	swait.ge [sflag:s29], $0x1  }
0xb6: {  	[sflag:s29] =	ssyncadd.s32 $0xFFFFFFFF  }
0xb7: {  	_ =	strace $0x90000048  }
0xb8: {  	_ =	sfence  }
0xb9: {  	s30 =	sld [smem:$0x0];
	_ =	sdelay $0x2  }
0xba: {  	s31 =	sshll.u32 s1, $0xD;
	s1 =	sshrl.u32 s1, $0x2  }
0xbb: {  	s3 =	sand.u32 $0x4000, s31;
	s1 =	sadd.s32 s1, s30  }
0xbc: {  	s0 =	sor.u32 s3, s0;
	s1 =	sshll.u32 s1, $0x11  }
0xbd: {  	s0 =	sor.u32 s1, s0  }
0xbe: {  	s0 =	sadd.s32 $0x8F2B, s0  }
0xbf: {  	[sflag:s0] =	ssyncadd.remote.s32 $0x1  }
0xc0: {  	_ =	sfence.sel $0xFFFF  }
0xc1: {  	[dreg:$0x0] =	wrdreg $0xFFFFFFFF;
	(pc) =	sbr.abs _section_cstart, $3  }
0xc2: {  	[dreg:$0x1] =	wrdreg $0xFFFFFFFF  }
0xc3: {  	_ =	task.clear_ibuf [dreg:s8], $0x2FFFF;
	_ =	strace $0x9FFFFFFF  }
0xc4: {  	(tm) =	ssettm $0x7FFFFFFF  }
0xc5: {  	_ =	shalt  }
tec
execute0_lowered:
.L_overlay_start_1:
0x0: {  	(tag) =	ssettag $0x1  }
0x1: {  	s0 =	rddreg [dreg:$0x0]  }
0x2: {  	s1 =	srdreg.scid;
	s5 =	rddreg [dreg:$0x1]  }
0x3: {  	s7 =	rddreg [dreg:$0x2];
	s2 =	stileid.u32;
	s3 =	simm.s32 $0x0  }
0x4: {  	s11 =	simm.s32 $0x0;
	s6 =	sand.u32 $0x1, s1;
	[smem:$0x7FF] =	sst s3  }
0x5: {  	s1 =	rddreg [dreg:$0x3];
	s4 =	sshll.u32 s6, $0x4;
	_ =	strace $0x80000047  }
.Ltmp0:
0x6: {  	s6 =	ssub.s32 $0x2, s6;
	s8 =	sor.u32 s2, s4;
	(pc) =	sbr.rel .LBB2_1-.Ltmp0, $4  }
0x7: {  	s9 =	sshrl.u32 s6, $0x1;
	s4 =	smul.u32 $0x2710, s8;
	s8 =	sshll.u32 s8, $0xB  }
0x8: {  	s31 =	ssub.s32 s6, s9;
	s9 =	simm.s32 $0x2780;
	s7 =	sadd.s32 s8, s7  }
0x9: {  	s8 =	simm.s32 $0x1;
	s10 =	sshrl.u32 s4, $0x3;
	s6 =	sadd.s32 $0x600, s7  }
0xa: {  	v0 =	vimm.f32 $-Inf;
	s7 =	smax.u32 s31, $0x1;
	s5 =	sadd.s32 s5, s10;
	s10 =	simm.s32 $0xEF80  }
.LBB2_10:
0xb: {  	s11 =	sadd.s32 $0x1, s11  }
0xc: {  	p0 =	sne.s32 s11, s7  }
.Ltmp1:
0xd: {  	_ = 	snop;
	(pc) =	sbr.rel @!p0 .LBB2_11-.Ltmp1, $4  }
0xe: {  	[hbm4b:s6+s3] =	stream.linear.scatter [tilespmem:s10], [sflag:$0x1], $0x4000, $0x38;
	[tilespmem:$0x12F80] =	vst v63  }
0xf: {  	_ =	swait.ge [sflag:s8], $0x4000  }
0x10: {  	[sflag:s8] =	ssyncset.done $0x0  }
0x11: {  	[sflag:s8] =	ssyncadd.s32 $0xFFFFC000  }
.LBB2_1:
0x12: {  	s12 =	simm.s32 $0x40;
	s13 =	simm.s32 $0x0  }
.LBB2_2:
0x13: {  	p0 =	sne.s32 s12, $0xFFC0;
	[tilespmem:s13+$0xEF80] =	vst v0;
	s13 =	smov.u32 s12;
	s12 =	sadd.s32 $0x40, s12  }
.Ltmp2:
0x14: {  	(pc) =	sbr.rel @p0 .LBB2_2-.Ltmp2, $2  }
0x15: {  	_ =	sdelay $0x2  }
0x16: {  	s13 =	sshra.s32 s13, $0x2  }
.Ltmp3:
0x17: {  	[tilespmem:s13+$0xEF80] =	vst v0;
	s12 =	simm.s32 $0x0;
	(pc) =	sbr.rel .LBB2_4-.Ltmp3, $4  }
0x18: {  	[tilespmem:s12], [sflag:$0x1] =	stream.linear.gather [hbm4b:s5+s12], $0x2710, $0x38;
	[tilespmem:$0x12F80] =	vst v63  }
0x19: {  	_ =	swait.ge [sflag:s8], $0x2710  }
0x1a: {  	[sflag:s8] =	ssyncset.done $0x0  }
0x1b: {  	s13 =	simm.s32 $0x0;
	[sflag:s8] =	ssyncadd.s32 $0xFFFFD8F0  }
.LBB2_9:
0x1c: {  	s13 =	sadd.s32 $0x1, s13  }
0x1d: {  	p0 =	sne.s32 s13, $0x19  }
.Ltmp4:
0x1e: {  	_ = 	snop;
	(pc) =	sbr.rel @!p0 .LBB2_10-.Ltmp4, $1  }
0x1f: {  	_ =	sdelay $0x3  }
.LBB2_4:
0x20: {  	s14 =	smul.u32 $0x190, s13;
	_ =	sdelay $0x1  }
0x21: {  	s15 =	sadd.s32 s4, s14  }
0x22: {  	s15 =	sshll.u32 s15, $0x4  }
.Ltmp5:
0x23: {  	s15 =	sadd.s32 s0, s15;
	(pc) =	sbr.rel .LBB2_5-.Ltmp5, $4  }
0x24: {  	[tilespmem:s9], [sflag:$0x1] =	stream.linear.gather [hbm4b:s15+s12], $0xC800, $0x38;
	[tilespmem:$0x12F80] =	vst v63  }
0x25: {  	_ =	swait.ge [sflag:s8], $0xC800  }
0x26: {  	[sflag:s8] =	ssyncset.done $0x0  }
0x27: {  	v1 =	vmov s14;
	s14 =	simm.s32 $0x0;
	[sflag:s8] =	ssyncadd.s32 $0xFFFF3800  }
.LBB2_7:
0x28: {  	s17 =	sshll.u32 s17, $0x9  }
0x29: {  	v4 =	vld [tilespmem:s15+$0x2780];
	s17 =	sshra.s32 s17, $0x2  }
0x2a: {  	v3 =	vld [tilespmem:s17+$0xEF80];
	_ =	sdelay $0x4  }
0x2b: {  	v3 =	vmax.f32 v3, v4  }
0x2c: {  	[tilespmem:s17+$0xEF80] =	vst v3;
	v3 =	vld [tilespmem:s17+$0xEF90]  }
0x2d: {  	v11 =	vld [tilespmem:s15+$0x2790];
	_ =	sdelay $0x4  }
0x2e: {  	v3 =	vmax.f32 v3, v11  }
0x2f: {  	[tilespmem:s17+$0xEF90] =	vst v3;
	v3 =	vld [tilespmem:s17+$0xEFA0]  }
0x30: {  	v12 =	vld [tilespmem:s15+$0x27A0];
	_ =	sdelay $0x4  }
0x31: {  	v3 =	vmax.f32 v3, v12  }
0x32: {  	[tilespmem:s17+$0xEFA0] =	vst v3;
	v3 =	vld [tilespmem:s17+$0xEFB0]  }
0x33: {  	v13 =	vld [tilespmem:s15+$0x27B0];
	_ =	sdelay $0x4  }
0x34: {  	v3 =	vmax.f32 v3, v13  }
0x35: {  	[tilespmem:s17+$0xEFB0] =	vst v3;
	v3 =	vld [tilespmem:s17+$0xEFC0]  }
0x36: {  	v14 =	vld [tilespmem:s15+$0x27C0];
	_ =	sdelay $0x4  }
0x37: {  	v3 =	vmax.f32 v3, v14  }
0x38: {  	[tilespmem:s17+$0xEFC0] =	vst v3;
	v3 =	vld [tilespmem:s17+$0xEFD0]  }
0x39: {  	v15 =	vld [tilespmem:s15+$0x27D0];
	_ =	sdelay $0x2  }
0x3a: {  	v2 =	vshll.u32 v2, $0x9  }
0x3b: {  	v2 =	vshra.s32 v2, $0x2  }
0x3c: {  	(v2sf) =	vpush v2, $0x1;
	v3 =	vmax.f32 v3, v15  }
0x3d: {  	[tilespmem:s17+$0xEFD0] =	vst v3;
	v3 =	vld [tilespmem:s17+$0xEFE0]  }
0x3e: {  	v16 =	vld [tilespmem:s15+$0x27E0];
	_ =	sdelay $0x4  }
0x3f: {  	v3 =	vmax.f32 v3, v16  }
0x40: {  	[tilespmem:s17+$0xEFE0] =	vst v3;
	v3 =	vld [tilespmem:s17+$0xEFF0]  }
0x41: {  	v17 =	vld [tilespmem:s15+$0x27F0];
	_ =	sdelay $0x4  }
0x42: {  	v3 =	vmax.f32 v3, v17  }
0x43: {  	s31 =	spop (v2sf);
	[tilespmem:s17+$0xEFF0] =	vst v3  }
0x44: {  	v3 =	vld [tilespmem:s31+$0xEF80]  }
0x45: {  	v18 =	vld [tilespmem:s15+$0x2800];
	_ =	sdelay $0x4  }
0x46: {  	v3 =	vmax.f32 v3, v18  }
0x47: {  	[tilespmem:s31+$0xEF80] =	vst v3;
	v3 =	vld [tilespmem:s31+$0xEF90]  }
0x48: {  	v19 =	vld [tilespmem:s15+$0x2810];
	_ =	sdelay $0x4  }
0x49: {  	v3 =	vmax.f32 v3, v19  }
0x4a: {  	[tilespmem:s31+$0xEF90] =	vst v3;
	v3 =	vld [tilespmem:s31+$0xEFA0]  }
0x4b: {  	v20 =	vld [tilespmem:s15+$0x2820];
	_ =	sdelay $0x4  }
0x4c: {  	v3 =	vmax.f32 v3, v20  }
0x4d: {  	[tilespmem:s31+$0xEFA0] =	vst v3;
	v3 =	vld [tilespmem:s31+$0xEFB0]  }
0x4e: {  	v21 =	vld [tilespmem:s15+$0x2830];
	_ =	sdelay $0x4  }
0x4f: {  	v3 =	vmax.f32 v3, v21  }
0x50: {  	[tilespmem:s31+$0xEFB0] =	vst v3;
	v3 =	vld [tilespmem:s31+$0xEFC0]  }
0x51: {  	v22 =	vld [tilespmem:s15+$0x2840];
	_ =	sdelay $0x4  }
0x52: {  	v3 =	vmax.f32 v3, v22  }
0x53: {  	[tilespmem:s31+$0xEFC0] =	vst v3;
	v3 =	vld [tilespmem:s31+$0xEFD0]  }
0x54: {  	v23 =	vld [tilespmem:s15+$0x2850];
	_ =	sdelay $0x4  }
0x55: {  	(v2sf) =	vpush v2, $0x2;
	v3 =	vmax.f32 v3, v23  }
0x56: {  	[tilespmem:s31+$0xEFD0] =	vst v3;
	v3 =	vld [tilespmem:s31+$0xEFE0]  }
0x57: {  	v24 =	vld [tilespmem:s15+$0x2860];
	_ =	sdelay $0x4  }
0x58: {  	v3 =	vmax.f32 v3, v24  }
0x59: {  	[tilespmem:s31+$0xEFE0] =	vst v3;
	v3 =	vld [tilespmem:s31+$0xEFF0]  }
0x5a: {  	v25 =	vld [tilespmem:s15+$0x2870];
	_ =	sdelay $0x4  }
0x5b: {  	v3 =	vmax.f32 v3, v25  }
0x5c: {  	s18 =	spop (v2sf);
	[tilespmem:s31+$0xEFF0] =	vst v3  }
0x5d: {  	v3 =	vld [tilespmem:s18+$0xEF80]  }
0x5e: {  	v26 =	vld [tilespmem:s15+$0x2880];
	_ =	sdelay $0x4  }
0x5f: {  	v3 =	vmax.f32 v3, v26  }
0x60: {  	[tilespmem:s18+$0xEF80] =	vst v3;
	v3 =	vld [tilespmem:s18+$0xEF90]  }
0x61: {  	v27 =	vld [tilespmem:s15+$0x2890];
	_ =	sdelay $0x4  }
0x62: {  	v3 =	vmax.f32 v3, v27  }
0x63: {  	[tilespmem:s18+$0xEF90] =	vst v3;
	v3 =	vld [tilespmem:s18+$0xEFA0]  }
0x64: {  	v28 =	vld [tilespmem:s15+$0x28A0];
	_ =	sdelay $0x4  }
0x65: {  	v3 =	vmax.f32 v3, v28  }
0x66: {  	[tilespmem:s18+$0xEFA0] =	vst v3;
	v3 =	vld [tilespmem:s18+$0xEFB0]  }
0x67: {  	v29 =	vld [tilespmem:s15+$0x28B0];
	_ =	sdelay $0x4  }
0x68: {  	v3 =	vmax.f32 v3, v29  }
0x69: {  	[tilespmem:s18+$0xEFB0] =	vst v3;
	v3 =	vld [tilespmem:s18+$0xEFC0]  }
0x6a: {  	v30 =	vld [tilespmem:s15+$0x28C0];
	_ =	sdelay $0x4  }
0x6b: {  	v3 =	vmax.f32 v3, v30  }
0x6c: {  	[tilespmem:s18+$0xEFC0] =	vst v3;
	v3 =	vld [tilespmem:s18+$0xEFD0]  }
0x6d: {  	v31 =	vld [tilespmem:s15+$0x28D0];
	_ =	sdelay $0x4  }
0x6e: {  	(v2sf) =	vpush v2, $0x3;
	v3 =	vmax.f32 v3, v31  }
0x6f: {  	[tilespmem:s18+$0xEFD0] =	vst v3;
	v3 =	vld [tilespmem:s18+$0xEFE0]  }
0x70: {  	v32 =	vld [tilespmem:s15+$0x28E0];
	_ =	sdelay $0x4  }
0x71: {  	v3 =	vmax.f32 v3, v32  }
0x72: {  	[tilespmem:s18+$0xEFE0] =	vst v3;
	v3 =	vld [tilespmem:s18+$0xEFF0]  }
0x73: {  	v33 =	vld [tilespmem:s15+$0x28F0];
	_ =	sdelay $0x4  }
0x74: {  	v3 =	vmax.f32 v3, v33  }
0x75: {  	s19 =	spop (v2sf);
	[tilespmem:s18+$0xEFF0] =	vst v3  }
0x76: {  	v3 =	vld [tilespmem:s19+$0xEF80]  }
0x77: {  	v34 =	vld [tilespmem:s15+$0x2900];
	_ =	sdelay $0x4  }
0x78: {  	v3 =	vmax.f32 v3, v34  }
0x79: {  	[tilespmem:s19+$0xEF80] =	vst v3;
	v3 =	vld [tilespmem:s19+$0xEF90]  }
0x7a: {  	v35 =	vld [tilespmem:s15+$0x2910];
	_ =	sdelay $0x4  }
0x7b: {  	v3 =	vmax.f32 v3, v35  }
0x7c: {  	[tilespmem:s19+$0xEF90] =	vst v3;
	v3 =	vld [tilespmem:s19+$0xEFA0]  }
0x7d: {  	v36 =	vld [tilespmem:s15+$0x2920];
	_ =	sdelay $0x4  }
0x7e: {  	v3 =	vmax.f32 v3, v36  }
0x7f: {  	[tilespmem:s19+$0xEFA0] =	vst v3;
	v3 =	vld [tilespmem:s19+$0xEFB0]  }
0x80: {  	v37 =	vld [tilespmem:s15+$0x2930];
	_ =	sdelay $0x4  }
0x81: {  	v3 =	vmax.f32 v3, v37  }
0x82: {  	[tilespmem:s19+$0xEFB0] =	vst v3;
	v3 =	vld [tilespmem:s19+$0xEFC0]  }
0x83: {  	v38 =	vld [tilespmem:s15+$0x2940];
	_ =	sdelay $0x4  }
0x84: {  	v3 =	vmax.f32 v3, v38  }
0x85: {  	[tilespmem:s19+$0xEFC0] =	vst v3;
	v3 =	vld [tilespmem:s19+$0xEFD0]  }
0x86: {  	v39 =	vld [tilespmem:s15+$0x2950];
	_ =	sdelay $0x4  }
0x87: {  	(v2sf) =	vpush v2, $0x4;
	v3 =	vmax.f32 v3, v39  }
0x88: {  	[tilespmem:s19+$0xEFD0] =	vst v3;
	v3 =	vld [tilespmem:s19+$0xEFE0]  }
0x89: {  	v40 =	vld [tilespmem:s15+$0x2960];
	_ =	sdelay $0x4  }
0x8a: {  	v3 =	vmax.f32 v3, v40  }
0x8b: {  	[tilespmem:s19+$0xEFE0] =	vst v3;
	v3 =	vld [tilespmem:s19+$0xEFF0]  }
0x8c: {  	v41 =	vld [tilespmem:s15+$0x2970];
	_ =	sdelay $0x4  }
0x8d: {  	v3 =	vmax.f32 v3, v41  }
0x8e: {  	s20 =	spop (v2sf);
	[tilespmem:s19+$0xEFF0] =	vst v3  }
0x8f: {  	v3 =	vld [tilespmem:s20+$0xEF80]  }
0x90: {  	v42 =	vld [tilespmem:s15+$0x2980];
	_ =	sdelay $0x4  }
0x91: {  	v3 =	vmax.f32 v3, v42  }
0x92: {  	[tilespmem:s20+$0xEF80] =	vst v3;
	v3 =	vld [tilespmem:s20+$0xEF90]  }
0x93: {  	v43 =	vld [tilespmem:s15+$0x2990];
	_ =	sdelay $0x4  }
0x94: {  	v3 =	vmax.f32 v3, v43  }
0x95: {  	[tilespmem:s20+$0xEF90] =	vst v3;
	v3 =	vld [tilespmem:s20+$0xEFA0]  }
0x96: {  	v44 =	vld [tilespmem:s15+$0x29A0];
	_ =	sdelay $0x4  }
0x97: {  	v3 =	vmax.f32 v3, v44  }
0x98: {  	[tilespmem:s20+$0xEFA0] =	vst v3;
	v3 =	vld [tilespmem:s20+$0xEFB0]  }
0x99: {  	v45 =	vld [tilespmem:s15+$0x29B0];
	_ =	sdelay $0x4  }
0x9a: {  	v3 =	vmax.f32 v3, v45  }
0x9b: {  	[tilespmem:s20+$0xEFB0] =	vst v3;
	v3 =	vld [tilespmem:s20+$0xEFC0]  }
0x9c: {  	v46 =	vld [tilespmem:s15+$0x29C0];
	_ =	sdelay $0x4  }
0x9d: {  	v3 =	vmax.f32 v3, v46  }
0x9e: {  	[tilespmem:s20+$0xEFC0] =	vst v3;
	v3 =	vld [tilespmem:s20+$0xEFD0]  }
0x9f: {  	v47 =	vld [tilespmem:s15+$0x29D0];
	_ =	sdelay $0x4  }
0xa0: {  	(v2sf) =	vpush v2, $0x5;
	v3 =	vmax.f32 v3, v47  }
0xa1: {  	[tilespmem:s20+$0xEFD0] =	vst v3;
	v3 =	vld [tilespmem:s20+$0xEFE0]  }
0xa2: {  	v48 =	vld [tilespmem:s15+$0x29E0];
	_ =	sdelay $0x4  }
0xa3: {  	v3 =	vmax.f32 v3, v48  }
0xa4: {  	[tilespmem:s20+$0xEFE0] =	vst v3;
	v3 =	vld [tilespmem:s20+$0xEFF0]  }
0xa5: {  	v49 =	vld [tilespmem:s15+$0x29F0];
	_ =	sdelay $0x4  }
0xa6: {  	v3 =	vmax.f32 v3, v49  }
0xa7: {  	s21 =	spop (v2sf);
	[tilespmem:s20+$0xEFF0] =	vst v3  }
0xa8: {  	v3 =	vld [tilespmem:s21+$0xEF80]  }
0xa9: {  	v50 =	vld [tilespmem:s15+$0x2A00];
	_ =	sdelay $0x4  }
0xaa: {  	v3 =	vmax.f32 v3, v50  }
0xab: {  	[tilespmem:s21+$0xEF80] =	vst v3;
	v3 =	vld [tilespmem:s21+$0xEF90]  }
0xac: {  	v51 =	vld [tilespmem:s15+$0x2A10];
	_ =	sdelay $0x4  }
0xad: {  	v3 =	vmax.f32 v3, v51  }
0xae: {  	[tilespmem:s21+$0xEF90] =	vst v3;
	v3 =	vld [tilespmem:s21+$0xEFA0]  }
0xaf: {  	v52 =	vld [tilespmem:s15+$0x2A20];
	_ =	sdelay $0x4  }
0xb0: {  	v3 =	vmax.f32 v3, v52  }
0xb1: {  	[tilespmem:s21+$0xEFA0] =	vst v3;
	v3 =	vld [tilespmem:s21+$0xEFB0]  }
0xb2: {  	v53 =	vld [tilespmem:s15+$0x2A30];
	_ =	sdelay $0x4  }
0xb3: {  	v3 =	vmax.f32 v3, v53  }
0xb4: {  	[tilespmem:s21+$0xEFB0] =	vst v3;
	v3 =	vld [tilespmem:s21+$0xEFC0]  }
0xb5: {  	v54 =	vld [tilespmem:s15+$0x2A40];
	_ =	sdelay $0x4  }
0xb6: {  	v3 =	vmax.f32 v3, v54  }
0xb7: {  	[tilespmem:s21+$0xEFC0] =	vst v3;
	v3 =	vld [tilespmem:s21+$0xEFD0]  }
0xb8: {  	v55 =	vld [tilespmem:s15+$0x2A50];
	_ =	sdelay $0x4  }
0xb9: {  	(v2sf) =	vpush v2, $0x6;
	v3 =	vmax.f32 v3, v55  }
0xba: {  	[tilespmem:s21+$0xEFD0] =	vst v3;
	v3 =	vld [tilespmem:s21+$0xEFE0]  }
0xbb: {  	v56 =	vld [tilespmem:s15+$0x2A60];
	_ =	sdelay $0x4  }
0xbc: {  	v3 =	vmax.f32 v3, v56  }
0xbd: {  	[tilespmem:s21+$0xEFE0] =	vst v3;
	v3 =	vld [tilespmem:s21+$0xEFF0]  }
0xbe: {  	v57 =	vld [tilespmem:s15+$0x2A70];
	_ =	sdelay $0x4  }
0xbf: {  	v3 =	vmax.f32 v3, v57  }
0xc0: {  	s22 =	spop (v2sf);
	[tilespmem:s21+$0xEFF0] =	vst v3  }
0xc1: {  	v3 =	vld [tilespmem:s22+$0xEF80]  }
0xc2: {  	v58 =	vld [tilespmem:s15+$0x2A80];
	_ =	sdelay $0x4  }
0xc3: {  	v3 =	vmax.f32 v3, v58  }
0xc4: {  	[tilespmem:s22+$0xEF80] =	vst v3;
	v3 =	vld [tilespmem:s22+$0xEF90]  }
0xc5: {  	v59 =	vld [tilespmem:s15+$0x2A90];
	_ =	sdelay $0x4  }
0xc6: {  	v3 =	vmax.f32 v3, v59  }
0xc7: {  	[tilespmem:s22+$0xEF90] =	vst v3;
	v3 =	vld [tilespmem:s22+$0xEFA0]  }
0xc8: {  	v60 =	vld [tilespmem:s15+$0x2AA0];
	_ =	sdelay $0x4  }
0xc9: {  	v3 =	vmax.f32 v3, v60  }
0xca: {  	[tilespmem:s22+$0xEFA0] =	vst v3;
	v3 =	vld [tilespmem:s22+$0xEFB0]  }
0xcb: {  	v61 =	vld [tilespmem:s15+$0x2AB0];
	_ =	sdelay $0x4  }
0xcc: {  	v3 =	vmax.f32 v3, v61  }
0xcd: {  	[tilespmem:s22+$0xEFB0] =	vst v3;
	v3 =	vld [tilespmem:s22+$0xEFC0]  }
0xce: {  	v62 =	vld [tilespmem:s15+$0x2AC0];
	_ =	sdelay $0x4  }
0xcf: {  	v3 =	vmax.f32 v3, v62  }
0xd0: {  	[tilespmem:s22+$0xEFC0] =	vst v3;
	v3 =	vld [tilespmem:s22+$0xEFD0]  }
0xd1: {  	v63 =	vld [tilespmem:s15+$0x2AD0];
	_ =	sdelay $0x4  }
0xd2: {  	(v2sf) =	vpush v2, $0x7;
	v3 =	vmax.f32 v3, v63  }
0xd3: {  	[tilespmem:s22+$0xEFD0] =	vst v3;
	v3 =	vld [tilespmem:s22+$0xEFE0]  }
0xd4: {  	v8 =	vld [tilespmem:s15+$0x2AE0];
	_ =	sdelay $0x4  }
0xd5: {  	v3 =	vmax.f32 v3, v8  }
0xd6: {  	[tilespmem:s22+$0xEFE0] =	vst v3;
	v3 =	vld [tilespmem:s22+$0xEFF0]  }
0xd7: {  	v9 =	vld [tilespmem:s15+$0x2AF0];
	_ =	sdelay $0x4  }
0xd8: {  	v3 =	vmax.f32 v3, v9  }
0xd9: {  	s23 =	spop (v2sf);
	[tilespmem:s22+$0xEFF0] =	vst v3  }
0xda: {  	v3 =	vld [tilespmem:s23+$0xEF80]  }
0xdb: {  	v10 =	vld [tilespmem:s15+$0x2B00];
	_ =	sdelay $0x4  }
0xdc: {  	v3 =	vmax.f32 v3, v10  }
0xdd: {  	[tilespmem:s23+$0xEF80] =	vst v3;
	v3 =	vld [tilespmem:s23+$0xEF90]  }
0xde: {  	v11 =	vld [tilespmem:s15+$0x2B10];
	_ =	sdelay $0x4  }
0xdf: {  	v3 =	vmax.f32 v3, v11  }
0xe0: {  	[tilespmem:s23+$0xEF90] =	vst v3;
	v3 =	vld [tilespmem:s23+$0xEFA0]  }
0xe1: {  	v12 =	vld [tilespmem:s15+$0x2B20];
	_ =	sdelay $0x4  }
0xe2: {  	v3 =	vmax.f32 v3, v12  }
0xe3: {  	[tilespmem:s23+$0xEFA0] =	vst v3;
	v3 =	vld [tilespmem:s23+$0xEFB0]  }
0xe4: {  	v13 =	vld [tilespmem:s15+$0x2B30];
	_ =	sdelay $0x4  }
0xe5: {  	v3 =	vmax.f32 v3, v13  }
0xe6: {  	[tilespmem:s23+$0xEFB0] =	vst v3;
	v3 =	vld [tilespmem:s23+$0xEFC0]  }
0xe7: {  	v14 =	vld [tilespmem:s15+$0x2B40];
	_ =	sdelay $0x4  }
0xe8: {  	v3 =	vmax.f32 v3, v14  }
0xe9: {  	[tilespmem:s23+$0xEFC0] =	vst v3;
	v3 =	vld [tilespmem:s23+$0xEFD0]  }
0xea: {  	v15 =	vld [tilespmem:s15+$0x2B50];
	_ =	sdelay $0x4  }
0xeb: {  	(v2sf) =	vpush v2, $0x8;
	v3 =	vmax.f32 v3, v15  }
0xec: {  	[tilespmem:s23+$0xEFD0] =	vst v3;
	v3 =	vld [tilespmem:s23+$0xEFE0]  }
0xed: {  	v16 =	vld [tilespmem:s15+$0x2B60];
	_ =	sdelay $0x4  }
0xee: {  	v3 =	vmax.f32 v3, v16  }
0xef: {  	[tilespmem:s23+$0xEFE0] =	vst v3;
	v3 =	vld [tilespmem:s23+$0xEFF0]  }
0xf0: {  	v17 =	vld [tilespmem:s15+$0x2B70];
	_ =	sdelay $0x4  }
0xf1: {  	v3 =	vmax.f32 v3, v17  }
0xf2: {  	s24 =	spop (v2sf);
	[tilespmem:s23+$0xEFF0] =	vst v3  }
0xf3: {  	v3 =	vld [tilespmem:s24+$0xEF80]  }
0xf4: {  	v18 =	vld [tilespmem:s15+$0x2B80];
	_ =	sdelay $0x4  }
0xf5: {  	v3 =	vmax.f32 v3, v18  }
0xf6: {  	[tilespmem:s24+$0xEF80] =	vst v3;
	v3 =	vld [tilespmem:s24+$0xEF90]  }
0xf7: {  	v19 =	vld [tilespmem:s15+$0x2B90];
	_ =	sdelay $0x4  }
0xf8: {  	v3 =	vmax.f32 v3, v19  }
0xf9: {  	[tilespmem:s24+$0xEF90] =	vst v3;
	v3 =	vld [tilespmem:s24+$0xEFA0]  }
0xfa: {  	v20 =	vld [tilespmem:s15+$0x2BA0];
	_ =	sdelay $0x4  }
0xfb: {  	v3 =	vmax.f32 v3, v20  }
0xfc: {  	[tilespmem:s24+$0xEFA0] =	vst v3;
	v3 =	vld [tilespmem:s24+$0xEFB0]  }
0xfd: {  	v21 =	vld [tilespmem:s15+$0x2BB0];
	_ =	sdelay $0x4  }
0xfe: {  	v3 =	vmax.f32 v3, v21  }
0xff: {  	[tilespmem:s24+$0xEFB0] =	vst v3;
	v3 =	vld [tilespmem:s24+$0xEFC0]  }
0x100: {  	v22 =	vld [tilespmem:s15+$0x2BC0];
	_ =	sdelay $0x4  }
0x101: {  	v3 =	vmax.f32 v3, v22  }
0x102: {  	[tilespmem:s24+$0xEFC0] =	vst v3;
	v3 =	vld [tilespmem:s24+$0xEFD0]  }
0x103: {  	v23 =	vld [tilespmem:s15+$0x2BD0];
	_ =	sdelay $0x4  }
0x104: {  	(v2sf) =	vpush v2, $0x9;
	v3 =	vmax.f32 v3, v23  }
0x105: {  	[tilespmem:s24+$0xEFD0] =	vst v3;
	v3 =	vld [tilespmem:s24+$0xEFE0]  }
0x106: {  	v24 =	vld [tilespmem:s15+$0x2BE0];
	_ =	sdelay $0x4  }
0x107: {  	v3 =	vmax.f32 v3, v24  }
0x108: {  	[tilespmem:s24+$0xEFE0] =	vst v3;
	v3 =	vld [tilespmem:s24+$0xEFF0]  }
0x109: {  	v25 =	vld [tilespmem:s15+$0x2BF0];
	_ =	sdelay $0x4  }
0x10a: {  	v3 =	vmax.f32 v3, v25  }
0x10b: {  	s25 =	spop (v2sf);
	[tilespmem:s24+$0xEFF0] =	vst v3  }
0x10c: {  	v3 =	vld [tilespmem:s25+$0xEF80]  }
0x10d: {  	v26 =	vld [tilespmem:s15+$0x2C00];
	_ =	sdelay $0x4  }
0x10e: {  	v3 =	vmax.f32 v3, v26  }
0x10f: {  	[tilespmem:s25+$0xEF80] =	vst v3;
	v3 =	vld [tilespmem:s25+$0xEF90]  }
0x110: {  	v27 =	vld [tilespmem:s15+$0x2C10];
	_ =	sdelay $0x4  }
0x111: {  	v3 =	vmax.f32 v3, v27  }
0x112: {  	[tilespmem:s25+$0xEF90] =	vst v3;
	v3 =	vld [tilespmem:s25+$0xEFA0]  }
0x113: {  	v28 =	vld [tilespmem:s15+$0x2C20];
	_ =	sdelay $0x4  }
0x114: {  	v3 =	vmax.f32 v3, v28  }
0x115: {  	[tilespmem:s25+$0xEFA0] =	vst v3;
	v3 =	vld [tilespmem:s25+$0xEFB0]  }
0x116: {  	v29 =	vld [tilespmem:s15+$0x2C30];
	_ =	sdelay $0x4  }
0x117: {  	v3 =	vmax.f32 v3, v29  }
0x118: {  	[tilespmem:s25+$0xEFB0] =	vst v3;
	v3 =	vld [tilespmem:s25+$0xEFC0]  }
0x119: {  	v30 =	vld [tilespmem:s15+$0x2C40];
	_ =	sdelay $0x4  }
0x11a: {  	v3 =	vmax.f32 v3, v30  }
0x11b: {  	[tilespmem:s25+$0xEFC0] =	vst v3;
	v3 =	vld [tilespmem:s25+$0xEFD0]  }
0x11c: {  	v31 =	vld [tilespmem:s15+$0x2C50];
	_ =	sdelay $0x4  }
0x11d: {  	(v2sf) =	vpush v2, $0xA;
	v3 =	vmax.f32 v3, v31  }
0x11e: {  	[tilespmem:s25+$0xEFD0] =	vst v3;
	v3 =	vld [tilespmem:s25+$0xEFE0]  }
0x11f: {  	v32 =	vld [tilespmem:s15+$0x2C60];
	_ =	sdelay $0x4  }
0x120: {  	v3 =	vmax.f32 v3, v32  }
0x121: {  	[tilespmem:s25+$0xEFE0] =	vst v3;
	v3 =	vld [tilespmem:s25+$0xEFF0]  }
0x122: {  	v33 =	vld [tilespmem:s15+$0x2C70];
	_ =	sdelay $0x4  }
0x123: {  	v3 =	vmax.f32 v3, v33  }
0x124: {  	s26 =	spop (v2sf);
	[tilespmem:s25+$0xEFF0] =	vst v3  }
0x125: {  	v3 =	vld [tilespmem:s26+$0xEF80]  }
0x126: {  	v34 =	vld [tilespmem:s15+$0x2C80];
	_ =	sdelay $0x4  }
0x127: {  	v3 =	vmax.f32 v3, v34  }
0x128: {  	[tilespmem:s26+$0xEF80] =	vst v3;
	v3 =	vld [tilespmem:s26+$0xEF90]  }
0x129: {  	v35 =	vld [tilespmem:s15+$0x2C90];
	_ =	sdelay $0x4  }
0x12a: {  	v3 =	vmax.f32 v3, v35  }
0x12b: {  	[tilespmem:s26+$0xEF90] =	vst v3;
	v3 =	vld [tilespmem:s26+$0xEFA0]  }
0x12c: {  	v36 =	vld [tilespmem:s15+$0x2CA0];
	_ =	sdelay $0x4  }
0x12d: {  	v3 =	vmax.f32 v3, v36  }
0x12e: {  	[tilespmem:s26+$0xEFA0] =	vst v3;
	v3 =	vld [tilespmem:s26+$0xEFB0]  }
0x12f: {  	v37 =	vld [tilespmem:s15+$0x2CB0];
	_ =	sdelay $0x4  }
0x130: {  	v3 =	vmax.f32 v3, v37  }
0x131: {  	[tilespmem:s26+$0xEFB0] =	vst v3;
	v3 =	vld [tilespmem:s26+$0xEFC0]  }
0x132: {  	v38 =	vld [tilespmem:s15+$0x2CC0];
	_ =	sdelay $0x4  }
0x133: {  	v3 =	vmax.f32 v3, v38  }
0x134: {  	[tilespmem:s26+$0xEFC0] =	vst v3;
	v3 =	vld [tilespmem:s26+$0xEFD0]  }
0x135: {  	v39 =	vld [tilespmem:s15+$0x2CD0];
	_ =	sdelay $0x4  }
0x136: {  	(v2sf) =	vpush v2, $0xB;
	v3 =	vmax.f32 v3, v39  }
0x137: {  	[tilespmem:s26+$0xEFD0] =	vst v3;
	v3 =	vld [tilespmem:s26+$0xEFE0]  }
0x138: {  	v40 =	vld [tilespmem:s15+$0x2CE0];
	_ =	sdelay $0x4  }
0x139: {  	v3 =	vmax.f32 v3, v40  }
0x13a: {  	[tilespmem:s26+$0xEFE0] =	vst v3;
	v3 =	vld [tilespmem:s26+$0xEFF0]  }
0x13b: {  	v41 =	vld [tilespmem:s15+$0x2CF0];
	_ =	sdelay $0x4  }
0x13c: {  	v3 =	vmax.f32 v3, v41  }
0x13d: {  	s28 =	spop (v2sf);
	[tilespmem:s26+$0xEFF0] =	vst v3  }
0x13e: {  	v3 =	vld [tilespmem:s28+$0xEF80]  }
0x13f: {  	v42 =	vld [tilespmem:s15+$0x2D00];
	_ =	sdelay $0x4  }
0x140: {  	v3 =	vmax.f32 v3, v42  }
0x141: {  	[tilespmem:s28+$0xEF80] =	vst v3;
	v3 =	vld [tilespmem:s28+$0xEF90]  }
0x142: {  	v43 =	vld [tilespmem:s15+$0x2D10];
	_ =	sdelay $0x4  }
0x143: {  	v3 =	vmax.f32 v3, v43  }
0x144: {  	[tilespmem:s28+$0xEF90] =	vst v3;
	v3 =	vld [tilespmem:s28+$0xEFA0]  }
0x145: {  	v44 =	vld [tilespmem:s15+$0x2D20];
	_ =	sdelay $0x4  }
0x146: {  	v3 =	vmax.f32 v3, v44  }
0x147: {  	[tilespmem:s28+$0xEFA0] =	vst v3;
	v3 =	vld [tilespmem:s28+$0xEFB0]  }
0x148: {  	v45 =	vld [tilespmem:s15+$0x2D30];
	_ =	sdelay $0x4  }
0x149: {  	v3 =	vmax.f32 v3, v45  }
0x14a: {  	[tilespmem:s28+$0xEFB0] =	vst v3;
	v3 =	vld [tilespmem:s28+$0xEFC0]  }
0x14b: {  	v46 =	vld [tilespmem:s15+$0x2D40];
	_ =	sdelay $0x4  }
0x14c: {  	v3 =	vmax.f32 v3, v46  }
0x14d: {  	[tilespmem:s28+$0xEFC0] =	vst v3;
	v3 =	vld [tilespmem:s28+$0xEFD0]  }
0x14e: {  	v47 =	vld [tilespmem:s15+$0x2D50];
	_ =	sdelay $0x4  }
0x14f: {  	(v2sf) =	vpush v2, $0xC;
	v3 =	vmax.f32 v3, v47  }
0x150: {  	[tilespmem:s28+$0xEFD0] =	vst v3;
	v3 =	vld [tilespmem:s28+$0xEFE0]  }
0x151: {  	v48 =	vld [tilespmem:s15+$0x2D60];
	_ =	sdelay $0x4  }
0x152: {  	v3 =	vmax.f32 v3, v48  }
0x153: {  	[tilespmem:s28+$0xEFE0] =	vst v3;
	v3 =	vld [tilespmem:s28+$0xEFF0]  }
0x154: {  	v49 =	vld [tilespmem:s15+$0x2D70];
	_ =	sdelay $0x4  }
0x155: {  	v3 =	vmax.f32 v3, v49  }
0x156: {  	s29 =	spop (v2sf);
	[tilespmem:s28+$0xEFF0] =	vst v3  }
0x157: {  	v3 =	vld [tilespmem:s29+$0xEF80]  }
0x158: {  	v50 =	vld [tilespmem:s15+$0x2D80];
	_ =	sdelay $0x4  }
0x159: {  	v3 =	vmax.f32 v3, v50  }
0x15a: {  	[tilespmem:s29+$0xEF80] =	vst v3;
	v3 =	vld [tilespmem:s29+$0xEF90]  }
0x15b: {  	v51 =	vld [tilespmem:s15+$0x2D90];
	_ =	sdelay $0x4  }
0x15c: {  	v3 =	vmax.f32 v3, v51  }
0x15d: {  	[tilespmem:s29+$0xEF90] =	vst v3;
	v3 =	vld [tilespmem:s29+$0xEFA0]  }
0x15e: {  	v52 =	vld [tilespmem:s15+$0x2DA0];
	_ =	sdelay $0x4  }
0x15f: {  	v3 =	vmax.f32 v3, v52  }
0x160: {  	[tilespmem:s29+$0xEFA0] =	vst v3;
	v3 =	vld [tilespmem:s29+$0xEFB0]  }
0x161: {  	v53 =	vld [tilespmem:s15+$0x2DB0];
	_ =	sdelay $0x4  }
0x162: {  	v3 =	vmax.f32 v3, v53  }
0x163: {  	[tilespmem:s29+$0xEFB0] =	vst v3;
	v3 =	vld [tilespmem:s29+$0xEFC0]  }
0x164: {  	v54 =	vld [tilespmem:s15+$0x2DC0];
	_ =	sdelay $0x4  }
0x165: {  	v3 =	vmax.f32 v3, v54  }
0x166: {  	[tilespmem:s29+$0xEFC0] =	vst v3;
	v3 =	vld [tilespmem:s29+$0xEFD0]  }
0x167: {  	v55 =	vld [tilespmem:s15+$0x2DD0];
	_ =	sdelay $0x4  }
0x168: {  	(v2sf) =	vpush v2, $0xD;
	v3 =	vmax.f32 v3, v55  }
0x169: {  	[tilespmem:s29+$0xEFD0] =	vst v3;
	v3 =	vld [tilespmem:s29+$0xEFE0]  }
0x16a: {  	v56 =	vld [tilespmem:s15+$0x2DE0];
	_ =	sdelay $0x4  }
0x16b: {  	v3 =	vmax.f32 v3, v56  }
0x16c: {  	[tilespmem:s29+$0xEFE0] =	vst v3;
	v3 =	vld [tilespmem:s29+$0xEFF0]  }
0x16d: {  	v57 =	vld [tilespmem:s15+$0x2DF0];
	_ =	sdelay $0x4  }
0x16e: {  	v3 =	vmax.f32 v3, v57  }
0x16f: {  	s30 =	spop (v2sf);
	[tilespmem:s29+$0xEFF0] =	vst v3  }
0x170: {  	v3 =	vld [tilespmem:s30+$0xEF80]  }
0x171: {  	v58 =	vld [tilespmem:s15+$0x2E00];
	_ =	sdelay $0x4  }
0x172: {  	v3 =	vmax.f32 v3, v58  }
0x173: {  	[tilespmem:s30+$0xEF80] =	vst v3;
	v3 =	vld [tilespmem:s30+$0xEF90]  }
0x174: {  	v59 =	vld [tilespmem:s15+$0x2E10];
	_ =	sdelay $0x4  }
0x175: {  	v3 =	vmax.f32 v3, v59  }
0x176: {  	[tilespmem:s30+$0xEF90] =	vst v3;
	v3 =	vld [tilespmem:s30+$0xEFA0]  }
0x177: {  	v60 =	vld [tilespmem:s15+$0x2E20];
	_ =	sdelay $0x4  }
0x178: {  	v3 =	vmax.f32 v3, v60  }
0x179: {  	[tilespmem:s30+$0xEFA0] =	vst v3;
	v3 =	vld [tilespmem:s30+$0xEFB0]  }
0x17a: {  	v61 =	vld [tilespmem:s15+$0x2E30];
	_ =	sdelay $0x4  }
0x17b: {  	v3 =	vmax.f32 v3, v61  }
0x17c: {  	[tilespmem:s30+$0xEFB0] =	vst v3;
	v3 =	vld [tilespmem:s30+$0xEFC0]  }
0x17d: {  	v62 =	vld [tilespmem:s15+$0x2E40];
	_ =	sdelay $0x4  }
0x17e: {  	v3 =	vmax.f32 v3, v62  }
0x17f: {  	[tilespmem:s30+$0xEFC0] =	vst v3;
	v3 =	vld [tilespmem:s30+$0xEFD0]  }
0x180: {  	v63 =	vld [tilespmem:s15+$0x2E50];
	_ =	sdelay $0x4  }
0x181: {  	(v2sf) =	vpush v2, $0xE;
	v3 =	vmax.f32 v3, v63  }
0x182: {  	v2 =	vld [tilespmem:s30+$0xEFE0];
	[tilespmem:s30+$0xEFD0] =	vst v3  }
0x183: {  	v3 =	vld [tilespmem:s15+$0x2E60];
	_ =	sdelay $0x4  }
0x184: {  	v2 =	vmax.f32 v2, v3  }
0x185: {  	[tilespmem:s30+$0xEFE0] =	vst v2;
	v2 =	vld [tilespmem:s30+$0xEFF0]  }
0x186: {  	v3 =	vld [tilespmem:s15+$0x2E70];
	_ =	sdelay $0x4  }
0x187: {  	v2 =	vmax.f32 v2, v3  }
0x188: {  	s31 =	spop (v2sf);
	[tilespmem:s30+$0xEFF0] =	vst v2  }
0x189: {  	v2 =	vld [tilespmem:s31+$0xEF80]  }
0x18a: {  	v3 =	vld [tilespmem:s15+$0x2E80];
	_ =	sdelay $0x4  }
0x18b: {  	v2 =	vmax.f32 v2, v3  }
0x18c: {  	[tilespmem:s31+$0xEF80] =	vst v2;
	v2 =	vld [tilespmem:s31+$0xEF90]  }
0x18d: {  	v3 =	vld [tilespmem:s15+$0x2E90];
	_ =	sdelay $0x4  }
0x18e: {  	v2 =	vmax.f32 v2, v3  }
0x18f: {  	[tilespmem:s31+$0xEF90] =	vst v2;
	v2 =	vld [tilespmem:s31+$0xEFA0]  }
0x190: {  	v3 =	vld [tilespmem:s15+$0x2EA0];
	_ =	sdelay $0x4  }
0x191: {  	v2 =	vmax.f32 v2, v3  }
0x192: {  	[tilespmem:s31+$0xEFA0] =	vst v2;
	v2 =	vld [tilespmem:s31+$0xEFB0]  }
0x193: {  	v3 =	vld [tilespmem:s15+$0x2EB0];
	_ =	sdelay $0x4  }
0x194: {  	v2 =	vmax.f32 v2, v3  }
0x195: {  	[tilespmem:s31+$0xEFB0] =	vst v2;
	v2 =	vld [tilespmem:s31+$0xEFC0]  }
0x196: {  	v3 =	vld [tilespmem:s15+$0x2EC0];
	_ =	sdelay $0x4  }
0x197: {  	v2 =	vmax.f32 v2, v3  }
0x198: {  	[tilespmem:s31+$0xEFC0] =	vst v2;
	v2 =	vld [tilespmem:s31+$0xEFD0]  }
0x199: {  	v3 =	vld [tilespmem:s15+$0x2ED0];
	_ =	sdelay $0x4  }
0x19a: {  	v2 =	vmax.f32 v2, v3  }
0x19b: {  	[tilespmem:s31+$0xEFD0] =	vst v2;
	v2 =	vld [tilespmem:s31+$0xEFE0]  }
0x19c: {  	v3 =	vld [tilespmem:s15+$0x2EE0];
	_ =	sdelay $0x4  }
0x19d: {  	v2 =	vmax.f32 v2, v3  }
0x19e: {  	[tilespmem:s31+$0xEFE0] =	vst v2;
	v2 =	vld [tilespmem:s31+$0xEFF0]  }
0x19f: {  	v3 =	vld [tilespmem:s15+$0x2EF0];
	_ =	sdelay $0x4  }
0x1a0: {  	s16 =	sshll.u32 s16, $0x9;
	v2 =	vmax.f32 v2, v3  }
0x1a1: {  	s16 =	sshra.s32 s16, $0x2;
	[tilespmem:s31+$0xEFF0] =	vst v2  }
0x1a2: {  	v2 =	vld [tilespmem:s16+$0xEF80]  }
0x1a3: {  	v3 =	vld [tilespmem:s15+$0x2F00];
	_ =	sdelay $0x4  }
0x1a4: {  	v2 =	vmax.f32 v2, v3  }
0x1a5: {  	[tilespmem:s16+$0xEF80] =	vst v2;
	v2 =	vld [tilespmem:s16+$0xEF90]  }
0x1a6: {  	v3 =	vld [tilespmem:s15+$0x2F10];
	_ =	sdelay $0x4  }
0x1a7: {  	v2 =	vmax.f32 v2, v3  }
0x1a8: {  	[tilespmem:s16+$0xEF90] =	vst v2;
	v2 =	vld [tilespmem:s16+$0xEFA0]  }
0x1a9: {  	v3 =	vld [tilespmem:s15+$0x2F20];
	_ =	sdelay $0x4  }
0x1aa: {  	v2 =	vmax.f32 v2, v3  }
0x1ab: {  	[tilespmem:s16+$0xEFA0] =	vst v2;
	v2 =	vld [tilespmem:s16+$0xEFB0]  }
0x1ac: {  	v3 =	vld [tilespmem:s15+$0x2F30];
	_ =	sdelay $0x4  }
0x1ad: {  	v2 =	vmax.f32 v2, v3  }
0x1ae: {  	[tilespmem:s16+$0xEFB0] =	vst v2;
	v2 =	vld [tilespmem:s16+$0xEFC0]  }
0x1af: {  	v3 =	vld [tilespmem:s15+$0x2F40];
	_ =	sdelay $0x4  }
0x1b0: {  	v2 =	vmax.f32 v2, v3  }
0x1b1: {  	[tilespmem:s16+$0xEFC0] =	vst v2;
	v2 =	vld [tilespmem:s16+$0xEFD0]  }
0x1b2: {  	v3 =	vld [tilespmem:s15+$0x2F50];
	_ =	sdelay $0x4  }
0x1b3: {  	v2 =	vmax.f32 v2, v3  }
0x1b4: {  	[tilespmem:s16+$0xEFD0] =	vst v2;
	v2 =	vld [tilespmem:s16+$0xEFE0]  }
0x1b5: {  	v3 =	vld [tilespmem:s15+$0x2F60];
	_ =	sdelay $0x4  }
0x1b6: {  	v2 =	vmax.f32 v2, v3  }
0x1b7: {  	[tilespmem:s16+$0xEFE0] =	vst v2;
	v2 =	vld [tilespmem:s16+$0xEFF0]  }
0x1b8: {  	v3 =	vld [tilespmem:s15+$0x2F70];
	_ =	sdelay $0x4  }
0x1b9: {  	v2 =	vmax.f32 v2, v3  }
0x1ba: {  	[tilespmem:s16+$0xEFF0] =	vst v2  }
.LBB2_8:
0x1bb: {  	s14 =	sadd.s32 $0x1, s14  }
0x1bc: {  	p0 =	sne.s32 s14, $0x19  }
.Ltmp6:
0x1bd: {  	_ = 	snop;
	(pc) =	sbr.rel @!p0 .LBB2_9-.Ltmp6, $1  }
0x1be: {  	_ =	sdelay $0x3  }
.LBB2_5:
0x1bf: {  	_ =	sdelay $0x1  }
0x1c0: {  	s15 =	sshll.u32 s14, $0x4  }
0x1c1: {  	s15 =	sand.u32 $0x3FFFFFF0, s15  }
0x1c2: {  	v2 =	vld.idx.msk [tilespmem:v1+s15+$0x0 ss:$0x1], $0xffff;
	_ =	sdelay $0x4  }
0x1c3: {  	(v2sf) =	vpush v2, $0x0  }
0x1c4: {  	(v2sf) =	vpush v2, $0xF;
	_ =	sdelay $0xd  }
0x1c5: {  	s17 =	spop (v2sf)  }
0x1c6: {  	s16 =	spop (v2sf)  }
0x1c7: {  	p0 =	sne.s32 s17, s16  }
.Ltmp7:
0x1c8: {  	_ = 	snop;
	(pc) =	sbr.rel @p0 .LBB2_7-.Ltmp7, $2  }
0x1c9: {  	_ =	sdelay $0x2  }
0x1ca: {  	s15 =	sshll.u32 s14, $0xB  }
0x1cb: {  	v2 =	vld [tilespmem:s15+$0x2780]  }
0x1cc: {  	v3 =	vld [tilespmem:s15+$0x2800]  }
0x1cd: {  	v4 =	vld [tilespmem:s15+$0x2880]  }
0x1ce: {  	v5 =	vld [tilespmem:s15+$0x2900]  }
0x1cf: {  	v6 =	vld [tilespmem:s15+$0x2980]  }
0x1d0: {  	v7 =	vld [tilespmem:s15+$0x2A00]  }
0x1d1: {  	v8 =	vld [tilespmem:s15+$0x2A80]  }
0x1d2: {  	v9 =	vld [tilespmem:s15+$0x2B00]  }
0x1d3: {  	v10 =	vld [tilespmem:s15+$0x2B80]  }
0x1d4: {  	v11 =	vld [tilespmem:s15+$0x2C00]  }
0x1d5: {  	v12 =	vld [tilespmem:s15+$0x2C80]  }
0x1d6: {  	v13 =	vld [tilespmem:s15+$0x2D00]  }
0x1d7: {  	v14 =	vld [tilespmem:s15+$0x2D80]  }
0x1d8: {  	v15 =	vld [tilespmem:s15+$0x2E00]  }
0x1d9: {  	v16 =	vld [tilespmem:s15+$0x2E80]  }
0x1da: {  	v17 =	vld [tilespmem:s15+$0x2F00];
	_ =	sdelay $0x1  }
0x1db: {  	s16 =	sshll.u32 s17, $0x9  }
0x1dc: {  	s16 =	sshra.s32 s16, $0x2;
	v2 =	vmax.f32 v2, v3;
	v3 =	vmax.f32 v4, v5;
	v26 =	vmax.f32 v6, v7  }
0x1dd: {  	v30 =	vld [tilespmem:s16+$0xEF80];
	v27 =	vmax.f32 v8, v9;
	v28 =	vmax.f32 v10, v11;
	v29 =	vmax.f32 v12, v13  }
0x1de: {  	v31 =	vmax.f32 v14, v15;
	v32 =	vmax.f32 v16, v17;
	v2 =	vmax.f32 v2, v3  }
0x1df: {  	v3 =	vmax.f32 v26, v27;
	v33 =	vmax.f32 v28, v29;
	v34 =	vmax.f32 v31, v32  }
0x1e0: {  	v2 =	vmax.f32 v2, v3;
	v3 =	vmax.f32 v33, v34  }
0x1e1: {  	v2 =	vmax.f32 v2, v3  }
0x1e2: {  	v2 =	vmax.f32 v30, v2  }
0x1e3: {  	[tilespmem:s16+$0xEF80] =	vst v2  }
0x1e4: {  	v2 =	vld [tilespmem:s15+$0x2790]  }
0x1e5: {  	v3 =	vld [tilespmem:s15+$0x2810]  }
0x1e6: {  	v35 =	vld [tilespmem:s15+$0x2890]  }
0x1e7: {  	v36 =	vld [tilespmem:s15+$0x2910]  }
0x1e8: {  	v37 =	vld [tilespmem:s15+$0x2990]  }
0x1e9: {  	v38 =	vld [tilespmem:s15+$0x2A10]  }
0x1ea: {  	v39 =	vld [tilespmem:s15+$0x2A90]  }
0x1eb: {  	v40 =	vld [tilespmem:s15+$0x2B10]  }
0x1ec: {  	v41 =	vld [tilespmem:s15+$0x2B90]  }
0x1ed: {  	v42 =	vld [tilespmem:s15+$0x2C10]  }
0x1ee: {  	v43 =	vld [tilespmem:s15+$0x2C90]  }
0x1ef: {  	v44 =	vld [tilespmem:s15+$0x2D10]  }
0x1f0: {  	v45 =	vld [tilespmem:s15+$0x2D90]  }
0x1f1: {  	v46 =	vld [tilespmem:s15+$0x2E10]  }
0x1f2: {  	v47 =	vld [tilespmem:s15+$0x2E90]  }
0x1f3: {  	v48 =	vld [tilespmem:s15+$0x2F10];
	_ =	sdelay $0x2  }
0x1f4: {  	v2 =	vmax.f32 v2, v3;
	v3 =	vmax.f32 v35, v36;
	v49 =	vmax.f32 v37, v38  }
0x1f5: {  	v53 =	vld [tilespmem:s16+$0xEF90];
	v50 =	vmax.f32 v39, v40;
	v51 =	vmax.f32 v41, v42;
	v52 =	vmax.f32 v43, v44  }
0x1f6: {  	v54 =	vmax.f32 v45, v46;
	v55 =	vmax.f32 v47, v48;
	v2 =	vmax.f32 v2, v3  }
0x1f7: {  	v3 =	vmax.f32 v49, v50;
	v56 =	vmax.f32 v51, v52;
	v57 =	vmax.f32 v54, v55  }
0x1f8: {  	v2 =	vmax.f32 v2, v3;
	v3 =	vmax.f32 v56, v57  }
0x1f9: {  	v2 =	vmax.f32 v2, v3  }
0x1fa: {  	v2 =	vmax.f32 v53, v2  }
0x1fb: {  	[tilespmem:s16+$0xEF90] =	vst v2  }
0x1fc: {  	v2 =	vld [tilespmem:s15+$0x27A0]  }
0x1fd: {  	v3 =	vld [tilespmem:s15+$0x2820]  }
0x1fe: {  	v58 =	vld [tilespmem:s15+$0x28A0]  }
0x1ff: {  	v59 =	vld [tilespmem:s15+$0x2920]  }
0x200: {  	v60 =	vld [tilespmem:s15+$0x29A0]  }
0x201: {  	v61 =	vld [tilespmem:s15+$0x2A20]  }
0x202: {  	v62 =	vld [tilespmem:s15+$0x2AA0]  }
0x203: {  	v63 =	vld [tilespmem:s15+$0x2B20]  }
0x204: {  	v20 =	vld [tilespmem:s15+$0x2BA0]  }
0x205: {  	v21 =	vld [tilespmem:s15+$0x2C20]  }
0x206: {  	v22 =	vld [tilespmem:s15+$0x2CA0]  }
0x207: {  	v23 =	vld [tilespmem:s15+$0x2D20]  }
0x208: {  	v24 =	vld [tilespmem:s15+$0x2DA0]  }
0x209: {  	v25 =	vld [tilespmem:s15+$0x2E20]  }
0x20a: {  	v26 =	vld [tilespmem:s15+$0x2EA0]  }
0x20b: {  	v27 =	vld [tilespmem:s15+$0x2F20];
	_ =	sdelay $0x2  }
0x20c: {  	v2 =	vmax.f32 v2, v3;
	v3 =	vmax.f32 v58, v59;
	v28 =	vmax.f32 v60, v61  }
0x20d: {  	v32 =	vld [tilespmem:s16+$0xEFA0];
	v29 =	vmax.f32 v62, v63;
	v30 =	vmax.f32 v20, v21;
	v31 =	vmax.f32 v22, v23  }
0x20e: {  	v33 =	vmax.f32 v24, v25;
	v34 =	vmax.f32 v26, v27;
	v2 =	vmax.f32 v2, v3  }
0x20f: {  	v3 =	vmax.f32 v28, v29;
	v35 =	vmax.f32 v30, v31;
	v36 =	vmax.f32 v33, v34  }
0x210: {  	v2 =	vmax.f32 v2, v3;
	v3 =	vmax.f32 v35, v36  }
0x211: {  	v2 =	vmax.f32 v2, v3  }
0x212: {  	v2 =	vmax.f32 v32, v2  }
0x213: {  	[tilespmem:s16+$0xEFA0] =	vst v2  }
0x214: {  	v2 =	vld [tilespmem:s15+$0x27B0]  }
0x215: {  	v3 =	vld [tilespmem:s15+$0x2830]  }
0x216: {  	v37 =	vld [tilespmem:s15+$0x28B0]  }
0x217: {  	v38 =	vld [tilespmem:s15+$0x2930]  }
0x218: {  	v39 =	vld [tilespmem:s15+$0x29B0]  }
0x219: {  	v40 =	vld [tilespmem:s15+$0x2A30]  }
0x21a: {  	v41 =	vld [tilespmem:s15+$0x2AB0]  }
0x21b: {  	v42 =	vld [tilespmem:s15+$0x2B30]  }
0x21c: {  	v43 =	vld [tilespmem:s15+$0x2BB0]  }
0x21d: {  	v44 =	vld [tilespmem:s15+$0x2C30]  }
0x21e: {  	v45 =	vld [tilespmem:s15+$0x2CB0]  }
0x21f: {  	v46 =	vld [tilespmem:s15+$0x2D30]  }
0x220: {  	v47 =	vld [tilespmem:s15+$0x2DB0]  }
0x221: {  	v48 =	vld [tilespmem:s15+$0x2E30]  }
0x222: {  	v49 =	vld [tilespmem:s15+$0x2EB0]  }
0x223: {  	v50 =	vld [tilespmem:s15+$0x2F30];
	_ =	sdelay $0x2  }
0x224: {  	v2 =	vmax.f32 v2, v3;
	v3 =	vmax.f32 v37, v38;
	v51 =	vmax.f32 v39, v40  }
0x225: {  	v55 =	vld [tilespmem:s16+$0xEFB0];
	v52 =	vmax.f32 v41, v42;
	v53 =	vmax.f32 v43, v44;
	v54 =	vmax.f32 v45, v46  }
0x226: {  	v56 =	vmax.f32 v47, v48;
	v57 =	vmax.f32 v49, v50;
	v2 =	vmax.f32 v2, v3  }
0x227: {  	v3 =	vmax.f32 v51, v52;
	v58 =	vmax.f32 v53, v54;
	v59 =	vmax.f32 v56, v57  }
0x228: {  	v2 =	vmax.f32 v2, v3;
	v3 =	vmax.f32 v58, v59  }
0x229: {  	v2 =	vmax.f32 v2, v3  }
0x22a: {  	v2 =	vmax.f32 v55, v2  }
0x22b: {  	[tilespmem:s16+$0xEFB0] =	vst v2  }
0x22c: {  	v2 =	vld [tilespmem:s15+$0x27C0]  }
0x22d: {  	v3 =	vld [tilespmem:s15+$0x2840]  }
0x22e: {  	v60 =	vld [tilespmem:s15+$0x28C0]  }
0x22f: {  	v61 =	vld [tilespmem:s15+$0x2940]  }
0x230: {  	v62 =	vld [tilespmem:s15+$0x29C0]  }
0x231: {  	v63 =	vld [tilespmem:s15+$0x2A40]  }
0x232: {  	v20 =	vld [tilespmem:s15+$0x2AC0]  }
0x233: {  	v21 =	vld [tilespmem:s15+$0x2B40]  }
0x234: {  	v22 =	vld [tilespmem:s15+$0x2BC0]  }
0x235: {  	v23 =	vld [tilespmem:s15+$0x2C40]  }
0x236: {  	v24 =	vld [tilespmem:s15+$0x2CC0]  }
0x237: {  	v25 =	vld [tilespmem:s15+$0x2D40]  }
0x238: {  	v26 =	vld [tilespmem:s15+$0x2DC0]  }
0x239: {  	v27 =	vld [tilespmem:s15+$0x2E40]  }
0x23a: {  	v28 =	vld [tilespmem:s15+$0x2EC0]  }
0x23b: {  	v29 =	vld [tilespmem:s15+$0x2F40];
	_ =	sdelay $0x2  }
0x23c: {  	v2 =	vmax.f32 v2, v3;
	v3 =	vmax.f32 v60, v61;
	v30 =	vmax.f32 v62, v63  }
0x23d: {  	v34 =	vld [tilespmem:s16+$0xEFC0];
	v31 =	vmax.f32 v20, v21;
	v32 =	vmax.f32 v22, v23;
	v33 =	vmax.f32 v24, v25  }
0x23e: {  	v35 =	vmax.f32 v26, v27;
	v36 =	vmax.f32 v28, v29;
	v2 =	vmax.f32 v2, v3  }
0x23f: {  	v3 =	vmax.f32 v30, v31;
	v37 =	vmax.f32 v32, v33;
	v38 =	vmax.f32 v35, v36  }
0x240: {  	v2 =	vmax.f32 v2, v3;
	v3 =	vmax.f32 v37, v38  }
0x241: {  	v2 =	vmax.f32 v2, v3  }
0x242: {  	v2 =	vmax.f32 v34, v2  }
0x243: {  	[tilespmem:s16+$0xEFC0] =	vst v2  }
0x244: {  	v2 =	vld [tilespmem:s15+$0x27D0]  }
0x245: {  	v3 =	vld [tilespmem:s15+$0x2850]  }
0x246: {  	v39 =	vld [tilespmem:s15+$0x28D0]  }
0x247: {  	v40 =	vld [tilespmem:s15+$0x2950]  }
0x248: {  	v41 =	vld [tilespmem:s15+$0x29D0]  }
0x249: {  	v42 =	vld [tilespmem:s15+$0x2A50]  }
0x24a: {  	v43 =	vld [tilespmem:s15+$0x2AD0]  }
0x24b: {  	v44 =	vld [tilespmem:s15+$0x2B50]  }
0x24c: {  	v45 =	vld [tilespmem:s15+$0x2BD0]  }
0x24d: {  	v46 =	vld [tilespmem:s15+$0x2C50]  }
0x24e: {  	v47 =	vld [tilespmem:s15+$0x2CD0]  }
0x24f: {  	v48 =	vld [tilespmem:s15+$0x2D50]  }
0x250: {  	v49 =	vld [tilespmem:s15+$0x2DD0]  }
0x251: {  	v50 =	vld [tilespmem:s15+$0x2E50]  }
0x252: {  	v51 =	vld [tilespmem:s15+$0x2ED0]  }
0x253: {  	v52 =	vld [tilespmem:s15+$0x2F50];
	_ =	sdelay $0x2  }
0x254: {  	v2 =	vmax.f32 v2, v3;
	v3 =	vmax.f32 v39, v40;
	v53 =	vmax.f32 v41, v42  }
0x255: {  	v57 =	vld [tilespmem:s16+$0xEFD0];
	v54 =	vmax.f32 v43, v44;
	v55 =	vmax.f32 v45, v46;
	v56 =	vmax.f32 v47, v48  }
0x256: {  	v58 =	vmax.f32 v49, v50;
	v59 =	vmax.f32 v51, v52;
	v2 =	vmax.f32 v2, v3  }
0x257: {  	v3 =	vmax.f32 v53, v54;
	v60 =	vmax.f32 v55, v56;
	v61 =	vmax.f32 v58, v59  }
0x258: {  	v2 =	vmax.f32 v2, v3;
	v3 =	vmax.f32 v60, v61  }
0x259: {  	v2 =	vmax.f32 v2, v3  }
0x25a: {  	v2 =	vmax.f32 v57, v2  }
0x25b: {  	[tilespmem:s16+$0xEFD0] =	vst v2  }
0x25c: {  	v2 =	vld [tilespmem:s15+$0x27E0]  }
0x25d: {  	v3 =	vld [tilespmem:s15+$0x2860]  }
0x25e: {  	v62 =	vld [tilespmem:s15+$0x28E0]  }
0x25f: {  	v63 =	vld [tilespmem:s15+$0x2960]  }
0x260: {  	v20 =	vld [tilespmem:s15+$0x29E0]  }
0x261: {  	v21 =	vld [tilespmem:s15+$0x2A60]  }
0x262: {  	v22 =	vld [tilespmem:s15+$0x2AE0]  }
0x263: {  	v23 =	vld [tilespmem:s15+$0x2B60]  }
0x264: {  	v24 =	vld [tilespmem:s15+$0x2BE0]  }
0x265: {  	v25 =	vld [tilespmem:s15+$0x2C60]  }
0x266: {  	v26 =	vld [tilespmem:s15+$0x2CE0]  }
0x267: {  	v27 =	vld [tilespmem:s15+$0x2D60]  }
0x268: {  	v28 =	vld [tilespmem:s15+$0x2DE0]  }
0x269: {  	v29 =	vld [tilespmem:s15+$0x2E60]  }
0x26a: {  	v30 =	vld [tilespmem:s15+$0x2EE0]  }
0x26b: {  	v31 =	vld [tilespmem:s15+$0x2F60];
	_ =	sdelay $0x2  }
0x26c: {  	v2 =	vmax.f32 v2, v3;
	v3 =	vmax.f32 v62, v63;
	v32 =	vmax.f32 v20, v21  }
0x26d: {  	v36 =	vld [tilespmem:s16+$0xEFE0];
	v33 =	vmax.f32 v22, v23;
	v34 =	vmax.f32 v24, v25;
	v35 =	vmax.f32 v26, v27  }
0x26e: {  	v37 =	vmax.f32 v28, v29;
	v38 =	vmax.f32 v30, v31;
	v2 =	vmax.f32 v2, v3  }
0x26f: {  	v3 =	vmax.f32 v32, v33;
	v39 =	vmax.f32 v34, v35;
	v40 =	vmax.f32 v37, v38  }
0x270: {  	v2 =	vmax.f32 v2, v3;
	v3 =	vmax.f32 v39, v40  }
0x271: {  	v2 =	vmax.f32 v2, v3  }
0x272: {  	v2 =	vmax.f32 v36, v2  }
0x273: {  	[tilespmem:s16+$0xEFE0] =	vst v2  }
0x274: {  	v2 =	vld [tilespmem:s15+$0x27F0]  }
0x275: {  	v3 =	vld [tilespmem:s15+$0x2870]  }
0x276: {  	v41 =	vld [tilespmem:s15+$0x28F0]  }
0x277: {  	v42 =	vld [tilespmem:s15+$0x2970]  }
0x278: {  	v43 =	vld [tilespmem:s15+$0x29F0]  }
0x279: {  	v44 =	vld [tilespmem:s15+$0x2A70]  }
0x27a: {  	v45 =	vld [tilespmem:s15+$0x2AF0]  }
0x27b: {  	v46 =	vld [tilespmem:s15+$0x2B70]  }
0x27c: {  	v47 =	vld [tilespmem:s15+$0x2BF0]  }
0x27d: {  	v48 =	vld [tilespmem:s15+$0x2C70]  }
0x27e: {  	v49 =	vld [tilespmem:s15+$0x2CF0]  }
0x27f: {  	v50 =	vld [tilespmem:s15+$0x2D70]  }
0x280: {  	v51 =	vld [tilespmem:s15+$0x2DF0]  }
0x281: {  	v52 =	vld [tilespmem:s15+$0x2E70]  }
0x282: {  	v53 =	vld [tilespmem:s15+$0x2EF0]  }
0x283: {  	v54 =	vld [tilespmem:s15+$0x2F70];
	_ =	sdelay $0x2  }
0x284: {  	v2 =	vmax.f32 v2, v3;
	v3 =	vmax.f32 v41, v42;
	v55 =	vmax.f32 v43, v44  }
0x285: {  	v59 =	vld [tilespmem:s16+$0xEFF0];
	v56 =	vmax.f32 v45, v46;
	v57 =	vmax.f32 v47, v48;
	v58 =	vmax.f32 v49, v50  }
0x286: {  	v60 =	vmax.f32 v51, v52;
	v61 =	vmax.f32 v53, v54;
	v2 =	vmax.f32 v2, v3  }
.Ltmp8:
0x287: {  	v3 =	vmax.f32 v55, v56;
	v62 =	vmax.f32 v57, v58;
	v63 =	vmax.f32 v60, v61;
	(pc) =	sbr.rel .LBB2_8-.Ltmp8, $4  }
0x288: {  	v2 =	vmax.f32 v2, v3;
	v3 =	vmax.f32 v62, v63  }
0x289: {  	v2 =	vmax.f32 v2, v3  }
0x28a: {  	v2 =	vmax.f32 v59, v2  }
0x28b: {  	[tilespmem:s16+$0xEFF0] =	vst v2  }
.LBB2_11:
0x28c: {  	_ =	sfence.sel $0x180000  }
0x28d: {  	[bflag:$0x0] =	sbarrier.arrive $0xFFFF  }
0x28e: {  	p0 =	sne.s32 s2, $0x0;
	_ =	strace $0x90000047  }
0x28f: {  	s0 =	sadd.s32 @!p0 $0x100000, s1;
	[bflag:$0x2] =	sbarrier.arrive $0xFFFF  }
0x290: {  	[sflag:s0] =	ssyncadd.tile.s32 @!p0 $0x1;
	_ =	shalt  }
.Lfunc_end2:
_tile_overlayer_lowered:
.L_overlay_start_2:
0x291: {  	(tag) =	ssettag $0x2  }
0x292: {  	s0 =	rddreg [dreg:$0x0];
	s2 =	stileid.u32  }
0x293: {  	s1 =	rddreg [dreg:$0x1];
	p0 =	sne.s32 s2, $0x0  }
0x294: {  	s3 =	rddreg [dreg:$0x2];
	[bflag:$0x3] =	sbarrier.arrive $0xFFFF;
	s2 =	simm.s32 @!p0 $0x1C01  }
0x295: {  	[timem:s3], [sflag:s2] =	dma.local @!p0 [hbm:s0], s1  }
0x296: {  	s0 =	simm.s32 @!p0 $0x1  }
0x297: {  	_ =	swait.ge @!p0 [sflag:s0], s1  }
0x298: {  	s1 =	ssub.s32 @!p0 $0x0, s1;
	[sflag:s0] =	ssyncset.done @!p0 $0x0  }
0x299: {  	[sflag:s0] =	ssyncadd.s32 @!p0 s1  }
0x29a: {  	[bflag:$0x3] =	sbarrier.arrive $0xFFFF  }
0x29b: {  	_ =	shalt  }

</sc_bundles>
